<compile_context>
chip_gen: v7x
topology: tpu7x:2x2x1
jax: 0.10.2.dev20260603
libtpu: 0.0.44.dev20260713+nightly
codegen_flags: <defaults>
</compile_context>

<pallas_src>
import functools

import jax
import jax.numpy as jnp
from jax import lax
from jax.experimental import pallas as pl
from jax.experimental.pallas import tpu as pltpu
from jax.experimental.pallas import tpu_sc as plsc

_H = 8
_TW = 128


def _make_sc_gather(B, D, V):
    info = plsc.get_sparse_core_info()
    NC, NS = info.num_cores, info.num_subcores
    NW = NC * NS
    b_per_w = B // NW
    n_hc = b_per_w // _H
    mesh = plsc.VectorSubcoreMesh(core_axis_name="c", subcore_axis_name="s")

    @functools.partial(
        pl.kernel,
        out_type=(
            jax.ShapeDtypeStruct((D, B), jnp.float32),
            jax.ShapeDtypeStruct((D, B), jnp.float32),
        ),
        mesh=mesh,
        compiler_params=pltpu.CompilerParams(needs_layout_passes=False),
        scratch_types=[
            pltpu.VMEM((b_per_w + 16, ), jnp.int32),
            pltpu.VMEM((2, _H, D, _TW), jnp.float32),
            pltpu.VMEM((D, b_per_w), jnp.float32),
            pltpu.SemaphoreType.DMA,
            pltpu.SemaphoreType.DMA,
        ],
    )
    def sc_gather(uid_hbm, iid_hbm, utT_hbm, itT_hbm, uoutT_hbm, ioutT_hbm,
                  idv, win, outv, sem0, sem1):
        wid = lax.axis_index("s") * NC + lax.axis_index("c")
        base = wid * b_per_w

        lanes = lax.iota(jnp.int32, 16)
        sems = (sem0, sem1)

        def do_table(ids_hbm, tT_hbm, outT_hbm):
            pltpu.sync_copy(ids_hbm.at[pl.ds(base, b_per_w)],
                            idv.at[pl.ds(0, b_per_w)])

            def issue(j, par):
                idc = idv[pl.ds(j * _H, 16)]
                rvec = (idc >> 7) * _TW
                for i in range(_H):
                    r0 = jnp.max(jnp.where(lanes == i, rvec, 0))
                    r0 = pl.multiple_of(r0, _TW)
                    pltpu.async_copy(
                        tT_hbm.at[:, pl.ds(r0, _TW)], win.at[par, i],
                        sems[par])

            def drain(par):
                for i in range(_H):
                    pltpu.make_async_copy(
                        tT_hbm.at[:, pl.ds(0, _TW)], win.at[par, i],
                        sems[par]).wait()

            def extract(j, par):
                idc = idv[pl.ds(j * _H, 16)]
                roff_vec = idc & (_TW - 1)
                mask = lanes < _H
                pos = j * _H + lanes
                for c in range(D):
                    c_vec = jnp.full((16,), c, jnp.int32)
                    vals = plsc.load_gather(win.at[par],
                                            [lanes, c_vec, roff_vec],
                                            mask=mask)
                    plsc.store_scatter(outv, [c_vec, pos], vals, mask=mask)

            issue(0, 0)

            def pair_body(jj):
                j0 = jj * 2
                issue(j0 + 1, 1)
                drain(0)
                extract(j0, 0)
                pl.when(j0 + 2 < n_hc)(lambda: issue(j0 + 2, 0))
                drain(1)
                extract(j0 + 1, 1)

            pl.loop(0, n_hc // 2)(pair_body)
            pltpu.sync_copy(outv, outT_hbm.at[:, pl.ds(base, b_per_w)])

        do_table(uid_hbm, utT_hbm, uoutT_hbm)
        do_table(iid_hbm, itT_hbm, ioutT_hbm)

    return sc_gather


def _mlp_body(u_ref, i_ref, e_ref, w1ui_ref, web_ref, w2_ref, b2_ref, o_ref):
    x2 = jnp.concatenate([u_ref[...], i_ref[...]], axis=0)
    eb = jnp.concatenate(
        [e_ref[...], jnp.ones_like(e_ref[...])], axis=0)
    h = lax.dot_general(w1ui_ref[...], x2, (((1,), (0,)), ((), ())),
                        preferred_element_type=jnp.float32)
    h = h + lax.dot_general(web_ref[...], eb, (((1,), (0,)), ((), ())),
                            preferred_element_type=jnp.float32)
    h = jnp.maximum(h, 0.0)
    o_ref[...] = lax.dot_general(w2_ref[...], h, (((1,), (0,)), ((), ())),
                                 preferred_element_type=jnp.float32) + b2_ref[0, 0]


def _make_tc_mlp(B, D, H, blk):
    const = lambda *_: (0, 0)
    return pl.pallas_call(
        _mlp_body,
        grid=(B // blk,),
        in_specs=[
            pl.BlockSpec((D, blk), lambda i: (0, i)),
            pl.BlockSpec((D, blk), lambda i: (0, i)),
            pl.BlockSpec((1, blk), lambda i: (0, i)),
            pl.BlockSpec((H, 2 * D), const),
            pl.BlockSpec((H, 2), const),
            pl.BlockSpec((1, H), const),
            pl.BlockSpec((1, 1), const),
        ],
        out_specs=pl.BlockSpec((1, blk), lambda i: (0, i)),
        out_shape=jax.ShapeDtypeStruct((1, B), jnp.float32),
    )


def kernel(user_ids, item_ids, exposures_hat, user_table, item_table,
           W1, b1, W2, b2):
    B = user_ids.shape[0]
    V, D = user_table.shape
    H = W1.shape[0]
    uT, iT = _make_sc_gather(B, D, V)(user_ids, item_ids,
                                      user_table.T, item_table.T)
    w1ui = W1[:, :2 * D]
    web = jnp.concatenate([W1[:, 2 * D:2 * D + 1], b1[:, None]], axis=1)
    out = _make_tc_mlp(B, D, H, blk=16384)(
        uT, iT, exposures_hat.reshape(1, B), w1ui, web, W2, b2.reshape(1, 1))
    return out.reshape(B)

# --- scband reference (transcript-rebuilt; emitter-appended) ---
"""Pipeline reference for scband-deep-deconfounded-mf-73126113181970 (READ-ONLY COPY).

The authoritative reference and input builder live on the scoring server;
editing this copy changes nothing except your own understanding.
"""

import jax, jax.numpy as jnp
import numpy as np

NUM_USERS = 1000000
NUM_ITEMS = 1000000
NUM_FACTORS = 32
BATCH = 16384
HIDDEN = 128


def setup_inputs(seed: int = 0) -> dict:
    key = jax.random.key(seed)
    k1, k2, k3, k4, k5, k6, k7, k8, k9 = jax.random.split(key, 9)
    user_ids = jax.random.randint(k1, (BATCH,), 0, NUM_USERS, dtype=jnp.int64 if jax.config.jax_enable_x64 else jnp.int32).astype(jnp.int32)
    item_ids = jax.random.randint(k2, (BATCH,), 0, NUM_ITEMS, dtype=jnp.int32)
    exposures_hat = jax.random.uniform(k3, (BATCH,), dtype=jnp.float32)
    user_table = jax.random.normal(k4, (NUM_USERS, NUM_FACTORS), dtype=jnp.float32)
    item_table = jax.random.normal(k5, (NUM_ITEMS, NUM_FACTORS), dtype=jnp.float32)
    in_dim = NUM_FACTORS * 2 + 1
    lim1 = 1.0 / np.sqrt(in_dim)
    W1 = jax.random.uniform(k6, (HIDDEN, in_dim), minval=-lim1, maxval=lim1, dtype=jnp.float32)
    b1 = jax.random.uniform(k7, (HIDDEN,), minval=-lim1, maxval=lim1, dtype=jnp.float32)
    lim2 = 1.0 / np.sqrt(HIDDEN)
    W2 = jax.random.uniform(k8, (1, HIDDEN), minval=-lim2, maxval=lim2, dtype=jnp.float32)
    b2 = jax.random.uniform(k9, (1,), minval=-lim2, maxval=lim2, dtype=jnp.float32)
    return {"user_ids": user_ids, "item_ids": item_ids, "exposures_hat": exposures_hat,
            "user_table": user_table, "item_table": item_table,
            "W1": W1, "b1": b1, "W2": W2, "b2": b2}


def reference(user_ids, item_ids, exposures_hat, user_table, item_table, W1, b1, W2, b2):
    theta_u = jnp.take(user_table, user_ids, axis=0)
    beta_i = jnp.take(item_table, item_ids, axis=0)
    x = jnp.concatenate([theta_u, beta_i, exposures_hat[:, None]], axis=1)
    h = jax.nn.relu(x @ W1.T + b1)
    out = h @ W2.T + b2
    return jnp.squeeze(out)

if __name__ == "__main__":
    import jax
    _d = setup_inputs()
    print(jax.jit(kernel)(*tuple(_d.values())))

</pallas_src>

<mosaic_0001>
#map = affine_map<(d0, d1) -> (0)>
#map1 = affine_map<(d0, d1) -> (0, 0)>
module attributes {stable_mosaic.version = 14 : i64} {
  func.func @sc_gather(%arg0: i32, %arg1: i32, %arg2: memref<16384xi32, #tpu.memory_space<hbm>>, %arg3: memref<16384xi32, #tpu.memory_space<hbm>>, %arg4: memref<32x1000000xf32, #tpu.memory_space<hbm>>, %arg5: memref<32x1000000xf32, #tpu.memory_space<hbm>>, %arg6: memref<32x16384xf32, #tpu.memory_space<hbm>>, %arg7: memref<32x16384xf32, #tpu.memory_space<hbm>>, %arg8: memref<528xi32, #tpu.memory_space<vmem>>, %arg9: memref<2x8x32x128xf32, #tpu.memory_space<vmem>>, %arg10: memref<32x512xf32, #tpu.memory_space<vmem>>, %arg11: memref<!tpu.dma_semaphore, #tpu.memory_space<semaphore_mem>>, %arg12: memref<!tpu.dma_semaphore, #tpu.memory_space<semaphore_mem>>) attributes {dimension_semantics = [#tpu.dimension_semantics<core_parallel>, #tpu.dimension_semantics<subcore_parallel>], iteration_bounds = array<i64: 2, 16>, scalar_prefetch = 0 : i64, scratch_operands = 5 : i64, tpu.core_type = #tpu.core_type<sc_vector_subcore>, window_params = [{transform_indices = #map}, {transform_indices = #map}, {transform_indices = #map1}, {transform_indices = #map1}, {transform_indices = #map1}, {transform_indices = #map1}]} {
    %mul3A = arith.constant 2 : i32
    %mul3A_0 = arith.muli %arg1, %mul3A : i32
    %add3A = arith.addi %mul3A_0, %arg0 : i32
    %mul3A_1 = arith.constant 512 : i32
    %mul3A_2 = arith.muli %add3A, %mul3A_1 : i32
    %iota3A = tpu.iota {dimensions = array<i32: 0>} : vector<16xi32>
    "tpu.region"() ({
      %run_scoped3A = tpu.sem_alloc : memref<!tpu.dma_semaphore, #tpu.memory_space<semaphore_mem>>
      %dma_start3A_483 = arith.constant 0 : i32
      %dma_start3A_484 = tpu.memref_slice %arg8[%dma_start3A_483] : memref<528xi32, #tpu.memory_space<vmem>> -> memref<512xi32, #tpu.memory_space<vmem>>
      %dma_start3A_485 = tpu.memref_slice %arg2[%mul3A_2] : memref<16384xi32, #tpu.memory_space<hbm>> -> memref<512xi32, #tpu.memory_space<hbm>>
      %dma_start3A_486 = arith.constant 0 : i32
      %dma_start3A_487 = tpu.memref_slice %arg8[%dma_start3A_486] : memref<528xi32, #tpu.memory_space<vmem>> -> memref<512xi32, #tpu.memory_space<vmem>>
      %dma_start3A_488 = tpu.memref_slice %arg2[%mul3A_2] : memref<16384xi32, #tpu.memory_space<hbm>> -> memref<512xi32, #tpu.memory_space<hbm>>
      tpu.enqueue_dma source(%dma_start3A_488 : memref<512xi32, #tpu.memory_space<hbm>>) target(%dma_start3A_487 : memref<512xi32, #tpu.memory_space<vmem>>) target_semaphore(%run_scoped3A : memref<!tpu.dma_semaphore, #tpu.memory_space<semaphore_mem>>)
      %dma_wait3A = arith.constant 0 : i32
      %dma_wait3A_489 = tpu.memref_slice %arg8[%dma_wait3A] : memref<528xi32, #tpu.memory_space<vmem>> -> memref<512xi32, #tpu.memory_space<vmem>>
      %dma_wait3A_490 = tpu.memref_slice %arg2[%mul3A_2] : memref<16384xi32, #tpu.memory_space<hbm>> -> memref<512xi32, #tpu.memory_space<hbm>>
      %dma_wait3A_491 = arith.constant 0 : i32
      %dma_wait3A_492 = tpu.memref_slice %arg8[%dma_wait3A_491] : memref<528xi32, #tpu.memory_space<vmem>> -> memref<512xi32, #tpu.memory_space<vmem>>
      %dma_wait3A_493 = tpu.memref_slice %arg2[%mul3A_2] : memref<16384xi32, #tpu.memory_space<hbm>> -> memref<512xi32, #tpu.memory_space<hbm>>
      tpu.wait_dma2 semaphore(%run_scoped3A : memref<!tpu.dma_semaphore, #tpu.memory_space<semaphore_mem>>) src(%dma_wait3A_493 : memref<512xi32, #tpu.memory_space<hbm>>) dst(%dma_wait3A_492 : memref<512xi32, #tpu.memory_space<vmem>>)
      tpu.yield
    }) : () -> ()
    %get3A = arith.constant 0 : index
    %get3A_3 = tpu.vector_load %arg8[%get3A] {strides = array<i32>} : memref<528xi32, #tpu.memory_space<vmem>>, vector<16xi32>,
    %shift_right_arithmetic3A = arith.constant 7 : i32
    %shift_right_arithmetic3A_4 = vector.broadcast %shift_right_arithmetic3A : i32 to vector<16xi32>
    %shift_right_arithmetic3A_5 = arith.shrsi %get3A_3, %shift_right_arithmetic3A_4 : vector<16xi32>
    %mul3A_6 = arith.constant 128 : i32
    %mul3A_7 = vector.broadcast %mul3A_6 : i32 to vector<16xi32>
    %mul3A_8 = arith.muli %shift_right_arithmetic3A_5, %mul3A_7 : vector<16xi32>
    %eq3A = arith.constant 0 : i32
    %eq3A_9 = vector.broadcast %eq3A : i32 to vector<16xi32>
    %eq3A_10 = arith.cmpi eq, %iota3A, %eq3A_9 : vector<16xi32>
    %jit3A = arith.constant 0 : i32
    %broadcast_in_dim3A = vector.broadcast %jit3A : i32 to vector<16xi32>
    %select_n3A = arith.select %eq3A_10, %mul3A_8, %broadcast_in_dim3A : vector<16xi1>, vector<16xi32>
    %reduce_max3A = arith.constant true
    %reduce_max3A_11 = vector.broadcast %reduce_max3A : i1 to vector<16xi1>
    %reduce_max3A_12 = arith.constant -2147483648 : i32
    %reduce_max3A_13 = vector.broadcast %reduce_max3A_12 : i32 to vector<16xi32>
    %reduce_max3A_14 = arith.xori %select_n3A, %reduce_max3A_13 : vector<16xi32>
    %reduce_max3A_15 = tpu.scan <max>, %reduce_max3A_14 masked %reduce_max3A_11 : vector<16xi32>, vector<16xi1> -> vector<16xi32>
    %reduce_max3A_16 = arith.xori %reduce_max3A_15, %reduce_max3A_13 : vector<16xi32>
    %reduce_max3A_17 = vector.extract %reduce_max3A_16[15] : i32 from vector<16xi32>
    %multiple_of3A = tpu.assume_multiple %reduce_max3A_17, 128 : i32
    %dma_start3A = arith.constant 0 : i32
    %dma_start3A_18 = arith.constant 0 : i32
    %dma_start3A_19 = arith.constant 0 : i32
    %dma_start3A_20 = arith.constant 0 : i32
    %dma_start3A_21 = tpu.memref_slice %arg9[%dma_start3A, %dma_start3A_18, %dma_start3A_19, %dma_start3A_20] : memref<2x8x32x128xf32, #tpu.memory_space<vmem>> -> memref<1x1x32x128xf32, #tpu.memory_space<vmem>>
    %dma_start3A_22 = tpu.memref_squeeze %dma_start3A_21 : memref<1x1x32x128xf32, #tpu.memory_space<vmem>> -> memref<32x128xf32, #tpu.memory_space<vmem>>
    %dma_start3A_23 = arith.constant 0 : i32
    %dma_start3A_24 = tpu.memref_slice %arg4[%dma_start3A_23, %multiple_of3A] : memref<32x1000000xf32, #tpu.memory_space<hbm>> -> memref<32x128xf32, #tpu.memory_space<hbm>>
    %dma_start3A_25 = arith.constant 0 : i32
    %dma_start3A_26 = arith.constant 0 : i32
    %dma_start3A_27 = tpu.memref_slice %arg9[%dma_start3A, %dma_start3A_18, %dma_start3A_25, %dma_start3A_26] : memref<2x8x32x128xf32, #tpu.memory_space<vmem>> -> memref<1x1x32x128xf32, #tpu.memory_space<vmem>>
    %dma_start3A_28 = tpu.memref_squeeze %dma_start3A_27 : memref<1x1x32x128xf32, #tpu.memory_space<vmem>> -> memref<32x128xf32, #tpu.memory_space<vmem>>
    %dma_start3A_29 = arith.constant 0 : i32
    %dma_start3A_30 = tpu.memref_slice %arg4[%dma_start3A_29, %multiple_of3A] : memref<32x1000000xf32, #tpu.memory_space<hbm>> -> memref<32x128xf32, #tpu.memory_space<hbm>>
    tpu.enqueue_dma source(%dma_start3A_30 : memref<32x128xf32, #tpu.memory_space<hbm>>) target(%dma_start3A_28 : memref<32x128xf32, #tpu.memory_space<vmem>>) target_semaphore(%arg11 : memref<!tpu.dma_semaphore, #tpu.memory_space<semaphore_mem>>)
    %eq3A_31 = arith.constant 1 : i32
    %eq3A_32 = vector.broadcast %eq3A_31 : i32 to vector<16xi32>
    %eq3A_33 = arith.cmpi eq, %iota3A, %eq3A_32 : vector<16xi32>
    %jit3A_34 = arith.constant 0 : i32
    %broadcast_in_dim3A_35 = vector.broadcast %jit3A_34 : i32 to vector<16xi32>
    %select_n3A_36 = arith.select %eq3A_33, %mul3A_8, %broadcast_in_dim3A_35 : vector<16xi1>, vector<16xi32>
    %reduce_max3A_37 = arith.constant true
    %reduce_max3A_38 = vector.broadcast %reduce_max3A_37 : i1 to vector<16xi1>
    %reduce_max3A_39 = arith.constant -2147483648 : i32
    %reduce_max3A_40 = vector.broadcast %reduce_max3A_39 : i32 to vector<16xi32>
    %reduce_max3A_41 = arith.xori %select_n3A_36, %reduce_max3A_40 : vector<16xi32>
    %reduce_max3A_42 = tpu.scan <max>, %reduce_max3A_41 masked %reduce_max3A_38 : vector<16xi32>, vector<16xi1> -> vector<16xi32>
    %reduce_max3A_43 = arith.xori %reduce_max3A_42, %reduce_max3A_40 : vector<16xi32>
    %reduce_max3A_44 = vector.extract %reduce_max3A_43[15] : i32 from vector<16xi32>
    %multiple_of3A_45 = tpu.assume_multiple %reduce_max3A_44, 128 : i32
    %dma_start3A_46 = arith.constant 0 : i32
    %dma_start3A_47 = arith.constant 1 : i32
    %dma_start3A_48 = arith.constant 0 : i32
    %dma_start3A_49 = arith.constant 0 : i32
    %dma_start3A_50 = tpu.memref_slice %arg9[%dma_start3A_46, %dma_start3A_47, %dma_start3A_48, %dma_start3A_49] : memref<2x8x32x128xf32, #tpu.memory_space<vmem>> -> memref<1x1x32x128xf32, #tpu.memory_space<vmem>>
    %dma_start3A_51 = tpu.memref_squeeze %dma_start3A_50 : memref<1x1x32x128xf32, #tpu.memory_space<vmem>> -> memref<32x128xf32, #tpu.memory_space<vmem>>
    %dma_start3A_52 = arith.constant 0 : i32
    %dma_start3A_53 = tpu.memref_slice %arg4[%dma_start3A_52, %multiple_of3A_45] : memref<32x1000000xf32, #tpu.memory_space<hbm>> -> memref<32x128xf32, #tpu.memory_space<hbm>>
    %dma_start3A_54 = arith.constant 0 : i32
    %dma_start3A_55 = arith.constant 0 : i32
    %dma_start3A_56 = tpu.memref_slice %arg9[%dma_start3A_46, %dma_start3A_47, %dma_start3A_54, %dma_start3A_55] : memref<2x8x32x128xf32, #tpu.memory_space<vmem>> -> memref<1x1x32x128xf32, #tpu.memory_space<vmem>>
    %dma_start3A_57 = tpu.memref_squeeze %dma_start3A_56 : memref<1x1x32x128xf32, #tpu.memory_space<vmem>> -> memref<32x128xf32, #tpu.memory_space<vmem>>
    %dma_start3A_58 = arith.constant 0 : i32
    %dma_start3A_59 = tpu.memref_slice %arg4[%dma_start3A_58, %multiple_of3A_45] : memref<32x1000000xf32, #tpu.memory_space<hbm>> -> memref<32x128xf32, #tpu.memory_space<hbm>>
    tpu.enqueue_dma source(%dma_start3A_59 : memref<32x128xf32, #tpu.memory_space<hbm>>) target(%dma_start3A_57 : memref<32x128xf32, #tpu.memory_space<vmem>>) target_semaphore(%arg11 : memref<!tpu.dma_semaphore, #tpu.memory_space<semaphore_mem>>)
    %eq3A_60 = arith.constant 2 : i32
    %eq3A_61 = vector.broadcast %eq3A_60 : i32 to vector<16xi32>
    %eq3A_62 = arith.cmpi eq, %iota3A, %eq3A_61 : vector<16xi32>
    %jit3A_63 = arith.constant 0 : i32
    %broadcast_in_dim3A_64 = vector.broadcast %jit3A_63 : i32 to vector<16xi32>
    %select_n3A_65 = arith.select %eq3A_62, %mul3A_8, %broadcast_in_dim3A_64 : vector<16xi1>, vector<16xi32>
    %reduce_max3A_66 = arith.constant true
    %reduce_max3A_67 = vector.broadcast %reduce_max3A_66 : i1 to vector<16xi1>
    %reduce_max3A_68 = arith.constant -2147483648 : i32
    %reduce_max3A_69 = vector.broadcast %reduce_max3A_68 : i32 to vector<16xi32>
    %reduce_max3A_70 = arith.xori %select_n3A_65, %reduce_max3A_69 : vector<16xi32>
    %reduce_max3A_71 = tpu.scan <max>, %reduce_max3A_70 masked %reduce_max3A_67 : vector<16xi32>, vector<16xi1> -> vector<16xi32>
    %reduce_max3A_72 = arith.xori %reduce_max3A_71, %reduce_max3A_69 : vector<16xi32>
    %reduce_max3A_73 = vector.extract %reduce_max3A_72[15] : i32 from vector<16xi32>
    %multiple_of3A_74 = tpu.assume_multiple %reduce_max3A_73, 128 : i32
    %dma_start3A_75 = arith.constant 0 : i32
    %dma_start3A_76 = arith.constant 2 : i32
    %dma_start3A_77 = arith.constant 0 : i32
    %dma_start3A_78 = arith.constant 0 : i32
    %dma_start3A_79 = tpu.memref_slice %arg9[%dma_start3A_75, %dma_start3A_76, %dma_start3A_77, %dma_start3A_78] : memref<2x8x32x128xf32, #tpu.memory_space<vmem>> -> memref<1x1x32x128xf32, #tpu.memory_space<vmem>>
    %dma_start3A_80 = tpu.memref_squeeze %dma_start3A_79 : memref<1x1x32x128xf32, #tpu.memory_space<vmem>> -> memref<32x128xf32, #tpu.memory_space<vmem>>
    %dma_start3A_81 = arith.constant 0 : i32
    %dma_start3A_82 = tpu.memref_slice %arg4[%dma_start3A_81, %multiple_of3A_74] : memref<32x1000000xf32, #tpu.memory_space<hbm>> -> memref<32x128xf32, #tpu.memory_space<hbm>>
    %dma_start3A_83 = arith.constant 0 : i32
    %dma_start3A_84 = arith.constant 0 : i32
    %dma_start3A_85 = tpu.memref_slice %arg9[%dma_start3A_75, %dma_start3A_76, %dma_start3A_83, %dma_start3A_84] : memref<2x8x32x128xf32, #tpu.memory_space<vmem>> -> memref<1x1x32x128xf32, #tpu.memory_space<vmem>>
    %dma_start3A_86 = tpu.memref_squeeze %dma_start3A_85 : memref<1x1x32x128xf32, #tpu.memory_space<vmem>> -> memref<32x128xf32, #tpu.memory_space<vmem>>
    %dma_start3A_87 = arith.constant 0 : i32
    %dma_start3A_88 = tpu.memref_slice %arg4[%dma_start3A_87, %multiple_of3A_74] : memref<32x1000000xf32, #tpu.memory_space<hbm>> -> memref<32x128xf32, #tpu.memory_space<hbm>>
    tpu.enqueue_dma source(%dma_start3A_88 : memref<32x128xf32, #tpu.memory_space<hbm>>) target(%dma_start3A_86 : memref<32x128xf32, #tpu.memory_space<vmem>>) target_semaphore(%arg11 : memref<!tpu.dma_semaphore, #tpu.memory_space<semaphore_mem>>)
    %eq3A_89 = arith.constant 3 : i32
    %eq3A_90 = vector.broadcast %eq3A_89 : i32 to vector<16xi32>
    %eq3A_91 = arith.cmpi eq, %iota3A, %eq3A_90 : vector<16xi32>
    %jit3A_92 = arith.constant 0 : i32
    %broadcast_in_dim3A_93 = vector.broadcast %jit3A_92 : i32 to vector<16xi32>
    %select_n3A_94 = arith.select %eq3A_91, %mul3A_8, %broadcast_in_dim3A_93 : vector<16xi1>, vector<16xi32>
    %reduce_max3A_95 = arith.constant true
    %reduce_max3A_96 = vector.broadcast %reduce_max3A_95 : i1 to vector<16xi1>
    %reduce_max3A_97 = arith.constant -2147483648 : i32
    %reduce_max3A_98 = vector.broadcast %reduce_max3A_97 : i32 to vector<16xi32>
    %reduce_max3A_99 = arith.xori %select_n3A_94, %reduce_max3A_98 : vector<16xi32>
    %reduce_max3A_100 = tpu.scan <max>, %reduce_max3A_99 masked %reduce_max3A_96 : vector<16xi32>, vector<16xi1> -> vector<16xi32>
    %reduce_max3A_101 = arith.xori %reduce_max3A_100, %reduce_max3A_98 : vector<16xi32>
    %reduce_max3A_102 = vector.extract %reduce_max3A_101[15] : i32 from vector<16xi32>
    %multiple_of3A_103 = tpu.assume_multiple %reduce_max3A_102, 128 : i32
    %dma_start3A_104 = arith.constant 0 : i32
    %dma_start3A_105 = arith.constant 3 : i32
    %dma_start3A_106 = arith.constant 0 : i32
    %dma_start3A_107 = arith.constant 0 : i32
    %dma_start3A_108 = tpu.memref_slice %arg9[%dma_start3A_104, %dma_start3A_105, %dma_start3A_106, %dma_start3A_107] : memref<2x8x32x128xf32, #tpu.memory_space<vmem>> -> memref<1x1x32x128xf32, #tpu.memory_space<vmem>>
    %dma_start3A_109 = tpu.memref_squeeze %dma_start3A_108 : memref<1x1x32x128xf32, #tpu.memory_space<vmem>> -> memref<32x128xf32, #tpu.memory_space<vmem>>
    %dma_start3A_110 = arith.constant 0 : i32
    %dma_start3A_111 = tpu.memref_slice %arg4[%dma_start3A_110, %multiple_of3A_103] : memref<32x1000000xf32, #tpu.memory_space<hbm>> -> memref<32x128xf32, #tpu.memory_space<hbm>>
    %dma_start3A_112 = arith.constant 0 : i32
    %dma_start3A_113 = arith.constant 0 : i32
    %dma_start3A_114 = tpu.memref_slice %arg9[%dma_start3A_104, %dma_start3A_105, %dma_start3A_112, %dma_start3A_113] : memref<2x8x32x128xf32, #tpu.memory_space<vmem>> -> memref<1x1x32x128xf32, #tpu.memory_space<vmem>>
    %dma_start3A_115 = tpu.memref_squeeze %dma_start3A_114 : memref<1x1x32x128xf32, #tpu.memory_space<vmem>> -> memref<32x128xf32, #tpu.memory_space<vmem>>
    %dma_start3A_116 = arith.constant 0 : i32
    %dma_start3A_117 = tpu.memref_slice %arg4[%dma_start3A_116, %multiple_of3A_103] : memref<32x1000000xf32, #tpu.memory_space<hbm>> -> memref<32x128xf32, #tpu.memory_space<hbm>>
    tpu.enqueue_dma source(%dma_start3A_117 : memref<32x128xf32, #tpu.memory_space<hbm>>) target(%dma_start3A_115 : memref<32x128xf32, #tpu.memory_space<vmem>>) target_semaphore(%arg11 : memref<!tpu.dma_semaphore, #tpu.memory_space<semaphore_mem>>)
    %eq3A_118 = arith.constant 4 : i32
    %eq3A_119 = vector.broadcast %eq3A_118 : i32 to vector<16xi32>
    %eq3A_120 = arith.cmpi eq, %iota3A, %eq3A_119 : vector<16xi32>
    %jit3A_121 = arith.constant 0 : i32
    %broadcast_in_dim3A_122 = vector.broadcast %jit3A_121 : i32 to vector<16xi32>
    %select_n3A_123 = arith.select %eq3A_120, %mul3A_8, %broadcast_in_dim3A_122 : vector<16xi1>, vector<16xi32>
    %reduce_max3A_124 = arith.constant true
    %reduce_max3A_125 = vector.broadcast %reduce_max3A_124 : i1 to vector<16xi1>
    %reduce_max3A_126 = arith.constant -2147483648 : i32
    %reduce_max3A_127 = vector.broadcast %reduce_max3A_126 : i32 to vector<16xi32>
    %reduce_max3A_128 = arith.xori %select_n3A_123, %reduce_max3A_127 : vector<16xi32>
    %reduce_max3A_129 = tpu.scan <max>, %reduce_max3A_128 masked %reduce_max3A_125 : vector<16xi32>, vector<16xi1> -> vector<16xi32>
    %reduce_max3A_130 = arith.xori %reduce_max3A_129, %reduce_max3A_127 : vector<16xi32>
    %reduce_max3A_131 = vector.extract %reduce_max3A_130[15] : i32 from vector<16xi32>
    %multiple_of3A_132 = tpu.assume_multiple %reduce_max3A_131, 128 : i32
    %dma_start3A_133 = arith.constant 0 : i32
    %dma_start3A_134 = arith.constant 4 : i32
    %dma_start3A_135 = arith.constant 0 : i32
    %dma_start3A_136 = arith.constant 0 : i32
    %dma_start3A_137 = tpu.memref_slice %arg9[%dma_start3A_133, %dma_start3A_134, %dma_start3A_135, %dma_start3A_136] : memref<2x8x32x128xf32, #tpu.memory_space<vmem>> -> memref<1x1x32x128xf32, #tpu.memory_space<vmem>>
    %dma_start3A_138 = tpu.memref_squeeze %dma_start3A_137 : memref<1x1x32x128xf32, #tpu.memory_space<vmem>> -> memref<32x128xf32, #tpu.memory_space<vmem>>
    %dma_start3A_139 = arith.constant 0 : i32
    %dma_start3A_140 = tpu.memref_slice %arg4[%dma_start3A_139, %multiple_of3A_132] : memref<32x1000000xf32, #tpu.memory_space<hbm>> -> memref<32x128xf32, #tpu.memory_space<hbm>>
    %dma_start3A_141 = arith.constant 0 : i32
    %dma_start3A_142 = arith.constant 0 : i32
    %dma_start3A_143 = tpu.memref_slice %arg9[%dma_start3A_133, %dma_start3A_134, %dma_start3A_141, %dma_start3A_142] : memref<2x8x32x128xf32, #tpu.memory_space<vmem>> -> memref<1x1x32x128xf32, #tpu.memory_space<vmem>>
    %dma_start3A_144 = tpu.memref_squeeze %dma_start3A_143 : memref<1x1x32x128xf32, #tpu.memory_space<vmem>> -> memref<32x128xf32, #tpu.memory_space<vmem>>
    %dma_start3A_145 = arith.constant 0 : i32
    %dma_start3A_146 = tpu.memref_slice %arg4[%dma_start3A_145, %multiple_of3A_132] : memref<32x1000000xf32, #tpu.memory_space<hbm>> -> memref<32x128xf32, #tpu.memory_space<hbm>>
    tpu.enqueue_dma source(%dma_start3A_146 : memref<32x128xf32, #tpu.memory_space<hbm>>) target(%dma_start3A_144 : memref<32x128xf32, #tpu.memory_space<vmem>>) target_semaphore(%arg11 : memref<!tpu.dma_semaphore, #tpu.memory_space<semaphore_mem>>)
    %eq3A_147 = arith.constant 5 : i32
    %eq3A_148 = vector.broadcast %eq3A_147 : i32 to vector<16xi32>
    %eq3A_149 = arith.cmpi eq, %iota3A, %eq3A_148 : vector<16xi32>
    %jit3A_150 = arith.constant 0 : i32
    %broadcast_in_dim3A_151 = vector.broadcast %jit3A_150 : i32 to vector<16xi32>
    %select_n3A_152 = arith.select %eq3A_149, %mul3A_8, %broadcast_in_dim3A_151 : vector<16xi1>, vector<16xi32>
    %reduce_max3A_153 = arith.constant true
    %reduce_max3A_154 = vector.broadcast %reduce_max3A_153 : i1 to vector<16xi1>
    %reduce_max3A_155 = arith.constant -2147483648 : i32
    %reduce_max3A_156 = vector.broadcast %reduce_max3A_155 : i32 to vector<16xi32>
    %reduce_max3A_157 = arith.xori %select_n3A_152, %reduce_max3A_156 : vector<16xi32>
    %reduce_max3A_158 = tpu.scan <max>, %reduce_max3A_157 masked %reduce_max3A_154 : vector<16xi32>, vector<16xi1> -> vector<16xi32>
    %reduce_max3A_159 = arith.xori %reduce_max3A_158, %reduce_max3A_156 : vector<16xi32>
    %reduce_max3A_160 = vector.extract %reduce_max3A_159[15] : i32 from vector<16xi32>
    %multiple_of3A_161 = tpu.assume_multiple %reduce_max3A_160, 128 : i32
    %dma_start3A_162 = arith.constant 0 : i32
    %dma_start3A_163 = arith.constant 5 : i32
    %dma_start3A_164 = arith.constant 0 : i32
    %dma_start3A_165 = arith.constant 0 : i32
    %dma_start3A_166 = tpu.memref_slice %arg9[%dma_start3A_162, %dma_start3A_163, %dma_start3A_164, %dma_start3A_165] : memref<2x8x32x128xf32, #tpu.memory_space<vmem>> -> memref<1x1x32x128xf32, #tpu.memory_space<vmem>>
    %dma_start3A_167 = tpu.memref_squeeze %dma_start3A_166 : memref<1x1x32x128xf32, #tpu.memory_space<vmem>> -> memref<32x128xf32, #tpu.memory_space<vmem>>
    %dma_start3A_168 = arith.constant 0 : i32
    %dma_start3A_169 = tpu.memref_slice %arg4[%dma_start3A_168, %multiple_of3A_161] : memref<32x1000000xf32, #tpu.memory_space<hbm>> -> memref<32x128xf32, #tpu.memory_space<hbm>>
    %dma_start3A_170 = arith.constant 0 : i32
    %dma_start3A_171 = arith.constant 0 : i32
    %dma_start3A_172 = tpu.memref_slice %arg9[%dma_start3A_162, %dma_start3A_163, %dma_start3A_170, %dma_start3A_171] : memref<2x8x32x128xf32, #tpu.memory_space<vmem>> -> memref<1x1x32x128xf32, #tpu.memory_space<vmem>>
    %dma_start3A_173 = tpu.memref_squeeze %dma_start3A_172 : memref<1x1x32x128xf32, #tpu.memory_space<vmem>> -> memref<32x128xf32, #tpu.memory_space<vmem>>
    %dma_start3A_174 = arith.constant 0 : i32
    %dma_start3A_175 = tpu.memref_slice %arg4[%dma_start3A_174, %multiple_of3A_161] : memref<32x1000000xf32, #tpu.memory_space<hbm>> -> memref<32x128xf32, #tpu.memory_space<hbm>>
    tpu.enqueue_dma source(%dma_start3A_175 : memref<32x128xf32, #tpu.memory_space<hbm>>) target(%dma_start3A_173 : memref<32x128xf32, #tpu.memory_space<vmem>>) target_semaphore(%arg11 : memref<!tpu.dma_semaphore, #tpu.memory_space<semaphore_mem>>)
    %eq3A_176 = arith.constant 6 : i32
    %eq3A_177 = vector.broadcast %eq3A_176 : i32 to vector<16xi32>
    %eq3A_178 = arith.cmpi eq, %iota3A, %eq3A_177 : vector<16xi32>
    %jit3A_179 = arith.constant 0 : i32
    %broadcast_in_dim3A_180 = vector.broadcast %jit3A_179 : i32 to vector<16xi32>
    %select_n3A_181 = arith.select %eq3A_178, %mul3A_8, %broadcast_in_dim3A_180 : vector<16xi1>, vector<16xi32>
    %reduce_max3A_182 = arith.constant true
    %reduce_max3A_183 = vector.broadcast %reduce_max3A_182 : i1 to vector<16xi1>
    %reduce_max3A_184 = arith.constant -2147483648 : i32
    %reduce_max3A_185 = vector.broadcast %reduce_max3A_184 : i32 to vector<16xi32>
    %reduce_max3A_186 = arith.xori %select_n3A_181, %reduce_max3A_185 : vector<16xi32>
    %reduce_max3A_187 = tpu.scan <max>, %reduce_max3A_186 masked %reduce_max3A_183 : vector<16xi32>, vector<16xi1> -> vector<16xi32>
    %reduce_max3A_188 = arith.xori %reduce_max3A_187, %reduce_max3A_185 : vector<16xi32>
    %reduce_max3A_189 = vector.extract %reduce_max3A_188[15] : i32 from vector<16xi32>
    %multiple_of3A_190 = tpu.assume_multiple %reduce_max3A_189, 128 : i32
    %dma_start3A_191 = arith.constant 0 : i32
    %dma_start3A_192 = arith.constant 6 : i32
    %dma_start3A_193 = arith.constant 0 : i32
    %dma_start3A_194 = arith.constant 0 : i32
    %dma_start3A_195 = tpu.memref_slice %arg9[%dma_start3A_191, %dma_start3A_192, %dma_start3A_193, %dma_start3A_194] : memref<2x8x32x128xf32, #tpu.memory_space<vmem>> -> memref<1x1x32x128xf32, #tpu.memory_space<vmem>>
    %dma_start3A_196 = tpu.memref_squeeze %dma_start3A_195 : memref<1x1x32x128xf32, #tpu.memory_space<vmem>> -> memref<32x128xf32, #tpu.memory_space<vmem>>
    %dma_start3A_197 = arith.constant 0 : i32
    %dma_start3A_198 = tpu.memref_slice %arg4[%dma_start3A_197, %multiple_of3A_190] : memref<32x1000000xf32, #tpu.memory_space<hbm>> -> memref<32x128xf32, #tpu.memory_space<hbm>>
    %dma_start3A_199 = arith.constant 0 : i32
    %dma_start3A_200 = arith.constant 0 : i32
    %dma_start3A_201 = tpu.memref_slice %arg9[%dma_start3A_191, %dma_start3A_192, %dma_start3A_199, %dma_start3A_200] : memref<2x8x32x128xf32, #tpu.memory_space<vmem>> -> memref<1x1x32x128xf32, #tpu.memory_space<vmem>>
    %dma_start3A_202 = tpu.memref_squeeze %dma_start3A_201 : memref<1x1x32x128xf32, #tpu.memory_space<vmem>> -> memref<32x128xf32, #tpu.memory_space<vmem>>
    %dma_start3A_203 = arith.constant 0 : i32
    %dma_start3A_204 = tpu.memref_slice %arg4[%dma_start3A_203, %multiple_of3A_190] : memref<32x1000000xf32, #tpu.memory_space<hbm>> -> memref<32x128xf32, #tpu.memory_space<hbm>>
    tpu.enqueue_dma source(%dma_start3A_204 : memref<32x128xf32, #tpu.memory_space<hbm>>) target(%dma_start3A_202 : memref<32x128xf32, #tpu.memory_space<vmem>>) target_semaphore(%arg11 : memref<!tpu.dma_semaphore, #tpu.memory_space<semaphore_mem>>)
    %eq3A_205 = arith.constant 7 : i32
    %eq3A_206 = vector.broadcast %eq3A_205 : i32 to vector<16xi32>
    %eq3A_207 = arith.cmpi eq, %iota3A, %eq3A_206 : vector<16xi32>
    %jit3A_208 = arith.constant 0 : i32
    %broadcast_in_dim3A_209 = vector.broadcast %jit3A_208 : i32 to vector<16xi32>
    %select_n3A_210 = arith.select %eq3A_207, %mul3A_8, %broadcast_in_dim3A_209 : vector<16xi1>, vector<16xi32>
    %reduce_max3A_211 = arith.constant true
    %reduce_max3A_212 = vector.broadcast %reduce_max3A_211 : i1 to vector<16xi1>
    %reduce_max3A_213 = arith.constant -2147483648 : i32
    %reduce_max3A_214 = vector.broadcast %reduce_max3A_213 : i32 to vector<16xi32>
    %reduce_max3A_215 = arith.xori %select_n3A_210, %reduce_max3A_214 : vector<16xi32>
    %reduce_max3A_216 = tpu.scan <max>, %reduce_max3A_215 masked %reduce_max3A_212 : vector<16xi32>, vector<16xi1> -> vector<16xi32>
    %reduce_max3A_217 = arith.xori %reduce_max3A_216, %reduce_max3A_214 : vector<16xi32>
    %reduce_max3A_218 = vector.extract %reduce_max3A_217[15] : i32 from vector<16xi32>
    %multiple_of3A_219 = tpu.assume_multiple %reduce_max3A_218, 128 : i32
    %dma_start3A_220 = arith.constant 0 : i32
    %dma_start3A_221 = arith.constant 7 : i32
    %dma_start3A_222 = arith.constant 0 : i32
    %dma_start3A_223 = arith.constant 0 : i32
    %dma_start3A_224 = tpu.memref_slice %arg9[%dma_start3A_220, %dma_start3A_221, %dma_start3A_222, %dma_start3A_223] : memref<2x8x32x128xf32, #tpu.memory_space<vmem>> -> memref<1x1x32x128xf32, #tpu.memory_space<vmem>>
    %dma_start3A_225 = tpu.memref_squeeze %dma_start3A_224 : memref<1x1x32x128xf32, #tpu.memory_space<vmem>> -> memref<32x128xf32, #tpu.memory_space<vmem>>
    %dma_start3A_226 = arith.constant 0 : i32
    %dma_start3A_227 = tpu.memref_slice %arg4[%dma_start3A_226, %multiple_of3A_219] : memref<32x1000000xf32, #tpu.memory_space<hbm>> -> memref<32x128xf32, #tpu.memory_space<hbm>>
    %dma_start3A_228 = arith.constant 0 : i32
    %dma_start3A_229 = arith.constant 0 : i32
    %dma_start3A_230 = tpu.memref_slice %arg9[%dma_start3A_220, %dma_start3A_221, %dma_start3A_228, %dma_start3A_229] : memref<2x8x32x128xf32, #tpu.memory_space<vmem>> -> memref<1x1x32x128xf32, #tpu.memory_space<vmem>>
    %dma_start3A_231 = tpu.memref_squeeze %dma_start3A_230 : memref<1x1x32x128xf32, #tpu.memory_space<vmem>> -> memref<32x128xf32, #tpu.memory_space<vmem>>
    %dma_start3A_232 = arith.constant 0 : i32
    %dma_start3A_233 = tpu.memref_slice %arg4[%dma_start3A_232, %multiple_of3A_219] : memref<32x1000000xf32, #tpu.memory_space<hbm>> -> memref<32x128xf32, #tpu.memory_space<hbm>>
    tpu.enqueue_dma source(%dma_start3A_233 : memref<32x128xf32, #tpu.memory_space<hbm>>) target(%dma_start3A_231 : memref<32x128xf32, #tpu.memory_space<vmem>>) target_semaphore(%arg11 : memref<!tpu.dma_semaphore, #tpu.memory_space<semaphore_mem>>)
    %scan3A = arith.constant 0 : i32
    %scan3A_234 = arith.constant 32 : i32
    %scan3A_235 = arith.addi %scan3A, %scan3A_234 : i32
    %scan3A_236 = arith.constant 1 : i32
    scf.for %scan3A_483 = %scan3A to %scan3A_235 step %scan3A_236  : i32 {
      %mul3A_484 = arith.constant 1 : i32
      %mul3A_485 = arith.muli %scan3A_483, %mul3A_484 : i32
      %add3A_486 = arith.constant 0 : i32
      %add3A_487 = arith.addi %add3A_486, %mul3A_485 : i32
      %mul3A_488 = arith.constant 2 : i32
      %mul3A_489 = arith.muli %add3A_487, %mul3A_488 : i32
      %add3A_490 = arith.constant 1 : i32
      %add3A_491 = arith.addi %mul3A_489, %add3A_490 : i32
      %mul3A_492 = arith.constant 8 : i32
      %mul3A_493 = arith.muli %add3A_491, %mul3A_492 : i32
      %get3A_494 = arith.index_cast %mul3A_493 : i32 to index
      %get3A_495 = tpu.vector_load %arg8[%get3A_494] {strides = array<i32>} : memref<528xi32, #tpu.memory_space<vmem>>, vector<16xi32>,
      %shift_right_arithmetic3A_496 = arith.constant 7 : i32
      %shift_right_arithmetic3A_497 = vector.broadcast %shift_right_arithmetic3A_496 : i32 to vector<16xi32>
      %shift_right_arithmetic3A_498 = arith.shrsi %get3A_495, %shift_right_arithmetic3A_497 : vector<16xi32>
      %mul3A_499 = arith.constant 128 : i32
      %mul3A_500 = vector.broadcast %mul3A_499 : i32 to vector<16xi32>
      %mul3A_501 = arith.muli %shift_right_arithmetic3A_498, %mul3A_500 : vector<16xi32>
      %eq3A_502 = arith.constant 0 : i32
      %eq3A_503 = vector.broadcast %eq3A_502 : i32 to vector<16xi32>
      %eq3A_504 = arith.cmpi eq, %iota3A, %eq3A_503 : vector<16xi32>
      %jit3A_505 = arith.constant 0 : i32
      %broadcast_in_dim3A_506 = vector.broadcast %jit3A_505 : i32 to vector<16xi32>
      %select_n3A_507 = arith.select %eq3A_504, %mul3A_501, %broadcast_in_dim3A_506 : vector<16xi1>, vector<16xi32>
      %reduce_max3A_508 = arith.constant true
      %reduce_max3A_509 = vector.broadcast %reduce_max3A_508 : i1 to vector<16xi1>
      %reduce_max3A_510 = arith.constant -2147483648 : i32
      %reduce_max3A_511 = vector.broadcast %reduce_max3A_510 : i32 to vector<16xi32>
      %reduce_max3A_512 = arith.xori %select_n3A_507, %reduce_max3A_511 : vector<16xi32>
      %reduce_max3A_513 = tpu.scan <max>, %reduce_max3A_512 masked %reduce_max3A_509 : vector<16xi32>, vector<16xi1> -> vector<16xi32>
      %reduce_max3A_514 = arith.xori %reduce_max3A_513, %reduce_max3A_511 : vector<16xi32>
      %reduce_max3A_515 = vector.extract %reduce_max3A_514[15] : i32 from vector<16xi32>
      %multiple_of3A_516 = tpu.assume_multiple %reduce_max3A_515, 128 : i32
      %dma_start3A_517 = arith.constant 1 : i32
      %dma_start3A_518 = arith.constant 0 : i32
      %dma_start3A_519 = arith.constant 0 : i32
      %dma_start3A_520 = arith.constant 0 : i32
      %dma_start3A_521 = tpu.memref_slice %arg9[%dma_start3A_517, %dma_start3A_518, %dma_start3A_519, %dma_start3A_520] : memref<2x8x32x128xf32, #tpu.memory_space<vmem>> -> memref<1x1x32x128xf32, #tpu.memory_space<vmem>>
      %dma_start3A_522 = tpu.memref_squeeze %dma_start3A_521 : memref<1x1x32x128xf32, #tpu.memory_space<vmem>> -> memref<32x128xf32, #tpu.memory_space<vmem>>
      %dma_start3A_523 = arith.constant 0 : i32
      %dma_start3A_524 = tpu.memref_slice %arg4[%dma_start3A_523, %multiple_of3A_516] : memref<32x1000000xf32, #tpu.memory_space<hbm>> -> memref<32x128xf32, #tpu.memory_space<hbm>>
      %dma_start3A_525 = arith.constant 0 : i32
      %dma_start3A_526 = arith.constant 0 : i32
      %dma_start3A_527 = tpu.memref_slice %arg9[%dma_start3A_517, %dma_start3A_518, %dma_start3A_525, %dma_start3A_526] : memref<2x8x32x128xf32, #tpu.memory_space<vmem>> -> memref<1x1x32x128xf32, #tpu.memory_space<vmem>>
      %dma_start3A_528 = tpu.memref_squeeze %dma_start3A_527 : memref<1x1x32x128xf32, #tpu.memory_space<vmem>> -> memref<32x128xf32, #tpu.memory_space<vmem>>
      %dma_start3A_529 = arith.constant 0 : i32
      %dma_start3A_530 = tpu.memref_slice %arg4[%dma_start3A_529, %multiple_of3A_516] : memref<32x1000000xf32, #tpu.memory_space<hbm>> -> memref<32x128xf32, #tpu.memory_space<hbm>>
      tpu.enqueue_dma source(%dma_start3A_530 : memref<32x128xf32, #tpu.memory_space<hbm>>) target(%dma_start3A_528 : memref<32x128xf32, #tpu.memory_space<vmem>>) target_semaphore(%arg12 : memref<!tpu.dma_semaphore, #tpu.memory_space<semaphore_mem>>)
      %eq3A_531 = arith.constant 1 : i32
      %eq3A_532 = vector.broadcast %eq3A_531 : i32 to vector<16xi32>
      %eq3A_533 = arith.cmpi eq, %iota3A, %eq3A_532 : vector<16xi32>
      %jit3A_534 = arith.constant 0 : i32
      %broadcast_in_dim3A_535 = vector.broadcast %jit3A_534 : i32 to vector<16xi32>
      %select_n3A_536 = arith.select %eq3A_533, %mul3A_501, %broadcast_in_dim3A_535 : vector<16xi1>, vector<16xi32>
      %reduce_max3A_537 = arith.constant true
      %reduce_max3A_538 = vector.broadcast %reduce_max3A_537 : i1 to vector<16xi1>
      %reduce_max3A_539 = arith.constant -2147483648 : i32
      %reduce_max3A_540 = vector.broadcast %reduce_max3A_539 : i32 to vector<16xi32>
      %reduce_max3A_541 = arith.xori %select_n3A_536, %reduce_max3A_540 : vector<16xi32>
      %reduce_max3A_542 = tpu.scan <max>, %reduce_max3A_541 masked %reduce_max3A_538 : vector<16xi32>, vector<16xi1> -> vector<16xi32>
      %reduce_max3A_543 = arith.xori %reduce_max3A_542, %reduce_max3A_540 : vector<16xi32>
      %reduce_max3A_544 = vector.extract %reduce_max3A_543[15] : i32 from vector<16xi32>
      %multiple_of3A_545 = tpu.assume_multiple %reduce_max3A_544, 128 : i32
      %dma_start3A_546 = arith.constant 1 : i32
      %dma_start3A_547 = arith.constant 1 : i32
      %dma_start3A_548 = arith.constant 0 : i32
      %dma_start3A_549 = arith.constant 0 : i32
      %dma_start3A_550 = tpu.memref_slice %arg9[%dma_start3A_546, %dma_start3A_547, %dma_start3A_548, %dma_start3A_549] : memref<2x8x32x128xf32, #tpu.memory_space<vmem>> -> memref<1x1x32x128xf32, #tpu.memory_space<vmem>>
      %dma_start3A_551 = tpu.memref_squeeze %dma_start3A_550 : memref<1x1x32x128xf32, #tpu.memory_space<vmem>> -> memref<32x128xf32, #tpu.memory_space<vmem>>
      %dma_start3A_552 = arith.constant 0 : i32
      %dma_start3A_553 = tpu.memref_slice %arg4[%dma_start3A_552, %multiple_of3A_545] : memref<32x1000000xf32, #tpu.memory_space<hbm>> -> memref<32x128xf32, #tpu.memory_space<hbm>>
      %dma_start3A_554 = arith.constant 0 : i32
      %dma_start3A_555 = arith.constant 0 : i32
      %dma_start3A_556 = tpu.memref_slice %arg9[%dma_start3A_546, %dma_start3A_547, %dma_start3A_554, %dma_start3A_555] : memref<2x8x32x128xf32, #tpu.memory_space<vmem>> -> memref<1x1x32x128xf32, #tpu.memory_space<vmem>>
      %dma_start3A_557 = tpu.memref_squeeze %dma_start3A_556 : memref<1x1x32x128xf32, #tpu.memory_space<vmem>> -> memref<32x128xf32, #tpu.memory_space<vmem>>
      %dma_start3A_558 = arith.constant 0 : i32
      %dma_start3A_559 = tpu.memref_slice %arg4[%dma_start3A_558, %multiple_of3A_545] : memref<32x1000000xf32, #tpu.memory_space<hbm>> -> memref<32x128xf32, #tpu.memory_space<hbm>>
      tpu.enqueue_dma source(%dma_start3A_559 : memref<32x128xf32, #tpu.memory_space<hbm>>) target(%dma_start3A_557 : memref<32x128xf32, #tpu.memory_space<vmem>>) target_semaphore(%arg12 : memref<!tpu.dma_semaphore, #tpu.memory_space<semaphore_mem>>)
      %eq3A_560 = arith.constant 2 : i32
      %eq3A_561 = vector.broadcast %eq3A_560 : i32 to vector<16xi32>
      %eq3A_562 = arith.cmpi eq, %iota3A, %eq3A_561 : vector<16xi32>
      %jit3A_563 = arith.constant 0 : i32
      %broadcast_in_dim3A_564 = vector.broadcast %jit3A_563 : i32 to vector<16xi32>
      %select_n3A_565 = arith.select %eq3A_562, %mul3A_501, %broadcast_in_dim3A_564 : vector<16xi1>, vector<16xi32>
      %reduce_max3A_566 = arith.constant true
      %reduce_max3A_567 = vector.broadcast %reduce_max3A_566 : i1 to vector<16xi1>
      %reduce_max3A_568 = arith.constant -2147483648 : i32
      %reduce_max3A_569 = vector.broadcast %reduce_max3A_568 : i32 to vector<16xi32>
      %reduce_max3A_570 = arith.xori %select_n3A_565, %reduce_max3A_569 : vector<16xi32>
      %reduce_max3A_571 = tpu.scan <max>, %reduce_max3A_570 masked %reduce_max3A_567 : vector<16xi32>, vector<16xi1> -> vector<16xi32>
      %reduce_max3A_572 = arith.xori %reduce_max3A_571, %reduce_max3A_569 : vector<16xi32>
      %reduce_max3A_573 = vector.extract %reduce_max3A_572[15] : i32 from vector<16xi32>
      %multiple_of3A_574 = tpu.assume_multiple %reduce_max3A_573, 128 : i32
      %dma_start3A_575 = arith.constant 1 : i32
      %dma_start3A_576 = arith.constant 2 : i32
      %dma_start3A_577 = arith.constant 0 : i32
      %dma_start3A_578 = arith.constant 0 : i32
      %dma_start3A_579 = tpu.memref_slice %arg9[%dma_start3A_575, %dma_start3A_576, %dma_start3A_577, %dma_start3A_578] : memref<2x8x32x128xf32, #tpu.memory_space<vmem>> -> memref<1x1x32x128xf32, #tpu.memory_space<vmem>>
      %dma_start3A_580 = tpu.memref_squeeze %dma_start3A_579 : memref<1x1x32x128xf32, #tpu.memory_space<vmem>> -> memref<32x128xf32, #tpu.memory_space<vmem>>
      %dma_start3A_581 = arith.constant 0 : i32
      %dma_start3A_582 = tpu.memref_slice %arg4[%dma_start3A_581, %multiple_of3A_574] : memref<32x1000000xf32, #tpu.memory_space<hbm>> -> memref<32x128xf32, #tpu.memory_space<hbm>>
      %dma_start3A_583 = arith.constant 0 : i32
      %dma_start3A_584 = arith.constant 0 : i32
      %dma_start3A_585 = tpu.memref_slice %arg9[%dma_start3A_575, %dma_start3A_576, %dma_start3A_583, %dma_start3A_584] : memref<2x8x32x128xf32, #tpu.memory_space<vmem>> -> memref<1x1x32x128xf32, #tpu.memory_space<vmem>>
      %dma_start3A_586 = tpu.memref_squeeze %dma_start3A_585 : memref<1x1x32x128xf32, #tpu.memory_space<vmem>> -> memref<32x128xf32, #tpu.memory_space<vmem>>
      %dma_start3A_587 = arith.constant 0 : i32
      %dma_start3A_588 = tpu.memref_slice %arg4[%dma_start3A_587, %multiple_of3A_574] : memref<32x1000000xf32, #tpu.memory_space<hbm>> -> memref<32x128xf32, #tpu.memory_space<hbm>>
      tpu.enqueue_dma source(%dma_start3A_588 : memref<32x128xf32, #tpu.memory_space<hbm>>) target(%dma_start3A_586 : memref<32x128xf32, #tpu.memory_space<vmem>>) target_semaphore(%arg12 : memref<!tpu.dma_semaphore, #tpu.memory_space<semaphore_mem>>)
      %eq3A_589 = arith.constant 3 : i32
      %eq3A_590 = vector.broadcast %eq3A_589 : i32 to vector<16xi32>
      %eq3A_591 = arith.cmpi eq, %iota3A, %eq3A_590 : vector<16xi32>
      %jit3A_592 = arith.constant 0 : i32
      %broadcast_in_dim3A_593 = vector.broadcast %jit3A_592 : i32 to vector<16xi32>
      %select_n3A_594 = arith.select %eq3A_591, %mul3A_501, %broadcast_in_dim3A_593 : vector<16xi1>, vector<16xi32>
      %reduce_max3A_595 = arith.constant true
      %reduce_max3A_596 = vector.broadcast %reduce_max3A_595 : i1 to vector<16xi1>
      %reduce_max3A_597 = arith.constant -2147483648 : i32
      %reduce_max3A_598 = vector.broadcast %reduce_max3A_597 : i32 to vector<16xi32>
      %reduce_max3A_599 = arith.xori %select_n3A_594, %reduce_max3A_598 : vector<16xi32>
      %reduce_max3A_600 = tpu.scan <max>, %reduce_max3A_599 masked %reduce_max3A_596 : vector<16xi32>, vector<16xi1> -> vector<16xi32>
      %reduce_max3A_601 = arith.xori %reduce_max3A_600, %reduce_max3A_598 : vector<16xi32>
      %reduce_max3A_602 = vector.extract %reduce_max3A_601[15] : i32 from vector<16xi32>
      %multiple_of3A_603 = tpu.assume_multiple %reduce_max3A_602, 128 : i32
      %dma_start3A_604 = arith.constant 1 : i32
      %dma_start3A_605 = arith.constant 3 : i32
      %dma_start3A_606 = arith.constant 0 : i32
      %dma_start3A_607 = arith.constant 0 : i32
      %dma_start3A_608 = tpu.memref_slice %arg9[%dma_start3A_604, %dma_start3A_605, %dma_start3A_606, %dma_start3A_607] : memref<2x8x32x128xf32, #tpu.memory_space<vmem>> -> memref<1x1x32x128xf32, #tpu.memory_space<vmem>>
      %dma_start3A_609 = tpu.memref_squeeze %dma_start3A_608 : memref<1x1x32x128xf32, #tpu.memory_space<vmem>> -> memref<32x128xf32, #tpu.memory_space<vmem>>
      %dma_start3A_610 = arith.constant 0 : i32
      %dma_start3A_611 = tpu.memref_slice %arg4[%dma_start3A_610, %multiple_of3A_603] : memref<32x1000000xf32, #tpu.memory_space<hbm>> -> memref<32x128xf32, #tpu.memory_space<hbm>>
      %dma_start3A_612 = arith.constant 0 : i32
      %dma_start3A_613 = arith.constant 0 : i32
      %dma_start3A_614 = tpu.memref_slice %arg9[%dma_start3A_604, %dma_start3A_605, %dma_start3A_612, %dma_start3A_613] : memref<2x8x32x128xf32, #tpu.memory_space<vmem>> -> memref<1x1x32x128xf32, #tpu.memory_space<vmem>>
      %dma_start3A_615 = tpu.memref_squeeze %dma_start3A_614 : memref<1x1x32x128xf32, #tpu.memory_space<vmem>> -> memref<32x128xf32, #tpu.memory_space<vmem>>
      %dma_start3A_616 = arith.constant 0 : i32
      %dma_start3A_617 = tpu.memref_slice %arg4[%dma_start3A_616, %multiple_of3A_603] : memref<32x1000000xf32, #tpu.memory_space<hbm>> -> memref<32x128xf32, #tpu.memory_space<hbm>>
      tpu.enqueue_dma source(%dma_start3A_617 : memref<32x128xf32, #tpu.memory_space<hbm>>) target(%dma_start3A_615 : memref<32x128xf32, #tpu.memory_space<vmem>>) target_semaphore(%arg12 : memref<!tpu.dma_semaphore, #tpu.memory_space<semaphore_mem>>)
      %eq3A_618 = arith.constant 4 : i32
      %eq3A_619 = vector.broadcast %eq3A_618 : i32 to vector<16xi32>
      %eq3A_620 = arith.cmpi eq, %iota3A, %eq3A_619 : vector<16xi32>
      %jit3A_621 = arith.constant 0 : i32
      %broadcast_in_dim3A_622 = vector.broadcast %jit3A_621 : i32 to vector<16xi32>
      %select_n3A_623 = arith.select %eq3A_620, %mul3A_501, %broadcast_in_dim3A_622 : vector<16xi1>, vector<16xi32>
      %reduce_max3A_624 = arith.constant true
      %reduce_max3A_625 = vector.broadcast %reduce_max3A_624 : i1 to vector<16xi1>
      %reduce_max3A_626 = arith.constant -2147483648 : i32
      %reduce_max3A_627 = vector.broadcast %reduce_max3A_626 : i32 to vector<16xi32>
      %reduce_max3A_628 = arith.xori %select_n3A_623, %reduce_max3A_627 : vector<16xi32>
      %reduce_max3A_629 = tpu.scan <max>, %reduce_max3A_628 masked %reduce_max3A_625 : vector<16xi32>, vector<16xi1> -> vector<16xi32>
      %reduce_max3A_630 = arith.xori %reduce_max3A_629, %reduce_max3A_627 : vector<16xi32>
      %reduce_max3A_631 = vector.extract %reduce_max3A_630[15] : i32 from vector<16xi32>
      %multiple_of3A_632 = tpu.assume_multiple %reduce_max3A_631, 128 : i32
      %dma_start3A_633 = arith.constant 1 : i32
      %dma_start3A_634 = arith.constant 4 : i32
      %dma_start3A_635 = arith.constant 0 : i32
      %dma_start3A_636 = arith.constant 0 : i32
      %dma_start3A_637 = tpu.memref_slice %arg9[%dma_start3A_633, %dma_start3A_634, %dma_start3A_635, %dma_start3A_636] : memref<2x8x32x128xf32, #tpu.memory_space<vmem>> -> memref<1x1x32x128xf32, #tpu.memory_space<vmem>>
      %dma_start3A_638 = tpu.memref_squeeze %dma_start3A_637 : memref<1x1x32x128xf32, #tpu.memory_space<vmem>> -> memref<32x128xf32, #tpu.memory_space<vmem>>
      %dma_start3A_639 = arith.constant 0 : i32
      %dma_start3A_640 = tpu.memref_slice %arg4[%dma_start3A_639, %multiple_of3A_632] : memref<32x1000000xf32, #tpu.memory_space<hbm>> -> memref<32x128xf32, #tpu.memory_space<hbm>>
      %dma_start3A_641 = arith.constant 0 : i32
      %dma_start3A_642 = arith.constant 0 : i32
      %dma_start3A_643 = tpu.memref_slice %arg9[%dma_start3A_633, %dma_start3A_634, %dma_start3A_641, %dma_start3A_642] : memref<2x8x32x128xf32, #tpu.memory_space<vmem>> -> memref<1x1x32x128xf32, #tpu.memory_space<vmem>>
      %dma_start3A_644 = tpu.memref_squeeze %dma_start3A_643 : memref<1x1x32x128xf32, #tpu.memory_space<vmem>> -> memref<32x128xf32, #tpu.memory_space<vmem>>
      %dma_start3A_645 = arith.constant 0 : i32
      %dma_start3A_646 = tpu.memref_slice %arg4[%dma_start3A_645, %multiple_of3A_632] : memref<32x1000000xf32, #tpu.memory_space<hbm>> -> memref<32x128xf32, #tpu.memory_space<hbm>>
      tpu.enqueue_dma source(%dma_start3A_646 : memref<32x128xf32, #tpu.memory_space<hbm>>) target(%dma_start3A_644 : memref<32x128xf32, #tpu.memory_space<vmem>>) target_semaphore(%arg12 : memref<!tpu.dma_semaphore, #tpu.memory_space<semaphore_mem>>)
      %eq3A_647 = arith.constant 5 : i32
      %eq3A_648 = vector.broadcast %eq3A_647 : i32 to vector<16xi32>
      %eq3A_649 = arith.cmpi eq, %iota3A, %eq3A_648 : vector<16xi32>
      %jit3A_650 = arith.constant 0 : i32
      %broadcast_in_dim3A_651 = vector.broadcast %jit3A_650 : i32 to vector<16xi32>
      %select_n3A_652 = arith.select %eq3A_649, %mul3A_501, %broadcast_in_dim3A_651 : vector<16xi1>, vector<16xi32>
      %reduce_max3A_653 = arith.constant true
      %reduce_max3A_654 = vector.broadcast %reduce_max3A_653 : i1 to vector<16xi1>
      %reduce_max3A_655 = arith.constant -2147483648 : i32
      %reduce_max3A_656 = vector.broadcast %reduce_max3A_655 : i32 to vector<16xi32>
      %reduce_max3A_657 = arith.xori %select_n3A_652, %reduce_max3A_656 : vector<16xi32>
      %reduce_max3A_658 = tpu.scan <max>, %reduce_max3A_657 masked %reduce_max3A_654 : vector<16xi32>, vector<16xi1> -> vector<16xi32>
      %reduce_max3A_659 = arith.xori %reduce_max3A_658, %reduce_max3A_656 : vector<16xi32>
      %reduce_max3A_660 = vector.extract %reduce_max3A_659[15] : i32 from vector<16xi32>
      %multiple_of3A_661 = tpu.assume_multiple %reduce_max3A_660, 128 : i32
      %dma_start3A_662 = arith.constant 1 : i32
      %dma_start3A_663 = arith.constant 5 : i32
      %dma_start3A_664 = arith.constant 0 : i32
      %dma_start3A_665 = arith.constant 0 : i32
      %dma_start3A_666 = tpu.memref_slice %arg9[%dma_start3A_662, %dma_start3A_663, %dma_start3A_664, %dma_start3A_665] : memref<2x8x32x128xf32, #tpu.memory_space<vmem>> -> memref<1x1x32x128xf32, #tpu.memory_space<vmem>>
      %dma_start3A_667 = tpu.memref_squeeze %dma_start3A_666 : memref<1x1x32x128xf32, #tpu.memory_space<vmem>> -> memref<32x128xf32, #tpu.memory_space<vmem>>
      %dma_start3A_668 = arith.constant 0 : i32
      %dma_start3A_669 = tpu.memref_slice %arg4[%dma_start3A_668, %multiple_of3A_661] : memref<32x1000000xf32, #tpu.memory_space<hbm>> -> memref<32x128xf32, #tpu.memory_space<hbm>>
      %dma_start3A_670 = arith.constant 0 : i32
      %dma_start3A_671 = arith.constant 0 : i32
      %dma_start3A_672 = tpu.memref_slice %arg9[%dma_start3A_662, %dma_start3A_663, %dma_start3A_670, %dma_start3A_671] : memref<2x8x32x128xf32, #tpu.memory_space<vmem>> -> memref<1x1x32x128xf32, #tpu.memory_space<vmem>>
      %dma_start3A_673 = tpu.memref_squeeze %dma_start3A_672 : memref<1x1x32x128xf32, #tpu.memory_space<vmem>> -> memref<32x128xf32, #tpu.memory_space<vmem>>
      %dma_start3A_674 = arith.constant 0 : i32
      %dma_start3A_675 = tpu.memref_slice %arg4[%dma_start3A_674, %multiple_of3A_661] : memref<32x1000000xf32, #tpu.memory_space<hbm>> -> memref<32x128xf32, #tpu.memory_space<hbm>>
      tpu.enqueue_dma source(%dma_start3A_675 : memref<32x128xf32, #tpu.memory_space<hbm>>) target(%dma_start3A_673 : memref<32x128xf32, #tpu.memory_space<vmem>>) target_semaphore(%arg12 : memref<!tpu.dma_semaphore, #tpu.memory_space<semaphore_mem>>)
      %eq3A_676 = arith.constant 6 : i32
      %eq3A_677 = vector.broadcast %eq3A_676 : i32 to vector<16xi32>
      %eq3A_678 = arith.cmpi eq, %iota3A, %eq3A_677 : vector<16xi32>
      %jit3A_679 = arith.constant 0 : i32
      %broadcast_in_dim3A_680 = vector.broadcast %jit3A_679 : i32 to vector<16xi32>
      %select_n3A_681 = arith.select %eq3A_678, %mul3A_501, %broadcast_in_dim3A_680 : vector<16xi1>, vector<16xi32>
      %reduce_max3A_682 = arith.constant true
      %reduce_max3A_683 = vector.broadcast %reduce_max3A_682 : i1 to vector<16xi1>
      %reduce_max3A_684 = arith.constant -2147483648 : i32
      %reduce_max3A_685 = vector.broadcast %reduce_max3A_684 : i32 to vector<16xi32>
      %reduce_max3A_686 = arith.xori %select_n3A_681, %reduce_max3A_685 : vector<16xi32>
      %reduce_max3A_687 = tpu.scan <max>, %reduce_max3A_686 masked %reduce_max3A_683 : vector<16xi32>, vector<16xi1> -> vector<16xi32>
      %reduce_max3A_688 = arith.xori %reduce_max3A_687, %reduce_max3A_685 : vector<16xi32>
      %reduce_max3A_689 = vector.extract %reduce_max3A_688[15] : i32 from vector<16xi32>
      %multiple_of3A_690 = tpu.assume_multiple %reduce_max3A_689, 128 : i32
      %dma_start3A_691 = arith.constant 1 : i32
      %dma_start3A_692 = arith.constant 6 : i32
      %dma_start3A_693 = arith.constant 0 : i32
      %dma_start3A_694 = arith.constant 0 : i32
      %dma_start3A_695 = tpu.memref_slice %arg9[%dma_start3A_691, %dma_start3A_692, %dma_start3A_693, %dma_start3A_694] : memref<2x8x32x128xf32, #tpu.memory_space<vmem>> -> memref<1x1x32x128xf32, #tpu.memory_space<vmem>>
      %dma_start3A_696 = tpu.memref_squeeze %dma_start3A_695 : memref<1x1x32x128xf32, #tpu.memory_space<vmem>> -> memref<32x128xf32, #tpu.memory_space<vmem>>
      %dma_start3A_697 = arith.constant 0 : i32
      %dma_start3A_698 = tpu.memref_slice %arg4[%dma_start3A_697, %multiple_of3A_690] : memref<32x1000000xf32, #tpu.memory_space<hbm>> -> memref<32x128xf32, #tpu.memory_space<hbm>>
      %dma_start3A_699 = arith.constant 0 : i32
      %dma_start3A_700 = arith.constant 0 : i32
      %dma_start3A_701 = tpu.memref_slice %arg9[%dma_start3A_691, %dma_start3A_692, %dma_start3A_699, %dma_start3A_700] : memref<2x8x32x128xf32, #tpu.memory_space<vmem>> -> memref<1x1x32x128xf32, #tpu.memory_space<vmem>>
      %dma_start3A_702 = tpu.memref_squeeze %dma_start3A_701 : memref<1x1x32x128xf32, #tpu.memory_space<vmem>> -> memref<32x128xf32, #tpu.memory_space<vmem>>
      %dma_start3A_703 = arith.constant 0 : i32
      %dma_start3A_704 = tpu.memref_slice %arg4[%dma_start3A_703, %multiple_of3A_690] : memref<32x1000000xf32, #tpu.memory_space<hbm>> -> memref<32x128xf32, #tpu.memory_space<hbm>>
      tpu.enqueue_dma source(%dma_start3A_704 : memref<32x128xf32, #tpu.memory_space<hbm>>) target(%dma_start3A_702 : memref<32x128xf32, #tpu.memory_space<vmem>>) target_semaphore(%arg12 : memref<!tpu.dma_semaphore, #tpu.memory_space<semaphore_mem>>)
      %eq3A_705 = arith.constant 7 : i32
      %eq3A_706 = vector.broadcast %eq3A_705 : i32 to vector<16xi32>
      %eq3A_707 = arith.cmpi eq, %iota3A, %eq3A_706 : vector<16xi32>
      %jit3A_708 = arith.constant 0 : i32
      %broadcast_in_dim3A_709 = vector.broadcast %jit3A_708 : i32 to vector<16xi32>
      %select_n3A_710 = arith.select %eq3A_707, %mul3A_501, %broadcast_in_dim3A_709 : vector<16xi1>, vector<16xi32>
      %reduce_max3A_711 = arith.constant true
      %reduce_max3A_712 = vector.broadcast %reduce_max3A_711 : i1 to vector<16xi1>
      %reduce_max3A_713 = arith.constant -2147483648 : i32
      %reduce_max3A_714 = vector.broadcast %reduce_max3A_713 : i32 to vector<16xi32>
      %reduce_max3A_715 = arith.xori %select_n3A_710, %reduce_max3A_714 : vector<16xi32>
      %reduce_max3A_716 = tpu.scan <max>, %reduce_max3A_715 masked %reduce_max3A_712 : vector<16xi32>, vector<16xi1> -> vector<16xi32>
      %reduce_max3A_717 = arith.xori %reduce_max3A_716, %reduce_max3A_714 : vector<16xi32>
      %reduce_max3A_718 = vector.extract %reduce_max3A_717[15] : i32 from vector<16xi32>
      %multiple_of3A_719 = tpu.assume_multiple %reduce_max3A_718, 128 : i32
      %dma_start3A_720 = arith.constant 1 : i32
      %dma_start3A_721 = arith.constant 7 : i32
      %dma_start3A_722 = arith.constant 0 : i32
      %dma_start3A_723 = arith.constant 0 : i32
      %dma_start3A_724 = tpu.memref_slice %arg9[%dma_start3A_720, %dma_start3A_721, %dma_start3A_722, %dma_start3A_723] : memref<2x8x32x128xf32, #tpu.memory_space<vmem>> -> memref<1x1x32x128xf32, #tpu.memory_space<vmem>>
      %dma_start3A_725 = tpu.memref_squeeze %dma_start3A_724 : memref<1x1x32x128xf32, #tpu.memory_space<vmem>> -> memref<32x128xf32, #tpu.memory_space<vmem>>
      %dma_start3A_726 = arith.constant 0 : i32
      %dma_start3A_727 = tpu.memref_slice %arg4[%dma_start3A_726, %multiple_of3A_719] : memref<32x1000000xf32, #tpu.memory_space<hbm>> -> memref<32x128xf32, #tpu.memory_space<hbm>>
      %dma_start3A_728 = arith.constant 0 : i32
      %dma_start3A_729 = arith.constant 0 : i32
      %dma_start3A_730 = tpu.memref_slice %arg9[%dma_start3A_720, %dma_start3A_721, %dma_start3A_728, %dma_start3A_729] : memref<2x8x32x128xf32, #tpu.memory_space<vmem>> -> memref<1x1x32x128xf32, #tpu.memory_space<vmem>>
      %dma_start3A_731 = tpu.memref_squeeze %dma_start3A_730 : memref<1x1x32x128xf32, #tpu.memory_space<vmem>> -> memref<32x128xf32, #tpu.memory_space<vmem>>
      %dma_start3A_732 = arith.constant 0 : i32
      %dma_start3A_733 = tpu.memref_slice %arg4[%dma_start3A_732, %multiple_of3A_719] : memref<32x1000000xf32, #tpu.memory_space<hbm>> -> memref<32x128xf32, #tpu.memory_space<hbm>>
      tpu.enqueue_dma source(%dma_start3A_733 : memref<32x128xf32, #tpu.memory_space<hbm>>) target(%dma_start3A_731 : memref<32x128xf32, #tpu.memory_space<vmem>>) target_semaphore(%arg12 : memref<!tpu.dma_semaphore, #tpu.memory_space<semaphore_mem>>)
      %dma_wait3A = arith.constant 0 : i32
      %dma_wait3A_734 = arith.constant 0 : i32
      %dma_wait3A_735 = arith.constant 0 : i32
      %dma_wait3A_736 = arith.constant 0 : i32
      %dma_wait3A_737 = tpu.memref_slice %arg9[%dma_wait3A, %dma_wait3A_734, %dma_wait3A_735, %dma_wait3A_736] : memref<2x8x32x128xf32, #tpu.memory_space<vmem>> -> memref<1x1x32x128xf32, #tpu.memory_space<vmem>>
      %dma_wait3A_738 = tpu.memref_squeeze %dma_wait3A_737 : memref<1x1x32x128xf32, #tpu.memory_space<vmem>> -> memref<32x128xf32, #tpu.memory_space<vmem>>
      %dma_wait3A_739 = arith.constant 0 : i32
      %dma_wait3A_740 = arith.constant 0 : i32
      %dma_wait3A_741 = tpu.memref_slice %arg4[%dma_wait3A_739, %dma_wait3A_740] : memref<32x1000000xf32, #tpu.memory_space<hbm>> -> memref<32x128xf32, #tpu.memory_space<hbm>>
      %dma_wait3A_742 = arith.constant 0 : i32
      %dma_wait3A_743 = arith.constant 0 : i32
      %dma_wait3A_744 = tpu.memref_slice %arg9[%dma_wait3A, %dma_wait3A_734, %dma_wait3A_742, %dma_wait3A_743] : memref<2x8x32x128xf32, #tpu.memory_space<vmem>> -> memref<1x1x32x128xf32, #tpu.memory_space<vmem>>
      %dma_wait3A_745 = tpu.memref_squeeze %dma_wait3A_744 : memref<1x1x32x128xf32, #tpu.memory_space<vmem>> -> memref<32x128xf32, #tpu.memory_space<vmem>>
      %dma_wait3A_746 = arith.constant 0 : i32
      %dma_wait3A_747 = arith.constant 0 : i32
      %dma_wait3A_748 = tpu.memref_slice %arg4[%dma_wait3A_746, %dma_wait3A_747] : memref<32x1000000xf32, #tpu.memory_space<hbm>> -> memref<32x128xf32, #tpu.memory_space<hbm>>
      tpu.wait_dma2 semaphore(%arg11 : memref<!tpu.dma_semaphore, #tpu.memory_space<semaphore_mem>>) src(%dma_wait3A_748 : memref<32x128xf32, #tpu.memory_space<hbm>>) dst(%dma_wait3A_745 : memref<32x128xf32, #tpu.memory_space<vmem>>)
      %dma_wait3A_749 = arith.constant 0 : i32
      %dma_wait3A_750 = arith.constant 1 : i32
      %dma_wait3A_751 = arith.constant 0 : i32
      %dma_wait3A_752 = arith.constant 0 : i32
      %dma_wait3A_753 = tpu.memref_slice %arg9[%dma_wait3A_749, %dma_wait3A_750, %dma_wait3A_751, %dma_wait3A_752] : memref<2x8x32x128xf32, #tpu.memory_space<vmem>> -> memref<1x1x32x128xf32, #tpu.memory_space<vmem>>
      %dma_wait3A_754 = tpu.memref_squeeze %dma_wait3A_753 : memref<1x1x32x128xf32, #tpu.memory_space<vmem>> -> memref<32x128xf32, #tpu.memory_space<vmem>>
      %dma_wait3A_755 = arith.constant 0 : i32
      %dma_wait3A_756 = arith.constant 0 : i32
      %dma_wait3A_757 = tpu.memref_slice %arg4[%dma_wait3A_755, %dma_wait3A_756] : memref<32x1000000xf32, #tpu.memory_space<hbm>> -> memref<32x128xf32, #tpu.memory_space<hbm>>
      %dma_wait3A_758 = arith.constant 0 : i32
      %dma_wait3A_759 = arith.constant 0 : i32
      %dma_wait3A_760 = tpu.memref_slice %arg9[%dma_wait3A_749, %dma_wait3A_750, %dma_wait3A_758, %dma_wait3A_759] : memref<2x8x32x128xf32, #tpu.memory_space<vmem>> -> memref<1x1x32x128xf32, #tpu.memory_space<vmem>>
      %dma_wait3A_761 = tpu.memref_squeeze %dma_wait3A_760 : memref<1x1x32x128xf32, #tpu.memory_space<vmem>> -> memref<32x128xf32, #tpu.memory_space<vmem>>
      %dma_wait3A_762 = arith.constant 0 : i32
      %dma_wait3A_763 = arith.constant 0 : i32
      %dma_wait3A_764 = tpu.memref_slice %arg4[%dma_wait3A_762, %dma_wait3A_763] : memref<32x1000000xf32, #tpu.memory_space<hbm>> -> memref<32x128xf32, #tpu.memory_space<hbm>>
      tpu.wait_dma2 semaphore(%arg11 : memref<!tpu.dma_semaphore, #tpu.memory_space<semaphore_mem>>) src(%dma_wait3A_764 : memref<32x128xf32, #tpu.memory_space<hbm>>) dst(%dma_wait3A_761 : memref<32x128xf32, #tpu.memory_space<vmem>>)
      %dma_wait3A_765 = arith.constant 0 : i32
      %dma_wait3A_766 = arith.constant 2 : i32
      %dma_wait3A_767 = arith.constant 0 : i32
      %dma_wait3A_768 = arith.constant 0 : i32
      %dma_wait3A_769 = tpu.memref_slice %arg9[%dma_wait3A_765, %dma_wait3A_766, %dma_wait3A_767, %dma_wait3A_768] : memref<2x8x32x128xf32, #tpu.memory_space<vmem>> -> memref<1x1x32x128xf32, #tpu.memory_space<vmem>>
      %dma_wait3A_770 = tpu.memref_squeeze %dma_wait3A_769 : memref<1x1x32x128xf32, #tpu.memory_space<vmem>> -> memref<32x128xf32, #tpu.memory_space<vmem>>
      %dma_wait3A_771 = arith.constant 0 : i32
      %dma_wait3A_772 = arith.constant 0 : i32
      %dma_wait3A_773 = tpu.memref_slice %arg4[%dma_wait3A_771, %dma_wait3A_772] : memref<32x1000000xf32, #tpu.memory_space<hbm>> -> memref<32x128xf32, #tpu.memory_space<hbm>>
      %dma_wait3A_774 = arith.constant 0 : i32
      %dma_wait3A_775 = arith.constant 0 : i32
      %dma_wait3A_776 = tpu.memref_slice %arg9[%dma_wait3A_765, %dma_wait3A_766, %dma_wait3A_774, %dma_wait3A_775] : memref<2x8x32x128xf32, #tpu.memory_space<vmem>> -> memref<1x1x32x128xf32, #tpu.memory_space<vmem>>
      %dma_wait3A_777 = tpu.memref_squeeze %dma_wait3A_776 : memref<1x1x32x128xf32, #tpu.memory_space<vmem>> -> memref<32x128xf32, #tpu.memory_space<vmem>>
      %dma_wait3A_778 = arith.constant 0 : i32
      %dma_wait3A_779 = arith.constant 0 : i32
      %dma_wait3A_780 = tpu.memref_slice %arg4[%dma_wait3A_778, %dma_wait3A_779] : memref<32x1000000xf32, #tpu.memory_space<hbm>> -> memref<32x128xf32, #tpu.memory_space<hbm>>
      tpu.wait_dma2 semaphore(%arg11 : memref<!tpu.dma_semaphore, #tpu.memory_space<semaphore_mem>>) src(%dma_wait3A_780 : memref<32x128xf32, #tpu.memory_space<hbm>>) dst(%dma_wait3A_777 : memref<32x128xf32, #tpu.memory_space<vmem>>)
      %dma_wait3A_781 = arith.constant 0 : i32
      %dma_wait3A_782 = arith.constant 3 : i32
      %dma_wait3A_783 = arith.constant 0 : i32
      %dma_wait3A_784 = arith.constant 0 : i32
      %dma_wait3A_785 = tpu.memref_slice %arg9[%dma_wait3A_781, %dma_wait3A_782, %dma_wait3A_783, %dma_wait3A_784] : memref<2x8x32x128xf32, #tpu.memory_space<vmem>> -> memref<1x1x32x128xf32, #tpu.memory_space<vmem>>
      %dma_wait3A_786 = tpu.memref_squeeze %dma_wait3A_785 : memref<1x1x32x128xf32, #tpu.memory_space<vmem>> -> memref<32x128xf32, #tpu.memory_space<vmem>>
      %dma_wait3A_787 = arith.constant 0 : i32
      %dma_wait3A_788 = arith.constant 0 : i32
      %dma_wait3A_789 = tpu.memref_slice %arg4[%dma_wait3A_787, %dma_wait3A_788] : memref<32x1000000xf32, #tpu.memory_space<hbm>> -> memref<32x128xf32, #tpu.memory_space<hbm>>
      %dma_wait3A_790 = arith.constant 0 : i32
      %dma_wait3A_791 = arith.constant 0 : i32
      %dma_wait3A_792 = tpu.memref_slice %arg9[%dma_wait3A_781, %dma_wait3A_782, %dma_wait3A_790, %dma_wait3A_791] : memref<2x8x32x128xf32, #tpu.memory_space<vmem>> -> memref<1x1x32x128xf32, #tpu.memory_space<vmem>>
      %dma_wait3A_793 = tpu.memref_squeeze %dma_wait3A_792 : memref<1x1x32x128xf32, #tpu.memory_space<vmem>> -> memref<32x128xf32, #tpu.memory_space<vmem>>
      %dma_wait3A_794 = arith.constant 0 : i32
      %dma_wait3A_795 = arith.constant 0 : i32
      %dma_wait3A_796 = tpu.memref_slice %arg4[%dma_wait3A_794, %dma_wait3A_795] : memref<32x1000000xf32, #tpu.memory_space<hbm>> -> memref<32x128xf32, #tpu.memory_space<hbm>>
      tpu.wait_dma2 semaphore(%arg11 : memref<!tpu.dma_semaphore, #tpu.memory_space<semaphore_mem>>) src(%dma_wait3A_796 : memref<32x128xf32, #tpu.memory_space<hbm>>) dst(%dma_wait3A_793 : memref<32x128xf32, #tpu.memory_space<vmem>>)
      %dma_wait3A_797 = arith.constant 0 : i32
      %dma_wait3A_798 = arith.constant 4 : i32
      %dma_wait3A_799 = arith.constant 0 : i32
      %dma_wait3A_800 = arith.constant 0 : i32
      %dma_wait3A_801 = tpu.memref_slice %arg9[%dma_wait3A_797, %dma_wait3A_798, %dma_wait3A_799, %dma_wait3A_800] : memref<2x8x32x128xf32, #tpu.memory_space<vmem>> -> memref<1x1x32x128xf32, #tpu.memory_space<vmem>>
      %dma_wait3A_802 = tpu.memref_squeeze %dma_wait3A_801 : memref<1x1x32x128xf32, #tpu.memory_space<vmem>> -> memref<32x128xf32, #tpu.memory_space<vmem>>
      %dma_wait3A_803 = arith.constant 0 : i32
      %dma_wait3A_804 = arith.constant 0 : i32
      %dma_wait3A_805 = tpu.memref_slice %arg4[%dma_wait3A_803, %dma_wait3A_804] : memref<32x1000000xf32, #tpu.memory_space<hbm>> -> memref<32x128xf32, #tpu.memory_space<hbm>>
      %dma_wait3A_806 = arith.constant 0 : i32
      %dma_wait3A_807 = arith.constant 0 : i32
      %dma_wait3A_808 = tpu.memref_slice %arg9[%dma_wait3A_797, %dma_wait3A_798, %dma_wait3A_806, %dma_wait3A_807] : memref<2x8x32x128xf32, #tpu.memory_space<vmem>> -> memref<1x1x32x128xf32, #tpu.memory_space<vmem>>
      %dma_wait3A_809 = tpu.memref_squeeze %dma_wait3A_808 : memref<1x1x32x128xf32, #tpu.memory_space<vmem>> -> memref<32x128xf32, #tpu.memory_space<vmem>>
      %dma_wait3A_810 = arith.constant 0 : i32
      %dma_wait3A_811 = arith.constant 0 : i32
      %dma_wait3A_812 = tpu.memref_slice %arg4[%dma_wait3A_810, %dma_wait3A_811] : memref<32x1000000xf32, #tpu.memory_space<hbm>> -> memref<32x128xf32, #tpu.memory_space<hbm>>
      tpu.wait_dma2 semaphore(%arg11 : memref<!tpu.dma_semaphore, #tpu.memory_space<semaphore_mem>>) src(%dma_wait3A_812 : memref<32x128xf32, #tpu.memory_space<hbm>>) dst(%dma_wait3A_809 : memref<32x128xf32, #tpu.memory_space<vmem>>)
      %dma_wait3A_813 = arith.constant 0 : i32
      %dma_wait3A_814 = arith.constant 5 : i32
      %dma_wait3A_815 = arith.constant 0 : i32
      %dma_wait3A_816 = arith.constant 0 : i32
      %dma_wait3A_817 = tpu.memref_slice %arg9[%dma_wait3A_813, %dma_wait3A_814, %dma_wait3A_815, %dma_wait3A_816] : memref<2x8x32x128xf32, #tpu.memory_space<vmem>> -> memref<1x1x32x128xf32, #tpu.memory_space<vmem>>
      %dma_wait3A_818 = tpu.memref_squeeze %dma_wait3A_817 : memref<1x1x32x128xf32, #tpu.memory_space<vmem>> -> memref<32x128xf32, #tpu.memory_space<vmem>>
      %dma_wait3A_819 = arith.constant 0 : i32
      %dma_wait3A_820 = arith.constant 0 : i32
      %dma_wait3A_821 = tpu.memref_slice %arg4[%dma_wait3A_819, %dma_wait3A_820] : memref<32x1000000xf32, #tpu.memory_space<hbm>> -> memref<32x128xf32, #tpu.memory_space<hbm>>
      %dma_wait3A_822 = arith.constant 0 : i32
      %dma_wait3A_823 = arith.constant 0 : i32
      %dma_wait3A_824 = tpu.memref_slice %arg9[%dma_wait3A_813, %dma_wait3A_814, %dma_wait3A_822, %dma_wait3A_823] : memref<2x8x32x128xf32, #tpu.memory_space<vmem>> -> memref<1x1x32x128xf32, #tpu.memory_space<vmem>>
      %dma_wait3A_825 = tpu.memref_squeeze %dma_wait3A_824 : memref<1x1x32x128xf32, #tpu.memory_space<vmem>> -> memref<32x128xf32, #tpu.memory_space<vmem>>
      %dma_wait3A_826 = arith.constant 0 : i32
      %dma_wait3A_827 = arith.constant 0 : i32
      %dma_wait3A_828 = tpu.memref_slice %arg4[%dma_wait3A_826, %dma_wait3A_827] : memref<32x1000000xf32, #tpu.memory_space<hbm>> -> memref<32x128xf32, #tpu.memory_space<hbm>>
      tpu.wait_dma2 semaphore(%arg11 : memref<!tpu.dma_semaphore, #tpu.memory_space<semaphore_mem>>) src(%dma_wait3A_828 : memref<32x128xf32, #tpu.memory_space<hbm>>) dst(%dma_wait3A_825 : memref<32x128xf32, #tpu.memory_space<vmem>>)
      %dma_wait3A_829 = arith.constant 0 : i32
      %dma_wait3A_830 = arith.constant 6 : i32
      %dma_wait3A_831 = arith.constant 0 : i32
      %dma_wait3A_832 = arith.constant 0 : i32
      %dma_wait3A_833 = tpu.memref_slice %arg9[%dma_wait3A_829, %dma_wait3A_830, %dma_wait3A_831, %dma_wait3A_832] : memref<2x8x32x128xf32, #tpu.memory_space<vmem>> -> memref<1x1x32x128xf32, #tpu.memory_space<vmem>>
      %dma_wait3A_834 = tpu.memref_squeeze %dma_wait3A_833 : memref<1x1x32x128xf32, #tpu.memory_space<vmem>> -> memref<32x128xf32, #tpu.memory_space<vmem>>
      %dma_wait3A_835 = arith.constant 0 : i32
      %dma_wait3A_836 = arith.constant 0 : i32
      %dma_wait3A_837 = tpu.memref_slice %arg4[%dma_wait3A_835, %dma_wait3A_836] : memref<32x1000000xf32, #tpu.memory_space<hbm>> -> memref<32x128xf32, #tpu.memory_space<hbm>>
      %dma_wait3A_838 = arith.constant 0 : i32
      %dma_wait3A_839 = arith.constant 0 : i32
      %dma_wait3A_840 = tpu.memref_slice %arg9[%dma_wait3A_829, %dma_wait3A_830, %dma_wait3A_838, %dma_wait3A_839] : memref<2x8x32x128xf32, #tpu.memory_space<vmem>> -> memref<1x1x32x128xf32, #tpu.memory_space<vmem>>
      %dma_wait3A_841 = tpu.memref_squeeze %dma_wait3A_840 : memref<1x1x32x128xf32, #tpu.memory_space<vmem>> -> memref<32x128xf32, #tpu.memory_space<vmem>>
      %dma_wait3A_842 = arith.constant 0 : i32
      %dma_wait3A_843 = arith.constant 0 : i32
      %dma_wait3A_844 = tpu.memref_slice %arg4[%dma_wait3A_842, %dma_wait3A_843] : memref<32x1000000xf32, #tpu.memory_space<hbm>> -> memref<32x128xf32, #tpu.memory_space<hbm>>
      tpu.wait_dma2 semaphore(%arg11 : memref<!tpu.dma_semaphore, #tpu.memory_space<semaphore_mem>>) src(%dma_wait3A_844 : memref<32x128xf32, #tpu.memory_space<hbm>>) dst(%dma_wait3A_841 : memref<32x128xf32, #tpu.memory_space<vmem>>)
      %dma_wait3A_845 = arith.constant 0 : i32
      %dma_wait3A_846 = arith.constant 7 : i32
      %dma_wait3A_847 = arith.constant 0 : i32
      %dma_wait3A_848 = arith.constant 0 : i32
      %dma_wait3A_849 = tpu.memref_slice %arg9[%dma_wait3A_845, %dma_wait3A_846, %dma_wait3A_847, %dma_wait3A_848] : memref<2x8x32x128xf32, #tpu.memory_space<vmem>> -> memref<1x1x32x128xf32, #tpu.memory_space<vmem>>
      %dma_wait3A_850 = tpu.memref_squeeze %dma_wait3A_849 : memref<1x1x32x128xf32, #tpu.memory_space<vmem>> -> memref<32x128xf32, #tpu.memory_space<vmem>>
      %dma_wait3A_851 = arith.constant 0 : i32
      %dma_wait3A_852 = arith.constant 0 : i32
      %dma_wait3A_853 = tpu.memref_slice %arg4[%dma_wait3A_851, %dma_wait3A_852] : memref<32x1000000xf32, #tpu.memory_space<hbm>> -> memref<32x128xf32, #tpu.memory_space<hbm>>
      %dma_wait3A_854 = arith.constant 0 : i32
      %dma_wait3A_855 = arith.constant 0 : i32
      %dma_wait3A_856 = tpu.memref_slice %arg9[%dma_wait3A_845, %dma_wait3A_846, %dma_wait3A_854, %dma_wait3A_855] : memref<2x8x32x128xf32, #tpu.memory_space<vmem>> -> memref<1x1x32x128xf32, #tpu.memory_space<vmem>>
      %dma_wait3A_857 = tpu.memref_squeeze %dma_wait3A_856 : memref<1x1x32x128xf32, #tpu.memory_space<vmem>> -> memref<32x128xf32, #tpu.memory_space<vmem>>
      %dma_wait3A_858 = arith.constant 0 : i32
      %dma_wait3A_859 = arith.constant 0 : i32
      %dma_wait3A_860 = tpu.memref_slice %arg4[%dma_wait3A_858, %dma_wait3A_859] : memref<32x1000000xf32, #tpu.memory_space<hbm>> -> memref<32x128xf32, #tpu.memory_space<hbm>>
      tpu.wait_dma2 semaphore(%arg11 : memref<!tpu.dma_semaphore, #tpu.memory_space<semaphore_mem>>) src(%dma_wait3A_860 : memref<32x128xf32, #tpu.memory_space<hbm>>) dst(%dma_wait3A_857 : memref<32x128xf32, #tpu.memory_space<vmem>>)
      %mul3A_861 = arith.constant 8 : i32
      %mul3A_862 = arith.muli %mul3A_489, %mul3A_861 : i32
      %get3A_863 = arith.index_cast %mul3A_862 : i32 to index
      %get3A_864 = tpu.vector_load %arg8[%get3A_863] {strides = array<i32>} : memref<528xi32, #tpu.memory_space<vmem>>, vector<16xi32>,
      %and3A = arith.constant 127 : i32
      %and3A_865 = vector.broadcast %and3A : i32 to vector<16xi32>
      %and3A_866 = arith.andi %get3A_864, %and3A_865 : vector<16xi32>
      %lt3A = arith.constant 8 : i32
      %lt3A_867 = vector.broadcast %lt3A : i32 to vector<16xi32>
      %lt3A_868 = arith.cmpi slt, %iota3A, %lt3A_867 : vector<16xi32>
      %mul3A_869 = arith.constant 8 : i32
      %mul3A_870 = arith.muli %mul3A_489, %mul3A_869 : i32
      %add3A_871 = vector.broadcast %mul3A_870 : i32 to vector<16xi32>
      %add3A_872 = arith.addi %add3A_871, %iota3A : vector<16xi32>
      %broadcast_in_dim3A_873 = arith.constant 0 : i32
      %broadcast_in_dim3A_874 = vector.broadcast %broadcast_in_dim3A_873 : i32 to vector<16xi32>
      %gather3A = arith.constant 0 : i32
      %gather3A_875 = arith.constant 0 : i32
      %gather3A_876 = arith.constant 0 : i32
      %gather3A_877 = arith.constant 0 : i32
      %gather3A_878 = tpu.memref_slice %arg9[%gather3A, %gather3A_875, %gather3A_876, %gather3A_877] : memref<2x8x32x128xf32, #tpu.memory_space<vmem>> -> memref<1x8x32x128xf32, #tpu.memory_space<vmem>>
      %gather3A_879 = tpu.memref_squeeze %gather3A_878 : memref<1x8x32x128xf32, #tpu.memory_space<vmem>> -> memref<8x32x128xf32, #tpu.memory_space<vmem>>
      %gather3A_880 = tpu.vector_load_idx %gather3A_879[%iota3A, %broadcast_in_dim3A_874, %and3A_866] masked %lt3A_868 : memref<8x32x128xf32, #tpu.memory_space<vmem>>[vector<16xi32>, vector<16xi32>, vector<16xi32>], vector<16xf32>, vector<16xi1>
      tpu.vector_store_idx %arg10[%broadcast_in_dim3A_874, %add3A_872], %gather3A_880 masked %lt3A_868 : memref<32x512xf32, #tpu.memory_space<vmem>>[vector<16xi32>, vector<16xi32>], vector<16xf32>, vector<16xi1>
      %broadcast_in_dim3A_881 = arith.constant 1 : i32
      %broadcast_in_dim3A_882 = vector.broadcast %broadcast_in_dim3A_881 : i32 to vector<16xi32>
      %gather3A_883 = arith.constant 0 : i32
      %gather3A_884 = arith.constant 0 : i32
      %gather3A_885 = arith.constant 0 : i32
      %gather3A_886 = arith.constant 0 : i32
      %gather3A_887 = tpu.memref_slice %arg9[%gather3A_883, %gather3A_884, %gather3A_885, %gather3A_886] : memref<2x8x32x128xf32, #tpu.memory_space<vmem>> -> memref<1x8x32x128xf32, #tpu.memory_space<vmem>>
      %gather3A_888 = tpu.memref_squeeze %gather3A_887 : memref<1x8x32x128xf32, #tpu.memory_space<vmem>> -> memref<8x32x128xf32, #tpu.memory_space<vmem>>
      %gather3A_889 = tpu.vector_load_idx %gather3A_888[%iota3A, %broadcast_in_dim3A_882, %and3A_866] masked %lt3A_868 : memref<8x32x128xf32, #tpu.memory_space<vmem>>[vector<16xi32>, vector<16xi32>, vector<16xi32>], vector<16xf32>, vector<16xi1>
      tpu.vector_store_idx %arg10[%broadcast_in_dim3A_882, %add3A_872], %gather3A_889 masked %lt3A_868 : memref<32x512xf32, #tpu.memory_space<vmem>>[vector<16xi32>, vector<16xi32>], vector<16xf32>, vector<16xi1>
      %broadcast_in_dim3A_890 = arith.constant 2 : i32
      %broadcast_in_dim3A_891 = vector.broadcast %broadcast_in_dim3A_890 : i32 to vector<16xi32>
      %gather3A_892 = arith.constant 0 : i32
      %gather3A_893 = arith.constant 0 : i32
      %gather3A_894 = arith.constant 0 : i32
      %gather3A_895 = arith.constant 0 : i32
      %gather3A_896 = tpu.memref_slice %arg9[%gather3A_892, %gather3A_893, %gather3A_894, %gather3A_895] : memref<2x8x32x128xf32, #tpu.memory_space<vmem>> -> memref<1x8x32x128xf32, #tpu.memory_space<vmem>>
      %gather3A_897 = tpu.memref_squeeze %gather3A_896 : memref<1x8x32x128xf32, #tpu.memory_space<vmem>> -> memref<8x32x128xf32, #tpu.memory_space<vmem>>
      %gather3A_898 = tpu.vector_load_idx %gather3A_897[%iota3A, %broadcast_in_dim3A_891, %and3A_866] masked %lt3A_868 : memref<8x32x128xf32, #tpu.memory_space<vmem>>[vector<16xi32>, vector<16xi32>, vector<16xi32>], vector<16xf32>, vector<16xi1>
      tpu.vector_store_idx %arg10[%broadcast_in_dim3A_891, %add3A_872], %gather3A_898 masked %lt3A_868 : memref<32x512xf32, #tpu.memory_space<vmem>>[vector<16xi32>, vector<16xi32>], vector<16xf32>, vector<16xi1>
      %broadcast_in_dim3A_899 = arith.constant 3 : i32
      %broadcast_in_dim3A_900 = vector.broadcast %broadcast_in_dim3A_899 : i32 to vector<16xi32>
      %gather3A_901 = arith.constant 0 : i32
      %gather3A_902 = arith.constant 0 : i32
      %gather3A_903 = arith.constant 0 : i32
      %gather3A_904 = arith.constant 0 : i32
      %gather3A_905 = tpu.memref_slice %arg9[%gather3A_901, %gather3A_902, %gather3A_903, %gather3A_904] : memref<2x8x32x128xf32, #tpu.memory_space<vmem>> -> memref<1x8x32x128xf32, #tpu.memory_space<vmem>>
      %gather3A_906 = tpu.memref_squeeze %gather3A_905 : memref<1x8x32x128xf32, #tpu.memory_space<vmem>> -> memref<8x32x128xf32, #tpu.memory_space<vmem>>
      %gather3A_907 = tpu.vector_load_idx %gather3A_906[%iota3A, %broadcast_in_dim3A_900, %and3A_866] masked %lt3A_868 : memref<8x32x128xf32, #tpu.memory_space<vmem>>[vector<16xi32>, vector<16xi32>, vector<16xi32>], vector<16xf32>, vector<16xi1>
      tpu.vector_store_idx %arg10[%broadcast_in_dim3A_900, %add3A_872], %gather3A_907 masked %lt3A_868 : memref<32x512xf32, #tpu.memory_space<vmem>>[vector<16xi32>, vector<16xi32>], vector<16xf32>, vector<16xi1>
      %broadcast_in_dim3A_908 = arith.constant 4 : i32
      %broadcast_in_dim3A_909 = vector.broadcast %broadcast_in_dim3A_908 : i32 to vector<16xi32>
      %gather3A_910 = arith.constant 0 : i32
      %gather3A_911 = arith.constant 0 : i32
      %gather3A_912 = arith.constant 0 : i32
      %gather3A_913 = arith.constant 0 : i32
      %gather3A_914 = tpu.memref_slice %arg9[%gather3A_910, %gather3A_911, %gather3A_912, %gather3A_913] : memref<2x8x32x128xf32, #tpu.memory_space<vmem>> -> memref<1x8x32x128xf32, #tpu.memory_space<vmem>>
      %gather3A_915 = tpu.memref_squeeze %gather3A_914 : memref<1x8x32x128xf32, #tpu.memory_space<vmem>> -> memref<8x32x128xf32, #tpu.memory_space<vmem>>
      %gather3A_916 = tpu.vector_load_idx %gather3A_915[%iota3A, %broadcast_in_dim3A_909, %and3A_866] masked %lt3A_868 : memref<8x32x128xf32, #tpu.memory_space<vmem>>[vector<16xi32>, vector<16xi32>, vector<16xi32>], vector<16xf32>, vector<16xi1>
      tpu.vector_store_idx %arg10[%broadcast_in_dim3A_909, %add3A_872], %gather3A_916 masked %lt3A_868 : memref<32x512xf32, #tpu.memory_space<vmem>>[vector<16xi32>, vector<16xi32>], vector<16xf32>, vector<16xi1>
      %broadcast_in_dim3A_917 = arith.constant 5 : i32
      %broadcast_in_dim3A_918 = vector.broadcast %broadcast_in_dim3A_917 : i32 to vector<16xi32>
      %gather3A_919 = arith.constant 0 : i32
      %gather3A_920 = arith.constant 0 : i32
      %gather3A_921 = arith.constant 0 : i32
      %gather3A_922 = arith.constant 0 : i32
      %gather3A_923 = tpu.memref_slice %arg9[%gather3A_919, %gather3A_920, %gather3A_921, %gather3A_922] : memref<2x8x32x128xf32, #tpu.memory_space<vmem>> -> memref<1x8x32x128xf32, #tpu.memory_space<vmem>>
      %gather3A_924 = tpu.memref_squeeze %gather3A_923 : memref<1x8x32x128xf32, #tpu.memory_space<vmem>> -> memref<8x32x128xf32, #tpu.memory_space<vmem>>
      %gather3A_925 = tpu.vector_load_idx %gather3A_924[%iota3A, %broadcast_in_dim3A_918, %and3A_866] masked %lt3A_868 : memref<8x32x128xf32, #tpu.memory_space<vmem>>[vector<16xi32>, vector<16xi32>, vector<16xi32>], vector<16xf32>, vector<16xi1>
      tpu.vector_store_idx %arg10[%broadcast_in_dim3A_918, %add3A_872], %gather3A_925 masked %lt3A_868 : memref<32x512xf32, #tpu.memory_space<vmem>>[vector<16xi32>, vector<16xi32>], vector<16xf32>, vector<16xi1>
      %broadcast_in_dim3A_926 = arith.constant 6 : i32
      %broadcast_in_dim3A_927 = vector.broadcast %broadcast_in_dim3A_926 : i32 to vector<16xi32>
      %gather3A_928 = arith.constant 0 : i32
      %gather3A_929 = arith.constant 0 : i32
      %gather3A_930 = arith.constant 0 : i32
      %gather3A_931 = arith.constant 0 : i32
      %gather3A_932 = tpu.memref_slice %arg9[%gather3A_928, %gather3A_929, %gather3A_930, %gather3A_931] : memref<2x8x32x128xf32, #tpu.memory_space<vmem>> -> memref<1x8x32x128xf32, #tpu.memory_space<vmem>>
      %gather3A_933 = tpu.memref_squeeze %gather3A_932 : memref<1x8x32x128xf32, #tpu.memory_space<vmem>> -> memref<8x32x128xf32, #tpu.memory_space<vmem>>
      %gather3A_934 = tpu.vector_load_idx %gather3A_933[%iota3A, %broadcast_in_dim3A_927, %and3A_866] masked %lt3A_868 : memref<8x32x128xf32, #tpu.memory_space<vmem>>[vector<16xi32>, vector<16xi32>, vector<16xi32>], vector<16xf32>, vector<16xi1>
      tpu.vector_store_idx %arg10[%broadcast_in_dim3A_927, %add3A_872], %gather3A_934 masked %lt3A_868 : memref<32x512xf32, #tpu.memory_space<vmem>>[vector<16xi32>, vector<16xi32>], vector<16xf32>, vector<16xi1>
      %broadcast_in_dim3A_935 = arith.constant 7 : i32
      %broadcast_in_dim3A_936 = vector.broadcast %broadcast_in_dim3A_935 : i32 to vector<16xi32>
      %gather3A_937 = arith.constant 0 : i32
      %gather3A_938 = arith.constant 0 : i32
      %gather3A_939 = arith.constant 0 : i32
      %gather3A_940 = arith.constant 0 : i32
      %gather3A_941 = tpu.memref_slice %arg9[%gather3A_937, %gather3A_938, %gather3A_939, %gather3A_940] : memref<2x8x32x128xf32, #tpu.memory_space<vmem>> -> memref<1x8x32x128xf32, #tpu.memory_space<vmem>>
      %gather3A_942 = tpu.memref_squeeze %gather3A_941 : memref<1x8x32x128xf32, #tpu.memory_space<vmem>> -> memref<8x32x128xf32, #tpu.memory_space<vmem>>
      %gather3A_943 = tpu.vector_load_idx %gather3A_942[%iota3A, %broadcast_in_dim3A_936, %and3A_866] masked %lt3A_868 : memref<8x32x128xf32, #tpu.memory_space<vmem>>[vector<16xi32>, vector<16xi32>, vector<16xi32>], vector<16xf32>, vector<16xi1>
      tpu.vector_store_idx %arg10[%broadcast_in_dim3A_936, %add3A_872], %gather3A_943 masked %lt3A_868 : memref<32x512xf32, #tpu.memory_space<vmem>>[vector<16xi32>, vector<16xi32>], vector<16xf32>, vector<16xi1>
      %broadcast_in_dim3A_944 = arith.constant 8 : i32
      %broadcast_in_dim3A_945 = vector.broadcast %broadcast_in_dim3A_944 : i32 to vector<16xi32>
      %gather3A_946 = arith.constant 0 : i32
      %gather3A_947 = arith.constant 0 : i32
      %gather3A_948 = arith.constant 0 : i32
      %gather3A_949 = arith.constant 0 : i32
      %gather3A_950 = tpu.memref_slice %arg9[%gather3A_946, %gather3A_947, %gather3A_948, %gather3A_949] : memref<2x8x32x128xf32, #tpu.memory_space<vmem>> -> memref<1x8x32x128xf32, #tpu.memory_space<vmem>>
      %gather3A_951 = tpu.memref_squeeze %gather3A_950 : memref<1x8x32x128xf32, #tpu.memory_space<vmem>> -> memref<8x32x128xf32, #tpu.memory_space<vmem>>
      %gather3A_952 = tpu.vector_load_idx %gather3A_951[%iota3A, %broadcast_in_dim3A_945, %and3A_866] masked %lt3A_868 : memref<8x32x128xf32, #tpu.memory_space<vmem>>[vector<16xi32>, vector<16xi32>, vector<16xi32>], vector<16xf32>, vector<16xi1>
      tpu.vector_store_idx %arg10[%broadcast_in_dim3A_945, %add3A_872], %gather3A_952 masked %lt3A_868 : memref<32x512xf32, #tpu.memory_space<vmem>>[vector<16xi32>, vector<16xi32>], vector<16xf32>, vector<16xi1>
      %broadcast_in_dim3A_953 = arith.constant 9 : i32
      %broadcast_in_dim3A_954 = vector.broadcast %broadcast_in_dim3A_953 : i32 to vector<16xi32>
      %gather3A_955 = arith.constant 0 : i32
      %gather3A_956 = arith.constant 0 : i32
      %gather3A_957 = arith.constant 0 : i32
      %gather3A_958 = arith.constant 0 : i32
      %gather3A_959 = tpu.memref_slice %arg9[%gather3A_955, %gather3A_956, %gather3A_957, %gather3A_958] : memref<2x8x32x128xf32, #tpu.memory_space<vmem>> -> memref<1x8x32x128xf32, #tpu.memory_space<vmem>>
      %gather3A_960 = tpu.memref_squeeze %gather3A_959 : memref<1x8x32x128xf32, #tpu.memory_space<vmem>> -> memref<8x32x128xf32, #tpu.memory_space<vmem>>
      %gather3A_961 = tpu.vector_load_idx %gather3A_960[%iota3A, %broadcast_in_dim3A_954, %and3A_866] masked %lt3A_868 : memref<8x32x128xf32, #tpu.memory_space<vmem>>[vector<16xi32>, vector<16xi32>, vector<16xi32>], vector<16xf32>, vector<16xi1>
      tpu.vector_store_idx %arg10[%broadcast_in_dim3A_954, %add3A_872], %gather3A_961 masked %lt3A_868 : memref<32x512xf32, #tpu.memory_space<vmem>>[vector<16xi32>, vector<16xi32>], vector<16xf32>, vector<16xi1>
      %broadcast_in_dim3A_962 = arith.constant 10 : i32
      %broadcast_in_dim3A_963 = vector.broadcast %broadcast_in_dim3A_962 : i32 to vector<16xi32>
      %gather3A_964 = arith.constant 0 : i32
      %gather3A_965 = arith.constant 0 : i32
      %gather3A_966 = arith.constant 0 : i32
      %gather3A_967 = arith.constant 0 : i32
      %gather3A_968 = tpu.memref_slice %arg9[%gather3A_964, %gather3A_965, %gather3A_966, %gather3A_967] : memref<2x8x32x128xf32, #tpu.memory_space<vmem>> -> memref<1x8x32x128xf32, #tpu.memory_space<vmem>>
      %gather3A_969 = tpu.memref_squeeze %gather3A_968 : memref<1x8x32x128xf32, #tpu.memory_space<vmem>> -> memref<8x32x128xf32, #tpu.memory_space<vmem>>
      %gather3A_970 = tpu.vector_load_idx %gather3A_969[%iota3A, %broadcast_in_dim3A_963, %and3A_866] masked %lt3A_868 : memref<8x32x128xf32, #tpu.memory_space<vmem>>[vector<16xi32>, vector<16xi32>, vector<16xi32>], vector<16xf32>, vector<16xi1>
      tpu.vector_store_idx %arg10[%broadcast_in_dim3A_963, %add3A_872], %gather3A_970 masked %lt3A_868 : memref<32x512xf32, #tpu.memory_space<vmem>>[vector<16xi32>, vector<16xi32>], vector<16xf32>, vector<16xi1>
      %broadcast_in_dim3A_971 = arith.constant 11 : i32
      %broadcast_in_dim3A_972 = vector.broadcast %broadcast_in_dim3A_971 : i32 to vector<16xi32>
      %gather3A_973 = arith.constant 0 : i32
      %gather3A_974 = arith.constant 0 : i32
      %gather3A_975 = arith.constant 0 : i32
      %gather3A_976 = arith.constant 0 : i32
      %gather3A_977 = tpu.memref_slice %arg9[%gather3A_973, %gather3A_974, %gather3A_975, %gather3A_976] : memref<2x8x32x128xf32, #tpu.memory_space<vmem>> -> memref<1x8x32x128xf32, #tpu.memory_space<vmem>>
      %gather3A_978 = tpu.memref_squeeze %gather3A_977 : memref<1x8x32x128xf32, #tpu.memory_space<vmem>> -> memref<8x32x128xf32, #tpu.memory_space<vmem>>
      %gather3A_979 = tpu.vector_load_idx %gather3A_978[%iota3A, %broadcast_in_dim3A_972, %and3A_866] masked %lt3A_868 : memref<8x32x128xf32, #tpu.memory_space<vmem>>[vector<16xi32>, vector<16xi32>, vector<16xi32>], vector<16xf32>, vector<16xi1>
      tpu.vector_store_idx %arg10[%broadcast_in_dim3A_972, %add3A_872], %gather3A_979 masked %lt3A_868 : memref<32x512xf32, #tpu.memory_space<vmem>>[vector<16xi32>, vector<16xi32>], vector<16xf32>, vector<16xi1>
      %broadcast_in_dim3A_980 = arith.constant 12 : i32
      %broadcast_in_dim3A_981 = vector.broadcast %broadcast_in_dim3A_980 : i32 to vector<16xi32>
      %gather3A_982 = arith.constant 0 : i32
      %gather3A_983 = arith.constant 0 : i32
      %gather3A_984 = arith.constant 0 : i32
      %gather3A_985 = arith.constant 0 : i32
      %gather3A_986 = tpu.memref_slice %arg9[%gather3A_982, %gather3A_983, %gather3A_984, %gather3A_985] : memref<2x8x32x128xf32, #tpu.memory_space<vmem>> -> memref<1x8x32x128xf32, #tpu.memory_space<vmem>>
      %gather3A_987 = tpu.memref_squeeze %gather3A_986 : memref<1x8x32x128xf32, #tpu.memory_space<vmem>> -> memref<8x32x128xf32, #tpu.memory_space<vmem>>
      %gather3A_988 = tpu.vector_load_idx %gather3A_987[%iota3A, %broadcast_in_dim3A_981, %and3A_866] masked %lt3A_868 : memref<8x32x128xf32, #tpu.memory_space<vmem>>[vector<16xi32>, vector<16xi32>, vector<16xi32>], vector<16xf32>, vector<16xi1>
      tpu.vector_store_idx %arg10[%broadcast_in_dim3A_981, %add3A_872], %gather3A_988 masked %lt3A_868 : memref<32x512xf32, #tpu.memory_space<vmem>>[vector<16xi32>, vector<16xi32>], vector<16xf32>, vector<16xi1>
      %broadcast_in_dim3A_989 = arith.constant 13 : i32
      %broadcast_in_dim3A_990 = vector.broadcast %broadcast_in_dim3A_989 : i32 to vector<16xi32>
      %gather3A_991 = arith.constant 0 : i32
      %gather3A_992 = arith.constant 0 : i32
      %gather3A_993 = arith.constant 0 : i32
      %gather3A_994 = arith.constant 0 : i32
      %gather3A_995 = tpu.memref_slice %arg9[%gather3A_991, %gather3A_992, %gather3A_993, %gather3A_994] : memref<2x8x32x128xf32, #tpu.memory_space<vmem>> -> memref<1x8x32x128xf32, #tpu.memory_space<vmem>>
      %gather3A_996 = tpu.memref_squeeze %gather3A_995 : memref<1x8x32x128xf32, #tpu.memory_space<vmem>> -> memref<8x32x128xf32, #tpu.memory_space<vmem>>
      %gather3A_997 = tpu.vector_load_idx %gather3A_996[%iota3A, %broadcast_in_dim3A_990, %and3A_866] masked %lt3A_868 : memref<8x32x128xf32, #tpu.memory_space<vmem>>[vector<16xi32>, vector<16xi32>, vector<16xi32>], vector<16xf32>, vector<16xi1>
      tpu.vector_store_idx %arg10[%broadcast_in_dim3A_990, %add3A_872], %gather3A_997 masked %lt3A_868 : memref<32x512xf32, #tpu.memory_space<vmem>>[vector<16xi32>, vector<16xi32>], vector<16xf32>, vector<16xi1>
      %broadcast_in_dim3A_998 = arith.constant 14 : i32
      %broadcast_in_dim3A_999 = vector.broadcast %broadcast_in_dim3A_998 : i32 to vector<16xi32>
      %gather3A_1000 = arith.constant 0 : i32
      %gather3A_1001 = arith.constant 0 : i32
      %gather3A_1002 = arith.constant 0 : i32
      %gather3A_1003 = arith.constant 0 : i32
      %gather3A_1004 = tpu.memref_slice %arg9[%gather3A_1000, %gather3A_1001, %gather3A_1002, %gather3A_1003] : memref<2x8x32x128xf32, #tpu.memory_space<vmem>> -> memref<1x8x32x128xf32, #tpu.memory_space<vmem>>
      %gather3A_1005 = tpu.memref_squeeze %gather3A_1004 : memref<1x8x32x128xf32, #tpu.memory_space<vmem>> -> memref<8x32x128xf32, #tpu.memory_space<vmem>>
      %gather3A_1006 = tpu.vector_load_idx %gather3A_1005[%iota3A, %broadcast_in_dim3A_999, %and3A_866] masked %lt3A_868 : memref<8x32x128xf32, #tpu.memory_space<vmem>>[vector<16xi32>, vector<16xi32>, vector<16xi32>], vector<16xf32>, vector<16xi1>
      tpu.vector_store_idx %arg10[%broadcast_in_dim3A_999, %add3A_872], %gather3A_1006 masked %lt3A_868 : memref<32x512xf32, #tpu.memory_space<vmem>>[vector<16xi32>, vector<16xi32>], vector<16xf32>, vector<16xi1>
      %broadcast_in_dim3A_1007 = arith.constant 15 : i32
      %broadcast_in_dim3A_1008 = vector.broadcast %broadcast_in_dim3A_1007 : i32 to vector<16xi32>
      %gather3A_1009 = arith.constant 0 : i32
      %gather3A_1010 = arith.constant 0 : i32
      %gather3A_1011 = arith.constant 0 : i32
      %gather3A_1012 = arith.constant 0 : i32
      %gather3A_1013 = tpu.memref_slice %arg9[%gather3A_1009, %gather3A_1010, %gather3A_1011, %gather3A_1012] : memref<2x8x32x128xf32, #tpu.memory_space<vmem>> -> memref<1x8x32x128xf32, #tpu.memory_space<vmem>>
      %gather3A_1014 = tpu.memref_squeeze %gather3A_1013 : memref<1x8x32x128xf32, #tpu.memory_space<vmem>> -> memref<8x32x128xf32, #tpu.memory_space<vmem>>
      %gather3A_1015 = tpu.vector_load_idx %gather3A_1014[%iota3A, %broadcast_in_dim3A_1008, %and3A_866] masked %lt3A_868 : memref<8x32x128xf32, #tpu.memory_space<vmem>>[vector<16xi32>, vector<16xi32>, vector<16xi32>], vector<16xf32>, vector<16xi1>
      tpu.vector_store_idx %arg10[%broadcast_in_dim3A_1008, %add3A_872], %gather3A_1015 masked %lt3A_868 : memref<32x512xf32, #tpu.memory_space<vmem>>[vector<16xi32>, vector<16xi32>], vector<16xf32>, vector<16xi1>
      %broadcast_in_dim3A_1016 = arith.constant 16 : i32
      %broadcast_in_dim3A_1017 = vector.broadcast %broadcast_in_dim3A_1016 : i32 to vector<16xi32>
      %gather3A_1018 = arith.constant 0 : i32
      %gather3A_1019 = arith.constant 0 : i32
      %gather3A_1020 = arith.constant 0 : i32
      %gather3A_1021 = arith.constant 0 : i32
      %gather3A_1022 = tpu.memref_slice %arg9[%gather3A_1018, %gather3A_1019, %gather3A_1020, %gather3A_1021] : memref<2x8x32x128xf32, #tpu.memory_space<vmem>> -> memref<1x8x32x128xf32, #tpu.memory_space<vmem>>
      %gather3A_1023 = tpu.memref_squeeze %gather3A_1022 : memref<1x8x32x128xf32, #tpu.memory_space<vmem>> -> memref<8x32x128xf32, #tpu.memory_space<vmem>>
      %gather3A_1024 = tpu.vector_load_idx %gather3A_1023[%iota3A, %broadcast_in_dim3A_1017, %and3A_866] masked %lt3A_868 : memref<8x32x128xf32, #tpu.memory_space<vmem>>[vector<16xi32>, vector<16xi32>, vector<16xi32>], vector<16xf32>, vector<16xi1>
      tpu.vector_store_idx %arg10[%broadcast_in_dim3A_1017, %add3A_872], %gather3A_1024 masked %lt3A_868 : memref<32x512xf32, #tpu.memory_space<vmem>>[vector<16xi32>, vector<16xi32>], vector<16xf32>, vector<16xi1>
      %broadcast_in_dim3A_1025 = arith.constant 17 : i32
      %broadcast_in_dim3A_1026 = vector.broadcast %broadcast_in_dim3A_1025 : i32 to vector<16xi32>
      %gather3A_1027 = arith.constant 0 : i32
      %gather3A_1028 = arith.constant 0 : i32
      %gather3A_1029 = arith.constant 0 : i32
      %gather3A_1030 = arith.constant 0 : i32
      %gather3A_1031 = tpu.memref_slice %arg9[%gather3A_1027, %gather3A_1028, %gather3A_1029, %gather3A_1030] : memref<2x8x32x128xf32, #tpu.memory_space<vmem>> -> memref<1x8x32x128xf32, #tpu.memory_space<vmem>>
      %gather3A_1032 = tpu.memref_squeeze %gather3A_1031 : memref<1x8x32x128xf32, #tpu.memory_space<vmem>> -> memref<8x32x128xf32, #tpu.memory_space<vmem>>
      %gather3A_1033 = tpu.vector_load_idx %gather3A_1032[%iota3A, %broadcast_in_dim3A_1026, %and3A_866] masked %lt3A_868 : memref<8x32x128xf32, #tpu.memory_space<vmem>>[vector<16xi32>, vector<16xi32>, vector<16xi32>], vector<16xf32>, vector<16xi1>
      tpu.vector_store_idx %arg10[%broadcast_in_dim3A_1026, %add3A_872], %gather3A_1033 masked %lt3A_868 : memref<32x512xf32, #tpu.memory_space<vmem>>[vector<16xi32>, vector<16xi32>], vector<16xf32>, vector<16xi1>
      %broadcast_in_dim3A_1034 = arith.constant 18 : i32
      %broadcast_in_dim3A_1035 = vector.broadcast %broadcast_in_dim3A_1034 : i32 to vector<16xi32>
      %gather3A_1036 = arith.constant 0 : i32
      %gather3A_1037 = arith.constant 0 : i32
      %gather3A_1038 = arith.constant 0 : i32
      %gather3A_1039 = arith.constant 0 : i32
      %gather3A_1040 = tpu.memref_slice %arg9[%gather3A_1036, %gather3A_1037, %gather3A_1038, %gather3A_1039] : memref<2x8x32x128xf32, #tpu.memory_space<vmem>> -> memref<1x8x32x128xf32, #tpu.memory_space<vmem>>
      %gather3A_1041 = tpu.memref_squeeze %gather3A_1040 : memref<1x8x32x128xf32, #tpu.memory_space<vmem>> -> memref<8x32x128xf32, #tpu.memory_space<vmem>>
      %gather3A_1042 = tpu.vector_load_idx %gather3A_1041[%iota3A, %broadcast_in_dim3A_1035, %and3A_866] masked %lt3A_868 : memref<8x32x128xf32, #tpu.memory_space<vmem>>[vector<16xi32>, vector<16xi32>, vector<16xi32>], vector<16xf32>, vector<16xi1>
      tpu.vector_store_idx %arg10[%broadcast_in_dim3A_1035, %add3A_872], %gather3A_1042 masked %lt3A_868 : memref<32x512xf32, #tpu.memory_space<vmem>>[vector<16xi32>, vector<16xi32>], vector<16xf32>, vector<16xi1>
      %broadcast_in_dim3A_1043 = arith.constant 19 : i32
      %broadcast_in_dim3A_1044 = vector.broadcast %broadcast_in_dim3A_1043 : i32 to vector<16xi32>
      %gather3A_1045 = arith.constant 0 : i32
      %gather3A_1046 = arith.constant 0 : i32
      %gather3A_1047 = arith.constant 0 : i32
      %gather3A_1048 = arith.constant 0 : i32
      %gather3A_1049 = tpu.memref_slice %arg9[%gather3A_1045, %gather3A_1046, %gather3A_1047, %gather3A_1048] : memref<2x8x32x128xf32, #tpu.memory_space<vmem>> -> memref<1x8x32x128xf32, #tpu.memory_space<vmem>>
      %gather3A_1050 = tpu.memref_squeeze %gather3A_1049 : memref<1x8x32x128xf32, #tpu.memory_space<vmem>> -> memref<8x32x128xf32, #tpu.memory_space<vmem>>
      %gather3A_1051 = tpu.vector_load_idx %gather3A_1050[%iota3A, %broadcast_in_dim3A_1044, %and3A_866] masked %lt3A_868 : memref<8x32x128xf32, #tpu.memory_space<vmem>>[vector<16xi32>, vector<16xi32>, vector<16xi32>], vector<16xf32>, vector<16xi1>
      tpu.vector_store_idx %arg10[%broadcast_in_dim3A_1044, %add3A_872], %gather3A_1051 masked %lt3A_868 : memref<32x512xf32, #tpu.memory_space<vmem>>[vector<16xi32>, vector<16xi32>], vector<16xf32>, vector<16xi1>
      %broadcast_in_dim3A_1052 = arith.constant 20 : i32
      %broadcast_in_dim3A_1053 = vector.broadcast %broadcast_in_dim3A_1052 : i32 to vector<16xi32>
      %gather3A_1054 = arith.constant 0 : i32
      %gather3A_1055 = arith.constant 0 : i32
      %gather3A_1056 = arith.constant 0 : i32
      %gather3A_1057 = arith.constant 0 : i32
      %gather3A_1058 = tpu.memref_slice %arg9[%gather3A_1054, %gather3A_1055, %gather3A_1056, %gather3A_1057] : memref<2x8x32x128xf32, #tpu.memory_space<vmem>> -> memref<1x8x32x128xf32, #tpu.memory_space<vmem>>
      %gather3A_1059 = tpu.memref_squeeze %gather3A_1058 : memref<1x8x32x128xf32, #tpu.memory_space<vmem>> -> memref<8x32x128xf32, #tpu.memory_space<vmem>>
      %gather3A_1060 = tpu.vector_load_idx %gather3A_1059[%iota3A, %broadcast_in_dim3A_1053, %and3A_866] masked %lt3A_868 : memref<8x32x128xf32, #tpu.memory_space<vmem>>[vector<16xi32>, vector<16xi32>, vector<16xi32>], vector<16xf32>, vector<16xi1>
      tpu.vector_store_idx %arg10[%broadcast_in_dim3A_1053, %add3A_872], %gather3A_1060 masked %lt3A_868 : memref<32x512xf32, #tpu.memory_space<vmem>>[vector<16xi32>, vector<16xi32>], vector<16xf32>, vector<16xi1>
      %broadcast_in_dim3A_1061 = arith.constant 21 : i32
      %broadcast_in_dim3A_1062 = vector.broadcast %broadcast_in_dim3A_1061 : i32 to vector<16xi32>
      %gather3A_1063 = arith.constant 0 : i32
      %gather3A_1064 = arith.constant 0 : i32
      %gather3A_1065 = arith.constant 0 : i32
      %gather3A_1066 = arith.constant 0 : i32
      %gather3A_1067 = tpu.memref_slice %arg9[%gather3A_1063, %gather3A_1064, %gather3A_1065, %gather3A_1066] : memref<2x8x32x128xf32, #tpu.memory_space<vmem>> -> memref<1x8x32x128xf32, #tpu.memory_space<vmem>>
      %gather3A_1068 = tpu.memref_squeeze %gather3A_1067 : memref<1x8x32x128xf32, #tpu.memory_space<vmem>> -> memref<8x32x128xf32, #tpu.memory_space<vmem>>
      %gather3A_1069 = tpu.vector_load_idx %gather3A_1068[%iota3A, %broadcast_in_dim3A_1062, %and3A_866] masked %lt3A_868 : memref<8x32x128xf32, #tpu.memory_space<vmem>>[vector<16xi32>, vector<16xi32>, vector<16xi32>], vector<16xf32>, vector<16xi1>
      tpu.vector_store_idx %arg10[%broadcast_in_dim3A_1062, %add3A_872], %gather3A_1069 masked %lt3A_868 : memref<32x512xf32, #tpu.memory_space<vmem>>[vector<16xi32>, vector<16xi32>], vector<16xf32>, vector<16xi1>
      %broadcast_in_dim3A_1070 = arith.constant 22 : i32
      %broadcast_in_dim3A_1071 = vector.broadcast %broadcast_in_dim3A_1070 : i32 to vector<16xi32>
      %gather3A_1072 = arith.constant 0 : i32
      %gather3A_1073 = arith.constant 0 : i32
      %gather3A_1074 = arith.constant 0 : i32
      %gather3A_1075 = arith.constant 0 : i32
      %gather3A_1076 = tpu.memref_slice %arg9[%gather3A_1072, %gather3A_1073, %gather3A_1074, %gather3A_1075] : memref<2x8x32x128xf32, #tpu.memory_space<vmem>> -> memref<1x8x32x128xf32, #tpu.memory_space<vmem>>
      %gather3A_1077 = tpu.memref_squeeze %gather3A_1076 : memref<1x8x32x128xf32, #tpu.memory_space<vmem>> -> memref<8x32x128xf32, #tpu.memory_space<vmem>>
      %gather3A_1078 = tpu.vector_load_idx %gather3A_1077[%iota3A, %broadcast_in_dim3A_1071, %and3A_866] masked %lt3A_868 : memref<8x32x128xf32, #tpu.memory_space<vmem>>[vector<16xi32>, vector<16xi32>, vector<16xi32>], vector<16xf32>, vector<16xi1>
      tpu.vector_store_idx %arg10[%broadcast_in_dim3A_1071, %add3A_872], %gather3A_1078 masked %lt3A_868 : memref<32x512xf32, #tpu.memory_space<vmem>>[vector<16xi32>, vector<16xi32>], vector<16xf32>, vector<16xi1>
      %broadcast_in_dim3A_1079 = arith.constant 23 : i32
      %broadcast_in_dim3A_1080 = vector.broadcast %broadcast_in_dim3A_1079 : i32 to vector<16xi32>
      %gather3A_1081 = arith.constant 0 : i32
      %gather3A_1082 = arith.constant 0 : i32
      %gather3A_1083 = arith.constant 0 : i32
      %gather3A_1084 = arith.constant 0 : i32
      %gather3A_1085 = tpu.memref_slice %arg9[%gather3A_1081, %gather3A_1082, %gather3A_1083, %gather3A_1084] : memref<2x8x32x128xf32, #tpu.memory_space<vmem>> -> memref<1x8x32x128xf32, #tpu.memory_space<vmem>>
      %gather3A_1086 = tpu.memref_squeeze %gather3A_1085 : memref<1x8x32x128xf32, #tpu.memory_space<vmem>> -> memref<8x32x128xf32, #tpu.memory_space<vmem>>
      %gather3A_1087 = tpu.vector_load_idx %gather3A_1086[%iota3A, %broadcast_in_dim3A_1080, %and3A_866] masked %lt3A_868 : memref<8x32x128xf32, #tpu.memory_space<vmem>>[vector<16xi32>, vector<16xi32>, vector<16xi32>], vector<16xf32>, vector<16xi1>
      tpu.vector_store_idx %arg10[%broadcast_in_dim3A_1080, %add3A_872], %gather3A_1087 masked %lt3A_868 : memref<32x512xf32, #tpu.memory_space<vmem>>[vector<16xi32>, vector<16xi32>], vector<16xf32>, vector<16xi1>
      %broadcast_in_dim3A_1088 = arith.constant 24 : i32
      %broadcast_in_dim3A_1089 = vector.broadcast %broadcast_in_dim3A_1088 : i32 to vector<16xi32>
      %gather3A_1090 = arith.constant 0 : i32
      %gather3A_1091 = arith.constant 0 : i32
      %gather3A_1092 = arith.constant 0 : i32
      %gather3A_1093 = arith.constant 0 : i32
      %gather3A_1094 = tpu.memref_slice %arg9[%gather3A_1090, %gather3A_1091, %gather3A_1092, %gather3A_1093] : memref<2x8x32x128xf32, #tpu.memory_space<vmem>> -> memref<1x8x32x128xf32, #tpu.memory_space<vmem>>
      %gather3A_1095 = tpu.memref_squeeze %gather3A_1094 : memref<1x8x32x128xf32, #tpu.memory_space<vmem>> -> memref<8x32x128xf32, #tpu.memory_space<vmem>>
      %gather3A_1096 = tpu.vector_load_idx %gather3A_1095[%iota3A, %broadcast_in_dim3A_1089, %and3A_866] masked %lt3A_868 : memref<8x32x128xf32, #tpu.memory_space<vmem>>[vector<16xi32>, vector<16xi32>, vector<16xi32>], vector<16xf32>, vector<16xi1>
      tpu.vector_store_idx %arg10[%broadcast_in_dim3A_1089, %add3A_872], %gather3A_1096 masked %lt3A_868 : memref<32x512xf32, #tpu.memory_space<vmem>>[vector<16xi32>, vector<16xi32>], vector<16xf32>, vector<16xi1>
      %broadcast_in_dim3A_1097 = arith.constant 25 : i32
      %broadcast_in_dim3A_1098 = vector.broadcast %broadcast_in_dim3A_1097 : i32 to vector<16xi32>
      %gather3A_1099 = arith.constant 0 : i32
      %gather3A_1100 = arith.constant 0 : i32
      %gather3A_1101 = arith.constant 0 : i32
      %gather3A_1102 = arith.constant 0 : i32
      %gather3A_1103 = tpu.memref_slice %arg9[%gather3A_1099, %gather3A_1100, %gather3A_1101, %gather3A_1102] : memref<2x8x32x128xf32, #tpu.memory_space<vmem>> -> memref<1x8x32x128xf32, #tpu.memory_space<vmem>>
      %gather3A_1104 = tpu.memref_squeeze %gather3A_1103 : memref<1x8x32x128xf32, #tpu.memory_space<vmem>> -> memref<8x32x128xf32, #tpu.memory_space<vmem>>
      %gather3A_1105 = tpu.vector_load_idx %gather3A_1104[%iota3A, %broadcast_in_dim3A_1098, %and3A_866] masked %lt3A_868 : memref<8x32x128xf32, #tpu.memory_space<vmem>>[vector<16xi32>, vector<16xi32>, vector<16xi32>], vector<16xf32>, vector<16xi1>
      tpu.vector_store_idx %arg10[%broadcast_in_dim3A_1098, %add3A_872], %gather3A_1105 masked %lt3A_868 : memref<32x512xf32, #tpu.memory_space<vmem>>[vector<16xi32>, vector<16xi32>], vector<16xf32>, vector<16xi1>
      %broadcast_in_dim3A_1106 = arith.constant 26 : i32
      %broadcast_in_dim3A_1107 = vector.broadcast %broadcast_in_dim3A_1106 : i32 to vector<16xi32>
      %gather3A_1108 = arith.constant 0 : i32
      %gather3A_1109 = arith.constant 0 : i32
      %gather3A_1110 = arith.constant 0 : i32
      %gather3A_1111 = arith.constant 0 : i32
      %gather3A_1112 = tpu.memref_slice %arg9[%gather3A_1108, %gather3A_1109, %gather3A_1110, %gather3A_1111] : memref<2x8x32x128xf32, #tpu.memory_space<vmem>> -> memref<1x8x32x128xf32, #tpu.memory_space<vmem>>
      %gather3A_1113 = tpu.memref_squeeze %gather3A_1112 : memref<1x8x32x128xf32, #tpu.memory_space<vmem>> -> memref<8x32x128xf32, #tpu.memory_space<vmem>>
      %gather3A_1114 = tpu.vector_load_idx %gather3A_1113[%iota3A, %broadcast_in_dim3A_1107, %and3A_866] masked %lt3A_868 : memref<8x32x128xf32, #tpu.memory_space<vmem>>[vector<16xi32>, vector<16xi32>, vector<16xi32>], vector<16xf32>, vector<16xi1>
      tpu.vector_store_idx %arg10[%broadcast_in_dim3A_1107, %add3A_872], %gather3A_1114 masked %lt3A_868 : memref<32x512xf32, #tpu.memory_space<vmem>>[vector<16xi32>, vector<16xi32>], vector<16xf32>, vector<16xi1>
      %broadcast_in_dim3A_1115 = arith.constant 27 : i32
      %broadcast_in_dim3A_1116 = vector.broadcast %broadcast_in_dim3A_1115 : i32 to vector<16xi32>
      %gather3A_1117 = arith.constant 0 : i32
      %gather3A_1118 = arith.constant 0 : i32
      %gather3A_1119 = arith.constant 0 : i32
      %gather3A_1120 = arith.constant 0 : i32
      %gather3A_1121 = tpu.memref_slice %arg9[%gather3A_1117, %gather3A_1118, %gather3A_1119, %gather3A_1120] : memref<2x8x32x128xf32, #tpu.memory_space<vmem>> -> memref<1x8x32x128xf32, #tpu.memory_space<vmem>>
      %gather3A_1122 = tpu.memref_squeeze %gather3A_1121 : memref<1x8x32x128xf32, #tpu.memory_space<vmem>> -> memref<8x32x128xf32, #tpu.memory_space<vmem>>
      %gather3A_1123 = tpu.vector_load_idx %gather3A_1122[%iota3A, %broadcast_in_dim3A_1116, %and3A_866] masked %lt3A_868 : memref<8x32x128xf32, #tpu.memory_space<vmem>>[vector<16xi32>, vector<16xi32>, vector<16xi32>], vector<16xf32>, vector<16xi1>
      tpu.vector_store_idx %arg10[%broadcast_in_dim3A_1116, %add3A_872], %gather3A_1123 masked %lt3A_868 : memref<32x512xf32, #tpu.memory_space<vmem>>[vector<16xi32>, vector<16xi32>], vector<16xf32>, vector<16xi1>
      %broadcast_in_dim3A_1124 = arith.constant 28 : i32
      %broadcast_in_dim3A_1125 = vector.broadcast %broadcast_in_dim3A_1124 : i32 to vector<16xi32>
      %gather3A_1126 = arith.constant 0 : i32
      %gather3A_1127 = arith.constant 0 : i32
      %gather3A_1128 = arith.constant 0 : i32
      %gather3A_1129 = arith.constant 0 : i32
      %gather3A_1130 = tpu.memref_slice %arg9[%gather3A_1126, %gather3A_1127, %gather3A_1128, %gather3A_1129] : memref<2x8x32x128xf32, #tpu.memory_space<vmem>> -> memref<1x8x32x128xf32, #tpu.memory_space<vmem>>
      %gather3A_1131 = tpu.memref_squeeze %gather3A_1130 : memref<1x8x32x128xf32, #tpu.memory_space<vmem>> -> memref<8x32x128xf32, #tpu.memory_space<vmem>>
      %gather3A_1132 = tpu.vector_load_idx %gather3A_1131[%iota3A, %broadcast_in_dim3A_1125, %and3A_866] masked %lt3A_868 : memref<8x32x128xf32, #tpu.memory_space<vmem>>[vector<16xi32>, vector<16xi32>, vector<16xi32>], vector<16xf32>, vector<16xi1>
      tpu.vector_store_idx %arg10[%broadcast_in_dim3A_1125, %add3A_872], %gather3A_1132 masked %lt3A_868 : memref<32x512xf32, #tpu.memory_space<vmem>>[vector<16xi32>, vector<16xi32>], vector<16xf32>, vector<16xi1>
      %broadcast_in_dim3A_1133 = arith.constant 29 : i32
      %broadcast_in_dim3A_1134 = vector.broadcast %broadcast_in_dim3A_1133 : i32 to vector<16xi32>
      %gather3A_1135 = arith.constant 0 : i32
      %gather3A_1136 = arith.constant 0 : i32
      %gather3A_1137 = arith.constant 0 : i32
      %gather3A_1138 = arith.constant 0 : i32
      %gather3A_1139 = tpu.memref_slice %arg9[%gather3A_1135, %gather3A_1136, %gather3A_1137, %gather3A_1138] : memref<2x8x32x128xf32, #tpu.memory_space<vmem>> -> memref<1x8x32x128xf32, #tpu.memory_space<vmem>>
      %gather3A_1140 = tpu.memref_squeeze %gather3A_1139 : memref<1x8x32x128xf32, #tpu.memory_space<vmem>> -> memref<8x32x128xf32, #tpu.memory_space<vmem>>
      %gather3A_1141 = tpu.vector_load_idx %gather3A_1140[%iota3A, %broadcast_in_dim3A_1134, %and3A_866] masked %lt3A_868 : memref<8x32x128xf32, #tpu.memory_space<vmem>>[vector<16xi32>, vector<16xi32>, vector<16xi32>], vector<16xf32>, vector<16xi1>
      tpu.vector_store_idx %arg10[%broadcast_in_dim3A_1134, %add3A_872], %gather3A_1141 masked %lt3A_868 : memref<32x512xf32, #tpu.memory_space<vmem>>[vector<16xi32>, vector<16xi32>], vector<16xf32>, vector<16xi1>
      %broadcast_in_dim3A_1142 = arith.constant 30 : i32
      %broadcast_in_dim3A_1143 = vector.broadcast %broadcast_in_dim3A_1142 : i32 to vector<16xi32>
      %gather3A_1144 = arith.constant 0 : i32
      %gather3A_1145 = arith.constant 0 : i32
      %gather3A_1146 = arith.constant 0 : i32
      %gather3A_1147 = arith.constant 0 : i32
      %gather3A_1148 = tpu.memref_slice %arg9[%gather3A_1144, %gather3A_1145, %gather3A_1146, %gather3A_1147] : memref<2x8x32x128xf32, #tpu.memory_space<vmem>> -> memref<1x8x32x128xf32, #tpu.memory_space<vmem>>
      %gather3A_1149 = tpu.memref_squeeze %gather3A_1148 : memref<1x8x32x128xf32, #tpu.memory_space<vmem>> -> memref<8x32x128xf32, #tpu.memory_space<vmem>>
      %gather3A_1150 = tpu.vector_load_idx %gather3A_1149[%iota3A, %broadcast_in_dim3A_1143, %and3A_866] masked %lt3A_868 : memref<8x32x128xf32, #tpu.memory_space<vmem>>[vector<16xi32>, vector<16xi32>, vector<16xi32>], vector<16xf32>, vector<16xi1>
      tpu.vector_store_idx %arg10[%broadcast_in_dim3A_1143, %add3A_872], %gather3A_1150 masked %lt3A_868 : memref<32x512xf32, #tpu.memory_space<vmem>>[vector<16xi32>, vector<16xi32>], vector<16xf32>, vector<16xi1>
      %broadcast_in_dim3A_1151 = arith.constant 31 : i32
      %broadcast_in_dim3A_1152 = vector.broadcast %broadcast_in_dim3A_1151 : i32 to vector<16xi32>
      %gather3A_1153 = arith.constant 0 : i32
      %gather3A_1154 = arith.constant 0 : i32
      %gather3A_1155 = arith.constant 0 : i32
      %gather3A_1156 = arith.constant 0 : i32
      %gather3A_1157 = tpu.memref_slice %arg9[%gather3A_1153, %gather3A_1154, %gather3A_1155, %gather3A_1156] : memref<2x8x32x128xf32, #tpu.memory_space<vmem>> -> memref<1x8x32x128xf32, #tpu.memory_space<vmem>>
      %gather3A_1158 = tpu.memref_squeeze %gather3A_1157 : memref<1x8x32x128xf32, #tpu.memory_space<vmem>> -> memref<8x32x128xf32, #tpu.memory_space<vmem>>
      %gather3A_1159 = tpu.vector_load_idx %gather3A_1158[%iota3A, %broadcast_in_dim3A_1152, %and3A_866] masked %lt3A_868 : memref<8x32x128xf32, #tpu.memory_space<vmem>>[vector<16xi32>, vector<16xi32>, vector<16xi32>], vector<16xf32>, vector<16xi1>
      tpu.vector_store_idx %arg10[%broadcast_in_dim3A_1152, %add3A_872], %gather3A_1159 masked %lt3A_868 : memref<32x512xf32, #tpu.memory_space<vmem>>[vector<16xi32>, vector<16xi32>], vector<16xf32>, vector<16xi1>
      %add3A_1160 = arith.constant 2 : i32
      %add3A_1161 = arith.addi %mul3A_489, %add3A_1160 : i32
      %lt3A_1162 = arith.constant 64 : i32
      %lt3A_1163 = arith.cmpi slt, %add3A_1161, %lt3A_1162 : i32
      %convert_element_type3A = arith.extui %lt3A_1163 : i1 to i32
      %cond3A = arith.constant 0 : i32
      %cond3A_1164 = arith.cmpi ne, %convert_element_type3A, %cond3A : i32
      scf.if %cond3A_1164 {
        %add3A_1597 = arith.constant 2 : i32
        %add3A_1598 = arith.addi %mul3A_489, %add3A_1597 : i32
        %mul3A_1599 = arith.constant 8 : i32
        %mul3A_1600 = arith.muli %add3A_1598, %mul3A_1599 : i32
        %get3A_1601 = arith.index_cast %mul3A_1600 : i32 to index
        %get3A_1602 = tpu.vector_load %arg8[%get3A_1601] {strides = array<i32>} : memref<528xi32, #tpu.memory_space<vmem>>, vector<16xi32>,
        %shift_right_arithmetic3A_1603 = arith.constant 7 : i32
        %shift_right_arithmetic3A_1604 = vector.broadcast %shift_right_arithmetic3A_1603 : i32 to vector<16xi32>
        %shift_right_arithmetic3A_1605 = arith.shrsi %get3A_1602, %shift_right_arithmetic3A_1604 : vector<16xi32>
        %mul3A_1606 = arith.constant 128 : i32
        %mul3A_1607 = vector.broadcast %mul3A_1606 : i32 to vector<16xi32>
        %mul3A_1608 = arith.muli %shift_right_arithmetic3A_1605, %mul3A_1607 : vector<16xi32>
        %eq3A_1609 = arith.constant 0 : i32
        %eq3A_1610 = vector.broadcast %eq3A_1609 : i32 to vector<16xi32>
        %eq3A_1611 = arith.cmpi eq, %iota3A, %eq3A_1610 : vector<16xi32>
        %jit3A_1612 = arith.constant 0 : i32
        %broadcast_in_dim3A_1613 = vector.broadcast %jit3A_1612 : i32 to vector<16xi32>
        %select_n3A_1614 = arith.select %eq3A_1611, %mul3A_1608, %broadcast_in_dim3A_1613 : vector<16xi1>, vector<16xi32>
        %reduce_max3A_1615 = arith.constant true
        %reduce_max3A_1616 = vector.broadcast %reduce_max3A_1615 : i1 to vector<16xi1>
        %reduce_max3A_1617 = arith.constant -2147483648 : i32
        %reduce_max3A_1618 = vector.broadcast %reduce_max3A_1617 : i32 to vector<16xi32>
        %reduce_max3A_1619 = arith.xori %select_n3A_1614, %reduce_max3A_1618 : vector<16xi32>
        %reduce_max3A_1620 = tpu.scan <max>, %reduce_max3A_1619 masked %reduce_max3A_1616 : vector<16xi32>, vector<16xi1> -> vector<16xi32>
        %reduce_max3A_1621 = arith.xori %reduce_max3A_1620, %reduce_max3A_1618 : vector<16xi32>
        %reduce_max3A_1622 = vector.extract %reduce_max3A_1621[15] : i32 from vector<16xi32>
        %multiple_of3A_1623 = tpu.assume_multiple %reduce_max3A_1622, 128 : i32
        %dma_start3A_1624 = arith.constant 0 : i32
        %dma_start3A_1625 = arith.constant 0 : i32
        %dma_start3A_1626 = arith.constant 0 : i32
        %dma_start3A_1627 = arith.constant 0 : i32
        %dma_start3A_1628 = tpu.memref_slice %arg9[%dma_start3A_1624, %dma_start3A_1625, %dma_start3A_1626, %dma_start3A_1627] : memref<2x8x32x128xf32, #tpu.memory_space<vmem>> -> memref<1x1x32x128xf32, #tpu.memory_space<vmem>>
        %dma_start3A_1629 = tpu.memref_squeeze %dma_start3A_1628 : memref<1x1x32x128xf32, #tpu.memory_space<vmem>> -> memref<32x128xf32, #tpu.memory_space<vmem>>
        %dma_start3A_1630 = arith.constant 0 : i32
        %dma_start3A_1631 = tpu.memref_slice %arg4[%dma_start3A_1630, %multiple_of3A_1623] : memref<32x1000000xf32, #tpu.memory_space<hbm>> -> memref<32x128xf32, #tpu.memory_space<hbm>>
        %dma_start3A_1632 = arith.constant 0 : i32
        %dma_start3A_1633 = arith.constant 0 : i32
        %dma_start3A_1634 = tpu.memref_slice %arg9[%dma_start3A_1624, %dma_start3A_1625, %dma_start3A_1632, %dma_start3A_1633] : memref<2x8x32x128xf32, #tpu.memory_space<vmem>> -> memref<1x1x32x128xf32, #tpu.memory_space<vmem>>
        %dma_start3A_1635 = tpu.memref_squeeze %dma_start3A_1634 : memref<1x1x32x128xf32, #tpu.memory_space<vmem>> -> memref<32x128xf32, #tpu.memory_space<vmem>>
        %dma_start3A_1636 = arith.constant 0 : i32
        %dma_start3A_1637 = tpu.memref_slice %arg4[%dma_start3A_1636, %multiple_of3A_1623] : memref<32x1000000xf32, #tpu.memory_space<hbm>> -> memref<32x128xf32, #tpu.memory_space<hbm>>
        tpu.enqueue_dma source(%dma_start3A_1637 : memref<32x128xf32, #tpu.memory_space<hbm>>) target(%dma_start3A_1635 : memref<32x128xf32, #tpu.memory_space<vmem>>) target_semaphore(%arg11 : memref<!tpu.dma_semaphore, #tpu.memory_space<semaphore_mem>>)
        %eq3A_1638 = arith.constant 1 : i32
        %eq3A_1639 = vector.broadcast %eq3A_1638 : i32 to vector<16xi32>
        %eq3A_1640 = arith.cmpi eq, %iota3A, %eq3A_1639 : vector<16xi32>
        %jit3A_1641 = arith.constant 0 : i32
        %broadcast_in_dim3A_1642 = vector.broadcast %jit3A_1641 : i32 to vector<16xi32>
        %select_n3A_1643 = arith.select %eq3A_1640, %mul3A_1608, %broadcast_in_dim3A_1642 : vector<16xi1>, vector<16xi32>
        %reduce_max3A_1644 = arith.constant true
        %reduce_max3A_1645 = vector.broadcast %reduce_max3A_1644 : i1 to vector<16xi1>
        %reduce_max3A_1646 = arith.constant -2147483648 : i32
        %reduce_max3A_1647 = vector.broadcast %reduce_max3A_1646 : i32 to vector<16xi32>
        %reduce_max3A_1648 = arith.xori %select_n3A_1643, %reduce_max3A_1647 : vector<16xi32>
        %reduce_max3A_1649 = tpu.scan <max>, %reduce_max3A_1648 masked %reduce_max3A_1645 : vector<16xi32>, vector<16xi1> -> vector<16xi32>
        %reduce_max3A_1650 = arith.xori %reduce_max3A_1649, %reduce_max3A_1647 : vector<16xi32>
        %reduce_max3A_1651 = vector.extract %reduce_max3A_1650[15] : i32 from vector<16xi32>
        %multiple_of3A_1652 = tpu.assume_multiple %reduce_max3A_1651, 128 : i32
        %dma_start3A_1653 = arith.constant 0 : i32
        %dma_start3A_1654 = arith.constant 1 : i32
        %dma_start3A_1655 = arith.constant 0 : i32
        %dma_start3A_1656 = arith.constant 0 : i32
        %dma_start3A_1657 = tpu.memref_slice %arg9[%dma_start3A_1653, %dma_start3A_1654, %dma_start3A_1655, %dma_start3A_1656] : memref<2x8x32x128xf32, #tpu.memory_space<vmem>> -> memref<1x1x32x128xf32, #tpu.memory_space<vmem>>
        %dma_start3A_1658 = tpu.memref_squeeze %dma_start3A_1657 : memref<1x1x32x128xf32, #tpu.memory_space<vmem>> -> memref<32x128xf32, #tpu.memory_space<vmem>>
        %dma_start3A_1659 = arith.constant 0 : i32
        %dma_start3A_1660 = tpu.memref_slice %arg4[%dma_start3A_1659, %multiple_of3A_1652] : memref<32x1000000xf32, #tpu.memory_space<hbm>> -> memref<32x128xf32, #tpu.memory_space<hbm>>
        %dma_start3A_1661 = arith.constant 0 : i32
        %dma_start3A_1662 = arith.constant 0 : i32
        %dma_start3A_1663 = tpu.memref_slice %arg9[%dma_start3A_1653, %dma_start3A_1654, %dma_start3A_1661, %dma_start3A_1662] : memref<2x8x32x128xf32, #tpu.memory_space<vmem>> -> memref<1x1x32x128xf32, #tpu.memory_space<vmem>>
        %dma_start3A_1664 = tpu.memref_squeeze %dma_start3A_1663 : memref<1x1x32x128xf32, #tpu.memory_space<vmem>> -> memref<32x128xf32, #tpu.memory_space<vmem>>
        %dma_start3A_1665 = arith.constant 0 : i32
        %dma_start3A_1666 = tpu.memref_slice %arg4[%dma_start3A_1665, %multiple_of3A_1652] : memref<32x1000000xf32, #tpu.memory_space<hbm>> -> memref<32x128xf32, #tpu.memory_space<hbm>>
        tpu.enqueue_dma source(%dma_start3A_1666 : memref<32x128xf32, #tpu.memory_space<hbm>>) target(%dma_start3A_1664 : memref<32x128xf32, #tpu.memory_space<vmem>>) target_semaphore(%arg11 : memref<!tpu.dma_semaphore, #tpu.memory_space<semaphore_mem>>)
        %eq3A_1667 = arith.constant 2 : i32
        %eq3A_1668 = vector.broadcast %eq3A_1667 : i32 to vector<16xi32>
        %eq3A_1669 = arith.cmpi eq, %iota3A, %eq3A_1668 : vector<16xi32>
        %jit3A_1670 = arith.constant 0 : i32
        %broadcast_in_dim3A_1671 = vector.broadcast %jit3A_1670 : i32 to vector<16xi32>
        %select_n3A_1672 = arith.select %eq3A_1669, %mul3A_1608, %broadcast_in_dim3A_1671 : vector<16xi1>, vector<16xi32>
        %reduce_max3A_1673 = arith.constant true
        %reduce_max3A_1674 = vector.broadcast %reduce_max3A_1673 : i1 to vector<16xi1>
        %reduce_max3A_1675 = arith.constant -2147483648 : i32
        %reduce_max3A_1676 = vector.broadcast %reduce_max3A_1675 : i32 to vector<16xi32>
        %reduce_max3A_1677 = arith.xori %select_n3A_1672, %reduce_max3A_1676 : vector<16xi32>
        %reduce_max3A_1678 = tpu.scan <max>, %reduce_max3A_1677 masked %reduce_max3A_1674 : vector<16xi32>, vector<16xi1> -> vector<16xi32>
        %reduce_max3A_1679 = arith.xori %reduce_max3A_1678, %reduce_max3A_1676 : vector<16xi32>
        %reduce_max3A_1680 = vector.extract %reduce_max3A_1679[15] : i32 from vector<16xi32>
        %multiple_of3A_1681 = tpu.assume_multiple %reduce_max3A_1680, 128 : i32
        %dma_start3A_1682 = arith.constant 0 : i32
        %dma_start3A_1683 = arith.constant 2 : i32
        %dma_start3A_1684 = arith.constant 0 : i32
        %dma_start3A_1685 = arith.constant 0 : i32
        %dma_start3A_1686 = tpu.memref_slice %arg9[%dma_start3A_1682, %dma_start3A_1683, %dma_start3A_1684, %dma_start3A_1685] : memref<2x8x32x128xf32, #tpu.memory_space<vmem>> -> memref<1x1x32x128xf32, #tpu.memory_space<vmem>>
        %dma_start3A_1687 = tpu.memref_squeeze %dma_start3A_1686 : memref<1x1x32x128xf32, #tpu.memory_space<vmem>> -> memref<32x128xf32, #tpu.memory_space<vmem>>
        %dma_start3A_1688 = arith.constant 0 : i32
        %dma_start3A_1689 = tpu.memref_slice %arg4[%dma_start3A_1688, %multiple_of3A_1681] : memref<32x1000000xf32, #tpu.memory_space<hbm>> -> memref<32x128xf32, #tpu.memory_space<hbm>>
        %dma_start3A_1690 = arith.constant 0 : i32
        %dma_start3A_1691 = arith.constant 0 : i32
        %dma_start3A_1692 = tpu.memref_slice %arg9[%dma_start3A_1682, %dma_start3A_1683, %dma_start3A_1690, %dma_start3A_1691] : memref<2x8x32x128xf32, #tpu.memory_space<vmem>> -> memref<1x1x32x128xf32, #tpu.memory_space<vmem>>
        %dma_start3A_1693 = tpu.memref_squeeze %dma_start3A_1692 : memref<1x1x32x128xf32, #tpu.memory_space<vmem>> -> memref<32x128xf32, #tpu.memory_space<vmem>>
        %dma_start3A_1694 = arith.constant 0 : i32
        %dma_start3A_1695 = tpu.memref_slice %arg4[%dma_start3A_1694, %multiple_of3A_1681] : memref<32x1000000xf32, #tpu.memory_space<hbm>> -> memref<32x128xf32, #tpu.memory_space<hbm>>
        tpu.enqueue_dma source(%dma_start3A_1695 : memref<32x128xf32, #tpu.memory_space<hbm>>) target(%dma_start3A_1693 : memref<32x128xf32, #tpu.memory_space<vmem>>) target_semaphore(%arg11 : memref<!tpu.dma_semaphore, #tpu.memory_space<semaphore_mem>>)
        %eq3A_1696 = arith.constant 3 : i32
        %eq3A_1697 = vector.broadcast %eq3A_1696 : i32 to vector<16xi32>
        %eq3A_1698 = arith.cmpi eq, %iota3A, %eq3A_1697 : vector<16xi32>
        %jit3A_1699 = arith.constant 0 : i32
        %broadcast_in_dim3A_1700 = vector.broadcast %jit3A_1699 : i32 to vector<16xi32>
        %select_n3A_1701 = arith.select %eq3A_1698, %mul3A_1608, %broadcast_in_dim3A_1700 : vector<16xi1>, vector<16xi32>
        %reduce_max3A_1702 = arith.constant true
        %reduce_max3A_1703 = vector.broadcast %reduce_max3A_1702 : i1 to vector<16xi1>
        %reduce_max3A_1704 = arith.constant -2147483648 : i32
        %reduce_max3A_1705 = vector.broadcast %reduce_max3A_1704 : i32 to vector<16xi32>
        %reduce_max3A_1706 = arith.xori %select_n3A_1701, %reduce_max3A_1705 : vector<16xi32>
        %reduce_max3A_1707 = tpu.scan <max>, %reduce_max3A_1706 masked %reduce_max3A_1703 : vector<16xi32>, vector<16xi1> -> vector<16xi32>
        %reduce_max3A_1708 = arith.xori %reduce_max3A_1707, %reduce_max3A_1705 : vector<16xi32>
        %reduce_max3A_1709 = vector.extract %reduce_max3A_1708[15] : i32 from vector<16xi32>
        %multiple_of3A_1710 = tpu.assume_multiple %reduce_max3A_1709, 128 : i32
        %dma_start3A_1711 = arith.constant 0 : i32
        %dma_start3A_1712 = arith.constant 3 : i32
        %dma_start3A_1713 = arith.constant 0 : i32
        %dma_start3A_1714 = arith.constant 0 : i32
        %dma_start3A_1715 = tpu.memref_slice %arg9[%dma_start3A_1711, %dma_start3A_1712, %dma_start3A_1713, %dma_start3A_1714] : memref<2x8x32x128xf32, #tpu.memory_space<vmem>> -> memref<1x1x32x128xf32, #tpu.memory_space<vmem>>
        %dma_start3A_1716 = tpu.memref_squeeze %dma_start3A_1715 : memref<1x1x32x128xf32, #tpu.memory_space<vmem>> -> memref<32x128xf32, #tpu.memory_space<vmem>>
        %dma_start3A_1717 = arith.constant 0 : i32
        %dma_start3A_1718 = tpu.memref_slice %arg4[%dma_start3A_1717, %multiple_of3A_1710] : memref<32x1000000xf32, #tpu.memory_space<hbm>> -> memref<32x128xf32, #tpu.memory_space<hbm>>
        %dma_start3A_1719 = arith.constant 0 : i32
        %dma_start3A_1720 = arith.constant 0 : i32
        %dma_start3A_1721 = tpu.memref_slice %arg9[%dma_start3A_1711, %dma_start3A_1712, %dma_start3A_1719, %dma_start3A_1720] : memref<2x8x32x128xf32, #tpu.memory_space<vmem>> -> memref<1x1x32x128xf32, #tpu.memory_space<vmem>>
        %dma_start3A_1722 = tpu.memref_squeeze %dma_start3A_1721 : memref<1x1x32x128xf32, #tpu.memory_space<vmem>> -> memref<32x128xf32, #tpu.memory_space<vmem>>
        %dma_start3A_1723 = arith.constant 0 : i32
        %dma_start3A_1724 = tpu.memref_slice %arg4[%dma_start3A_1723, %multiple_of3A_1710] : memref<32x1000000xf32, #tpu.memory_space<hbm>> -> memref<32x128xf32, #tpu.memory_space<hbm>>
        tpu.enqueue_dma source(%dma_start3A_1724 : memref<32x128xf32, #tpu.memory_space<hbm>>) target(%dma_start3A_1722 : memref<32x128xf32, #tpu.memory_space<vmem>>) target_semaphore(%arg11 : memref<!tpu.dma_semaphore, #tpu.memory_space<semaphore_mem>>)
        %eq3A_1725 = arith.constant 4 : i32
        %eq3A_1726 = vector.broadcast %eq3A_1725 : i32 to vector<16xi32>
        %eq3A_1727 = arith.cmpi eq, %iota3A, %eq3A_1726 : vector<16xi32>
        %jit3A_1728 = arith.constant 0 : i32
        %broadcast_in_dim3A_1729 = vector.broadcast %jit3A_1728 : i32 to vector<16xi32>
        %select_n3A_1730 = arith.select %eq3A_1727, %mul3A_1608, %broadcast_in_dim3A_1729 : vector<16xi1>, vector<16xi32>
        %reduce_max3A_1731 = arith.constant true
        %reduce_max3A_1732 = vector.broadcast %reduce_max3A_1731 : i1 to vector<16xi1>
        %reduce_max3A_1733 = arith.constant -2147483648 : i32
        %reduce_max3A_1734 = vector.broadcast %reduce_max3A_1733 : i32 to vector<16xi32>
        %reduce_max3A_1735 = arith.xori %select_n3A_1730, %reduce_max3A_1734 : vector<16xi32>
        %reduce_max3A_1736 = tpu.scan <max>, %reduce_max3A_1735 masked %reduce_max3A_1732 : vector<16xi32>, vector<16xi1> -> vector<16xi32>
        %reduce_max3A_1737 = arith.xori %reduce_max3A_1736, %reduce_max3A_1734 : vector<16xi32>
        %reduce_max3A_1738 = vector.extract %reduce_max3A_1737[15] : i32 from vector<16xi32>
        %multiple_of3A_1739 = tpu.assume_multiple %reduce_max3A_1738, 128 : i32
        %dma_start3A_1740 = arith.constant 0 : i32
        %dma_start3A_1741 = arith.constant 4 : i32
        %dma_start3A_1742 = arith.constant 0 : i32
        %dma_start3A_1743 = arith.constant 0 : i32
        %dma_start3A_1744 = tpu.memref_slice %arg9[%dma_start3A_1740, %dma_start3A_1741, %dma_start3A_1742, %dma_start3A_1743] : memref<2x8x32x128xf32, #tpu.memory_space<vmem>> -> memref<1x1x32x128xf32, #tpu.memory_space<vmem>>
        %dma_start3A_1745 = tpu.memref_squeeze %dma_start3A_1744 : memref<1x1x32x128xf32, #tpu.memory_space<vmem>> -> memref<32x128xf32, #tpu.memory_space<vmem>>
        %dma_start3A_1746 = arith.constant 0 : i32
        %dma_start3A_1747 = tpu.memref_slice %arg4[%dma_start3A_1746, %multiple_of3A_1739] : memref<32x1000000xf32, #tpu.memory_space<hbm>> -> memref<32x128xf32, #tpu.memory_space<hbm>>
        %dma_start3A_1748 = arith.constant 0 : i32
        %dma_start3A_1749 = arith.constant 0 : i32
        %dma_start3A_1750 = tpu.memref_slice %arg9[%dma_start3A_1740, %dma_start3A_1741, %dma_start3A_1748, %dma_start3A_1749] : memref<2x8x32x128xf32, #tpu.memory_space<vmem>> -> memref<1x1x32x128xf32, #tpu.memory_space<vmem>>
        %dma_start3A_1751 = tpu.memref_squeeze %dma_start3A_1750 : memref<1x1x32x128xf32, #tpu.memory_space<vmem>> -> memref<32x128xf32, #tpu.memory_space<vmem>>
        %dma_start3A_1752 = arith.constant 0 : i32
        %dma_start3A_1753 = tpu.memref_slice %arg4[%dma_start3A_1752, %multiple_of3A_1739] : memref<32x1000000xf32, #tpu.memory_space<hbm>> -> memref<32x128xf32, #tpu.memory_space<hbm>>
        tpu.enqueue_dma source(%dma_start3A_1753 : memref<32x128xf32, #tpu.memory_space<hbm>>) target(%dma_start3A_1751 : memref<32x128xf32, #tpu.memory_space<vmem>>) target_semaphore(%arg11 : memref<!tpu.dma_semaphore, #tpu.memory_space<semaphore_mem>>)
        %eq3A_1754 = arith.constant 5 : i32
        %eq3A_1755 = vector.broadcast %eq3A_1754 : i32 to vector<16xi32>
        %eq3A_1756 = arith.cmpi eq, %iota3A, %eq3A_1755 : vector<16xi32>
        %jit3A_1757 = arith.constant 0 : i32
        %broadcast_in_dim3A_1758 = vector.broadcast %jit3A_1757 : i32 to vector<16xi32>
        %select_n3A_1759 = arith.select %eq3A_1756, %mul3A_1608, %broadcast_in_dim3A_1758 : vector<16xi1>, vector<16xi32>
        %reduce_max3A_1760 = arith.constant true
        %reduce_max3A_1761 = vector.broadcast %reduce_max3A_1760 : i1 to vector<16xi1>
        %reduce_max3A_1762 = arith.constant -2147483648 : i32
        %reduce_max3A_1763 = vector.broadcast %reduce_max3A_1762 : i32 to vector<16xi32>
        %reduce_max3A_1764 = arith.xori %select_n3A_1759, %reduce_max3A_1763 : vector<16xi32>
        %reduce_max3A_1765 = tpu.scan <max>, %reduce_max3A_1764 masked %reduce_max3A_1761 : vector<16xi32>, vector<16xi1> -> vector<16xi32>
        %reduce_max3A_1766 = arith.xori %reduce_max3A_1765, %reduce_max3A_1763 : vector<16xi32>
        %reduce_max3A_1767 = vector.extract %reduce_max3A_1766[15] : i32 from vector<16xi32>
        %multiple_of3A_1768 = tpu.assume_multiple %reduce_max3A_1767, 128 : i32
        %dma_start3A_1769 = arith.constant 0 : i32
        %dma_start3A_1770 = arith.constant 5 : i32
        %dma_start3A_1771 = arith.constant 0 : i32
        %dma_start3A_1772 = arith.constant 0 : i32
        %dma_start3A_1773 = tpu.memref_slice %arg9[%dma_start3A_1769, %dma_start3A_1770, %dma_start3A_1771, %dma_start3A_1772] : memref<2x8x32x128xf32, #tpu.memory_space<vmem>> -> memref<1x1x32x128xf32, #tpu.memory_space<vmem>>
        %dma_start3A_1774 = tpu.memref_squeeze %dma_start3A_1773 : memref<1x1x32x128xf32, #tpu.memory_space<vmem>> -> memref<32x128xf32, #tpu.memory_space<vmem>>
        %dma_start3A_1775 = arith.constant 0 : i32
        %dma_start3A_1776 = tpu.memref_slice %arg4[%dma_start3A_1775, %multiple_of3A_1768] : memref<32x1000000xf32, #tpu.memory_space<hbm>> -> memref<32x128xf32, #tpu.memory_space<hbm>>
        %dma_start3A_1777 = arith.constant 0 : i32
        %dma_start3A_1778 = arith.constant 0 : i32
        %dma_start3A_1779 = tpu.memref_slice %arg9[%dma_start3A_1769, %dma_start3A_1770, %dma_start3A_1777, %dma_start3A_1778] : memref<2x8x32x128xf32, #tpu.memory_space<vmem>> -> memref<1x1x32x128xf32, #tpu.memory_space<vmem>>
        %dma_start3A_1780 = tpu.memref_squeeze %dma_start3A_1779 : memref<1x1x32x128xf32, #tpu.memory_space<vmem>> -> memref<32x128xf32, #tpu.memory_space<vmem>>
        %dma_start3A_1781 = arith.constant 0 : i32
        %dma_start3A_1782 = tpu.memref_slice %arg4[%dma_start3A_1781, %multiple_of3A_1768] : memref<32x1000000xf32, #tpu.memory_space<hbm>> -> memref<32x128xf32, #tpu.memory_space<hbm>>
        tpu.enqueue_dma source(%dma_start3A_1782 : memref<32x128xf32, #tpu.memory_space<hbm>>) target(%dma_start3A_1780 : memref<32x128xf32, #tpu.memory_space<vmem>>) target_semaphore(%arg11 : memref<!tpu.dma_semaphore, #tpu.memory_space<semaphore_mem>>)
        %eq3A_1783 = arith.constant 6 : i32
        %eq3A_1784 = vector.broadcast %eq3A_1783 : i32 to vector<16xi32>
        %eq3A_1785 = arith.cmpi eq, %iota3A, %eq3A_1784 : vector<16xi32>
        %jit3A_1786 = arith.constant 0 : i32
        %broadcast_in_dim3A_1787 = vector.broadcast %jit3A_1786 : i32 to vector<16xi32>
        %select_n3A_1788 = arith.select %eq3A_1785, %mul3A_1608, %broadcast_in_dim3A_1787 : vector<16xi1>, vector<16xi32>
        %reduce_max3A_1789 = arith.constant true
        %reduce_max3A_1790 = vector.broadcast %reduce_max3A_1789 : i1 to vector<16xi1>
        %reduce_max3A_1791 = arith.constant -2147483648 : i32
        %reduce_max3A_1792 = vector.broadcast %reduce_max3A_1791 : i32 to vector<16xi32>
        %reduce_max3A_1793 = arith.xori %select_n3A_1788, %reduce_max3A_1792 : vector<16xi32>
        %reduce_max3A_1794 = tpu.scan <max>, %reduce_max3A_1793 masked %reduce_max3A_1790 : vector<16xi32>, vector<16xi1> -> vector<16xi32>
        %reduce_max3A_1795 = arith.xori %reduce_max3A_1794, %reduce_max3A_1792 : vector<16xi32>
        %reduce_max3A_1796 = vector.extract %reduce_max3A_1795[15] : i32 from vector<16xi32>
        %multiple_of3A_1797 = tpu.assume_multiple %reduce_max3A_1796, 128 : i32
        %dma_start3A_1798 = arith.constant 0 : i32
        %dma_start3A_1799 = arith.constant 6 : i32
        %dma_start3A_1800 = arith.constant 0 : i32
        %dma_start3A_1801 = arith.constant 0 : i32
        %dma_start3A_1802 = tpu.memref_slice %arg9[%dma_start3A_1798, %dma_start3A_1799, %dma_start3A_1800, %dma_start3A_1801] : memref<2x8x32x128xf32, #tpu.memory_space<vmem>> -> memref<1x1x32x128xf32, #tpu.memory_space<vmem>>
        %dma_start3A_1803 = tpu.memref_squeeze %dma_start3A_1802 : memref<1x1x32x128xf32, #tpu.memory_space<vmem>> -> memref<32x128xf32, #tpu.memory_space<vmem>>
        %dma_start3A_1804 = arith.constant 0 : i32
        %dma_start3A_1805 = tpu.memref_slice %arg4[%dma_start3A_1804, %multiple_of3A_1797] : memref<32x1000000xf32, #tpu.memory_space<hbm>> -> memref<32x128xf32, #tpu.memory_space<hbm>>
        %dma_start3A_1806 = arith.constant 0 : i32
        %dma_start3A_1807 = arith.constant 0 : i32
        %dma_start3A_1808 = tpu.memref_slice %arg9[%dma_start3A_1798, %dma_start3A_1799, %dma_start3A_1806, %dma_start3A_1807] : memref<2x8x32x128xf32, #tpu.memory_space<vmem>> -> memref<1x1x32x128xf32, #tpu.memory_space<vmem>>
        %dma_start3A_1809 = tpu.memref_squeeze %dma_start3A_1808 : memref<1x1x32x128xf32, #tpu.memory_space<vmem>> -> memref<32x128xf32, #tpu.memory_space<vmem>>
        %dma_start3A_1810 = arith.constant 0 : i32
        %dma_start3A_1811 = tpu.memref_slice %arg4[%dma_start3A_1810, %multiple_of3A_1797] : memref<32x1000000xf32, #tpu.memory_space<hbm>> -> memref<32x128xf32, #tpu.memory_space<hbm>>
        tpu.enqueue_dma source(%dma_start3A_1811 : memref<32x128xf32, #tpu.memory_space<hbm>>) target(%dma_start3A_1809 : memref<32x128xf32, #tpu.memory_space<vmem>>) target_semaphore(%arg11 : memref<!tpu.dma_semaphore, #tpu.memory_space<semaphore_mem>>)
        %eq3A_1812 = arith.constant 7 : i32
        %eq3A_1813 = vector.broadcast %eq3A_1812 : i32 to vector<16xi32>
        %eq3A_1814 = arith.cmpi eq, %iota3A, %eq3A_1813 : vector<16xi32>
        %jit3A_1815 = arith.constant 0 : i32
        %broadcast_in_dim3A_1816 = vector.broadcast %jit3A_1815 : i32 to vector<16xi32>
        %select_n3A_1817 = arith.select %eq3A_1814, %mul3A_1608, %broadcast_in_dim3A_1816 : vector<16xi1>, vector<16xi32>
        %reduce_max3A_1818 = arith.constant true
        %reduce_max3A_1819 = vector.broadcast %reduce_max3A_1818 : i1 to vector<16xi1>
        %reduce_max3A_1820 = arith.constant -2147483648 : i32
        %reduce_max3A_1821 = vector.broadcast %reduce_max3A_1820 : i32 to vector<16xi32>
        %reduce_max3A_1822 = arith.xori %select_n3A_1817, %reduce_max3A_1821 : vector<16xi32>
        %reduce_max3A_1823 = tpu.scan <max>, %reduce_max3A_1822 masked %reduce_max3A_1819 : vector<16xi32>, vector<16xi1> -> vector<16xi32>
        %reduce_max3A_1824 = arith.xori %reduce_max3A_1823, %reduce_max3A_1821 : vector<16xi32>
        %reduce_max3A_1825 = vector.extract %reduce_max3A_1824[15] : i32 from vector<16xi32>
        %multiple_of3A_1826 = tpu.assume_multiple %reduce_max3A_1825, 128 : i32
        %dma_start3A_1827 = arith.constant 0 : i32
        %dma_start3A_1828 = arith.constant 7 : i32
        %dma_start3A_1829 = arith.constant 0 : i32
        %dma_start3A_1830 = arith.constant 0 : i32
        %dma_start3A_1831 = tpu.memref_slice %arg9[%dma_start3A_1827, %dma_start3A_1828, %dma_start3A_1829, %dma_start3A_1830] : memref<2x8x32x128xf32, #tpu.memory_space<vmem>> -> memref<1x1x32x128xf32, #tpu.memory_space<vmem>>
        %dma_start3A_1832 = tpu.memref_squeeze %dma_start3A_1831 : memref<1x1x32x128xf32, #tpu.memory_space<vmem>> -> memref<32x128xf32, #tpu.memory_space<vmem>>
        %dma_start3A_1833 = arith.constant 0 : i32
        %dma_start3A_1834 = tpu.memref_slice %arg4[%dma_start3A_1833, %multiple_of3A_1826] : memref<32x1000000xf32, #tpu.memory_space<hbm>> -> memref<32x128xf32, #tpu.memory_space<hbm>>
        %dma_start3A_1835 = arith.constant 0 : i32
        %dma_start3A_1836 = arith.constant 0 : i32
        %dma_start3A_1837 = tpu.memref_slice %arg9[%dma_start3A_1827, %dma_start3A_1828, %dma_start3A_1835, %dma_start3A_1836] : memref<2x8x32x128xf32, #tpu.memory_space<vmem>> -> memref<1x1x32x128xf32, #tpu.memory_space<vmem>>
        %dma_start3A_1838 = tpu.memref_squeeze %dma_start3A_1837 : memref<1x1x32x128xf32, #tpu.memory_space<vmem>> -> memref<32x128xf32, #tpu.memory_space<vmem>>
        %dma_start3A_1839 = arith.constant 0 : i32
        %dma_start3A_1840 = tpu.memref_slice %arg4[%dma_start3A_1839, %multiple_of3A_1826] : memref<32x1000000xf32, #tpu.memory_space<hbm>> -> memref<32x128xf32, #tpu.memory_space<hbm>>
        tpu.enqueue_dma source(%dma_start3A_1840 : memref<32x128xf32, #tpu.memory_space<hbm>>) target(%dma_start3A_1838 : memref<32x128xf32, #tpu.memory_space<vmem>>) target_semaphore(%arg11 : memref<!tpu.dma_semaphore, #tpu.memory_space<semaphore_mem>>)
      } else {
      }
      %dma_wait3A_1165 = arith.constant 1 : i32
      %dma_wait3A_1166 = arith.constant 0 : i32
      %dma_wait3A_1167 = arith.constant 0 : i32
      %dma_wait3A_1168 = arith.constant 0 : i32
      %dma_wait3A_1169 = tpu.memref_slice %arg9[%dma_wait3A_1165, %dma_wait3A_1166, %dma_wait3A_1167, %dma_wait3A_1168] : memref<2x8x32x128xf32, #tpu.memory_space<vmem>> -> memref<1x1x32x128xf32, #tpu.memory_space<vmem>>
      %dma_wait3A_1170 = tpu.memref_squeeze %dma_wait3A_1169 : memref<1x1x32x128xf32, #tpu.memory_space<vmem>> -> memref<32x128xf32, #tpu.memory_space<vmem>>
      %dma_wait3A_1171 = arith.constant 0 : i32
      %dma_wait3A_1172 = arith.constant 0 : i32
      %dma_wait3A_1173 = tpu.memref_slice %arg4[%dma_wait3A_1171, %dma_wait3A_1172] : memref<32x1000000xf32, #tpu.memory_space<hbm>> -> memref<32x128xf32, #tpu.memory_space<hbm>>
      %dma_wait3A_1174 = arith.constant 0 : i32
      %dma_wait3A_1175 = arith.constant 0 : i32
      %dma_wait3A_1176 = tpu.memref_slice %arg9[%dma_wait3A_1165, %dma_wait3A_1166, %dma_wait3A_1174, %dma_wait3A_1175] : memref<2x8x32x128xf32, #tpu.memory_space<vmem>> -> memref<1x1x32x128xf32, #tpu.memory_space<vmem>>
      %dma_wait3A_1177 = tpu.memref_squeeze %dma_wait3A_1176 : memref<1x1x32x128xf32, #tpu.memory_space<vmem>> -> memref<32x128xf32, #tpu.memory_space<vmem>>
      %dma_wait3A_1178 = arith.constant 0 : i32
      %dma_wait3A_1179 = arith.constant 0 : i32
      %dma_wait3A_1180 = tpu.memref_slice %arg4[%dma_wait3A_1178, %dma_wait3A_1179] : memref<32x1000000xf32, #tpu.memory_space<hbm>> -> memref<32x128xf32, #tpu.memory_space<hbm>>
      tpu.wait_dma2 semaphore(%arg12 : memref<!tpu.dma_semaphore, #tpu.memory_space<semaphore_mem>>) src(%dma_wait3A_1180 : memref<32x128xf32, #tpu.memory_space<hbm>>) dst(%dma_wait3A_1177 : memref<32x128xf32, #tpu.memory_space<vmem>>)
      %dma_wait3A_1181 = arith.constant 1 : i32
      %dma_wait3A_1182 = arith.constant 1 : i32
      %dma_wait3A_1183 = arith.constant 0 : i32
      %dma_wait3A_1184 = arith.constant 0 : i32
      %dma_wait3A_1185 = tpu.memref_slice %arg9[%dma_wait3A_1181, %dma_wait3A_1182, %dma_wait3A_1183, %dma_wait3A_1184] : memref<2x8x32x128xf32, #tpu.memory_space<vmem>> -> memref<1x1x32x128xf32, #tpu.memory_space<vmem>>
      %dma_wait3A_1186 = tpu.memref_squeeze %dma_wait3A_1185 : memref<1x1x32x128xf32, #tpu.memory_space<vmem>> -> memref<32x128xf32, #tpu.memory_space<vmem>>
      %dma_wait3A_1187 = arith.constant 0 : i32
      %dma_wait3A_1188 = arith.constant 0 : i32
      %dma_wait3A_1189 = tpu.memref_slice %arg4[%dma_wait3A_1187, %dma_wait3A_1188] : memref<32x1000000xf32, #tpu.memory_space<hbm>> -> memref<32x128xf32, #tpu.memory_space<hbm>>
      %dma_wait3A_1190 = arith.constant 0 : i32
      %dma_wait3A_1191 = arith.constant 0 : i32
      %dma_wait3A_1192 = tpu.memref_slice %arg9[%dma_wait3A_1181, %dma_wait3A_1182, %dma_wait3A_1190, %dma_wait3A_1191] : memref<2x8x32x128xf32, #tpu.memory_space<vmem>> -> memref<1x1x32x128xf32, #tpu.memory_space<vmem>>
      %dma_wait3A_1193 = tpu.memref_squeeze %dma_wait3A_1192 : memref<1x1x32x128xf32, #tpu.memory_space<vmem>> -> memref<32x128xf32, #tpu.memory_space<vmem>>
      %dma_wait3A_1194 = arith.constant 0 : i32
      %dma_wait3A_1195 = arith.constant 0 : i32
      %dma_wait3A_1196 = tpu.memref_slice %arg4[%dma_wait3A_1194, %dma_wait3A_1195] : memref<32x1000000xf32, #tpu.memory_space<hbm>> -> memref<32x128xf32, #tpu.memory_space<hbm>>
      tpu.wait_dma2 semaphore(%arg12 : memref<!tpu.dma_semaphore, #tpu.memory_space<semaphore_mem>>) src(%dma_wait3A_1196 : memref<32x128xf32, #tpu.memory_space<hbm>>) dst(%dma_wait3A_1193 : memref<32x128xf32, #tpu.memory_space<vmem>>)
      %dma_wait3A_1197 = arith.constant 1 : i32
      %dma_wait3A_1198 = arith.constant 2 : i32
      %dma_wait3A_1199 = arith.constant 0 : i32
      %dma_wait3A_1200 = arith.constant 0 : i32
      %dma_wait3A_1201 = tpu.memref_slice %arg9[%dma_wait3A_1197, %dma_wait3A_1198, %dma_wait3A_1199, %dma_wait3A_1200] : memref<2x8x32x128xf32, #tpu.memory_space<vmem>> -> memref<1x1x32x128xf32, #tpu.memory_space<vmem>>
      %dma_wait3A_1202 = tpu.memref_squeeze %dma_wait3A_1201 : memref<1x1x32x128xf32, #tpu.memory_space<vmem>> -> memref<32x128xf32, #tpu.memory_space<vmem>>
      %dma_wait3A_1203 = arith.constant 0 : i32
      %dma_wait3A_1204 = arith.constant 0 : i32
      %dma_wait3A_1205 = tpu.memref_slice %arg4[%dma_wait3A_1203, %dma_wait3A_1204] : memref<32x1000000xf32, #tpu.memory_space<hbm>> -> memref<32x128xf32, #tpu.memory_space<hbm>>
      %dma_wait3A_1206 = arith.constant 0 : i32
      %dma_wait3A_1207 = arith.constant 0 : i32
      %dma_wait3A_1208 = tpu.memref_slice %arg9[%dma_wait3A_1197, %dma_wait3A_1198, %dma_wait3A_1206, %dma_wait3A_1207] : memref<2x8x32x128xf32, #tpu.memory_space<vmem>> -> memref<1x1x32x128xf32, #tpu.memory_space<vmem>>
      %dma_wait3A_1209 = tpu.memref_squeeze %dma_wait3A_1208 : memref<1x1x32x128xf32, #tpu.memory_space<vmem>> -> memref<32x128xf32, #tpu.memory_space<vmem>>
      %dma_wait3A_1210 = arith.constant 0 : i32
      %dma_wait3A_1211 = arith.constant 0 : i32
      %dma_wait3A_1212 = tpu.memref_slice %arg4[%dma_wait3A_1210, %dma_wait3A_1211] : memref<32x1000000xf32, #tpu.memory_space<hbm>> -> memref<32x128xf32, #tpu.memory_space<hbm>>
      tpu.wait_dma2 semaphore(%arg12 : memref<!tpu.dma_semaphore, #tpu.memory_space<semaphore_mem>>) src(%dma_wait3A_1212 : memref<32x128xf32, #tpu.memory_space<hbm>>) dst(%dma_wait3A_1209 : memref<32x128xf32, #tpu.memory_space<vmem>>)
      %dma_wait3A_1213 = arith.constant 1 : i32
      %dma_wait3A_1214 = arith.constant 3 : i32
      %dma_wait3A_1215 = arith.constant 0 : i32
      %dma_wait3A_1216 = arith.constant 0 : i32
      %dma_wait3A_1217 = tpu.memref_slice %arg9[%dma_wait3A_1213, %dma_wait3A_1214, %dma_wait3A_1215, %dma_wait3A_1216] : memref<2x8x32x128xf32, #tpu.memory_space<vmem>> -> memref<1x1x32x128xf32, #tpu.memory_space<vmem>>
      %dma_wait3A_1218 = tpu.memref_squeeze %dma_wait3A_1217 : memref<1x1x32x128xf32, #tpu.memory_space<vmem>> -> memref<32x128xf32, #tpu.memory_space<vmem>>
      %dma_wait3A_1219 = arith.constant 0 : i32
      %dma_wait3A_1220 = arith.constant 0 : i32
      %dma_wait3A_1221 = tpu.memref_slice %arg4[%dma_wait3A_1219, %dma_wait3A_1220] : memref<32x1000000xf32, #tpu.memory_space<hbm>> -> memref<32x128xf32, #tpu.memory_space<hbm>>
      %dma_wait3A_1222 = arith.constant 0 : i32
      %dma_wait3A_1223 = arith.constant 0 : i32
      %dma_wait3A_1224 = tpu.memref_slice %arg9[%dma_wait3A_1213, %dma_wait3A_1214, %dma_wait3A_1222, %dma_wait3A_1223] : memref<2x8x32x128xf32, #tpu.memory_space<vmem>> -> memref<1x1x32x128xf32, #tpu.memory_space<vmem>>
      %dma_wait3A_1225 = tpu.memref_squeeze %dma_wait3A_1224 : memref<1x1x32x128xf32, #tpu.memory_space<vmem>> -> memref<32x128xf32, #tpu.memory_space<vmem>>
      %dma_wait3A_1226 = arith.constant 0 : i32
      %dma_wait3A_1227 = arith.constant 0 : i32
      %dma_wait3A_1228 = tpu.memref_slice %arg4[%dma_wait3A_1226, %dma_wait3A_1227] : memref<32x1000000xf32, #tpu.memory_space<hbm>> -> memref<32x128xf32, #tpu.memory_space<hbm>>
      tpu.wait_dma2 semaphore(%arg12 : memref<!tpu.dma_semaphore, #tpu.memory_space<semaphore_mem>>) src(%dma_wait3A_1228 : memref<32x128xf32, #tpu.memory_space<hbm>>) dst(%dma_wait3A_1225 : memref<32x128xf32, #tpu.memory_space<vmem>>)
      %dma_wait3A_1229 = arith.constant 1 : i32
      %dma_wait3A_1230 = arith.constant 4 : i32
      %dma_wait3A_1231 = arith.constant 0 : i32
      %dma_wait3A_1232 = arith.constant 0 : i32
      %dma_wait3A_1233 = tpu.memref_slice %arg9[%dma_wait3A_1229, %dma_wait3A_1230, %dma_wait3A_1231, %dma_wait3A_1232] : memref<2x8x32x128xf32, #tpu.memory_space<vmem>> -> memref<1x1x32x128xf32, #tpu.memory_space<vmem>>
      %dma_wait3A_1234 = tpu.memref_squeeze %dma_wait3A_1233 : memref<1x1x32x128xf32, #tpu.memory_space<vmem>> -> memref<32x128xf32, #tpu.memory_space<vmem>>
      %dma_wait3A_1235 = arith.constant 0 : i32
      %dma_wait3A_1236 = arith.constant 0 : i32
      %dma_wait3A_1237 = tpu.memref_slice %arg4[%dma_wait3A_1235, %dma_wait3A_1236] : memref<32x1000000xf32, #tpu.memory_space<hbm>> -> memref<32x128xf32, #tpu.memory_space<hbm>>
      %dma_wait3A_1238 = arith.constant 0 : i32
      %dma_wait3A_1239 = arith.constant 0 : i32
      %dma_wait3A_1240 = tpu.memref_slice %arg9[%dma_wait3A_1229, %dma_wait3A_1230, %dma_wait3A_1238, %dma_wait3A_1239] : memref<2x8x32x128xf32, #tpu.memory_space<vmem>> -> memref<1x1x32x128xf32, #tpu.memory_space<vmem>>
      %dma_wait3A_1241 = tpu.memref_squeeze %dma_wait3A_1240 : memref<1x1x32x128xf32, #tpu.memory_space<vmem>> -> memref<32x128xf32, #tpu.memory_space<vmem>>
      %dma_wait3A_1242 = arith.constant 0 : i32
      %dma_wait3A_1243 = arith.constant 0 : i32
      %dma_wait3A_1244 = tpu.memref_slice %arg4[%dma_wait3A_1242, %dma_wait3A_1243] : memref<32x1000000xf32, #tpu.memory_space<hbm>> -> memref<32x128xf32, #tpu.memory_space<hbm>>
      tpu.wait_dma2 semaphore(%arg12 : memref<!tpu.dma_semaphore, #tpu.memory_space<semaphore_mem>>) src(%dma_wait3A_1244 : memref<32x128xf32, #tpu.memory_space<hbm>>) dst(%dma_wait3A_1241 : memref<32x128xf32, #tpu.memory_space<vmem>>)
      %dma_wait3A_1245 = arith.constant 1 : i32
      %dma_wait3A_1246 = arith.constant 5 : i32
      %dma_wait3A_1247 = arith.constant 0 : i32
      %dma_wait3A_1248 = arith.constant 0 : i32
      %dma_wait3A_1249 = tpu.memref_slice %arg9[%dma_wait3A_1245, %dma_wait3A_1246, %dma_wait3A_1247, %dma_wait3A_1248] : memref<2x8x32x128xf32, #tpu.memory_space<vmem>> -> memref<1x1x32x128xf32, #tpu.memory_space<vmem>>
      %dma_wait3A_1250 = tpu.memref_squeeze %dma_wait3A_1249 : memref<1x1x32x128xf32, #tpu.memory_space<vmem>> -> memref<32x128xf32, #tpu.memory_space<vmem>>
      %dma_wait3A_1251 = arith.constant 0 : i32
      %dma_wait3A_1252 = arith.constant 0 : i32
      %dma_wait3A_1253 = tpu.memref_slice %arg4[%dma_wait3A_1251, %dma_wait3A_1252] : memref<32x1000000xf32, #tpu.memory_space<hbm>> -> memref<32x128xf32, #tpu.memory_space<hbm>>
      %dma_wait3A_1254 = arith.constant 0 : i32
      %dma_wait3A_1255 = arith.constant 0 : i32
      %dma_wait3A_1256 = tpu.memref_slice %arg9[%dma_wait3A_1245, %dma_wait3A_1246, %dma_wait3A_1254, %dma_wait3A_1255] : memref<2x8x32x128xf32, #tpu.memory_space<vmem>> -> memref<1x1x32x128xf32, #tpu.memory_space<vmem>>
      %dma_wait3A_1257 = tpu.memref_squeeze %dma_wait3A_1256 : memref<1x1x32x128xf32, #tpu.memory_space<vmem>> -> memref<32x128xf32, #tpu.memory_space<vmem>>
      %dma_wait3A_1258 = arith.constant 0 : i32
      %dma_wait3A_1259 = arith.constant 0 : i32
      %dma_wait3A_1260 = tpu.memref_slice %arg4[%dma_wait3A_1258, %dma_wait3A_1259] : memref<32x1000000xf32, #tpu.memory_space<hbm>> -> memref<32x128xf32, #tpu.memory_space<hbm>>
      tpu.wait_dma2 semaphore(%arg12 : memref<!tpu.dma_semaphore, #tpu.memory_space<semaphore_mem>>) src(%dma_wait3A_1260 : memref<32x128xf32, #tpu.memory_space<hbm>>) dst(%dma_wait3A_1257 : memref<32x128xf32, #tpu.memory_space<vmem>>)
      %dma_wait3A_1261 = arith.constant 1 : i32
      %dma_wait3A_1262 = arith.constant 6 : i32
      %dma_wait3A_1263 = arith.constant 0 : i32
      %dma_wait3A_1264 = arith.constant 0 : i32
      %dma_wait3A_1265 = tpu.memref_slice %arg9[%dma_wait3A_1261, %dma_wait3A_1262, %dma_wait3A_1263, %dma_wait3A_1264] : memref<2x8x32x128xf32, #tpu.memory_space<vmem>> -> memref<1x1x32x128xf32, #tpu.memory_space<vmem>>
      %dma_wait3A_1266 = tpu.memref_squeeze %dma_wait3A_1265 : memref<1x1x32x128xf32, #tpu.memory_space<vmem>> -> memref<32x128xf32, #tpu.memory_space<vmem>>
      %dma_wait3A_1267 = arith.constant 0 : i32
      %dma_wait3A_1268 = arith.constant 0 : i32
      %dma_wait3A_1269 = tpu.memref_slice %arg4[%dma_wait3A_1267, %dma_wait3A_1268] : memref<32x1000000xf32, #tpu.memory_space<hbm>> -> memref<32x128xf32, #tpu.memory_space<hbm>>
      %dma_wait3A_1270 = arith.constant 0 : i32
      %dma_wait3A_1271 = arith.constant 0 : i32
      %dma_wait3A_1272 = tpu.memref_slice %arg9[%dma_wait3A_1261, %dma_wait3A_1262, %dma_wait3A_1270, %dma_wait3A_1271] : memref<2x8x32x128xf32, #tpu.memory_space<vmem>> -> memref<1x1x32x128xf32, #tpu.memory_space<vmem>>
      %dma_wait3A_1273 = tpu.memref_squeeze %dma_wait3A_1272 : memref<1x1x32x128xf32, #tpu.memory_space<vmem>> -> memref<32x128xf32, #tpu.memory_space<vmem>>
      %dma_wait3A_1274 = arith.constant 0 : i32
      %dma_wait3A_1275 = arith.constant 0 : i32
      %dma_wait3A_1276 = tpu.memref_slice %arg4[%dma_wait3A_1274, %dma_wait3A_1275] : memref<32x1000000xf32, #tpu.memory_space<hbm>> -> memref<32x128xf32, #tpu.memory_space<hbm>>
      tpu.wait_dma2 semaphore(%arg12 : memref<!tpu.dma_semaphore, #tpu.memory_space<semaphore_mem>>) src(%dma_wait3A_1276 : memref<32x128xf32, #tpu.memory_space<hbm>>) dst(%dma_wait3A_1273 : memref<32x128xf32, #tpu.memory_space<vmem>>)
      %dma_wait3A_1277 = arith.constant 1 : i32
      %dma_wait3A_1278 = arith.constant 7 : i32
      %dma_wait3A_1279 = arith.constant 0 : i32
      %dma_wait3A_1280 = arith.constant 0 : i32
      %dma_wait3A_1281 = tpu.memref_slice %arg9[%dma_wait3A_1277, %dma_wait3A_1278, %dma_wait3A_1279, %dma_wait3A_1280] : memref<2x8x32x128xf32, #tpu.memory_space<vmem>> -> memref<1x1x32x128xf32, #tpu.memory_space<vmem>>
      %dma_wait3A_1282 = tpu.memref_squeeze %dma_wait3A_1281 : memref<1x1x32x128xf32, #tpu.memory_space<vmem>> -> memref<32x128xf32, #tpu.memory_space<vmem>>
      %dma_wait3A_1283 = arith.constant 0 : i32
      %dma_wait3A_1284 = arith.constant 0 : i32
      %dma_wait3A_1285 = tpu.memref_slice %arg4[%dma_wait3A_1283, %dma_wait3A_1284] : memref<32x1000000xf32, #tpu.memory_space<hbm>> -> memref<32x128xf32, #tpu.memory_space<hbm>>
      %dma_wait3A_1286 = arith.constant 0 : i32
      %dma_wait3A_1287 = arith.constant 0 : i32
      %dma_wait3A_1288 = tpu.memref_slice %arg9[%dma_wait3A_1277, %dma_wait3A_1278, %dma_wait3A_1286, %dma_wait3A_1287] : memref<2x8x32x128xf32, #tpu.memory_space<vmem>> -> memref<1x1x32x128xf32, #tpu.memory_space<vmem>>
      %dma_wait3A_1289 = tpu.memref_squeeze %dma_wait3A_1288 : memref<1x1x32x128xf32, #tpu.memory_space<vmem>> -> memref<32x128xf32, #tpu.memory_space<vmem>>
      %dma_wait3A_1290 = arith.constant 0 : i32
      %dma_wait3A_1291 = arith.constant 0 : i32
      %dma_wait3A_1292 = tpu.memref_slice %arg4[%dma_wait3A_1290, %dma_wait3A_1291] : memref<32x1000000xf32, #tpu.memory_space<hbm>> -> memref<32x128xf32, #tpu.memory_space<hbm>>
      tpu.wait_dma2 semaphore(%arg12 : memref<!tpu.dma_semaphore, #tpu.memory_space<semaphore_mem>>) src(%dma_wait3A_1292 : memref<32x128xf32, #tpu.memory_space<hbm>>) dst(%dma_wait3A_1289 : memref<32x128xf32, #tpu.memory_space<vmem>>)
      %add3A_1293 = arith.constant 1 : i32
      %add3A_1294 = arith.addi %mul3A_489, %add3A_1293 : i32
      %mul3A_1295 = arith.constant 8 : i32
      %mul3A_1296 = arith.muli %add3A_1294, %mul3A_1295 : i32
      %get3A_1297 = arith.index_cast %mul3A_1296 : i32 to index
      %get3A_1298 = tpu.vector_load %arg8[%get3A_1297] {strides = array<i32>} : memref<528xi32, #tpu.memory_space<vmem>>, vector<16xi32>,
      %and3A_1299 = arith.constant 127 : i32
      %and3A_1300 = vector.broadcast %and3A_1299 : i32 to vector<16xi32>
      %and3A_1301 = arith.andi %get3A_1298, %and3A_1300 : vector<16xi32>
      %lt3A_1302 = arith.constant 8 : i32
      %lt3A_1303 = vector.broadcast %lt3A_1302 : i32 to vector<16xi32>
      %lt3A_1304 = arith.cmpi slt, %iota3A, %lt3A_1303 : vector<16xi32>
      %mul3A_1305 = arith.constant 8 : i32
      %mul3A_1306 = arith.muli %add3A_1294, %mul3A_1305 : i32
      %add3A_1307 = vector.broadcast %mul3A_1306 : i32 to vector<16xi32>
      %add3A_1308 = arith.addi %add3A_1307, %iota3A : vector<16xi32>
      %broadcast_in_dim3A_1309 = arith.constant 0 : i32
      %broadcast_in_dim3A_1310 = vector.broadcast %broadcast_in_dim3A_1309 : i32 to vector<16xi32>
      %gather3A_1311 = arith.constant 1 : i32
      %gather3A_1312 = arith.constant 0 : i32
      %gather3A_1313 = arith.constant 0 : i32
      %gather3A_1314 = arith.constant 0 : i32
      %gather3A_1315 = tpu.memref_slice %arg9[%gather3A_1311, %gather3A_1312, %gather3A_1313, %gather3A_1314] : memref<2x8x32x128xf32, #tpu.memory_space<vmem>> -> memref<1x8x32x128xf32, #tpu.memory_space<vmem>>
      %gather3A_1316 = tpu.memref_squeeze %gather3A_1315 : memref<1x8x32x128xf32, #tpu.memory_space<vmem>> -> memref<8x32x128xf32, #tpu.memory_space<vmem>>
      %gather3A_1317 = tpu.vector_load_idx %gather3A_1316[%iota3A, %broadcast_in_dim3A_1310, %and3A_1301] masked %lt3A_1304 : memref<8x32x128xf32, #tpu.memory_space<vmem>>[vector<16xi32>, vector<16xi32>, vector<16xi32>], vector<16xf32>, vector<16xi1>
      tpu.vector_store_idx %arg10[%broadcast_in_dim3A_1310, %add3A_1308], %gather3A_1317 masked %lt3A_1304 : memref<32x512xf32, #tpu.memory_space<vmem>>[vector<16xi32>, vector<16xi32>], vector<16xf32>, vector<16xi1>
      %broadcast_in_dim3A_1318 = arith.constant 1 : i32
      %broadcast_in_dim3A_1319 = vector.broadcast %broadcast_in_dim3A_1318 : i32 to vector<16xi32>
      %gather3A_1320 = arith.constant 1 : i32
      %gather3A_1321 = arith.constant 0 : i32
      %gather3A_1322 = arith.constant 0 : i32
      %gather3A_1323 = arith.constant 0 : i32
      %gather3A_1324 = tpu.memref_slice %arg9[%gather3A_1320, %gather3A_1321, %gather3A_1322, %gather3A_1323] : memref<2x8x32x128xf32, #tpu.memory_space<vmem>> -> memref<1x8x32x128xf32, #tpu.memory_space<vmem>>
      %gather3A_1325 = tpu.memref_squeeze %gather3A_1324 : memref<1x8x32x128xf32, #tpu.memory_space<vmem>> -> memref<8x32x128xf32, #tpu.memory_space<vmem>>
      %gather3A_1326 = tpu.vector_load_idx %gather3A_1325[%iota3A, %broadcast_in_dim3A_1319, %and3A_1301] masked %lt3A_1304 : memref<8x32x128xf32, #tpu.memory_space<vmem>>[vector<16xi32>, vector<16xi32>, vector<16xi32>], vector<16xf32>, vector<16xi1>
      tpu.vector_store_idx %arg10[%broadcast_in_dim3A_1319, %add3A_1308], %gather3A_1326 masked %lt3A_1304 : memref<32x512xf32, #tpu.memory_space<vmem>>[vector<16xi32>, vector<16xi32>], vector<16xf32>, vector<16xi1>
      %broadcast_in_dim3A_1327 = arith.constant 2 : i32
      %broadcast_in_dim3A_1328 = vector.broadcast %broadcast_in_dim3A_1327 : i32 to vector<16xi32>
      %gather3A_1329 = arith.constant 1 : i32
      %gather3A_1330 = arith.constant 0 : i32
      %gather3A_1331 = arith.constant 0 : i32
      %gather3A_1332 = arith.constant 0 : i32
      %gather3A_1333 = tpu.memref_slice %arg9[%gather3A_1329, %gather3A_1330, %gather3A_1331, %gather3A_1332] : memref<2x8x32x128xf32, #tpu.memory_space<vmem>> -> memref<1x8x32x128xf32, #tpu.memory_space<vmem>>
      %gather3A_1334 = tpu.memref_squeeze %gather3A_1333 : memref<1x8x32x128xf32, #tpu.memory_space<vmem>> -> memref<8x32x128xf32, #tpu.memory_space<vmem>>
      %gather3A_1335 = tpu.vector_load_idx %gather3A_1334[%iota3A, %broadcast_in_dim3A_1328, %and3A_1301] masked %lt3A_1304 : memref<8x32x128xf32, #tpu.memory_space<vmem>>[vector<16xi32>, vector<16xi32>, vector<16xi32>], vector<16xf32>, vector<16xi1>
      tpu.vector_store_idx %arg10[%broadcast_in_dim3A_1328, %add3A_1308], %gather3A_1335 masked %lt3A_1304 : memref<32x512xf32, #tpu.memory_space<vmem>>[vector<16xi32>, vector<16xi32>], vector<16xf32>, vector<16xi1>
      %broadcast_in_dim3A_1336 = arith.constant 3 : i32
      %broadcast_in_dim3A_1337 = vector.broadcast %broadcast_in_dim3A_1336 : i32 to vector<16xi32>
      %gather3A_1338 = arith.constant 1 : i32
      %gather3A_1339 = arith.constant 0 : i32
      %gather3A_1340 = arith.constant 0 : i32
      %gather3A_1341 = arith.constant 0 : i32
      %gather3A_1342 = tpu.memref_slice %arg9[%gather3A_1338, %gather3A_1339, %gather3A_1340, %gather3A_1341] : memref<2x8x32x128xf32, #tpu.memory_space<vmem>> -> memref<1x8x32x128xf32, #tpu.memory_space<vmem>>
      %gather3A_1343 = tpu.memref_squeeze %gather3A_1342 : memref<1x8x32x128xf32, #tpu.memory_space<vmem>> -> memref<8x32x128xf32, #tpu.memory_space<vmem>>
      %gather3A_1344 = tpu.vector_load_idx %gather3A_1343[%iota3A, %broadcast_in_dim3A_1337, %and3A_1301] masked %lt3A_1304 : memref<8x32x128xf32, #tpu.memory_space<vmem>>[vector<16xi32>, vector<16xi32>, vector<16xi32>], vector<16xf32>, vector<16xi1>
      tpu.vector_store_idx %arg10[%broadcast_in_dim3A_1337, %add3A_1308], %gather3A_1344 masked %lt3A_1304 : memref<32x512xf32, #tpu.memory_space<vmem>>[vector<16xi32>, vector<16xi32>], vector<16xf32>, vector<16xi1>
      %broadcast_in_dim3A_1345 = arith.constant 4 : i32
      %broadcast_in_dim3A_1346 = vector.broadcast %broadcast_in_dim3A_1345 : i32 to vector<16xi32>
      %gather3A_1347 = arith.constant 1 : i32
      %gather3A_1348 = arith.constant 0 : i32
      %gather3A_1349 = arith.constant 0 : i32
      %gather3A_1350 = arith.constant 0 : i32
      %gather3A_1351 = tpu.memref_slice %arg9[%gather3A_1347, %gather3A_1348, %gather3A_1349, %gather3A_1350] : memref<2x8x32x128xf32, #tpu.memory_space<vmem>> -> memref<1x8x32x128xf32, #tpu.memory_space<vmem>>
      %gather3A_1352 = tpu.memref_squeeze %gather3A_1351 : memref<1x8x32x128xf32, #tpu.memory_space<vmem>> -> memref<8x32x128xf32, #tpu.memory_space<vmem>>
      %gather3A_1353 = tpu.vector_load_idx %gather3A_1352[%iota3A, %broadcast_in_dim3A_1346, %and3A_1301] masked %lt3A_1304 : memref<8x32x128xf32, #tpu.memory_space<vmem>>[vector<16xi32>, vector<16xi32>, vector<16xi32>], vector<16xf32>, vector<16xi1>
      tpu.vector_store_idx %arg10[%broadcast_in_dim3A_1346, %add3A_1308], %gather3A_1353 masked %lt3A_1304 : memref<32x512xf32, #tpu.memory_space<vmem>>[vector<16xi32>, vector<16xi32>], vector<16xf32>, vector<16xi1>
      %broadcast_in_dim3A_1354 = arith.constant 5 : i32
      %broadcast_in_dim3A_1355 = vector.broadcast %broadcast_in_dim3A_1354 : i32 to vector<16xi32>
      %gather3A_1356 = arith.constant 1 : i32
      %gather3A_1357 = arith.constant 0 : i32
      %gather3A_1358 = arith.constant 0 : i32
      %gather3A_1359 = arith.constant 0 : i32
      %gather3A_1360 = tpu.memref_slice %arg9[%gather3A_1356, %gather3A_1357, %gather3A_1358, %gather3A_1359] : memref<2x8x32x128xf32, #tpu.memory_space<vmem>> -> memref<1x8x32x128xf32, #tpu.memory_space<vmem>>
      %gather3A_1361 = tpu.memref_squeeze %gather3A_1360 : memref<1x8x32x128xf32, #tpu.memory_space<vmem>> -> memref<8x32x128xf32, #tpu.memory_space<vmem>>
      %gather3A_1362 = tpu.vector_load_idx %gather3A_1361[%iota3A, %broadcast_in_dim3A_1355, %and3A_1301] masked %lt3A_1304 : memref<8x32x128xf32, #tpu.memory_space<vmem>>[vector<16xi32>, vector<16xi32>, vector<16xi32>], vector<16xf32>, vector<16xi1>
      tpu.vector_store_idx %arg10[%broadcast_in_dim3A_1355, %add3A_1308], %gather3A_1362 masked %lt3A_1304 : memref<32x512xf32, #tpu.memory_space<vmem>>[vector<16xi32>, vector<16xi32>], vector<16xf32>, vector<16xi1>
      %broadcast_in_dim3A_1363 = arith.constant 6 : i32
      %broadcast_in_dim3A_1364 = vector.broadcast %broadcast_in_dim3A_1363 : i32 to vector<16xi32>
      %gather3A_1365 = arith.constant 1 : i32
      %gather3A_1366 = arith.constant 0 : i32
      %gather3A_1367 = arith.constant 0 : i32
      %gather3A_1368 = arith.constant 0 : i32
      %gather3A_1369 = tpu.memref_slice %arg9[%gather3A_1365, %gather3A_1366, %gather3A_1367, %gather3A_1368] : memref<2x8x32x128xf32, #tpu.memory_space<vmem>> -> memref<1x8x32x128xf32, #tpu.memory_space<vmem>>
      %gather3A_1370 = tpu.memref_squeeze %gather3A_1369 : memref<1x8x32x128xf32, #tpu.memory_space<vmem>> -> memref<8x32x128xf32, #tpu.memory_space<vmem>>
      %gather3A_1371 = tpu.vector_load_idx %gather3A_1370[%iota3A, %broadcast_in_dim3A_1364, %and3A_1301] masked %lt3A_1304 : memref<8x32x128xf32, #tpu.memory_space<vmem>>[vector<16xi32>, vector<16xi32>, vector<16xi32>], vector<16xf32>, vector<16xi1>
      tpu.vector_store_idx %arg10[%broadcast_in_dim3A_1364, %add3A_1308], %gather3A_1371 masked %lt3A_1304 : memref<32x512xf32, #tpu.memory_space<vmem>>[vector<16xi32>, vector<16xi32>], vector<16xf32>, vector<16xi1>
      %broadcast_in_dim3A_1372 = arith.constant 7 : i32
      %broadcast_in_dim3A_1373 = vector.broadcast %broadcast_in_dim3A_1372 : i32 to vector<16xi32>
      %gather3A_1374 = arith.constant 1 : i32
      %gather3A_1375 = arith.constant 0 : i32
      %gather3A_1376 = arith.constant 0 : i32
      %gather3A_1377 = arith.constant 0 : i32
      %gather3A_1378 = tpu.memref_slice %arg9[%gather3A_1374, %gather3A_1375, %gather3A_1376, %gather3A_1377] : memref<2x8x32x128xf32, #tpu.memory_space<vmem>> -> memref<1x8x32x128xf32, #tpu.memory_space<vmem>>
      %gather3A_1379 = tpu.memref_squeeze %gather3A_1378 : memref<1x8x32x128xf32, #tpu.memory_space<vmem>> -> memref<8x32x128xf32, #tpu.memory_space<vmem>>
      %gather3A_1380 = tpu.vector_load_idx %gather3A_1379[%iota3A, %broadcast_in_dim3A_1373, %and3A_1301] masked %lt3A_1304 : memref<8x32x128xf32, #tpu.memory_space<vmem>>[vector<16xi32>, vector<16xi32>, vector<16xi32>], vector<16xf32>, vector<16xi1>
      tpu.vector_store_idx %arg10[%broadcast_in_dim3A_1373, %add3A_1308], %gather3A_1380 masked %lt3A_1304 : memref<32x512xf32, #tpu.memory_space<vmem>>[vector<16xi32>, vector<16xi32>], vector<16xf32>, vector<16xi1>
      %broadcast_in_dim3A_1381 = arith.constant 8 : i32
      %broadcast_in_dim3A_1382 = vector.broadcast %broadcast_in_dim3A_1381 : i32 to vector<16xi32>
      %gather3A_1383 = arith.constant 1 : i32
      %gather3A_1384 = arith.constant 0 : i32
      %gather3A_1385 = arith.constant 0 : i32
      %gather3A_1386 = arith.constant 0 : i32
      %gather3A_1387 = tpu.memref_slice %arg9[%gather3A_1383, %gather3A_1384, %gather3A_1385, %gather3A_1386] : memref<2x8x32x128xf32, #tpu.memory_space<vmem>> -> memref<1x8x32x128xf32, #tpu.memory_space<vmem>>
      %gather3A_1388 = tpu.memref_squeeze %gather3A_1387 : memref<1x8x32x128xf32, #tpu.memory_space<vmem>> -> memref<8x32x128xf32, #tpu.memory_space<vmem>>
      %gather3A_1389 = tpu.vector_load_idx %gather3A_1388[%iota3A, %broadcast_in_dim3A_1382, %and3A_1301] masked %lt3A_1304 : memref<8x32x128xf32, #tpu.memory_space<vmem>>[vector<16xi32>, vector<16xi32>, vector<16xi32>], vector<16xf32>, vector<16xi1>
      tpu.vector_store_idx %arg10[%broadcast_in_dim3A_1382, %add3A_1308], %gather3A_1389 masked %lt3A_1304 : memref<32x512xf32, #tpu.memory_space<vmem>>[vector<16xi32>, vector<16xi32>], vector<16xf32>, vector<16xi1>
      %broadcast_in_dim3A_1390 = arith.constant 9 : i32
      %broadcast_in_dim3A_1391 = vector.broadcast %broadcast_in_dim3A_1390 : i32 to vector<16xi32>
      %gather3A_1392 = arith.constant 1 : i32
      %gather3A_1393 = arith.constant 0 : i32
      %gather3A_1394 = arith.constant 0 : i32
      %gather3A_1395 = arith.constant 0 : i32
      %gather3A_1396 = tpu.memref_slice %arg9[%gather3A_1392, %gather3A_1393, %gather3A_1394, %gather3A_1395] : memref<2x8x32x128xf32, #tpu.memory_space<vmem>> -> memref<1x8x32x128xf32, #tpu.memory_space<vmem>>
      %gather3A_1397 = tpu.memref_squeeze %gather3A_1396 : memref<1x8x32x128xf32, #tpu.memory_space<vmem>> -> memref<8x32x128xf32, #tpu.memory_space<vmem>>
      %gather3A_1398 = tpu.vector_load_idx %gather3A_1397[%iota3A, %broadcast_in_dim3A_1391, %and3A_1301] masked %lt3A_1304 : memref<8x32x128xf32, #tpu.memory_space<vmem>>[vector<16xi32>, vector<16xi32>, vector<16xi32>], vector<16xf32>, vector<16xi1>
      tpu.vector_store_idx %arg10[%broadcast_in_dim3A_1391, %add3A_1308], %gather3A_1398 masked %lt3A_1304 : memref<32x512xf32, #tpu.memory_space<vmem>>[vector<16xi32>, vector<16xi32>], vector<16xf32>, vector<16xi1>
      %broadcast_in_dim3A_1399 = arith.constant 10 : i32
      %broadcast_in_dim3A_1400 = vector.broadcast %broadcast_in_dim3A_1399 : i32 to vector<16xi32>
      %gather3A_1401 = arith.constant 1 : i32
      %gather3A_1402 = arith.constant 0 : i32
      %gather3A_1403 = arith.constant 0 : i32
      %gather3A_1404 = arith.constant 0 : i32
      %gather3A_1405 = tpu.memref_slice %arg9[%gather3A_1401, %gather3A_1402, %gather3A_1403, %gather3A_1404] : memref<2x8x32x128xf32, #tpu.memory_space<vmem>> -> memref<1x8x32x128xf32, #tpu.memory_space<vmem>>
      %gather3A_1406 = tpu.memref_squeeze %gather3A_1405 : memref<1x8x32x128xf32, #tpu.memory_space<vmem>> -> memref<8x32x128xf32, #tpu.memory_space<vmem>>
      %gather3A_1407 = tpu.vector_load_idx %gather3A_1406[%iota3A, %broadcast_in_dim3A_1400, %and3A_1301] masked %lt3A_1304 : memref<8x32x128xf32, #tpu.memory_space<vmem>>[vector<16xi32>, vector<16xi32>, vector<16xi32>], vector<16xf32>, vector<16xi1>
      tpu.vector_store_idx %arg10[%broadcast_in_dim3A_1400, %add3A_1308], %gather3A_1407 masked %lt3A_1304 : memref<32x512xf32, #tpu.memory_space<vmem>>[vector<16xi32>, vector<16xi32>], vector<16xf32>, vector<16xi1>
      %broadcast_in_dim3A_1408 = arith.constant 11 : i32
      %broadcast_in_dim3A_1409 = vector.broadcast %broadcast_in_dim3A_1408 : i32 to vector<16xi32>
      %gather3A_1410 = arith.constant 1 : i32
      %gather3A_1411 = arith.constant 0 : i32
      %gather3A_1412 = arith.constant 0 : i32
      %gather3A_1413 = arith.constant 0 : i32
      %gather3A_1414 = tpu.memref_slice %arg9[%gather3A_1410, %gather3A_1411, %gather3A_1412, %gather3A_1413] : memref<2x8x32x128xf32, #tpu.memory_space<vmem>> -> memref<1x8x32x128xf32, #tpu.memory_space<vmem>>
      %gather3A_1415 = tpu.memref_squeeze %gather3A_1414 : memref<1x8x32x128xf32, #tpu.memory_space<vmem>> -> memref<8x32x128xf32, #tpu.memory_space<vmem>>
      %gather3A_1416 = tpu.vector_load_idx %gather3A_1415[%iota3A, %broadcast_in_dim3A_1409, %and3A_1301] masked %lt3A_1304 : memref<8x32x128xf32, #tpu.memory_space<vmem>>[vector<16xi32>, vector<16xi32>, vector<16xi32>], vector<16xf32>, vector<16xi1>
      tpu.vector_store_idx %arg10[%broadcast_in_dim3A_1409, %add3A_1308], %gather3A_1416 masked %lt3A_1304 : memref<32x512xf32, #tpu.memory_space<vmem>>[vector<16xi32>, vector<16xi32>], vector<16xf32>, vector<16xi1>
      %broadcast_in_dim3A_1417 = arith.constant 12 : i32
      %broadcast_in_dim3A_1418 = vector.broadcast %broadcast_in_dim3A_1417 : i32 to vector<16xi32>
      %gather3A_1419 = arith.constant 1 : i32
      %gather3A_1420 = arith.constant 0 : i32
      %gather3A_1421 = arith.constant 0 : i32
      %gather3A_1422 = arith.constant 0 : i32
      %gather3A_1423 = tpu.memref_slice %arg9[%gather3A_1419, %gather3A_1420, %gather3A_1421, %gather3A_1422] : memref<2x8x32x128xf32, #tpu.memory_space<vmem>> -> memref<1x8x32x128xf32, #tpu.memory_space<vmem>>
      %gather3A_1424 = tpu.memref_squeeze %gather3A_1423 : memref<1x8x32x128xf32, #tpu.memory_space<vmem>> -> memref<8x32x128xf32, #tpu.memory_space<vmem>>
      %gather3A_1425 = tpu.vector_load_idx %gather3A_1424[%iota3A, %broadcast_in_dim3A_1418, %and3A_1301] masked %lt3A_1304 : memref<8x32x128xf32, #tpu.memory_space<vmem>>[vector<16xi32>, vector<16xi32>, vector<16xi32>], vector<16xf32>, vector<16xi1>
      tpu.vector_store_idx %arg10[%broadcast_in_dim3A_1418, %add3A_1308], %gather3A_1425 masked %lt3A_1304 : memref<32x512xf32, #tpu.memory_space<vmem>>[vector<16xi32>, vector<16xi32>], vector<16xf32>, vector<16xi1>
      %broadcast_in_dim3A_1426 = arith.constant 13 : i32
      %broadcast_in_dim3A_1427 = vector.broadcast %broadcast_in_dim3A_1426 : i32 to vector<16xi32>
      %gather3A_1428 = arith.constant 1 : i32
      %gather3A_1429 = arith.constant 0 : i32
      %gather3A_1430 = arith.constant 0 : i32
      %gather3A_1431 = arith.constant 0 : i32
      %gather3A_1432 = tpu.memref_slice %arg9[%gather3A_1428, %gather3A_1429, %gather3A_1430, %gather3A_1431] : memref<2x8x32x128xf32, #tpu.memory_space<vmem>> -> memref<1x8x32x128xf32, #tpu.memory_space<vmem>>
      %gather3A_1433 = tpu.memref_squeeze %gather3A_1432 : memref<1x8x32x128xf32, #tpu.memory_space<vmem>> -> memref<8x32x128xf32, #tpu.memory_space<vmem>>
      %gather3A_1434 = tpu.vector_load_idx %gather3A_1433[%iota3A, %broadcast_in_dim3A_1427, %and3A_1301] masked %lt3A_1304 : memref<8x32x128xf32, #tpu.memory_space<vmem>>[vector<16xi32>, vector<16xi32>, vector<16xi32>], vector<16xf32>, vector<16xi1>
      tpu.vector_store_idx %arg10[%broadcast_in_dim3A_1427, %add3A_1308], %gather3A_1434 masked %lt3A_1304 : memref<32x512xf32, #tpu.memory_space<vmem>>[vector<16xi32>, vector<16xi32>], vector<16xf32>, vector<16xi1>
      %broadcast_in_dim3A_1435 = arith.constant 14 : i32
      %broadcast_in_dim3A_1436 = vector.broadcast %broadcast_in_dim3A_1435 : i32 to vector<16xi32>
      %gather3A_1437 = arith.constant 1 : i32
      %gather3A_1438 = arith.constant 0 : i32
      %gather3A_1439 = arith.constant 0 : i32
      %gather3A_1440 = arith.constant 0 : i32
      %gather3A_1441 = tpu.memref_slice %arg9[%gather3A_1437, %gather3A_1438, %gather3A_1439, %gather3A_1440] : memref<2x8x32x128xf32, #tpu.memory_space<vmem>> -> memref<1x8x32x128xf32, #tpu.memory_space<vmem>>
      %gather3A_1442 = tpu.memref_squeeze %gather3A_1441 : memref<1x8x32x128xf32, #tpu.memory_space<vmem>> -> memref<8x32x128xf32, #tpu.memory_space<vmem>>
      %gather3A_1443 = tpu.vector_load_idx %gather3A_1442[%iota3A, %broadcast_in_dim3A_1436, %and3A_1301] masked %lt3A_1304 : memref<8x32x128xf32, #tpu.memory_space<vmem>>[vector<16xi32>, vector<16xi32>, vector<16xi32>], vector<16xf32>, vector<16xi1>
      tpu.vector_store_idx %arg10[%broadcast_in_dim3A_1436, %add3A_1308], %gather3A_1443 masked %lt3A_1304 : memref<32x512xf32, #tpu.memory_space<vmem>>[vector<16xi32>, vector<16xi32>], vector<16xf32>, vector<16xi1>
      %broadcast_in_dim3A_1444 = arith.constant 15 : i32
      %broadcast_in_dim3A_1445 = vector.broadcast %broadcast_in_dim3A_1444 : i32 to vector<16xi32>
      %gather3A_1446 = arith.constant 1 : i32
      %gather3A_1447 = arith.constant 0 : i32
      %gather3A_1448 = arith.constant 0 : i32
      %gather3A_1449 = arith.constant 0 : i32
      %gather3A_1450 = tpu.memref_slice %arg9[%gather3A_1446, %gather3A_1447, %gather3A_1448, %gather3A_1449] : memref<2x8x32x128xf32, #tpu.memory_space<vmem>> -> memref<1x8x32x128xf32, #tpu.memory_space<vmem>>
      %gather3A_1451 = tpu.memref_squeeze %gather3A_1450 : memref<1x8x32x128xf32, #tpu.memory_space<vmem>> -> memref<8x32x128xf32, #tpu.memory_space<vmem>>
      %gather3A_1452 = tpu.vector_load_idx %gather3A_1451[%iota3A, %broadcast_in_dim3A_1445, %and3A_1301] masked %lt3A_1304 : memref<8x32x128xf32, #tpu.memory_space<vmem>>[vector<16xi32>, vector<16xi32>, vector<16xi32>], vector<16xf32>, vector<16xi1>
      tpu.vector_store_idx %arg10[%broadcast_in_dim3A_1445, %add3A_1308], %gather3A_1452 masked %lt3A_1304 : memref<32x512xf32, #tpu.memory_space<vmem>>[vector<16xi32>, vector<16xi32>], vector<16xf32>, vector<16xi1>
      %broadcast_in_dim3A_1453 = arith.constant 16 : i32
      %broadcast_in_dim3A_1454 = vector.broadcast %broadcast_in_dim3A_1453 : i32 to vector<16xi32>
      %gather3A_1455 = arith.constant 1 : i32
      %gather3A_1456 = arith.constant 0 : i32
      %gather3A_1457 = arith.constant 0 : i32
      %gather3A_1458 = arith.constant 0 : i32
      %gather3A_1459 = tpu.memref_slice %arg9[%gather3A_1455, %gather3A_1456, %gather3A_1457, %gather3A_1458] : memref<2x8x32x128xf32, #tpu.memory_space<vmem>> -> memref<1x8x32x128xf32, #tpu.memory_space<vmem>>
      %gather3A_1460 = tpu.memref_squeeze %gather3A_1459 : memref<1x8x32x128xf32, #tpu.memory_space<vmem>> -> memref<8x32x128xf32, #tpu.memory_space<vmem>>
      %gather3A_1461 = tpu.vector_load_idx %gather3A_1460[%iota3A, %broadcast_in_dim3A_1454, %and3A_1301] masked %lt3A_1304 : memref<8x32x128xf32, #tpu.memory_space<vmem>>[vector<16xi32>, vector<16xi32>, vector<16xi32>], vector<16xf32>, vector<16xi1>
      tpu.vector_store_idx %arg10[%broadcast_in_dim3A_1454, %add3A_1308], %gather3A_1461 masked %lt3A_1304 : memref<32x512xf32, #tpu.memory_space<vmem>>[vector<16xi32>, vector<16xi32>], vector<16xf32>, vector<16xi1>
      %broadcast_in_dim3A_1462 = arith.constant 17 : i32
      %broadcast_in_dim3A_1463 = vector.broadcast %broadcast_in_dim3A_1462 : i32 to vector<16xi32>
      %gather3A_1464 = arith.constant 1 : i32
      %gather3A_1465 = arith.constant 0 : i32
      %gather3A_1466 = arith.constant 0 : i32
      %gather3A_1467 = arith.constant 0 : i32
      %gather3A_1468 = tpu.memref_slice %arg9[%gather3A_1464, %gather3A_1465, %gather3A_1466, %gather3A_1467] : memref<2x8x32x128xf32, #tpu.memory_space<vmem>> -> memref<1x8x32x128xf32, #tpu.memory_space<vmem>>
      %gather3A_1469 = tpu.memref_squeeze %gather3A_1468 : memref<1x8x32x128xf32, #tpu.memory_space<vmem>> -> memref<8x32x128xf32, #tpu.memory_space<vmem>>
      %gather3A_1470 = tpu.vector_load_idx %gather3A_1469[%iota3A, %broadcast_in_dim3A_1463, %and3A_1301] masked %lt3A_1304 : memref<8x32x128xf32, #tpu.memory_space<vmem>>[vector<16xi32>, vector<16xi32>, vector<16xi32>], vector<16xf32>, vector<16xi1>
      tpu.vector_store_idx %arg10[%broadcast_in_dim3A_1463, %add3A_1308], %gather3A_1470 masked %lt3A_1304 : memref<32x512xf32, #tpu.memory_space<vmem>>[vector<16xi32>, vector<16xi32>], vector<16xf32>, vector<16xi1>
      %broadcast_in_dim3A_1471 = arith.constant 18 : i32
      %broadcast_in_dim3A_1472 = vector.broadcast %broadcast_in_dim3A_1471 : i32 to vector<16xi32>
      %gather3A_1473 = arith.constant 1 : i32
      %gather3A_1474 = arith.constant 0 : i32
      %gather3A_1475 = arith.constant 0 : i32
      %gather3A_1476 = arith.constant 0 : i32
      %gather3A_1477 = tpu.memref_slice %arg9[%gather3A_1473, %gather3A_1474, %gather3A_1475, %gather3A_1476] : memref<2x8x32x128xf32, #tpu.memory_space<vmem>> -> memref<1x8x32x128xf32, #tpu.memory_space<vmem>>
      %gather3A_1478 = tpu.memref_squeeze %gather3A_1477 : memref<1x8x32x128xf32, #tpu.memory_space<vmem>> -> memref<8x32x128xf32, #tpu.memory_space<vmem>>
      %gather3A_1479 = tpu.vector_load_idx %gather3A_1478[%iota3A, %broadcast_in_dim3A_1472, %and3A_1301] masked %lt3A_1304 : memref<8x32x128xf32, #tpu.memory_space<vmem>>[vector<16xi32>, vector<16xi32>, vector<16xi32>], vector<16xf32>, vector<16xi1>
      tpu.vector_store_idx %arg10[%broadcast_in_dim3A_1472, %add3A_1308], %gather3A_1479 masked %lt3A_1304 : memref<32x512xf32, #tpu.memory_space<vmem>>[vector<16xi32>, vector<16xi32>], vector<16xf32>, vector<16xi1>
      %broadcast_in_dim3A_1480 = arith.constant 19 : i32
      %broadcast_in_dim3A_1481 = vector.broadcast %broadcast_in_dim3A_1480 : i32 to vector<16xi32>
      %gather3A_1482 = arith.constant 1 : i32
      %gather3A_1483 = arith.constant 0 : i32
      %gather3A_1484 = arith.constant 0 : i32
      %gather3A_1485 = arith.constant 0 : i32
      %gather3A_1486 = tpu.memref_slice %arg9[%gather3A_1482, %gather3A_1483, %gather3A_1484, %gather3A_1485] : memref<2x8x32x128xf32, #tpu.memory_space<vmem>> -> memref<1x8x32x128xf32, #tpu.memory_space<vmem>>
      %gather3A_1487 = tpu.memref_squeeze %gather3A_1486 : memref<1x8x32x128xf32, #tpu.memory_space<vmem>> -> memref<8x32x128xf32, #tpu.memory_space<vmem>>
      %gather3A_1488 = tpu.vector_load_idx %gather3A_1487[%iota3A, %broadcast_in_dim3A_1481, %and3A_1301] masked %lt3A_1304 : memref<8x32x128xf32, #tpu.memory_space<vmem>>[vector<16xi32>, vector<16xi32>, vector<16xi32>], vector<16xf32>, vector<16xi1>
      tpu.vector_store_idx %arg10[%broadcast_in_dim3A_1481, %add3A_1308], %gather3A_1488 masked %lt3A_1304 : memref<32x512xf32, #tpu.memory_space<vmem>>[vector<16xi32>, vector<16xi32>], vector<16xf32>, vector<16xi1>
      %broadcast_in_dim3A_1489 = arith.constant 20 : i32
      %broadcast_in_dim3A_1490 = vector.broadcast %broadcast_in_dim3A_1489 : i32 to vector<16xi32>
      %gather3A_1491 = arith.constant 1 : i32
      %gather3A_1492 = arith.constant 0 : i32
      %gather3A_1493 = arith.constant 0 : i32
      %gather3A_1494 = arith.constant 0 : i32
      %gather3A_1495 = tpu.memref_slice %arg9[%gather3A_1491, %gather3A_1492, %gather3A_1493, %gather3A_1494] : memref<2x8x32x128xf32, #tpu.memory_space<vmem>> -> memref<1x8x32x128xf32, #tpu.memory_space<vmem>>
      %gather3A_1496 = tpu.memref_squeeze %gather3A_1495 : memref<1x8x32x128xf32, #tpu.memory_space<vmem>> -> memref<8x32x128xf32, #tpu.memory_space<vmem>>
      %gather3A_1497 = tpu.vector_load_idx %gather3A_1496[%iota3A, %broadcast_in_dim3A_1490, %and3A_1301] masked %lt3A_1304 : memref<8x32x128xf32, #tpu.memory_space<vmem>>[vector<16xi32>, vector<16xi32>, vector<16xi32>], vector<16xf32>, vector<16xi1>
      tpu.vector_store_idx %arg10[%broadcast_in_dim3A_1490, %add3A_1308], %gather3A_1497 masked %lt3A_1304 : memref<32x512xf32, #tpu.memory_space<vmem>>[vector<16xi32>, vector<16xi32>], vector<16xf32>, vector<16xi1>
      %broadcast_in_dim3A_1498 = arith.constant 21 : i32
      %broadcast_in_dim3A_1499 = vector.broadcast %broadcast_in_dim3A_1498 : i32 to vector<16xi32>
      %gather3A_1500 = arith.constant 1 : i32
      %gather3A_1501 = arith.constant 0 : i32
      %gather3A_1502 = arith.constant 0 : i32
      %gather3A_1503 = arith.constant 0 : i32
      %gather3A_1504 = tpu.memref_slice %arg9[%gather3A_1500, %gather3A_1501, %gather3A_1502, %gather3A_1503] : memref<2x8x32x128xf32, #tpu.memory_space<vmem>> -> memref<1x8x32x128xf32, #tpu.memory_space<vmem>>
      %gather3A_1505 = tpu.memref_squeeze %gather3A_1504 : memref<1x8x32x128xf32, #tpu.memory_space<vmem>> -> memref<8x32x128xf32, #tpu.memory_space<vmem>>
      %gather3A_1506 = tpu.vector_load_idx %gather3A_1505[%iota3A, %broadcast_in_dim3A_1499, %and3A_1301] masked %lt3A_1304 : memref<8x32x128xf32, #tpu.memory_space<vmem>>[vector<16xi32>, vector<16xi32>, vector<16xi32>], vector<16xf32>, vector<16xi1>
      tpu.vector_store_idx %arg10[%broadcast_in_dim3A_1499, %add3A_1308], %gather3A_1506 masked %lt3A_1304 : memref<32x512xf32, #tpu.memory_space<vmem>>[vector<16xi32>, vector<16xi32>], vector<16xf32>, vector<16xi1>
      %broadcast_in_dim3A_1507 = arith.constant 22 : i32
      %broadcast_in_dim3A_1508 = vector.broadcast %broadcast_in_dim3A_1507 : i32 to vector<16xi32>
      %gather3A_1509 = arith.constant 1 : i32
      %gather3A_1510 = arith.constant 0 : i32
      %gather3A_1511 = arith.constant 0 : i32
      %gather3A_1512 = arith.constant 0 : i32
      %gather3A_1513 = tpu.memref_slice %arg9[%gather3A_1509, %gather3A_1510, %gather3A_1511, %gather3A_1512] : memref<2x8x32x128xf32, #tpu.memory_space<vmem>> -> memref<1x8x32x128xf32, #tpu.memory_space<vmem>>
      %gather3A_1514 = tpu.memref_squeeze %gather3A_1513 : memref<1x8x32x128xf32, #tpu.memory_space<vmem>> -> memref<8x32x128xf32, #tpu.memory_space<vmem>>
      %gather3A_1515 = tpu.vector_load_idx %gather3A_1514[%iota3A, %broadcast_in_dim3A_1508, %and3A_1301] masked %lt3A_1304 : memref<8x32x128xf32, #tpu.memory_space<vmem>>[vector<16xi32>, vector<16xi32>, vector<16xi32>], vector<16xf32>, vector<16xi1>
      tpu.vector_store_idx %arg10[%broadcast_in_dim3A_1508, %add3A_1308], %gather3A_1515 masked %lt3A_1304 : memref<32x512xf32, #tpu.memory_space<vmem>>[vector<16xi32>, vector<16xi32>], vector<16xf32>, vector<16xi1>
      %broadcast_in_dim3A_1516 = arith.constant 23 : i32
      %broadcast_in_dim3A_1517 = vector.broadcast %broadcast_in_dim3A_1516 : i32 to vector<16xi32>
      %gather3A_1518 = arith.constant 1 : i32
      %gather3A_1519 = arith.constant 0 : i32
      %gather3A_1520 = arith.constant 0 : i32
      %gather3A_1521 = arith.constant 0 : i32
      %gather3A_1522 = tpu.memref_slice %arg9[%gather3A_1518, %gather3A_1519, %gather3A_1520, %gather3A_1521] : memref<2x8x32x128xf32, #tpu.memory_space<vmem>> -> memref<1x8x32x128xf32, #tpu.memory_space<vmem>>
      %gather3A_1523 = tpu.memref_squeeze %gather3A_1522 : memref<1x8x32x128xf32, #tpu.memory_space<vmem>> -> memref<8x32x128xf32, #tpu.memory_space<vmem>>
      %gather3A_1524 = tpu.vector_load_idx %gather3A_1523[%iota3A, %broadcast_in_dim3A_1517, %and3A_1301] masked %lt3A_1304 : memref<8x32x128xf32, #tpu.memory_space<vmem>>[vector<16xi32>, vector<16xi32>, vector<16xi32>], vector<16xf32>, vector<16xi1>
      tpu.vector_store_idx %arg10[%broadcast_in_dim3A_1517, %add3A_1308], %gather3A_1524 masked %lt3A_1304 : memref<32x512xf32, #tpu.memory_space<vmem>>[vector<16xi32>, vector<16xi32>], vector<16xf32>, vector<16xi1>
      %broadcast_in_dim3A_1525 = arith.constant 24 : i32
      %broadcast_in_dim3A_1526 = vector.broadcast %broadcast_in_dim3A_1525 : i32 to vector<16xi32>
      %gather3A_1527 = arith.constant 1 : i32
      %gather3A_1528 = arith.constant 0 : i32
      %gather3A_1529 = arith.constant 0 : i32
      %gather3A_1530 = arith.constant 0 : i32
      %gather3A_1531 = tpu.memref_slice %arg9[%gather3A_1527, %gather3A_1528, %gather3A_1529, %gather3A_1530] : memref<2x8x32x128xf32, #tpu.memory_space<vmem>> -> memref<1x8x32x128xf32, #tpu.memory_space<vmem>>
      %gather3A_1532 = tpu.memref_squeeze %gather3A_1531 : memref<1x8x32x128xf32, #tpu.memory_space<vmem>> -> memref<8x32x128xf32, #tpu.memory_space<vmem>>
      %gather3A_1533 = tpu.vector_load_idx %gather3A_1532[%iota3A, %broadcast_in_dim3A_1526, %and3A_1301] masked %lt3A_1304 : memref<8x32x128xf32, #tpu.memory_space<vmem>>[vector<16xi32>, vector<16xi32>, vector<16xi32>], vector<16xf32>, vector<16xi1>
      tpu.vector_store_idx %arg10[%broadcast_in_dim3A_1526, %add3A_1308], %gather3A_1533 masked %lt3A_1304 : memref<32x512xf32, #tpu.memory_space<vmem>>[vector<16xi32>, vector<16xi32>], vector<16xf32>, vector<16xi1>
      %broadcast_in_dim3A_1534 = arith.constant 25 : i32
      %broadcast_in_dim3A_1535 = vector.broadcast %broadcast_in_dim3A_1534 : i32 to vector<16xi32>
      %gather3A_1536 = arith.constant 1 : i32
      %gather3A_1537 = arith.constant 0 : i32
      %gather3A_1538 = arith.constant 0 : i32
      %gather3A_1539 = arith.constant 0 : i32
      %gather3A_1540 = tpu.memref_slice %arg9[%gather3A_1536, %gather3A_1537, %gather3A_1538, %gather3A_1539] : memref<2x8x32x128xf32, #tpu.memory_space<vmem>> -> memref<1x8x32x128xf32, #tpu.memory_space<vmem>>
      %gather3A_1541 = tpu.memref_squeeze %gather3A_1540 : memref<1x8x32x128xf32, #tpu.memory_space<vmem>> -> memref<8x32x128xf32, #tpu.memory_space<vmem>>
      %gather3A_1542 = tpu.vector_load_idx %gather3A_1541[%iota3A, %broadcast_in_dim3A_1535, %and3A_1301] masked %lt3A_1304 : memref<8x32x128xf32, #tpu.memory_space<vmem>>[vector<16xi32>, vector<16xi32>, vector<16xi32>], vector<16xf32>, vector<16xi1>
      tpu.vector_store_idx %arg10[%broadcast_in_dim3A_1535, %add3A_1308], %gather3A_1542 masked %lt3A_1304 : memref<32x512xf32, #tpu.memory_space<vmem>>[vector<16xi32>, vector<16xi32>], vector<16xf32>, vector<16xi1>
      %broadcast_in_dim3A_1543 = arith.constant 26 : i32
      %broadcast_in_dim3A_1544 = vector.broadcast %broadcast_in_dim3A_1543 : i32 to vector<16xi32>
      %gather3A_1545 = arith.constant 1 : i32
      %gather3A_1546 = arith.constant 0 : i32
      %gather3A_1547 = arith.constant 0 : i32
      %gather3A_1548 = arith.constant 0 : i32
      %gather3A_1549 = tpu.memref_slice %arg9[%gather3A_1545, %gather3A_1546, %gather3A_1547, %gather3A_1548] : memref<2x8x32x128xf32, #tpu.memory_space<vmem>> -> memref<1x8x32x128xf32, #tpu.memory_space<vmem>>
      %gather3A_1550 = tpu.memref_squeeze %gather3A_1549 : memref<1x8x32x128xf32, #tpu.memory_space<vmem>> -> memref<8x32x128xf32, #tpu.memory_space<vmem>>
      %gather3A_1551 = tpu.vector_load_idx %gather3A_1550[%iota3A, %broadcast_in_dim3A_1544, %and3A_1301] masked %lt3A_1304 : memref<8x32x128xf32, #tpu.memory_space<vmem>>[vector<16xi32>, vector<16xi32>, vector<16xi32>], vector<16xf32>, vector<16xi1>
      tpu.vector_store_idx %arg10[%broadcast_in_dim3A_1544, %add3A_1308], %gather3A_1551 masked %lt3A_1304 : memref<32x512xf32, #tpu.memory_space<vmem>>[vector<16xi32>, vector<16xi32>], vector<16xf32>, vector<16xi1>
      %broadcast_in_dim3A_1552 = arith.constant 27 : i32
      %broadcast_in_dim3A_1553 = vector.broadcast %broadcast_in_dim3A_1552 : i32 to vector<16xi32>
      %gather3A_1554 = arith.constant 1 : i32
      %gather3A_1555 = arith.constant 0 : i32
      %gather3A_1556 = arith.constant 0 : i32
      %gather3A_1557 = arith.constant 0 : i32
      %gather3A_1558 = tpu.memref_slice %arg9[%gather3A_1554, %gather3A_1555, %gather3A_1556, %gather3A_1557] : memref<2x8x32x128xf32, #tpu.memory_space<vmem>> -> memref<1x8x32x128xf32, #tpu.memory_space<vmem>>
      %gather3A_1559 = tpu.memref_squeeze %gather3A_1558 : memref<1x8x32x128xf32, #tpu.memory_space<vmem>> -> memref<8x32x128xf32, #tpu.memory_space<vmem>>
      %gather3A_1560 = tpu.vector_load_idx %gather3A_1559[%iota3A, %broadcast_in_dim3A_1553, %and3A_1301] masked %lt3A_1304 : memref<8x32x128xf32, #tpu.memory_space<vmem>>[vector<16xi32>, vector<16xi32>, vector<16xi32>], vector<16xf32>, vector<16xi1>
      tpu.vector_store_idx %arg10[%broadcast_in_dim3A_1553, %add3A_1308], %gather3A_1560 masked %lt3A_1304 : memref<32x512xf32, #tpu.memory_space<vmem>>[vector<16xi32>, vector<16xi32>], vector<16xf32>, vector<16xi1>
      %broadcast_in_dim3A_1561 = arith.constant 28 : i32
      %broadcast_in_dim3A_1562 = vector.broadcast %broadcast_in_dim3A_1561 : i32 to vector<16xi32>
      %gather3A_1563 = arith.constant 1 : i32
      %gather3A_1564 = arith.constant 0 : i32
      %gather3A_1565 = arith.constant 0 : i32
      %gather3A_1566 = arith.constant 0 : i32
      %gather3A_1567 = tpu.memref_slice %arg9[%gather3A_1563, %gather3A_1564, %gather3A_1565, %gather3A_1566] : memref<2x8x32x128xf32, #tpu.memory_space<vmem>> -> memref<1x8x32x128xf32, #tpu.memory_space<vmem>>
      %gather3A_1568 = tpu.memref_squeeze %gather3A_1567 : memref<1x8x32x128xf32, #tpu.memory_space<vmem>> -> memref<8x32x128xf32, #tpu.memory_space<vmem>>
      %gather3A_1569 = tpu.vector_load_idx %gather3A_1568[%iota3A, %broadcast_in_dim3A_1562, %and3A_1301] masked %lt3A_1304 : memref<8x32x128xf32, #tpu.memory_space<vmem>>[vector<16xi32>, vector<16xi32>, vector<16xi32>], vector<16xf32>, vector<16xi1>
      tpu.vector_store_idx %arg10[%broadcast_in_dim3A_1562, %add3A_1308], %gather3A_1569 masked %lt3A_1304 : memref<32x512xf32, #tpu.memory_space<vmem>>[vector<16xi32>, vector<16xi32>], vector<16xf32>, vector<16xi1>
      %broadcast_in_dim3A_1570 = arith.constant 29 : i32
      %broadcast_in_dim3A_1571 = vector.broadcast %broadcast_in_dim3A_1570 : i32 to vector<16xi32>
      %gather3A_1572 = arith.constant 1 : i32
      %gather3A_1573 = arith.constant 0 : i32
      %gather3A_1574 = arith.constant 0 : i32
      %gather3A_1575 = arith.constant 0 : i32
      %gather3A_1576 = tpu.memref_slice %arg9[%gather3A_1572, %gather3A_1573, %gather3A_1574, %gather3A_1575] : memref<2x8x32x128xf32, #tpu.memory_space<vmem>> -> memref<1x8x32x128xf32, #tpu.memory_space<vmem>>
      %gather3A_1577 = tpu.memref_squeeze %gather3A_1576 : memref<1x8x32x128xf32, #tpu.memory_space<vmem>> -> memref<8x32x128xf32, #tpu.memory_space<vmem>>
      %gather3A_1578 = tpu.vector_load_idx %gather3A_1577[%iota3A, %broadcast_in_dim3A_1571, %and3A_1301] masked %lt3A_1304 : memref<8x32x128xf32, #tpu.memory_space<vmem>>[vector<16xi32>, vector<16xi32>, vector<16xi32>], vector<16xf32>, vector<16xi1>
      tpu.vector_store_idx %arg10[%broadcast_in_dim3A_1571, %add3A_1308], %gather3A_1578 masked %lt3A_1304 : memref<32x512xf32, #tpu.memory_space<vmem>>[vector<16xi32>, vector<16xi32>], vector<16xf32>, vector<16xi1>
      %broadcast_in_dim3A_1579 = arith.constant 30 : i32
      %broadcast_in_dim3A_1580 = vector.broadcast %broadcast_in_dim3A_1579 : i32 to vector<16xi32>
      %gather3A_1581 = arith.constant 1 : i32
      %gather3A_1582 = arith.constant 0 : i32
      %gather3A_1583 = arith.constant 0 : i32
      %gather3A_1584 = arith.constant 0 : i32
      %gather3A_1585 = tpu.memref_slice %arg9[%gather3A_1581, %gather3A_1582, %gather3A_1583, %gather3A_1584] : memref<2x8x32x128xf32, #tpu.memory_space<vmem>> -> memref<1x8x32x128xf32, #tpu.memory_space<vmem>>
      %gather3A_1586 = tpu.memref_squeeze %gather3A_1585 : memref<1x8x32x128xf32, #tpu.memory_space<vmem>> -> memref<8x32x128xf32, #tpu.memory_space<vmem>>
      %gather3A_1587 = tpu.vector_load_idx %gather3A_1586[%iota3A, %broadcast_in_dim3A_1580, %and3A_1301] masked %lt3A_1304 : memref<8x32x128xf32, #tpu.memory_space<vmem>>[vector<16xi32>, vector<16xi32>, vector<16xi32>], vector<16xf32>, vector<16xi1>
      tpu.vector_store_idx %arg10[%broadcast_in_dim3A_1580, %add3A_1308], %gather3A_1587 masked %lt3A_1304 : memref<32x512xf32, #tpu.memory_space<vmem>>[vector<16xi32>, vector<16xi32>], vector<16xf32>, vector<16xi1>
      %broadcast_in_dim3A_1588 = arith.constant 31 : i32
      %broadcast_in_dim3A_1589 = vector.broadcast %broadcast_in_dim3A_1588 : i32 to vector<16xi32>
      %gather3A_1590 = arith.constant 1 : i32
      %gather3A_1591 = arith.constant 0 : i32
      %gather3A_1592 = arith.constant 0 : i32
      %gather3A_1593 = arith.constant 0 : i32
      %gather3A_1594 = tpu.memref_slice %arg9[%gather3A_1590, %gather3A_1591, %gather3A_1592, %gather3A_1593] : memref<2x8x32x128xf32, #tpu.memory_space<vmem>> -> memref<1x8x32x128xf32, #tpu.memory_space<vmem>>
      %gather3A_1595 = tpu.memref_squeeze %gather3A_1594 : memref<1x8x32x128xf32, #tpu.memory_space<vmem>> -> memref<8x32x128xf32, #tpu.memory_space<vmem>>
      %gather3A_1596 = tpu.vector_load_idx %gather3A_1595[%iota3A, %broadcast_in_dim3A_1589, %and3A_1301] masked %lt3A_1304 : memref<8x32x128xf32, #tpu.memory_space<vmem>>[vector<16xi32>, vector<16xi32>, vector<16xi32>], vector<16xf32>, vector<16xi1>
      tpu.vector_store_idx %arg10[%broadcast_in_dim3A_1589, %add3A_1308], %gather3A_1596 masked %lt3A_1304 : memref<32x512xf32, #tpu.memory_space<vmem>>[vector<16xi32>, vector<16xi32>], vector<16xf32>, vector<16xi1>
    }
    %scan3A_237 = arith.constant 32 : i32
    "tpu.region"() ({
      %run_scoped3A = tpu.sem_alloc : memref<!tpu.dma_semaphore, #tpu.memory_space<semaphore_mem>>
      %dma_start3A_483 = arith.constant 0 : i32
      %dma_start3A_484 = tpu.memref_slice %arg6[%dma_start3A_483, %mul3A_2] : memref<32x16384xf32, #tpu.memory_space<hbm>> -> memref<32x512xf32, #tpu.memory_space<hbm>>
      %dma_start3A_485 = arith.constant 0 : i32
      %dma_start3A_486 = tpu.memref_slice %arg6[%dma_start3A_485, %mul3A_2] : memref<32x16384xf32, #tpu.memory_space<hbm>> -> memref<32x512xf32, #tpu.memory_space<hbm>>
      tpu.enqueue_dma source(%arg10 : memref<32x512xf32, #tpu.memory_space<vmem>>) target(%dma_start3A_486 : memref<32x512xf32, #tpu.memory_space<hbm>>) target_semaphore(%run_scoped3A : memref<!tpu.dma_semaphore, #tpu.memory_space<semaphore_mem>>)
      %dma_wait3A = arith.constant 0 : i32
      %dma_wait3A_487 = tpu.memref_slice %arg6[%dma_wait3A, %mul3A_2] : memref<32x16384xf32, #tpu.memory_space<hbm>> -> memref<32x512xf32, #tpu.memory_space<hbm>>
      %dma_wait3A_488 = arith.constant 0 : i32
      %dma_wait3A_489 = tpu.memref_slice %arg6[%dma_wait3A_488, %mul3A_2] : memref<32x16384xf32, #tpu.memory_space<hbm>> -> memref<32x512xf32, #tpu.memory_space<hbm>>
      tpu.wait_dma2 semaphore(%run_scoped3A : memref<!tpu.dma_semaphore, #tpu.memory_space<semaphore_mem>>) src(%arg10 : memref<32x512xf32, #tpu.memory_space<vmem>>) dst(%dma_wait3A_489 : memref<32x512xf32, #tpu.memory_space<hbm>>)
      tpu.yield
    }) : () -> ()
    "tpu.region"() ({
      %run_scoped3A = tpu.sem_alloc : memref<!tpu.dma_semaphore, #tpu.memory_space<semaphore_mem>>
      %dma_start3A_483 = arith.constant 0 : i32
      %dma_start3A_484 = tpu.memref_slice %arg8[%dma_start3A_483] : memref<528xi32, #tpu.memory_space<vmem>> -> memref<512xi32, #tpu.memory_space<vmem>>
      %dma_start3A_485 = tpu.memref_slice %arg3[%mul3A_2] : memref<16384xi32, #tpu.memory_space<hbm>> -> memref<512xi32, #tpu.memory_space<hbm>>
      %dma_start3A_486 = arith.constant 0 : i32
      %dma_start3A_487 = tpu.memref_slice %arg8[%dma_start3A_486] : memref<528xi32, #tpu.memory_space<vmem>> -> memref<512xi32, #tpu.memory_space<vmem>>
      %dma_start3A_488 = tpu.memref_slice %arg3[%mul3A_2] : memref<16384xi32, #tpu.memory_space<hbm>> -> memref<512xi32, #tpu.memory_space<hbm>>
      tpu.enqueue_dma source(%dma_start3A_488 : memref<512xi32, #tpu.memory_space<hbm>>) target(%dma_start3A_487 : memref<512xi32, #tpu.memory_space<vmem>>) target_semaphore(%run_scoped3A : memref<!tpu.dma_semaphore, #tpu.memory_space<semaphore_mem>>)
      %dma_wait3A = arith.constant 0 : i32
      %dma_wait3A_489 = tpu.memref_slice %arg8[%dma_wait3A] : memref<528xi32, #tpu.memory_space<vmem>> -> memref<512xi32, #tpu.memory_space<vmem>>
      %dma_wait3A_490 = tpu.memref_slice %arg3[%mul3A_2] : memref<16384xi32, #tpu.memory_space<hbm>> -> memref<512xi32, #tpu.memory_space<hbm>>
      %dma_wait3A_491 = arith.constant 0 : i32
      %dma_wait3A_492 = tpu.memref_slice %arg8[%dma_wait3A_491] : memref<528xi32, #tpu.memory_space<vmem>> -> memref<512xi32, #tpu.memory_space<vmem>>
      %dma_wait3A_493 = tpu.memref_slice %arg3[%mul3A_2] : memref<16384xi32, #tpu.memory_space<hbm>> -> memref<512xi32, #tpu.memory_space<hbm>>
      tpu.wait_dma2 semaphore(%run_scoped3A : memref<!tpu.dma_semaphore, #tpu.memory_space<semaphore_mem>>) src(%dma_wait3A_493 : memref<512xi32, #tpu.memory_space<hbm>>) dst(%dma_wait3A_492 : memref<512xi32, #tpu.memory_space<vmem>>)
      tpu.yield
    }) : () -> ()
    %get3A_238 = arith.constant 0 : index
    %get3A_239 = tpu.vector_load %arg8[%get3A_238] {strides = array<i32>} : memref<528xi32, #tpu.memory_space<vmem>>, vector<16xi32>,
    %shift_right_arithmetic3A_240 = arith.constant 7 : i32
    %shift_right_arithmetic3A_241 = vector.broadcast %shift_right_arithmetic3A_240 : i32 to vector<16xi32>
    %shift_right_arithmetic3A_242 = arith.shrsi %get3A_239, %shift_right_arithmetic3A_241 : vector<16xi32>
    %mul3A_243 = arith.constant 128 : i32
    %mul3A_244 = vector.broadcast %mul3A_243 : i32 to vector<16xi32>
    %mul3A_245 = arith.muli %shift_right_arithmetic3A_242, %mul3A_244 : vector<16xi32>
    %eq3A_246 = arith.constant 0 : i32
    %eq3A_247 = vector.broadcast %eq3A_246 : i32 to vector<16xi32>
    %eq3A_248 = arith.cmpi eq, %iota3A, %eq3A_247 : vector<16xi32>
    %jit3A_249 = arith.constant 0 : i32
    %broadcast_in_dim3A_250 = vector.broadcast %jit3A_249 : i32 to vector<16xi32>
    %select_n3A_251 = arith.select %eq3A_248, %mul3A_245, %broadcast_in_dim3A_250 : vector<16xi1>, vector<16xi32>
    %reduce_max3A_252 = arith.constant true
    %reduce_max3A_253 = vector.broadcast %reduce_max3A_252 : i1 to vector<16xi1>
    %reduce_max3A_254 = arith.constant -2147483648 : i32
    %reduce_max3A_255 = vector.broadcast %reduce_max3A_254 : i32 to vector<16xi32>
    %reduce_max3A_256 = arith.xori %select_n3A_251, %reduce_max3A_255 : vector<16xi32>
    %reduce_max3A_257 = tpu.scan <max>, %reduce_max3A_256 masked %reduce_max3A_253 : vector<16xi32>, vector<16xi1> -> vector<16xi32>
    %reduce_max3A_258 = arith.xori %reduce_max3A_257, %reduce_max3A_255 : vector<16xi32>
    %reduce_max3A_259 = vector.extract %reduce_max3A_258[15] : i32 from vector<16xi32>
    %multiple_of3A_260 = tpu.assume_multiple %reduce_max3A_259, 128 : i32
    %dma_start3A_261 = arith.constant 0 : i32
    %dma_start3A_262 = arith.constant 0 : i32
    %dma_start3A_263 = arith.constant 0 : i32
    %dma_start3A_264 = arith.constant 0 : i32
    %dma_start3A_265 = tpu.memref_slice %arg9[%dma_start3A_261, %dma_start3A_262, %dma_start3A_263, %dma_start3A_264] : memref<2x8x32x128xf32, #tpu.memory_space<vmem>> -> memref<1x1x32x128xf32, #tpu.memory_space<vmem>>
    %dma_start3A_266 = tpu.memref_squeeze %dma_start3A_265 : memref<1x1x32x128xf32, #tpu.memory_space<vmem>> -> memref<32x128xf32, #tpu.memory_space<vmem>>
    %dma_start3A_267 = arith.constant 0 : i32
    %dma_start3A_268 = tpu.memref_slice %arg5[%dma_start3A_267, %multiple_of3A_260] : memref<32x1000000xf32, #tpu.memory_space<hbm>> -> memref<32x128xf32, #tpu.memory_space<hbm>>
    %dma_start3A_269 = arith.constant 0 : i32
    %dma_start3A_270 = arith.constant 0 : i32
    %dma_start3A_271 = tpu.memref_slice %arg9[%dma_start3A_261, %dma_start3A_262, %dma_start3A_269, %dma_start3A_270] : memref<2x8x32x128xf32, #tpu.memory_space<vmem>> -> memref<1x1x32x128xf32, #tpu.memory_space<vmem>>
    %dma_start3A_272 = tpu.memref_squeeze %dma_start3A_271 : memref<1x1x32x128xf32, #tpu.memory_space<vmem>> -> memref<32x128xf32, #tpu.memory_space<vmem>>
    %dma_start3A_273 = arith.constant 0 : i32
    %dma_start3A_274 = tpu.memref_slice %arg5[%dma_start3A_273, %multiple_of3A_260] : memref<32x1000000xf32, #tpu.memory_space<hbm>> -> memref<32x128xf32, #tpu.memory_space<hbm>>
    tpu.enqueue_dma source(%dma_start3A_274 : memref<32x128xf32, #tpu.memory_space<hbm>>) target(%dma_start3A_272 : memref<32x128xf32, #tpu.memory_space<vmem>>) target_semaphore(%arg11 : memref<!tpu.dma_semaphore, #tpu.memory_space<semaphore_mem>>)
    %eq3A_275 = arith.constant 1 : i32
    %eq3A_276 = vector.broadcast %eq3A_275 : i32 to vector<16xi32>
    %eq3A_277 = arith.cmpi eq, %iota3A, %eq3A_276 : vector<16xi32>
    %jit3A_278 = arith.constant 0 : i32
    %broadcast_in_dim3A_279 = vector.broadcast %jit3A_278 : i32 to vector<16xi32>
    %select_n3A_280 = arith.select %eq3A_277, %mul3A_245, %broadcast_in_dim3A_279 : vector<16xi1>, vector<16xi32>
    %reduce_max3A_281 = arith.constant true
    %reduce_max3A_282 = vector.broadcast %reduce_max3A_281 : i1 to vector<16xi1>
    %reduce_max3A_283 = arith.constant -2147483648 : i32
    %reduce_max3A_284 = vector.broadcast %reduce_max3A_283 : i32 to vector<16xi32>
    %reduce_max3A_285 = arith.xori %select_n3A_280, %reduce_max3A_284 : vector<16xi32>
    %reduce_max3A_286 = tpu.scan <max>, %reduce_max3A_285 masked %reduce_max3A_282 : vector<16xi32>, vector<16xi1> -> vector<16xi32>
    %reduce_max3A_287 = arith.xori %reduce_max3A_286, %reduce_max3A_284 : vector<16xi32>
    %reduce_max3A_288 = vector.extract %reduce_max3A_287[15] : i32 from vector<16xi32>
    %multiple_of3A_289 = tpu.assume_multiple %reduce_max3A_288, 128 : i32
    %dma_start3A_290 = arith.constant 0 : i32
    %dma_start3A_291 = arith.constant 1 : i32
    %dma_start3A_292 = arith.constant 0 : i32
    %dma_start3A_293 = arith.constant 0 : i32
    %dma_start3A_294 = tpu.memref_slice %arg9[%dma_start3A_290, %dma_start3A_291, %dma_start3A_292, %dma_start3A_293] : memref<2x8x32x128xf32, #tpu.memory_space<vmem>> -> memref<1x1x32x128xf32, #tpu.memory_space<vmem>>
    %dma_start3A_295 = tpu.memref_squeeze %dma_start3A_294 : memref<1x1x32x128xf32, #tpu.memory_space<vmem>> -> memref<32x128xf32, #tpu.memory_space<vmem>>
    %dma_start3A_296 = arith.constant 0 : i32
    %dma_start3A_297 = tpu.memref_slice %arg5[%dma_start3A_296, %multiple_of3A_289] : memref<32x1000000xf32, #tpu.memory_space<hbm>> -> memref<32x128xf32, #tpu.memory_space<hbm>>
    %dma_start3A_298 = arith.constant 0 : i32
    %dma_start3A_299 = arith.constant 0 : i32
    %dma_start3A_300 = tpu.memref_slice %arg9[%dma_start3A_290, %dma_start3A_291, %dma_start3A_298, %dma_start3A_299] : memref<2x8x32x128xf32, #tpu.memory_space<vmem>> -> memref<1x1x32x128xf32, #tpu.memory_space<vmem>>
    %dma_start3A_301 = tpu.memref_squeeze %dma_start3A_300 : memref<1x1x32x128xf32, #tpu.memory_space<vmem>> -> memref<32x128xf32, #tpu.memory_space<vmem>>
    %dma_start3A_302 = arith.constant 0 : i32
    %dma_start3A_303 = tpu.memref_slice %arg5[%dma_start3A_302, %multiple_of3A_289] : memref<32x1000000xf32, #tpu.memory_space<hbm>> -> memref<32x128xf32, #tpu.memory_space<hbm>>
    tpu.enqueue_dma source(%dma_start3A_303 : memref<32x128xf32, #tpu.memory_space<hbm>>) target(%dma_start3A_301 : memref<32x128xf32, #tpu.memory_space<vmem>>) target_semaphore(%arg11 : memref<!tpu.dma_semaphore, #tpu.memory_space<semaphore_mem>>)
    %eq3A_304 = arith.constant 2 : i32
    %eq3A_305 = vector.broadcast %eq3A_304 : i32 to vector<16xi32>
    %eq3A_306 = arith.cmpi eq, %iota3A, %eq3A_305 : vector<16xi32>
    %jit3A_307 = arith.constant 0 : i32
    %broadcast_in_dim3A_308 = vector.broadcast %jit3A_307 : i32 to vector<16xi32>
    %select_n3A_309 = arith.select %eq3A_306, %mul3A_245, %broadcast_in_dim3A_308 : vector<16xi1>, vector<16xi32>
    %reduce_max3A_310 = arith.constant true
    %reduce_max3A_311 = vector.broadcast %reduce_max3A_310 : i1 to vector<16xi1>
    %reduce_max3A_312 = arith.constant -2147483648 : i32
    %reduce_max3A_313 = vector.broadcast %reduce_max3A_312 : i32 to vector<16xi32>
    %reduce_max3A_314 = arith.xori %select_n3A_309, %reduce_max3A_313 : vector<16xi32>
    %reduce_max3A_315 = tpu.scan <max>, %reduce_max3A_314 masked %reduce_max3A_311 : vector<16xi32>, vector<16xi1> -> vector<16xi32>
    %reduce_max3A_316 = arith.xori %reduce_max3A_315, %reduce_max3A_313 : vector<16xi32>
    %reduce_max3A_317 = vector.extract %reduce_max3A_316[15] : i32 from vector<16xi32>
    %multiple_of3A_318 = tpu.assume_multiple %reduce_max3A_317, 128 : i32
    %dma_start3A_319 = arith.constant 0 : i32
    %dma_start3A_320 = arith.constant 2 : i32
    %dma_start3A_321 = arith.constant 0 : i32
    %dma_start3A_322 = arith.constant 0 : i32
    %dma_start3A_323 = tpu.memref_slice %arg9[%dma_start3A_319, %dma_start3A_320, %dma_start3A_321, %dma_start3A_322] : memref<2x8x32x128xf32, #tpu.memory_space<vmem>> -> memref<1x1x32x128xf32, #tpu.memory_space<vmem>>
    %dma_start3A_324 = tpu.memref_squeeze %dma_start3A_323 : memref<1x1x32x128xf32, #tpu.memory_space<vmem>> -> memref<32x128xf32, #tpu.memory_space<vmem>>
    %dma_start3A_325 = arith.constant 0 : i32
    %dma_start3A_326 = tpu.memref_slice %arg5[%dma_start3A_325, %multiple_of3A_318] : memref<32x1000000xf32, #tpu.memory_space<hbm>> -> memref<32x128xf32, #tpu.memory_space<hbm>>
    %dma_start3A_327 = arith.constant 0 : i32
    %dma_start3A_328 = arith.constant 0 : i32
    %dma_start3A_329 = tpu.memref_slice %arg9[%dma_start3A_319, %dma_start3A_320, %dma_start3A_327, %dma_start3A_328] : memref<2x8x32x128xf32, #tpu.memory_space<vmem>> -> memref<1x1x32x128xf32, #tpu.memory_space<vmem>>
    %dma_start3A_330 = tpu.memref_squeeze %dma_start3A_329 : memref<1x1x32x128xf32, #tpu.memory_space<vmem>> -> memref<32x128xf32, #tpu.memory_space<vmem>>
    %dma_start3A_331 = arith.constant 0 : i32
    %dma_start3A_332 = tpu.memref_slice %arg5[%dma_start3A_331, %multiple_of3A_318] : memref<32x1000000xf32, #tpu.memory_space<hbm>> -> memref<32x128xf32, #tpu.memory_space<hbm>>
    tpu.enqueue_dma source(%dma_start3A_332 : memref<32x128xf32, #tpu.memory_space<hbm>>) target(%dma_start3A_330 : memref<32x128xf32, #tpu.memory_space<vmem>>) target_semaphore(%arg11 : memref<!tpu.dma_semaphore, #tpu.memory_space<semaphore_mem>>)
    %eq3A_333 = arith.constant 3 : i32
    %eq3A_334 = vector.broadcast %eq3A_333 : i32 to vector<16xi32>
    %eq3A_335 = arith.cmpi eq, %iota3A, %eq3A_334 : vector<16xi32>
    %jit3A_336 = arith.constant 0 : i32
    %broadcast_in_dim3A_337 = vector.broadcast %jit3A_336 : i32 to vector<16xi32>
    %select_n3A_338 = arith.select %eq3A_335, %mul3A_245, %broadcast_in_dim3A_337 : vector<16xi1>, vector<16xi32>
    %reduce_max3A_339 = arith.constant true
    %reduce_max3A_340 = vector.broadcast %reduce_max3A_339 : i1 to vector<16xi1>
    %reduce_max3A_341 = arith.constant -2147483648 : i32
    %reduce_max3A_342 = vector.broadcast %reduce_max3A_341 : i32 to vector<16xi32>
    %reduce_max3A_343 = arith.xori %select_n3A_338, %reduce_max3A_342 : vector<16xi32>
    %reduce_max3A_344 = tpu.scan <max>, %reduce_max3A_343 masked %reduce_max3A_340 : vector<16xi32>, vector<16xi1> -> vector<16xi32>
    %reduce_max3A_345 = arith.xori %reduce_max3A_344, %reduce_max3A_342 : vector<16xi32>
    %reduce_max3A_346 = vector.extract %reduce_max3A_345[15] : i32 from vector<16xi32>
    %multiple_of3A_347 = tpu.assume_multiple %reduce_max3A_346, 128 : i32
    %dma_start3A_348 = arith.constant 0 : i32
    %dma_start3A_349 = arith.constant 3 : i32
    %dma_start3A_350 = arith.constant 0 : i32
    %dma_start3A_351 = arith.constant 0 : i32
    %dma_start3A_352 = tpu.memref_slice %arg9[%dma_start3A_348, %dma_start3A_349, %dma_start3A_350, %dma_start3A_351] : memref<2x8x32x128xf32, #tpu.memory_space<vmem>> -> memref<1x1x32x128xf32, #tpu.memory_space<vmem>>
    %dma_start3A_353 = tpu.memref_squeeze %dma_start3A_352 : memref<1x1x32x128xf32, #tpu.memory_space<vmem>> -> memref<32x128xf32, #tpu.memory_space<vmem>>
    %dma_start3A_354 = arith.constant 0 : i32
    %dma_start3A_355 = tpu.memref_slice %arg5[%dma_start3A_354, %multiple_of3A_347] : memref<32x1000000xf32, #tpu.memory_space<hbm>> -> memref<32x128xf32, #tpu.memory_space<hbm>>
    %dma_start3A_356 = arith.constant 0 : i32
    %dma_start3A_357 = arith.constant 0 : i32
    %dma_start3A_358 = tpu.memref_slice %arg9[%dma_start3A_348, %dma_start3A_349, %dma_start3A_356, %dma_start3A_357] : memref<2x8x32x128xf32, #tpu.memory_space<vmem>> -> memref<1x1x32x128xf32, #tpu.memory_space<vmem>>
    %dma_start3A_359 = tpu.memref_squeeze %dma_start3A_358 : memref<1x1x32x128xf32, #tpu.memory_space<vmem>> -> memref<32x128xf32, #tpu.memory_space<vmem>>
    %dma_start3A_360 = arith.constant 0 : i32
    %dma_start3A_361 = tpu.memref_slice %arg5[%dma_start3A_360, %multiple_of3A_347] : memref<32x1000000xf32, #tpu.memory_space<hbm>> -> memref<32x128xf32, #tpu.memory_space<hbm>>
    tpu.enqueue_dma source(%dma_start3A_361 : memref<32x128xf32, #tpu.memory_space<hbm>>) target(%dma_start3A_359 : memref<32x128xf32, #tpu.memory_space<vmem>>) target_semaphore(%arg11 : memref<!tpu.dma_semaphore, #tpu.memory_space<semaphore_mem>>)
    %eq3A_362 = arith.constant 4 : i32
    %eq3A_363 = vector.broadcast %eq3A_362 : i32 to vector<16xi32>
    %eq3A_364 = arith.cmpi eq, %iota3A, %eq3A_363 : vector<16xi32>
    %jit3A_365 = arith.constant 0 : i32
    %broadcast_in_dim3A_366 = vector.broadcast %jit3A_365 : i32 to vector<16xi32>
    %select_n3A_367 = arith.select %eq3A_364, %mul3A_245, %broadcast_in_dim3A_366 : vector<16xi1>, vector<16xi32>
    %reduce_max3A_368 = arith.constant true
    %reduce_max3A_369 = vector.broadcast %reduce_max3A_368 : i1 to vector<16xi1>
    %reduce_max3A_370 = arith.constant -2147483648 : i32
    %reduce_max3A_371 = vector.broadcast %reduce_max3A_370 : i32 to vector<16xi32>
    %reduce_max3A_372 = arith.xori %select_n3A_367, %reduce_max3A_371 : vector<16xi32>
    %reduce_max3A_373 = tpu.scan <max>, %reduce_max3A_372 masked %reduce_max3A_369 : vector<16xi32>, vector<16xi1> -> vector<16xi32>
    %reduce_max3A_374 = arith.xori %reduce_max3A_373, %reduce_max3A_371 : vector<16xi32>
    %reduce_max3A_375 = vector.extract %reduce_max3A_374[15] : i32 from vector<16xi32>
    %multiple_of3A_376 = tpu.assume_multiple %reduce_max3A_375, 128 : i32
    %dma_start3A_377 = arith.constant 0 : i32
    %dma_start3A_378 = arith.constant 4 : i32
    %dma_start3A_379 = arith.constant 0 : i32
    %dma_start3A_380 = arith.constant 0 : i32
    %dma_start3A_381 = tpu.memref_slice %arg9[%dma_start3A_377, %dma_start3A_378, %dma_start3A_379, %dma_start3A_380] : memref<2x8x32x128xf32, #tpu.memory_space<vmem>> -> memref<1x1x32x128xf32, #tpu.memory_space<vmem>>
    %dma_start3A_382 = tpu.memref_squeeze %dma_start3A_381 : memref<1x1x32x128xf32, #tpu.memory_space<vmem>> -> memref<32x128xf32, #tpu.memory_space<vmem>>
    %dma_start3A_383 = arith.constant 0 : i32
    %dma_start3A_384 = tpu.memref_slice %arg5[%dma_start3A_383, %multiple_of3A_376] : memref<32x1000000xf32, #tpu.memory_space<hbm>> -> memref<32x128xf32, #tpu.memory_space<hbm>>
    %dma_start3A_385 = arith.constant 0 : i32
    %dma_start3A_386 = arith.constant 0 : i32
    %dma_start3A_387 = tpu.memref_slice %arg9[%dma_start3A_377, %dma_start3A_378, %dma_start3A_385, %dma_start3A_386] : memref<2x8x32x128xf32, #tpu.memory_space<vmem>> -> memref<1x1x32x128xf32, #tpu.memory_space<vmem>>
    %dma_start3A_388 = tpu.memref_squeeze %dma_start3A_387 : memref<1x1x32x128xf32, #tpu.memory_space<vmem>> -> memref<32x128xf32, #tpu.memory_space<vmem>>
    %dma_start3A_389 = arith.constant 0 : i32
    %dma_start3A_390 = tpu.memref_slice %arg5[%dma_start3A_389, %multiple_of3A_376] : memref<32x1000000xf32, #tpu.memory_space<hbm>> -> memref<32x128xf32, #tpu.memory_space<hbm>>
    tpu.enqueue_dma source(%dma_start3A_390 : memref<32x128xf32, #tpu.memory_space<hbm>>) target(%dma_start3A_388 : memref<32x128xf32, #tpu.memory_space<vmem>>) target_semaphore(%arg11 : memref<!tpu.dma_semaphore, #tpu.memory_space<semaphore_mem>>)
    %eq3A_391 = arith.constant 5 : i32
    %eq3A_392 = vector.broadcast %eq3A_391 : i32 to vector<16xi32>
    %eq3A_393 = arith.cmpi eq, %iota3A, %eq3A_392 : vector<16xi32>
    %jit3A_394 = arith.constant 0 : i32
    %broadcast_in_dim3A_395 = vector.broadcast %jit3A_394 : i32 to vector<16xi32>
    %select_n3A_396 = arith.select %eq3A_393, %mul3A_245, %broadcast_in_dim3A_395 : vector<16xi1>, vector<16xi32>
    %reduce_max3A_397 = arith.constant true
    %reduce_max3A_398 = vector.broadcast %reduce_max3A_397 : i1 to vector<16xi1>
    %reduce_max3A_399 = arith.constant -2147483648 : i32
    %reduce_max3A_400 = vector.broadcast %reduce_max3A_399 : i32 to vector<16xi32>
    %reduce_max3A_401 = arith.xori %select_n3A_396, %reduce_max3A_400 : vector<16xi32>
    %reduce_max3A_402 = tpu.scan <max>, %reduce_max3A_401 masked %reduce_max3A_398 : vector<16xi32>, vector<16xi1> -> vector<16xi32>
    %reduce_max3A_403 = arith.xori %reduce_max3A_402, %reduce_max3A_400 : vector<16xi32>
    %reduce_max3A_404 = vector.extract %reduce_max3A_403[15] : i32 from vector<16xi32>
    %multiple_of3A_405 = tpu.assume_multiple %reduce_max3A_404, 128 : i32
    %dma_start3A_406 = arith.constant 0 : i32
    %dma_start3A_407 = arith.constant 5 : i32
    %dma_start3A_408 = arith.constant 0 : i32
    %dma_start3A_409 = arith.constant 0 : i32
    %dma_start3A_410 = tpu.memref_slice %arg9[%dma_start3A_406, %dma_start3A_407, %dma_start3A_408, %dma_start3A_409] : memref<2x8x32x128xf32, #tpu.memory_space<vmem>> -> memref<1x1x32x128xf32, #tpu.memory_space<vmem>>
    %dma_start3A_411 = tpu.memref_squeeze %dma_start3A_410 : memref<1x1x32x128xf32, #tpu.memory_space<vmem>> -> memref<32x128xf32, #tpu.memory_space<vmem>>
    %dma_start3A_412 = arith.constant 0 : i32
    %dma_start3A_413 = tpu.memref_slice %arg5[%dma_start3A_412, %multiple_of3A_405] : memref<32x1000000xf32, #tpu.memory_space<hbm>> -> memref<32x128xf32, #tpu.memory_space<hbm>>
    %dma_start3A_414 = arith.constant 0 : i32
    %dma_start3A_415 = arith.constant 0 : i32
    %dma_start3A_416 = tpu.memref_slice %arg9[%dma_start3A_406, %dma_start3A_407, %dma_start3A_414, %dma_start3A_415] : memref<2x8x32x128xf32, #tpu.memory_space<vmem>> -> memref<1x1x32x128xf32, #tpu.memory_space<vmem>>
    %dma_start3A_417 = tpu.memref_squeeze %dma_start3A_416 : memref<1x1x32x128xf32, #tpu.memory_space<vmem>> -> memref<32x128xf32, #tpu.memory_space<vmem>>
    %dma_start3A_418 = arith.constant 0 : i32
    %dma_start3A_419 = tpu.memref_slice %arg5[%dma_start3A_418, %multiple_of3A_405] : memref<32x1000000xf32, #tpu.memory_space<hbm>> -> memref<32x128xf32, #tpu.memory_space<hbm>>
    tpu.enqueue_dma source(%dma_start3A_419 : memref<32x128xf32, #tpu.memory_space<hbm>>) target(%dma_start3A_417 : memref<32x128xf32, #tpu.memory_space<vmem>>) target_semaphore(%arg11 : memref<!tpu.dma_semaphore, #tpu.memory_space<semaphore_mem>>)
    %eq3A_420 = arith.constant 6 : i32
    %eq3A_421 = vector.broadcast %eq3A_420 : i32 to vector<16xi32>
    %eq3A_422 = arith.cmpi eq, %iota3A, %eq3A_421 : vector<16xi32>
    %jit3A_423 = arith.constant 0 : i32
    %broadcast_in_dim3A_424 = vector.broadcast %jit3A_423 : i32 to vector<16xi32>
    %select_n3A_425 = arith.select %eq3A_422, %mul3A_245, %broadcast_in_dim3A_424 : vector<16xi1>, vector<16xi32>
    %reduce_max3A_426 = arith.constant true
    %reduce_max3A_427 = vector.broadcast %reduce_max3A_426 : i1 to vector<16xi1>
    %reduce_max3A_428 = arith.constant -2147483648 : i32
    %reduce_max3A_429 = vector.broadcast %reduce_max3A_428 : i32 to vector<16xi32>
    %reduce_max3A_430 = arith.xori %select_n3A_425, %reduce_max3A_429 : vector<16xi32>
    %reduce_max3A_431 = tpu.scan <max>, %reduce_max3A_430 masked %reduce_max3A_427 : vector<16xi32>, vector<16xi1> -> vector<16xi32>
    %reduce_max3A_432 = arith.xori %reduce_max3A_431, %reduce_max3A_429 : vector<16xi32>
    %reduce_max3A_433 = vector.extract %reduce_max3A_432[15] : i32 from vector<16xi32>
    %multiple_of3A_434 = tpu.assume_multiple %reduce_max3A_433, 128 : i32
    %dma_start3A_435 = arith.constant 0 : i32
    %dma_start3A_436 = arith.constant 6 : i32
    %dma_start3A_437 = arith.constant 0 : i32
    %dma_start3A_438 = arith.constant 0 : i32
    %dma_start3A_439 = tpu.memref_slice %arg9[%dma_start3A_435, %dma_start3A_436, %dma_start3A_437, %dma_start3A_438] : memref<2x8x32x128xf32, #tpu.memory_space<vmem>> -> memref<1x1x32x128xf32, #tpu.memory_space<vmem>>
    %dma_start3A_440 = tpu.memref_squeeze %dma_start3A_439 : memref<1x1x32x128xf32, #tpu.memory_space<vmem>> -> memref<32x128xf32, #tpu.memory_space<vmem>>
    %dma_start3A_441 = arith.constant 0 : i32
    %dma_start3A_442 = tpu.memref_slice %arg5[%dma_start3A_441, %multiple_of3A_434] : memref<32x1000000xf32, #tpu.memory_space<hbm>> -> memref<32x128xf32, #tpu.memory_space<hbm>>
    %dma_start3A_443 = arith.constant 0 : i32
    %dma_start3A_444 = arith.constant 0 : i32
    %dma_start3A_445 = tpu.memref_slice %arg9[%dma_start3A_435, %dma_start3A_436, %dma_start3A_443, %dma_start3A_444] : memref<2x8x32x128xf32, #tpu.memory_space<vmem>> -> memref<1x1x32x128xf32, #tpu.memory_space<vmem>>
    %dma_start3A_446 = tpu.memref_squeeze %dma_start3A_445 : memref<1x1x32x128xf32, #tpu.memory_space<vmem>> -> memref<32x128xf32, #tpu.memory_space<vmem>>
    %dma_start3A_447 = arith.constant 0 : i32
    %dma_start3A_448 = tpu.memref_slice %arg5[%dma_start3A_447, %multiple_of3A_434] : memref<32x1000000xf32, #tpu.memory_space<hbm>> -> memref<32x128xf32, #tpu.memory_space<hbm>>
    tpu.enqueue_dma source(%dma_start3A_448 : memref<32x128xf32, #tpu.memory_space<hbm>>) target(%dma_start3A_446 : memref<32x128xf32, #tpu.memory_space<vmem>>) target_semaphore(%arg11 : memref<!tpu.dma_semaphore, #tpu.memory_space<semaphore_mem>>)
    %eq3A_449 = arith.constant 7 : i32
    %eq3A_450 = vector.broadcast %eq3A_449 : i32 to vector<16xi32>
    %eq3A_451 = arith.cmpi eq, %iota3A, %eq3A_450 : vector<16xi32>
    %jit3A_452 = arith.constant 0 : i32
    %broadcast_in_dim3A_453 = vector.broadcast %jit3A_452 : i32 to vector<16xi32>
    %select_n3A_454 = arith.select %eq3A_451, %mul3A_245, %broadcast_in_dim3A_453 : vector<16xi1>, vector<16xi32>
    %reduce_max3A_455 = arith.constant true
    %reduce_max3A_456 = vector.broadcast %reduce_max3A_455 : i1 to vector<16xi1>
    %reduce_max3A_457 = arith.constant -2147483648 : i32
    %reduce_max3A_458 = vector.broadcast %reduce_max3A_457 : i32 to vector<16xi32>
    %reduce_max3A_459 = arith.xori %select_n3A_454, %reduce_max3A_458 : vector<16xi32>
    %reduce_max3A_460 = tpu.scan <max>, %reduce_max3A_459 masked %reduce_max3A_456 : vector<16xi32>, vector<16xi1> -> vector<16xi32>
    %reduce_max3A_461 = arith.xori %reduce_max3A_460, %reduce_max3A_458 : vector<16xi32>
    %reduce_max3A_462 = vector.extract %reduce_max3A_461[15] : i32 from vector<16xi32>
    %multiple_of3A_463 = tpu.assume_multiple %reduce_max3A_462, 128 : i32
    %dma_start3A_464 = arith.constant 0 : i32
    %dma_start3A_465 = arith.constant 7 : i32
    %dma_start3A_466 = arith.constant 0 : i32
    %dma_start3A_467 = arith.constant 0 : i32
    %dma_start3A_468 = tpu.memref_slice %arg9[%dma_start3A_464, %dma_start3A_465, %dma_start3A_466, %dma_start3A_467] : memref<2x8x32x128xf32, #tpu.memory_space<vmem>> -> memref<1x1x32x128xf32, #tpu.memory_space<vmem>>
    %dma_start3A_469 = tpu.memref_squeeze %dma_start3A_468 : memref<1x1x32x128xf32, #tpu.memory_space<vmem>> -> memref<32x128xf32, #tpu.memory_space<vmem>>
    %dma_start3A_470 = arith.constant 0 : i32
    %dma_start3A_471 = tpu.memref_slice %arg5[%dma_start3A_470, %multiple_of3A_463] : memref<32x1000000xf32, #tpu.memory_space<hbm>> -> memref<32x128xf32, #tpu.memory_space<hbm>>
    %dma_start3A_472 = arith.constant 0 : i32
    %dma_start3A_473 = arith.constant 0 : i32
    %dma_start3A_474 = tpu.memref_slice %arg9[%dma_start3A_464, %dma_start3A_465, %dma_start3A_472, %dma_start3A_473] : memref<2x8x32x128xf32, #tpu.memory_space<vmem>> -> memref<1x1x32x128xf32, #tpu.memory_space<vmem>>
    %dma_start3A_475 = tpu.memref_squeeze %dma_start3A_474 : memref<1x1x32x128xf32, #tpu.memory_space<vmem>> -> memref<32x128xf32, #tpu.memory_space<vmem>>
    %dma_start3A_476 = arith.constant 0 : i32
    %dma_start3A_477 = tpu.memref_slice %arg5[%dma_start3A_476, %multiple_of3A_463] : memref<32x1000000xf32, #tpu.memory_space<hbm>> -> memref<32x128xf32, #tpu.memory_space<hbm>>
    tpu.enqueue_dma source(%dma_start3A_477 : memref<32x128xf32, #tpu.memory_space<hbm>>) target(%dma_start3A_475 : memref<32x128xf32, #tpu.memory_space<vmem>>) target_semaphore(%arg11 : memref<!tpu.dma_semaphore, #tpu.memory_space<semaphore_mem>>)
    %scan3A_478 = arith.constant 0 : i32
    %scan3A_479 = arith.constant 32 : i32
    %scan3A_480 = arith.addi %scan3A_478, %scan3A_479 : i32
    %scan3A_481 = arith.constant 1 : i32
    scf.for %scan3A_483 = %scan3A_478 to %scan3A_480 step %scan3A_481  : i32 {
      %mul3A_484 = arith.constant 1 : i32
      %mul3A_485 = arith.muli %scan3A_483, %mul3A_484 : i32
      %add3A_486 = arith.constant 0 : i32
      %add3A_487 = arith.addi %add3A_486, %mul3A_485 : i32
      %mul3A_488 = arith.constant 2 : i32
      %mul3A_489 = arith.muli %add3A_487, %mul3A_488 : i32
      %add3A_490 = arith.constant 1 : i32
      %add3A_491 = arith.addi %mul3A_489, %add3A_490 : i32
      %mul3A_492 = arith.constant 8 : i32
      %mul3A_493 = arith.muli %add3A_491, %mul3A_492 : i32
      %get3A_494 = arith.index_cast %mul3A_493 : i32 to index
      %get3A_495 = tpu.vector_load %arg8[%get3A_494] {strides = array<i32>} : memref<528xi32, #tpu.memory_space<vmem>>, vector<16xi32>,
      %shift_right_arithmetic3A_496 = arith.constant 7 : i32
      %shift_right_arithmetic3A_497 = vector.broadcast %shift_right_arithmetic3A_496 : i32 to vector<16xi32>
      %shift_right_arithmetic3A_498 = arith.shrsi %get3A_495, %shift_right_arithmetic3A_497 : vector<16xi32>
      %mul3A_499 = arith.constant 128 : i32
      %mul3A_500 = vector.broadcast %mul3A_499 : i32 to vector<16xi32>
      %mul3A_501 = arith.muli %shift_right_arithmetic3A_498, %mul3A_500 : vector<16xi32>
      %eq3A_502 = arith.constant 0 : i32
      %eq3A_503 = vector.broadcast %eq3A_502 : i32 to vector<16xi32>
      %eq3A_504 = arith.cmpi eq, %iota3A, %eq3A_503 : vector<16xi32>
      %jit3A_505 = arith.constant 0 : i32
      %broadcast_in_dim3A_506 = vector.broadcast %jit3A_505 : i32 to vector<16xi32>
      %select_n3A_507 = arith.select %eq3A_504, %mul3A_501, %broadcast_in_dim3A_506 : vector<16xi1>, vector<16xi32>
      %reduce_max3A_508 = arith.constant true
      %reduce_max3A_509 = vector.broadcast %reduce_max3A_508 : i1 to vector<16xi1>
      %reduce_max3A_510 = arith.constant -2147483648 : i32
      %reduce_max3A_511 = vector.broadcast %reduce_max3A_510 : i32 to vector<16xi32>
      %reduce_max3A_512 = arith.xori %select_n3A_507, %reduce_max3A_511 : vector<16xi32>
      %reduce_max3A_513 = tpu.scan <max>, %reduce_max3A_512 masked %reduce_max3A_509 : vector<16xi32>, vector<16xi1> -> vector<16xi32>
      %reduce_max3A_514 = arith.xori %reduce_max3A_513, %reduce_max3A_511 : vector<16xi32>
      %reduce_max3A_515 = vector.extract %reduce_max3A_514[15] : i32 from vector<16xi32>
      %multiple_of3A_516 = tpu.assume_multiple %reduce_max3A_515, 128 : i32
      %dma_start3A_517 = arith.constant 1 : i32
      %dma_start3A_518 = arith.constant 0 : i32
      %dma_start3A_519 = arith.constant 0 : i32
      %dma_start3A_520 = arith.constant 0 : i32
      %dma_start3A_521 = tpu.memref_slice %arg9[%dma_start3A_517, %dma_start3A_518, %dma_start3A_519, %dma_start3A_520] : memref<2x8x32x128xf32, #tpu.memory_space<vmem>> -> memref<1x1x32x128xf32, #tpu.memory_space<vmem>>
      %dma_start3A_522 = tpu.memref_squeeze %dma_start3A_521 : memref<1x1x32x128xf32, #tpu.memory_space<vmem>> -> memref<32x128xf32, #tpu.memory_space<vmem>>
      %dma_start3A_523 = arith.constant 0 : i32
      %dma_start3A_524 = tpu.memref_slice %arg5[%dma_start3A_523, %multiple_of3A_516] : memref<32x1000000xf32, #tpu.memory_space<hbm>> -> memref<32x128xf32, #tpu.memory_space<hbm>>
      %dma_start3A_525 = arith.constant 0 : i32
      %dma_start3A_526 = arith.constant 0 : i32
      %dma_start3A_527 = tpu.memref_slice %arg9[%dma_start3A_517, %dma_start3A_518, %dma_start3A_525, %dma_start3A_526] : memref<2x8x32x128xf32, #tpu.memory_space<vmem>> -> memref<1x1x32x128xf32, #tpu.memory_space<vmem>>
      %dma_start3A_528 = tpu.memref_squeeze %dma_start3A_527 : memref<1x1x32x128xf32, #tpu.memory_space<vmem>> -> memref<32x128xf32, #tpu.memory_space<vmem>>
      %dma_start3A_529 = arith.constant 0 : i32
      %dma_start3A_530 = tpu.memref_slice %arg5[%dma_start3A_529, %multiple_of3A_516] : memref<32x1000000xf32, #tpu.memory_space<hbm>> -> memref<32x128xf32, #tpu.memory_space<hbm>>
      tpu.enqueue_dma source(%dma_start3A_530 : memref<32x128xf32, #tpu.memory_space<hbm>>) target(%dma_start3A_528 : memref<32x128xf32, #tpu.memory_space<vmem>>) target_semaphore(%arg12 : memref<!tpu.dma_semaphore, #tpu.memory_space<semaphore_mem>>)
      %eq3A_531 = arith.constant 1 : i32
      %eq3A_532 = vector.broadcast %eq3A_531 : i32 to vector<16xi32>
      %eq3A_533 = arith.cmpi eq, %iota3A, %eq3A_532 : vector<16xi32>
      %jit3A_534 = arith.constant 0 : i32
      %broadcast_in_dim3A_535 = vector.broadcast %jit3A_534 : i32 to vector<16xi32>
      %select_n3A_536 = arith.select %eq3A_533, %mul3A_501, %broadcast_in_dim3A_535 : vector<16xi1>, vector<16xi32>
      %reduce_max3A_537 = arith.constant true
      %reduce_max3A_538 = vector.broadcast %reduce_max3A_537 : i1 to vector<16xi1>
      %reduce_max3A_539 = arith.constant -2147483648 : i32
      %reduce_max3A_540 = vector.broadcast %reduce_max3A_539 : i32 to vector<16xi32>
      %reduce_max3A_541 = arith.xori %select_n3A_536, %reduce_max3A_540 : vector<16xi32>
      %reduce_max3A_542 = tpu.scan <max>, %reduce_max3A_541 masked %reduce_max3A_538 : vector<16xi32>, vector<16xi1> -> vector<16xi32>
      %reduce_max3A_543 = arith.xori %reduce_max3A_542, %reduce_max3A_540 : vector<16xi32>
      %reduce_max3A_544 = vector.extract %reduce_max3A_543[15] : i32 from vector<16xi32>
      %multiple_of3A_545 = tpu.assume_multiple %reduce_max3A_544, 128 : i32
      %dma_start3A_546 = arith.constant 1 : i32
      %dma_start3A_547 = arith.constant 1 : i32
      %dma_start3A_548 = arith.constant 0 : i32
      %dma_start3A_549 = arith.constant 0 : i32
      %dma_start3A_550 = tpu.memref_slice %arg9[%dma_start3A_546, %dma_start3A_547, %dma_start3A_548, %dma_start3A_549] : memref<2x8x32x128xf32, #tpu.memory_space<vmem>> -> memref<1x1x32x128xf32, #tpu.memory_space<vmem>>
      %dma_start3A_551 = tpu.memref_squeeze %dma_start3A_550 : memref<1x1x32x128xf32, #tpu.memory_space<vmem>> -> memref<32x128xf32, #tpu.memory_space<vmem>>
      %dma_start3A_552 = arith.constant 0 : i32
      %dma_start3A_553 = tpu.memref_slice %arg5[%dma_start3A_552, %multiple_of3A_545] : memref<32x1000000xf32, #tpu.memory_space<hbm>> -> memref<32x128xf32, #tpu.memory_space<hbm>>
      %dma_start3A_554 = arith.constant 0 : i32
      %dma_start3A_555 = arith.constant 0 : i32
      %dma_start3A_556 = tpu.memref_slice %arg9[%dma_start3A_546, %dma_start3A_547, %dma_start3A_554, %dma_start3A_555] : memref<2x8x32x128xf32, #tpu.memory_space<vmem>> -> memref<1x1x32x128xf32, #tpu.memory_space<vmem>>
      %dma_start3A_557 = tpu.memref_squeeze %dma_start3A_556 : memref<1x1x32x128xf32, #tpu.memory_space<vmem>> -> memref<32x128xf32, #tpu.memory_space<vmem>>
      %dma_start3A_558 = arith.constant 0 : i32
      %dma_start3A_559 = tpu.memref_slice %arg5[%dma_start3A_558, %multiple_of3A_545] : memref<32x1000000xf32, #tpu.memory_space<hbm>> -> memref<32x128xf32, #tpu.memory_space<hbm>>
      tpu.enqueue_dma source(%dma_start3A_559 : memref<32x128xf32, #tpu.memory_space<hbm>>) target(%dma_start3A_557 : memref<32x128xf32, #tpu.memory_space<vmem>>) target_semaphore(%arg12 : memref<!tpu.dma_semaphore, #tpu.memory_space<semaphore_mem>>)
      %eq3A_560 = arith.constant 2 : i32
      %eq3A_561 = vector.broadcast %eq3A_560 : i32 to vector<16xi32>
      %eq3A_562 = arith.cmpi eq, %iota3A, %eq3A_561 : vector<16xi32>
      %jit3A_563 = arith.constant 0 : i32
      %broadcast_in_dim3A_564 = vector.broadcast %jit3A_563 : i32 to vector<16xi32>
      %select_n3A_565 = arith.select %eq3A_562, %mul3A_501, %broadcast_in_dim3A_564 : vector<16xi1>, vector<16xi32>
      %reduce_max3A_566 = arith.constant true
      %reduce_max3A_567 = vector.broadcast %reduce_max3A_566 : i1 to vector<16xi1>
      %reduce_max3A_568 = arith.constant -2147483648 : i32
      %reduce_max3A_569 = vector.broadcast %reduce_max3A_568 : i32 to vector<16xi32>
      %reduce_max3A_570 = arith.xori %select_n3A_565, %reduce_max3A_569 : vector<16xi32>
      %reduce_max3A_571 = tpu.scan <max>, %reduce_max3A_570 masked %reduce_max3A_567 : vector<16xi32>, vector<16xi1> -> vector<16xi32>
      %reduce_max3A_572 = arith.xori %reduce_max3A_571, %reduce_max3A_569 : vector<16xi32>
      %reduce_max3A_573 = vector.extract %reduce_max3A_572[15] : i32 from vector<16xi32>
      %multiple_of3A_574 = tpu.assume_multiple %reduce_max3A_573, 128 : i32
      %dma_start3A_575 = arith.constant 1 : i32
      %dma_start3A_576 = arith.constant 2 : i32
      %dma_start3A_577 = arith.constant 0 : i32
      %dma_start3A_578 = arith.constant 0 : i32
      %dma_start3A_579 = tpu.memref_slice %arg9[%dma_start3A_575, %dma_start3A_576, %dma_start3A_577, %dma_start3A_578] : memref<2x8x32x128xf32, #tpu.memory_space<vmem>> -> memref<1x1x32x128xf32, #tpu.memory_space<vmem>>
      %dma_start3A_580 = tpu.memref_squeeze %dma_start3A_579 : memref<1x1x32x128xf32, #tpu.memory_space<vmem>> -> memref<32x128xf32, #tpu.memory_space<vmem>>
      %dma_start3A_581 = arith.constant 0 : i32
      %dma_start3A_582 = tpu.memref_slice %arg5[%dma_start3A_581, %multiple_of3A_574] : memref<32x1000000xf32, #tpu.memory_space<hbm>> -> memref<32x128xf32, #tpu.memory_space<hbm>>
      %dma_start3A_583 = arith.constant 0 : i32
      %dma_start3A_584 = arith.constant 0 : i32
      %dma_start3A_585 = tpu.memref_slice %arg9[%dma_start3A_575, %dma_start3A_576, %dma_start3A_583, %dma_start3A_584] : memref<2x8x32x128xf32, #tpu.memory_space<vmem>> -> memref<1x1x32x128xf32, #tpu.memory_space<vmem>>
      %dma_start3A_586 = tpu.memref_squeeze %dma_start3A_585 : memref<1x1x32x128xf32, #tpu.memory_space<vmem>> -> memref<32x128xf32, #tpu.memory_space<vmem>>
      %dma_start3A_587 = arith.constant 0 : i32
      %dma_start3A_588 = tpu.memref_slice %arg5[%dma_start3A_587, %multiple_of3A_574] : memref<32x1000000xf32, #tpu.memory_space<hbm>> -> memref<32x128xf32, #tpu.memory_space<hbm>>
      tpu.enqueue_dma source(%dma_start3A_588 : memref<32x128xf32, #tpu.memory_space<hbm>>) target(%dma_start3A_586 : memref<32x128xf32, #tpu.memory_space<vmem>>) target_semaphore(%arg12 : memref<!tpu.dma_semaphore, #tpu.memory_space<semaphore_mem>>)
      %eq3A_589 = arith.constant 3 : i32
      %eq3A_590 = vector.broadcast %eq3A_589 : i32 to vector<16xi32>
      %eq3A_591 = arith.cmpi eq, %iota3A, %eq3A_590 : vector<16xi32>
      %jit3A_592 = arith.constant 0 : i32
      %broadcast_in_dim3A_593 = vector.broadcast %jit3A_592 : i32 to vector<16xi32>
      %select_n3A_594 = arith.select %eq3A_591, %mul3A_501, %broadcast_in_dim3A_593 : vector<16xi1>, vector<16xi32>
      %reduce_max3A_595 = arith.constant true
      %reduce_max3A_596 = vector.broadcast %reduce_max3A_595 : i1 to vector<16xi1>
      %reduce_max3A_597 = arith.constant -2147483648 : i32
      %reduce_max3A_598 = vector.broadcast %reduce_max3A_597 : i32 to vector<16xi32>
      %reduce_max3A_599 = arith.xori %select_n3A_594, %reduce_max3A_598 : vector<16xi32>
      %reduce_max3A_600 = tpu.scan <max>, %reduce_max3A_599 masked %reduce_max3A_596 : vector<16xi32>, vector<16xi1> -> vector<16xi32>
      %reduce_max3A_601 = arith.xori %reduce_max3A_600, %reduce_max3A_598 : vector<16xi32>
      %reduce_max3A_602 = vector.extract %reduce_max3A_601[15] : i32 from vector<16xi32>
      %multiple_of3A_603 = tpu.assume_multiple %reduce_max3A_602, 128 : i32
      %dma_start3A_604 = arith.constant 1 : i32
      %dma_start3A_605 = arith.constant 3 : i32
      %dma_start3A_606 = arith.constant 0 : i32
      %dma_start3A_607 = arith.constant 0 : i32
      %dma_start3A_608 = tpu.memref_slice %arg9[%dma_start3A_604, %dma_start3A_605, %dma_start3A_606, %dma_start3A_607] : memref<2x8x32x128xf32, #tpu.memory_space<vmem>> -> memref<1x1x32x128xf32, #tpu.memory_space<vmem>>
      %dma_start3A_609 = tpu.memref_squeeze %dma_start3A_608 : memref<1x1x32x128xf32, #tpu.memory_space<vmem>> -> memref<32x128xf32, #tpu.memory_space<vmem>>
      %dma_start3A_610 = arith.constant 0 : i32
      %dma_start3A_611 = tpu.memref_slice %arg5[%dma_start3A_610, %multiple_of3A_603] : memref<32x1000000xf32, #tpu.memory_space<hbm>> -> memref<32x128xf32, #tpu.memory_space<hbm>>
      %dma_start3A_612 = arith.constant 0 : i32
      %dma_start3A_613 = arith.constant 0 : i32
      %dma_start3A_614 = tpu.memref_slice %arg9[%dma_start3A_604, %dma_start3A_605, %dma_start3A_612, %dma_start3A_613] : memref<2x8x32x128xf32, #tpu.memory_space<vmem>> -> memref<1x1x32x128xf32, #tpu.memory_space<vmem>>
      %dma_start3A_615 = tpu.memref_squeeze %dma_start3A_614 : memref<1x1x32x128xf32, #tpu.memory_space<vmem>> -> memref<32x128xf32, #tpu.memory_space<vmem>>
      %dma_start3A_616 = arith.constant 0 : i32
      %dma_start3A_617 = tpu.memref_slice %arg5[%dma_start3A_616, %multiple_of3A_603] : memref<32x1000000xf32, #tpu.memory_space<hbm>> -> memref<32x128xf32, #tpu.memory_space<hbm>>
      tpu.enqueue_dma source(%dma_start3A_617 : memref<32x128xf32, #tpu.memory_space<hbm>>) target(%dma_start3A_615 : memref<32x128xf32, #tpu.memory_space<vmem>>) target_semaphore(%arg12 : memref<!tpu.dma_semaphore, #tpu.memory_space<semaphore_mem>>)
      %eq3A_618 = arith.constant 4 : i32
      %eq3A_619 = vector.broadcast %eq3A_618 : i32 to vector<16xi32>
      %eq3A_620 = arith.cmpi eq, %iota3A, %eq3A_619 : vector<16xi32>
      %jit3A_621 = arith.constant 0 : i32
      %broadcast_in_dim3A_622 = vector.broadcast %jit3A_621 : i32 to vector<16xi32>
      %select_n3A_623 = arith.select %eq3A_620, %mul3A_501, %broadcast_in_dim3A_622 : vector<16xi1>, vector<16xi32>
      %reduce_max3A_624 = arith.constant true
      %reduce_max3A_625 = vector.broadcast %reduce_max3A_624 : i1 to vector<16xi1>
      %reduce_max3A_626 = arith.constant -2147483648 : i32
      %reduce_max3A_627 = vector.broadcast %reduce_max3A_626 : i32 to vector<16xi32>
      %reduce_max3A_628 = arith.xori %select_n3A_623, %reduce_max3A_627 : vector<16xi32>
      %reduce_max3A_629 = tpu.scan <max>, %reduce_max3A_628 masked %reduce_max3A_625 : vector<16xi32>, vector<16xi1> -> vector<16xi32>
      %reduce_max3A_630 = arith.xori %reduce_max3A_629, %reduce_max3A_627 : vector<16xi32>
      %reduce_max3A_631 = vector.extract %reduce_max3A_630[15] : i32 from vector<16xi32>
      %multiple_of3A_632 = tpu.assume_multiple %reduce_max3A_631, 128 : i32
      %dma_start3A_633 = arith.constant 1 : i32
      %dma_start3A_634 = arith.constant 4 : i32
      %dma_start3A_635 = arith.constant 0 : i32
      %dma_start3A_636 = arith.constant 0 : i32
      %dma_start3A_637 = tpu.memref_slice %arg9[%dma_start3A_633, %dma_start3A_634, %dma_start3A_635, %dma_start3A_636] : memref<2x8x32x128xf32, #tpu.memory_space<vmem>> -> memref<1x1x32x128xf32, #tpu.memory_space<vmem>>
      %dma_start3A_638 = tpu.memref_squeeze %dma_start3A_637 : memref<1x1x32x128xf32, #tpu.memory_space<vmem>> -> memref<32x128xf32, #tpu.memory_space<vmem>>
      %dma_start3A_639 = arith.constant 0 : i32
      %dma_start3A_640 = tpu.memref_slice %arg5[%dma_start3A_639, %multiple_of3A_632] : memref<32x1000000xf32, #tpu.memory_space<hbm>> -> memref<32x128xf32, #tpu.memory_space<hbm>>
      %dma_start3A_641 = arith.constant 0 : i32
      %dma_start3A_642 = arith.constant 0 : i32
      %dma_start3A_643 = tpu.memref_slice %arg9[%dma_start3A_633, %dma_start3A_634, %dma_start3A_641, %dma_start3A_642] : memref<2x8x32x128xf32, #tpu.memory_space<vmem>> -> memref<1x1x32x128xf32, #tpu.memory_space<vmem>>
      %dma_start3A_644 = tpu.memref_squeeze %dma_start3A_643 : memref<1x1x32x128xf32, #tpu.memory_space<vmem>> -> memref<32x128xf32, #tpu.memory_space<vmem>>
      %dma_start3A_645 = arith.constant 0 : i32
      %dma_start3A_646 = tpu.memref_slice %arg5[%dma_start3A_645, %multiple_of3A_632] : memref<32x1000000xf32, #tpu.memory_space<hbm>> -> memref<32x128xf32, #tpu.memory_space<hbm>>
      tpu.enqueue_dma source(%dma_start3A_646 : memref<32x128xf32, #tpu.memory_space<hbm>>) target(%dma_start3A_644 : memref<32x128xf32, #tpu.memory_space<vmem>>) target_semaphore(%arg12 : memref<!tpu.dma_semaphore, #tpu.memory_space<semaphore_mem>>)
      %eq3A_647 = arith.constant 5 : i32
      %eq3A_648 = vector.broadcast %eq3A_647 : i32 to vector<16xi32>
      %eq3A_649 = arith.cmpi eq, %iota3A, %eq3A_648 : vector<16xi32>
      %jit3A_650 = arith.constant 0 : i32
      %broadcast_in_dim3A_651 = vector.broadcast %jit3A_650 : i32 to vector<16xi32>
      %select_n3A_652 = arith.select %eq3A_649, %mul3A_501, %broadcast_in_dim3A_651 : vector<16xi1>, vector<16xi32>
      %reduce_max3A_653 = arith.constant true
      %reduce_max3A_654 = vector.broadcast %reduce_max3A_653 : i1 to vector<16xi1>
      %reduce_max3A_655 = arith.constant -2147483648 : i32
      %reduce_max3A_656 = vector.broadcast %reduce_max3A_655 : i32 to vector<16xi32>
      %reduce_max3A_657 = arith.xori %select_n3A_652, %reduce_max3A_656 : vector<16xi32>
      %reduce_max3A_658 = tpu.scan <max>, %reduce_max3A_657 masked %reduce_max3A_654 : vector<16xi32>, vector<16xi1> -> vector<16xi32>
      %reduce_max3A_659 = arith.xori %reduce_max3A_658, %reduce_max3A_656 : vector<16xi32>
      %reduce_max3A_660 = vector.extract %reduce_max3A_659[15] : i32 from vector<16xi32>
      %multiple_of3A_661 = tpu.assume_multiple %reduce_max3A_660, 128 : i32
      %dma_start3A_662 = arith.constant 1 : i32
      %dma_start3A_663 = arith.constant 5 : i32
      %dma_start3A_664 = arith.constant 0 : i32
      %dma_start3A_665 = arith.constant 0 : i32
      %dma_start3A_666 = tpu.memref_slice %arg9[%dma_start3A_662, %dma_start3A_663, %dma_start3A_664, %dma_start3A_665] : memref<2x8x32x128xf32, #tpu.memory_space<vmem>> -> memref<1x1x32x128xf32, #tpu.memory_space<vmem>>
      %dma_start3A_667 = tpu.memref_squeeze %dma_start3A_666 : memref<1x1x32x128xf32, #tpu.memory_space<vmem>> -> memref<32x128xf32, #tpu.memory_space<vmem>>
      %dma_start3A_668 = arith.constant 0 : i32
      %dma_start3A_669 = tpu.memref_slice %arg5[%dma_start3A_668, %multiple_of3A_661] : memref<32x1000000xf32, #tpu.memory_space<hbm>> -> memref<32x128xf32, #tpu.memory_space<hbm>>
      %dma_start3A_670 = arith.constant 0 : i32
      %dma_start3A_671 = arith.constant 0 : i32
      %dma_start3A_672 = tpu.memref_slice %arg9[%dma_start3A_662, %dma_start3A_663, %dma_start3A_670, %dma_start3A_671] : memref<2x8x32x128xf32, #tpu.memory_space<vmem>> -> memref<1x1x32x128xf32, #tpu.memory_space<vmem>>
      %dma_start3A_673 = tpu.memref_squeeze %dma_start3A_672 : memref<1x1x32x128xf32, #tpu.memory_space<vmem>> -> memref<32x128xf32, #tpu.memory_space<vmem>>
      %dma_start3A_674 = arith.constant 0 : i32
      %dma_start3A_675 = tpu.memref_slice %arg5[%dma_start3A_674, %multiple_of3A_661] : memref<32x1000000xf32, #tpu.memory_space<hbm>> -> memref<32x128xf32, #tpu.memory_space<hbm>>
      tpu.enqueue_dma source(%dma_start3A_675 : memref<32x128xf32, #tpu.memory_space<hbm>>) target(%dma_start3A_673 : memref<32x128xf32, #tpu.memory_space<vmem>>) target_semaphore(%arg12 : memref<!tpu.dma_semaphore, #tpu.memory_space<semaphore_mem>>)
      %eq3A_676 = arith.constant 6 : i32
      %eq3A_677 = vector.broadcast %eq3A_676 : i32 to vector<16xi32>
      %eq3A_678 = arith.cmpi eq, %iota3A, %eq3A_677 : vector<16xi32>
      %jit3A_679 = arith.constant 0 : i32
      %broadcast_in_dim3A_680 = vector.broadcast %jit3A_679 : i32 to vector<16xi32>
      %select_n3A_681 = arith.select %eq3A_678, %mul3A_501, %broadcast_in_dim3A_680 : vector<16xi1>, vector<16xi32>
      %reduce_max3A_682 = arith.constant true
      %reduce_max3A_683 = vector.broadcast %reduce_max3A_682 : i1 to vector<16xi1>
      %reduce_max3A_684 = arith.constant -2147483648 : i32
      %reduce_max3A_685 = vector.broadcast %reduce_max3A_684 : i32 to vector<16xi32>
      %reduce_max3A_686 = arith.xori %select_n3A_681, %reduce_max3A_685 : vector<16xi32>
      %reduce_max3A_687 = tpu.scan <max>, %reduce_max3A_686 masked %reduce_max3A_683 : vector<16xi32>, vector<16xi1> -> vector<16xi32>
      %reduce_max3A_688 = arith.xori %reduce_max3A_687, %reduce_max3A_685 : vector<16xi32>
      %reduce_max3A_689 = vector.extract %reduce_max3A_688[15] : i32 from vector<16xi32>
      %multiple_of3A_690 = tpu.assume_multiple %reduce_max3A_689, 128 : i32
      %dma_start3A_691 = arith.constant 1 : i32
      %dma_start3A_692 = arith.constant 6 : i32
      %dma_start3A_693 = arith.constant 0 : i32
      %dma_start3A_694 = arith.constant 0 : i32
      %dma_start3A_695 = tpu.memref_slice %arg9[%dma_start3A_691, %dma_start3A_692, %dma_start3A_693, %dma_start3A_694] : memref<2x8x32x128xf32, #tpu.memory_space<vmem>> -> memref<1x1x32x128xf32, #tpu.memory_space<vmem>>
      %dma_start3A_696 = tpu.memref_squeeze %dma_start3A_695 : memref<1x1x32x128xf32, #tpu.memory_space<vmem>> -> memref<32x128xf32, #tpu.memory_space<vmem>>
      %dma_start3A_697 = arith.constant 0 : i32
      %dma_start3A_698 = tpu.memref_slice %arg5[%dma_start3A_697, %multiple_of3A_690] : memref<32x1000000xf32, #tpu.memory_space<hbm>> -> memref<32x128xf32, #tpu.memory_space<hbm>>
      %dma_start3A_699 = arith.constant 0 : i32
      %dma_start3A_700 = arith.constant 0 : i32
      %dma_start3A_701 = tpu.memref_slice %arg9[%dma_start3A_691, %dma_start3A_692, %dma_start3A_699, %dma_start3A_700] : memref<2x8x32x128xf32, #tpu.memory_space<vmem>> -> memref<1x1x32x128xf32, #tpu.memory_space<vmem>>
      %dma_start3A_702 = tpu.memref_squeeze %dma_start3A_701 : memref<1x1x32x128xf32, #tpu.memory_space<vmem>> -> memref<32x128xf32, #tpu.memory_space<vmem>>
      %dma_start3A_703 = arith.constant 0 : i32
      %dma_start3A_704 = tpu.memref_slice %arg5[%dma_start3A_703, %multiple_of3A_690] : memref<32x1000000xf32, #tpu.memory_space<hbm>> -> memref<32x128xf32, #tpu.memory_space<hbm>>
      tpu.enqueue_dma source(%dma_start3A_704 : memref<32x128xf32, #tpu.memory_space<hbm>>) target(%dma_start3A_702 : memref<32x128xf32, #tpu.memory_space<vmem>>) target_semaphore(%arg12 : memref<!tpu.dma_semaphore, #tpu.memory_space<semaphore_mem>>)
      %eq3A_705 = arith.constant 7 : i32
      %eq3A_706 = vector.broadcast %eq3A_705 : i32 to vector<16xi32>
      %eq3A_707 = arith.cmpi eq, %iota3A, %eq3A_706 : vector<16xi32>
      %jit3A_708 = arith.constant 0 : i32
      %broadcast_in_dim3A_709 = vector.broadcast %jit3A_708 : i32 to vector<16xi32>
      %select_n3A_710 = arith.select %eq3A_707, %mul3A_501, %broadcast_in_dim3A_709 : vector<16xi1>, vector<16xi32>
      %reduce_max3A_711 = arith.constant true
      %reduce_max3A_712 = vector.broadcast %reduce_max3A_711 : i1 to vector<16xi1>
      %reduce_max3A_713 = arith.constant -2147483648 : i32
      %reduce_max3A_714 = vector.broadcast %reduce_max3A_713 : i32 to vector<16xi32>
      %reduce_max3A_715 = arith.xori %select_n3A_710, %reduce_max3A_714 : vector<16xi32>
      %reduce_max3A_716 = tpu.scan <max>, %reduce_max3A_715 masked %reduce_max3A_712 : vector<16xi32>, vector<16xi1> -> vector<16xi32>
      %reduce_max3A_717 = arith.xori %reduce_max3A_716, %reduce_max3A_714 : vector<16xi32>
      %reduce_max3A_718 = vector.extract %reduce_max3A_717[15] : i32 from vector<16xi32>
      %multiple_of3A_719 = tpu.assume_multiple %reduce_max3A_718, 128 : i32
      %dma_start3A_720 = arith.constant 1 : i32
      %dma_start3A_721 = arith.constant 7 : i32
      %dma_start3A_722 = arith.constant 0 : i32
      %dma_start3A_723 = arith.constant 0 : i32
      %dma_start3A_724 = tpu.memref_slice %arg9[%dma_start3A_720, %dma_start3A_721, %dma_start3A_722, %dma_start3A_723] : memref<2x8x32x128xf32, #tpu.memory_space<vmem>> -> memref<1x1x32x128xf32, #tpu.memory_space<vmem>>
      %dma_start3A_725 = tpu.memref_squeeze %dma_start3A_724 : memref<1x1x32x128xf32, #tpu.memory_space<vmem>> -> memref<32x128xf32, #tpu.memory_space<vmem>>
      %dma_start3A_726 = arith.constant 0 : i32
      %dma_start3A_727 = tpu.memref_slice %arg5[%dma_start3A_726, %multiple_of3A_719] : memref<32x1000000xf32, #tpu.memory_space<hbm>> -> memref<32x128xf32, #tpu.memory_space<hbm>>
      %dma_start3A_728 = arith.constant 0 : i32
      %dma_start3A_729 = arith.constant 0 : i32
      %dma_start3A_730 = tpu.memref_slice %arg9[%dma_start3A_720, %dma_start3A_721, %dma_start3A_728, %dma_start3A_729] : memref<2x8x32x128xf32, #tpu.memory_space<vmem>> -> memref<1x1x32x128xf32, #tpu.memory_space<vmem>>
      %dma_start3A_731 = tpu.memref_squeeze %dma_start3A_730 : memref<1x1x32x128xf32, #tpu.memory_space<vmem>> -> memref<32x128xf32, #tpu.memory_space<vmem>>
      %dma_start3A_732 = arith.constant 0 : i32
      %dma_start3A_733 = tpu.memref_slice %arg5[%dma_start3A_732, %multiple_of3A_719] : memref<32x1000000xf32, #tpu.memory_space<hbm>> -> memref<32x128xf32, #tpu.memory_space<hbm>>
      tpu.enqueue_dma source(%dma_start3A_733 : memref<32x128xf32, #tpu.memory_space<hbm>>) target(%dma_start3A_731 : memref<32x128xf32, #tpu.memory_space<vmem>>) target_semaphore(%arg12 : memref<!tpu.dma_semaphore, #tpu.memory_space<semaphore_mem>>)
      %dma_wait3A = arith.constant 0 : i32
      %dma_wait3A_734 = arith.constant 0 : i32
      %dma_wait3A_735 = arith.constant 0 : i32
      %dma_wait3A_736 = arith.constant 0 : i32
      %dma_wait3A_737 = tpu.memref_slice %arg9[%dma_wait3A, %dma_wait3A_734, %dma_wait3A_735, %dma_wait3A_736] : memref<2x8x32x128xf32, #tpu.memory_space<vmem>> -> memref<1x1x32x128xf32, #tpu.memory_space<vmem>>
      %dma_wait3A_738 = tpu.memref_squeeze %dma_wait3A_737 : memref<1x1x32x128xf32, #tpu.memory_space<vmem>> -> memref<32x128xf32, #tpu.memory_space<vmem>>
      %dma_wait3A_739 = arith.constant 0 : i32
      %dma_wait3A_740 = arith.constant 0 : i32
      %dma_wait3A_741 = tpu.memref_slice %arg5[%dma_wait3A_739, %dma_wait3A_740] : memref<32x1000000xf32, #tpu.memory_space<hbm>> -> memref<32x128xf32, #tpu.memory_space<hbm>>
      %dma_wait3A_742 = arith.constant 0 : i32
      %dma_wait3A_743 = arith.constant 0 : i32
      %dma_wait3A_744 = tpu.memref_slice %arg9[%dma_wait3A, %dma_wait3A_734, %dma_wait3A_742, %dma_wait3A_743] : memref<2x8x32x128xf32, #tpu.memory_space<vmem>> -> memref<1x1x32x128xf32, #tpu.memory_space<vmem>>
      %dma_wait3A_745 = tpu.memref_squeeze %dma_wait3A_744 : memref<1x1x32x128xf32, #tpu.memory_space<vmem>> -> memref<32x128xf32, #tpu.memory_space<vmem>>
      %dma_wait3A_746 = arith.constant 0 : i32
      %dma_wait3A_747 = arith.constant 0 : i32
      %dma_wait3A_748 = tpu.memref_slice %arg5[%dma_wait3A_746, %dma_wait3A_747] : memref<32x1000000xf32, #tpu.memory_space<hbm>> -> memref<32x128xf32, #tpu.memory_space<hbm>>
      tpu.wait_dma2 semaphore(%arg11 : memref<!tpu.dma_semaphore, #tpu.memory_space<semaphore_mem>>) src(%dma_wait3A_748 : memref<32x128xf32, #tpu.memory_space<hbm>>) dst(%dma_wait3A_745 : memref<32x128xf32, #tpu.memory_space<vmem>>)
      %dma_wait3A_749 = arith.constant 0 : i32
      %dma_wait3A_750 = arith.constant 1 : i32
      %dma_wait3A_751 = arith.constant 0 : i32
      %dma_wait3A_752 = arith.constant 0 : i32
      %dma_wait3A_753 = tpu.memref_slice %arg9[%dma_wait3A_749, %dma_wait3A_750, %dma_wait3A_751, %dma_wait3A_752] : memref<2x8x32x128xf32, #tpu.memory_space<vmem>> -> memref<1x1x32x128xf32, #tpu.memory_space<vmem>>
      %dma_wait3A_754 = tpu.memref_squeeze %dma_wait3A_753 : memref<1x1x32x128xf32, #tpu.memory_space<vmem>> -> memref<32x128xf32, #tpu.memory_space<vmem>>
      %dma_wait3A_755 = arith.constant 0 : i32
      %dma_wait3A_756 = arith.constant 0 : i32
      %dma_wait3A_757 = tpu.memref_slice %arg5[%dma_wait3A_755, %dma_wait3A_756] : memref<32x1000000xf32, #tpu.memory_space<hbm>> -> memref<32x128xf32, #tpu.memory_space<hbm>>
      %dma_wait3A_758 = arith.constant 0 : i32
      %dma_wait3A_759 = arith.constant 0 : i32
      %dma_wait3A_760 = tpu.memref_slice %arg9[%dma_wait3A_749, %dma_wait3A_750, %dma_wait3A_758, %dma_wait3A_759] : memref<2x8x32x128xf32, #tpu.memory_space<vmem>> -> memref<1x1x32x128xf32, #tpu.memory_space<vmem>>
      %dma_wait3A_761 = tpu.memref_squeeze %dma_wait3A_760 : memref<1x1x32x128xf32, #tpu.memory_space<vmem>> -> memref<32x128xf32, #tpu.memory_space<vmem>>
      %dma_wait3A_762 = arith.constant 0 : i32
      %dma_wait3A_763 = arith.constant 0 : i32
      %dma_wait3A_764 = tpu.memref_slice %arg5[%dma_wait3A_762, %dma_wait3A_763] : memref<32x1000000xf32, #tpu.memory_space<hbm>> -> memref<32x128xf32, #tpu.memory_space<hbm>>
      tpu.wait_dma2 semaphore(%arg11 : memref<!tpu.dma_semaphore, #tpu.memory_space<semaphore_mem>>) src(%dma_wait3A_764 : memref<32x128xf32, #tpu.memory_space<hbm>>) dst(%dma_wait3A_761 : memref<32x128xf32, #tpu.memory_space<vmem>>)
      %dma_wait3A_765 = arith.constant 0 : i32
      %dma_wait3A_766 = arith.constant 2 : i32
      %dma_wait3A_767 = arith.constant 0 : i32
      %dma_wait3A_768 = arith.constant 0 : i32
      %dma_wait3A_769 = tpu.memref_slice %arg9[%dma_wait3A_765, %dma_wait3A_766, %dma_wait3A_767, %dma_wait3A_768] : memref<2x8x32x128xf32, #tpu.memory_space<vmem>> -> memref<1x1x32x128xf32, #tpu.memory_space<vmem>>
      %dma_wait3A_770 = tpu.memref_squeeze %dma_wait3A_769 : memref<1x1x32x128xf32, #tpu.memory_space<vmem>> -> memref<32x128xf32, #tpu.memory_space<vmem>>
      %dma_wait3A_771 = arith.constant 0 : i32
      %dma_wait3A_772 = arith.constant 0 : i32
      %dma_wait3A_773 = tpu.memref_slice %arg5[%dma_wait3A_771, %dma_wait3A_772] : memref<32x1000000xf32, #tpu.memory_space<hbm>> -> memref<32x128xf32, #tpu.memory_space<hbm>>
      %dma_wait3A_774 = arith.constant 0 : i32
      %dma_wait3A_775 = arith.constant 0 : i32
      %dma_wait3A_776 = tpu.memref_slice %arg9[%dma_wait3A_765, %dma_wait3A_766, %dma_wait3A_774, %dma_wait3A_775] : memref<2x8x32x128xf32, #tpu.memory_space<vmem>> -> memref<1x1x32x128xf32, #tpu.memory_space<vmem>>
      %dma_wait3A_777 = tpu.memref_squeeze %dma_wait3A_776 : memref<1x1x32x128xf32, #tpu.memory_space<vmem>> -> memref<32x128xf32, #tpu.memory_space<vmem>>
      %dma_wait3A_778 = arith.constant 0 : i32
      %dma_wait3A_779 = arith.constant 0 : i32
      %dma_wait3A_780 = tpu.memref_slice %arg5[%dma_wait3A_778, %dma_wait3A_779] : memref<32x1000000xf32, #tpu.memory_space<hbm>> -> memref<32x128xf32, #tpu.memory_space<hbm>>
      tpu.wait_dma2 semaphore(%arg11 : memref<!tpu.dma_semaphore, #tpu.memory_space<semaphore_mem>>) src(%dma_wait3A_780 : memref<32x128xf32, #tpu.memory_space<hbm>>) dst(%dma_wait3A_777 : memref<32x128xf32, #tpu.memory_space<vmem>>)
      %dma_wait3A_781 = arith.constant 0 : i32
      %dma_wait3A_782 = arith.constant 3 : i32
      %dma_wait3A_783 = arith.constant 0 : i32
      %dma_wait3A_784 = arith.constant 0 : i32
      %dma_wait3A_785 = tpu.memref_slice %arg9[%dma_wait3A_781, %dma_wait3A_782, %dma_wait3A_783, %dma_wait3A_784] : memref<2x8x32x128xf32, #tpu.memory_space<vmem>> -> memref<1x1x32x128xf32, #tpu.memory_space<vmem>>
      %dma_wait3A_786 = tpu.memref_squeeze %dma_wait3A_785 : memref<1x1x32x128xf32, #tpu.memory_space<vmem>> -> memref<32x128xf32, #tpu.memory_space<vmem>>
      %dma_wait3A_787 = arith.constant 0 : i32
      %dma_wait3A_788 = arith.constant 0 : i32
      %dma_wait3A_789 = tpu.memref_slice %arg5[%dma_wait3A_787, %dma_wait3A_788] : memref<32x1000000xf32, #tpu.memory_space<hbm>> -> memref<32x128xf32, #tpu.memory_space<hbm>>
      %dma_wait3A_790 = arith.constant 0 : i32
      %dma_wait3A_791 = arith.constant 0 : i32
      %dma_wait3A_792 = tpu.memref_slice %arg9[%dma_wait3A_781, %dma_wait3A_782, %dma_wait3A_790, %dma_wait3A_791] : memref<2x8x32x128xf32, #tpu.memory_space<vmem>> -> memref<1x1x32x128xf32, #tpu.memory_space<vmem>>
      %dma_wait3A_793 = tpu.memref_squeeze %dma_wait3A_792 : memref<1x1x32x128xf32, #tpu.memory_space<vmem>> -> memref<32x128xf32, #tpu.memory_space<vmem>>
      %dma_wait3A_794 = arith.constant 0 : i32
      %dma_wait3A_795 = arith.constant 0 : i32
      %dma_wait3A_796 = tpu.memref_slice %arg5[%dma_wait3A_794, %dma_wait3A_795] : memref<32x1000000xf32, #tpu.memory_space<hbm>> -> memref<32x128xf32, #tpu.memory_space<hbm>>
      tpu.wait_dma2 semaphore(%arg11 : memref<!tpu.dma_semaphore, #tpu.memory_space<semaphore_mem>>) src(%dma_wait3A_796 : memref<32x128xf32, #tpu.memory_space<hbm>>) dst(%dma_wait3A_793 : memref<32x128xf32, #tpu.memory_space<vmem>>)
      %dma_wait3A_797 = arith.constant 0 : i32
      %dma_wait3A_798 = arith.constant 4 : i32
      %dma_wait3A_799 = arith.constant 0 : i32
      %dma_wait3A_800 = arith.constant 0 : i32
      %dma_wait3A_801 = tpu.memref_slice %arg9[%dma_wait3A_797, %dma_wait3A_798, %dma_wait3A_799, %dma_wait3A_800] : memref<2x8x32x128xf32, #tpu.memory_space<vmem>> -> memref<1x1x32x128xf32, #tpu.memory_space<vmem>>
      %dma_wait3A_802 = tpu.memref_squeeze %dma_wait3A_801 : memref<1x1x32x128xf32, #tpu.memory_space<vmem>> -> memref<32x128xf32, #tpu.memory_space<vmem>>
      %dma_wait3A_803 = arith.constant 0 : i32
      %dma_wait3A_804 = arith.constant 0 : i32
      %dma_wait3A_805 = tpu.memref_slice %arg5[%dma_wait3A_803, %dma_wait3A_804] : memref<32x1000000xf32, #tpu.memory_space<hbm>> -> memref<32x128xf32, #tpu.memory_space<hbm>>
      %dma_wait3A_806 = arith.constant 0 : i32
      %dma_wait3A_807 = arith.constant 0 : i32
      %dma_wait3A_808 = tpu.memref_slice %arg9[%dma_wait3A_797, %dma_wait3A_798, %dma_wait3A_806, %dma_wait3A_807] : memref<2x8x32x128xf32, #tpu.memory_space<vmem>> -> memref<1x1x32x128xf32, #tpu.memory_space<vmem>>
      %dma_wait3A_809 = tpu.memref_squeeze %dma_wait3A_808 : memref<1x1x32x128xf32, #tpu.memory_space<vmem>> -> memref<32x128xf32, #tpu.memory_space<vmem>>
      %dma_wait3A_810 = arith.constant 0 : i32
      %dma_wait3A_811 = arith.constant 0 : i32
      %dma_wait3A_812 = tpu.memref_slice %arg5[%dma_wait3A_810, %dma_wait3A_811] : memref<32x1000000xf32, #tpu.memory_space<hbm>> -> memref<32x128xf32, #tpu.memory_space<hbm>>
      tpu.wait_dma2 semaphore(%arg11 : memref<!tpu.dma_semaphore, #tpu.memory_space<semaphore_mem>>) src(%dma_wait3A_812 : memref<32x128xf32, #tpu.memory_space<hbm>>) dst(%dma_wait3A_809 : memref<32x128xf32, #tpu.memory_space<vmem>>)
      %dma_wait3A_813 = arith.constant 0 : i32
      %dma_wait3A_814 = arith.constant 5 : i32
      %dma_wait3A_815 = arith.constant 0 : i32
      %dma_wait3A_816 = arith.constant 0 : i32
      %dma_wait3A_817 = tpu.memref_slice %arg9[%dma_wait3A_813, %dma_wait3A_814, %dma_wait3A_815, %dma_wait3A_816] : memref<2x8x32x128xf32, #tpu.memory_space<vmem>> -> memref<1x1x32x128xf32, #tpu.memory_space<vmem>>
      %dma_wait3A_818 = tpu.memref_squeeze %dma_wait3A_817 : memref<1x1x32x128xf32, #tpu.memory_space<vmem>> -> memref<32x128xf32, #tpu.memory_space<vmem>>
      %dma_wait3A_819 = arith.constant 0 : i32
      %dma_wait3A_820 = arith.constant 0 : i32
      %dma_wait3A_821 = tpu.memref_slice %arg5[%dma_wait3A_819, %dma_wait3A_820] : memref<32x1000000xf32, #tpu.memory_space<hbm>> -> memref<32x128xf32, #tpu.memory_space<hbm>>
      %dma_wait3A_822 = arith.constant 0 : i32
      %dma_wait3A_823 = arith.constant 0 : i32
      %dma_wait3A_824 = tpu.memref_slice %arg9[%dma_wait3A_813, %dma_wait3A_814, %dma_wait3A_822, %dma_wait3A_823] : memref<2x8x32x128xf32, #tpu.memory_space<vmem>> -> memref<1x1x32x128xf32, #tpu.memory_space<vmem>>
      %dma_wait3A_825 = tpu.memref_squeeze %dma_wait3A_824 : memref<1x1x32x128xf32, #tpu.memory_space<vmem>> -> memref<32x128xf32, #tpu.memory_space<vmem>>
      %dma_wait3A_826 = arith.constant 0 : i32
      %dma_wait3A_827 = arith.constant 0 : i32
      %dma_wait3A_828 = tpu.memref_slice %arg5[%dma_wait3A_826, %dma_wait3A_827] : memref<32x1000000xf32, #tpu.memory_space<hbm>> -> memref<32x128xf32, #tpu.memory_space<hbm>>
      tpu.wait_dma2 semaphore(%arg11 : memref<!tpu.dma_semaphore, #tpu.memory_space<semaphore_mem>>) src(%dma_wait3A_828 : memref<32x128xf32, #tpu.memory_space<hbm>>) dst(%dma_wait3A_825 : memref<32x128xf32, #tpu.memory_space<vmem>>)
      %dma_wait3A_829 = arith.constant 0 : i32
      %dma_wait3A_830 = arith.constant 6 : i32
      %dma_wait3A_831 = arith.constant 0 : i32
      %dma_wait3A_832 = arith.constant 0 : i32
      %dma_wait3A_833 = tpu.memref_slice %arg9[%dma_wait3A_829, %dma_wait3A_830, %dma_wait3A_831, %dma_wait3A_832] : memref<2x8x32x128xf32, #tpu.memory_space<vmem>> -> memref<1x1x32x128xf32, #tpu.memory_space<vmem>>
      %dma_wait3A_834 = tpu.memref_squeeze %dma_wait3A_833 : memref<1x1x32x128xf32, #tpu.memory_space<vmem>> -> memref<32x128xf32, #tpu.memory_space<vmem>>
      %dma_wait3A_835 = arith.constant 0 : i32
      %dma_wait3A_836 = arith.constant 0 : i32
      %dma_wait3A_837 = tpu.memref_slice %arg5[%dma_wait3A_835, %dma_wait3A_836] : memref<32x1000000xf32, #tpu.memory_space<hbm>> -> memref<32x128xf32, #tpu.memory_space<hbm>>
      %dma_wait3A_838 = arith.constant 0 : i32
      %dma_wait3A_839 = arith.constant 0 : i32
      %dma_wait3A_840 = tpu.memref_slice %arg9[%dma_wait3A_829, %dma_wait3A_830, %dma_wait3A_838, %dma_wait3A_839] : memref<2x8x32x128xf32, #tpu.memory_space<vmem>> -> memref<1x1x32x128xf32, #tpu.memory_space<vmem>>
      %dma_wait3A_841 = tpu.memref_squeeze %dma_wait3A_840 : memref<1x1x32x128xf32, #tpu.memory_space<vmem>> -> memref<32x128xf32, #tpu.memory_space<vmem>>
      %dma_wait3A_842 = arith.constant 0 : i32
      %dma_wait3A_843 = arith.constant 0 : i32
      %dma_wait3A_844 = tpu.memref_slice %arg5[%dma_wait3A_842, %dma_wait3A_843] : memref<32x1000000xf32, #tpu.memory_space<hbm>> -> memref<32x128xf32, #tpu.memory_space<hbm>>
      tpu.wait_dma2 semaphore(%arg11 : memref<!tpu.dma_semaphore, #tpu.memory_space<semaphore_mem>>) src(%dma_wait3A_844 : memref<32x128xf32, #tpu.memory_space<hbm>>) dst(%dma_wait3A_841 : memref<32x128xf32, #tpu.memory_space<vmem>>)
      %dma_wait3A_845 = arith.constant 0 : i32
      %dma_wait3A_846 = arith.constant 7 : i32
      %dma_wait3A_847 = arith.constant 0 : i32
      %dma_wait3A_848 = arith.constant 0 : i32
      %dma_wait3A_849 = tpu.memref_slice %arg9[%dma_wait3A_845, %dma_wait3A_846, %dma_wait3A_847, %dma_wait3A_848] : memref<2x8x32x128xf32, #tpu.memory_space<vmem>> -> memref<1x1x32x128xf32, #tpu.memory_space<vmem>>
      %dma_wait3A_850 = tpu.memref_squeeze %dma_wait3A_849 : memref<1x1x32x128xf32, #tpu.memory_space<vmem>> -> memref<32x128xf32, #tpu.memory_space<vmem>>
      %dma_wait3A_851 = arith.constant 0 : i32
      %dma_wait3A_852 = arith.constant 0 : i32
      %dma_wait3A_853 = tpu.memref_slice %arg5[%dma_wait3A_851, %dma_wait3A_852] : memref<32x1000000xf32, #tpu.memory_space<hbm>> -> memref<32x128xf32, #tpu.memory_space<hbm>>
      %dma_wait3A_854 = arith.constant 0 : i32
      %dma_wait3A_855 = arith.constant 0 : i32
      %dma_wait3A_856 = tpu.memref_slice %arg9[%dma_wait3A_845, %dma_wait3A_846, %dma_wait3A_854, %dma_wait3A_855] : memref<2x8x32x128xf32, #tpu.memory_space<vmem>> -> memref<1x1x32x128xf32, #tpu.memory_space<vmem>>
      %dma_wait3A_857 = tpu.memref_squeeze %dma_wait3A_856 : memref<1x1x32x128xf32, #tpu.memory_space<vmem>> -> memref<32x128xf32, #tpu.memory_space<vmem>>
      %dma_wait3A_858 = arith.constant 0 : i32
      %dma_wait3A_859 = arith.constant 0 : i32
      %dma_wait3A_860 = tpu.memref_slice %arg5[%dma_wait3A_858, %dma_wait3A_859] : memref<32x1000000xf32, #tpu.memory_space<hbm>> -> memref<32x128xf32, #tpu.memory_space<hbm>>
      tpu.wait_dma2 semaphore(%arg11 : memref<!tpu.dma_semaphore, #tpu.memory_space<semaphore_mem>>) src(%dma_wait3A_860 : memref<32x128xf32, #tpu.memory_space<hbm>>) dst(%dma_wait3A_857 : memref<32x128xf32, #tpu.memory_space<vmem>>)
      %mul3A_861 = arith.constant 8 : i32
      %mul3A_862 = arith.muli %mul3A_489, %mul3A_861 : i32
      %get3A_863 = arith.index_cast %mul3A_862 : i32 to index
      %get3A_864 = tpu.vector_load %arg8[%get3A_863] {strides = array<i32>} : memref<528xi32, #tpu.memory_space<vmem>>, vector<16xi32>,
      %and3A = arith.constant 127 : i32
      %and3A_865 = vector.broadcast %and3A : i32 to vector<16xi32>
      %and3A_866 = arith.andi %get3A_864, %and3A_865 : vector<16xi32>
      %lt3A = arith.constant 8 : i32
      %lt3A_867 = vector.broadcast %lt3A : i32 to vector<16xi32>
      %lt3A_868 = arith.cmpi slt, %iota3A, %lt3A_867 : vector<16xi32>
      %mul3A_869 = arith.constant 8 : i32
      %mul3A_870 = arith.muli %mul3A_489, %mul3A_869 : i32
      %add3A_871 = vector.broadcast %mul3A_870 : i32 to vector<16xi32>
      %add3A_872 = arith.addi %add3A_871, %iota3A : vector<16xi32>
      %broadcast_in_dim3A_873 = arith.constant 0 : i32
      %broadcast_in_dim3A_874 = vector.broadcast %broadcast_in_dim3A_873 : i32 to vector<16xi32>
      %gather3A = arith.constant 0 : i32
      %gather3A_875 = arith.constant 0 : i32
      %gather3A_876 = arith.constant 0 : i32
      %gather3A_877 = arith.constant 0 : i32
      %gather3A_878 = tpu.memref_slice %arg9[%gather3A, %gather3A_875, %gather3A_876, %gather3A_877] : memref<2x8x32x128xf32, #tpu.memory_space<vmem>> -> memref<1x8x32x128xf32, #tpu.memory_space<vmem>>
      %gather3A_879 = tpu.memref_squeeze %gather3A_878 : memref<1x8x32x128xf32, #tpu.memory_space<vmem>> -> memref<8x32x128xf32, #tpu.memory_space<vmem>>
      %gather3A_880 = tpu.vector_load_idx %gather3A_879[%iota3A, %broadcast_in_dim3A_874, %and3A_866] masked %lt3A_868 : memref<8x32x128xf32, #tpu.memory_space<vmem>>[vector<16xi32>, vector<16xi32>, vector<16xi32>], vector<16xf32>, vector<16xi1>
      tpu.vector_store_idx %arg10[%broadcast_in_dim3A_874, %add3A_872], %gather3A_880 masked %lt3A_868 : memref<32x512xf32, #tpu.memory_space<vmem>>[vector<16xi32>, vector<16xi32>], vector<16xf32>, vector<16xi1>
      %broadcast_in_dim3A_881 = arith.constant 1 : i32
      %broadcast_in_dim3A_882 = vector.broadcast %broadcast_in_dim3A_881 : i32 to vector<16xi32>
      %gather3A_883 = arith.constant 0 : i32
      %gather3A_884 = arith.constant 0 : i32
      %gather3A_885 = arith.constant 0 : i32
      %gather3A_886 = arith.constant 0 : i32
      %gather3A_887 = tpu.memref_slice %arg9[%gather3A_883, %gather3A_884, %gather3A_885, %gather3A_886] : memref<2x8x32x128xf32, #tpu.memory_space<vmem>> -> memref<1x8x32x128xf32, #tpu.memory_space<vmem>>
      %gather3A_888 = tpu.memref_squeeze %gather3A_887 : memref<1x8x32x128xf32, #tpu.memory_space<vmem>> -> memref<8x32x128xf32, #tpu.memory_space<vmem>>
      %gather3A_889 = tpu.vector_load_idx %gather3A_888[%iota3A, %broadcast_in_dim3A_882, %and3A_866] masked %lt3A_868 : memref<8x32x128xf32, #tpu.memory_space<vmem>>[vector<16xi32>, vector<16xi32>, vector<16xi32>], vector<16xf32>, vector<16xi1>
      tpu.vector_store_idx %arg10[%broadcast_in_dim3A_882, %add3A_872], %gather3A_889 masked %lt3A_868 : memref<32x512xf32, #tpu.memory_space<vmem>>[vector<16xi32>, vector<16xi32>], vector<16xf32>, vector<16xi1>
      %broadcast_in_dim3A_890 = arith.constant 2 : i32
      %broadcast_in_dim3A_891 = vector.broadcast %broadcast_in_dim3A_890 : i32 to vector<16xi32>
      %gather3A_892 = arith.constant 0 : i32
      %gather3A_893 = arith.constant 0 : i32
      %gather3A_894 = arith.constant 0 : i32
      %gather3A_895 = arith.constant 0 : i32
      %gather3A_896 = tpu.memref_slice %arg9[%gather3A_892, %gather3A_893, %gather3A_894, %gather3A_895] : memref<2x8x32x128xf32, #tpu.memory_space<vmem>> -> memref<1x8x32x128xf32, #tpu.memory_space<vmem>>
      %gather3A_897 = tpu.memref_squeeze %gather3A_896 : memref<1x8x32x128xf32, #tpu.memory_space<vmem>> -> memref<8x32x128xf32, #tpu.memory_space<vmem>>
      %gather3A_898 = tpu.vector_load_idx %gather3A_897[%iota3A, %broadcast_in_dim3A_891, %and3A_866] masked %lt3A_868 : memref<8x32x128xf32, #tpu.memory_space<vmem>>[vector<16xi32>, vector<16xi32>, vector<16xi32>], vector<16xf32>, vector<16xi1>
      tpu.vector_store_idx %arg10[%broadcast_in_dim3A_891, %add3A_872], %gather3A_898 masked %lt3A_868 : memref<32x512xf32, #tpu.memory_space<vmem>>[vector<16xi32>, vector<16xi32>], vector<16xf32>, vector<16xi1>
      %broadcast_in_dim3A_899 = arith.constant 3 : i32
      %broadcast_in_dim3A_900 = vector.broadcast %broadcast_in_dim3A_899 : i32 to vector<16xi32>
      %gather3A_901 = arith.constant 0 : i32
      %gather3A_902 = arith.constant 0 : i32
      %gather3A_903 = arith.constant 0 : i32
      %gather3A_904 = arith.constant 0 : i32
      %gather3A_905 = tpu.memref_slice %arg9[%gather3A_901, %gather3A_902, %gather3A_903, %gather3A_904] : memref<2x8x32x128xf32, #tpu.memory_space<vmem>> -> memref<1x8x32x128xf32, #tpu.memory_space<vmem>>
      %gather3A_906 = tpu.memref_squeeze %gather3A_905 : memref<1x8x32x128xf32, #tpu.memory_space<vmem>> -> memref<8x32x128xf32, #tpu.memory_space<vmem>>
      %gather3A_907 = tpu.vector_load_idx %gather3A_906[%iota3A, %broadcast_in_dim3A_900, %and3A_866] masked %lt3A_868 : memref<8x32x128xf32, #tpu.memory_space<vmem>>[vector<16xi32>, vector<16xi32>, vector<16xi32>], vector<16xf32>, vector<16xi1>
      tpu.vector_store_idx %arg10[%broadcast_in_dim3A_900, %add3A_872], %gather3A_907 masked %lt3A_868 : memref<32x512xf32, #tpu.memory_space<vmem>>[vector<16xi32>, vector<16xi32>], vector<16xf32>, vector<16xi1>
      %broadcast_in_dim3A_908 = arith.constant 4 : i32
      %broadcast_in_dim3A_909 = vector.broadcast %broadcast_in_dim3A_908 : i32 to vector<16xi32>
      %gather3A_910 = arith.constant 0 : i32
      %gather3A_911 = arith.constant 0 : i32
      %gather3A_912 = arith.constant 0 : i32
      %gather3A_913 = arith.constant 0 : i32
      %gather3A_914 = tpu.memref_slice %arg9[%gather3A_910, %gather3A_911, %gather3A_912, %gather3A_913] : memref<2x8x32x128xf32, #tpu.memory_space<vmem>> -> memref<1x8x32x128xf32, #tpu.memory_space<vmem>>
      %gather3A_915 = tpu.memref_squeeze %gather3A_914 : memref<1x8x32x128xf32, #tpu.memory_space<vmem>> -> memref<8x32x128xf32, #tpu.memory_space<vmem>>
      %gather3A_916 = tpu.vector_load_idx %gather3A_915[%iota3A, %broadcast_in_dim3A_909, %and3A_866] masked %lt3A_868 : memref<8x32x128xf32, #tpu.memory_space<vmem>>[vector<16xi32>, vector<16xi32>, vector<16xi32>], vector<16xf32>, vector<16xi1>
      tpu.vector_store_idx %arg10[%broadcast_in_dim3A_909, %add3A_872], %gather3A_916 masked %lt3A_868 : memref<32x512xf32, #tpu.memory_space<vmem>>[vector<16xi32>, vector<16xi32>], vector<16xf32>, vector<16xi1>
      %broadcast_in_dim3A_917 = arith.constant 5 : i32
      %broadcast_in_dim3A_918 = vector.broadcast %broadcast_in_dim3A_917 : i32 to vector<16xi32>
      %gather3A_919 = arith.constant 0 : i32
      %gather3A_920 = arith.constant 0 : i32
      %gather3A_921 = arith.constant 0 : i32
      %gather3A_922 = arith.constant 0 : i32
      %gather3A_923 = tpu.memref_slice %arg9[%gather3A_919, %gather3A_920, %gather3A_921, %gather3A_922] : memref<2x8x32x128xf32, #tpu.memory_space<vmem>> -> memref<1x8x32x128xf32, #tpu.memory_space<vmem>>
      %gather3A_924 = tpu.memref_squeeze %gather3A_923 : memref<1x8x32x128xf32, #tpu.memory_space<vmem>> -> memref<8x32x128xf32, #tpu.memory_space<vmem>>
      %gather3A_925 = tpu.vector_load_idx %gather3A_924[%iota3A, %broadcast_in_dim3A_918, %and3A_866] masked %lt3A_868 : memref<8x32x128xf32, #tpu.memory_space<vmem>>[vector<16xi32>, vector<16xi32>, vector<16xi32>], vector<16xf32>, vector<16xi1>
      tpu.vector_store_idx %arg10[%broadcast_in_dim3A_918, %add3A_872], %gather3A_925 masked %lt3A_868 : memref<32x512xf32, #tpu.memory_space<vmem>>[vector<16xi32>, vector<16xi32>], vector<16xf32>, vector<16xi1>
      %broadcast_in_dim3A_926 = arith.constant 6 : i32
      %broadcast_in_dim3A_927 = vector.broadcast %broadcast_in_dim3A_926 : i32 to vector<16xi32>
      %gather3A_928 = arith.constant 0 : i32
      %gather3A_929 = arith.constant 0 : i32
      %gather3A_930 = arith.constant 0 : i32
      %gather3A_931 = arith.constant 0 : i32
      %gather3A_932 = tpu.memref_slice %arg9[%gather3A_928, %gather3A_929, %gather3A_930, %gather3A_931] : memref<2x8x32x128xf32, #tpu.memory_space<vmem>> -> memref<1x8x32x128xf32, #tpu.memory_space<vmem>>
      %gather3A_933 = tpu.memref_squeeze %gather3A_932 : memref<1x8x32x128xf32, #tpu.memory_space<vmem>> -> memref<8x32x128xf32, #tpu.memory_space<vmem>>
      %gather3A_934 = tpu.vector_load_idx %gather3A_933[%iota3A, %broadcast_in_dim3A_927, %and3A_866] masked %lt3A_868 : memref<8x32x128xf32, #tpu.memory_space<vmem>>[vector<16xi32>, vector<16xi32>, vector<16xi32>], vector<16xf32>, vector<16xi1>
      tpu.vector_store_idx %arg10[%broadcast_in_dim3A_927, %add3A_872], %gather3A_934 masked %lt3A_868 : memref<32x512xf32, #tpu.memory_space<vmem>>[vector<16xi32>, vector<16xi32>], vector<16xf32>, vector<16xi1>
      %broadcast_in_dim3A_935 = arith.constant 7 : i32
      %broadcast_in_dim3A_936 = vector.broadcast %broadcast_in_dim3A_935 : i32 to vector<16xi32>
      %gather3A_937 = arith.constant 0 : i32
      %gather3A_938 = arith.constant 0 : i32
      %gather3A_939 = arith.constant 0 : i32
      %gather3A_940 = arith.constant 0 : i32
      %gather3A_941 = tpu.memref_slice %arg9[%gather3A_937, %gather3A_938, %gather3A_939, %gather3A_940] : memref<2x8x32x128xf32, #tpu.memory_space<vmem>> -> memref<1x8x32x128xf32, #tpu.memory_space<vmem>>
      %gather3A_942 = tpu.memref_squeeze %gather3A_941 : memref<1x8x32x128xf32, #tpu.memory_space<vmem>> -> memref<8x32x128xf32, #tpu.memory_space<vmem>>
      %gather3A_943 = tpu.vector_load_idx %gather3A_942[%iota3A, %broadcast_in_dim3A_936, %and3A_866] masked %lt3A_868 : memref<8x32x128xf32, #tpu.memory_space<vmem>>[vector<16xi32>, vector<16xi32>, vector<16xi32>], vector<16xf32>, vector<16xi1>
      tpu.vector_store_idx %arg10[%broadcast_in_dim3A_936, %add3A_872], %gather3A_943 masked %lt3A_868 : memref<32x512xf32, #tpu.memory_space<vmem>>[vector<16xi32>, vector<16xi32>], vector<16xf32>, vector<16xi1>
      %broadcast_in_dim3A_944 = arith.constant 8 : i32
      %broadcast_in_dim3A_945 = vector.broadcast %broadcast_in_dim3A_944 : i32 to vector<16xi32>
      %gather3A_946 = arith.constant 0 : i32
      %gather3A_947 = arith.constant 0 : i32
      %gather3A_948 = arith.constant 0 : i32
      %gather3A_949 = arith.constant 0 : i32
      %gather3A_950 = tpu.memref_slice %arg9[%gather3A_946, %gather3A_947, %gather3A_948, %gather3A_949] : memref<2x8x32x128xf32, #tpu.memory_space<vmem>> -> memref<1x8x32x128xf32, #tpu.memory_space<vmem>>
      %gather3A_951 = tpu.memref_squeeze %gather3A_950 : memref<1x8x32x128xf32, #tpu.memory_space<vmem>> -> memref<8x32x128xf32, #tpu.memory_space<vmem>>
      %gather3A_952 = tpu.vector_load_idx %gather3A_951[%iota3A, %broadcast_in_dim3A_945, %and3A_866] masked %lt3A_868 : memref<8x32x128xf32, #tpu.memory_space<vmem>>[vector<16xi32>, vector<16xi32>, vector<16xi32>], vector<16xf32>, vector<16xi1>
      tpu.vector_store_idx %arg10[%broadcast_in_dim3A_945, %add3A_872], %gather3A_952 masked %lt3A_868 : memref<32x512xf32, #tpu.memory_space<vmem>>[vector<16xi32>, vector<16xi32>], vector<16xf32>, vector<16xi1>
      %broadcast_in_dim3A_953 = arith.constant 9 : i32
      %broadcast_in_dim3A_954 = vector.broadcast %broadcast_in_dim3A_953 : i32 to vector<16xi32>
      %gather3A_955 = arith.constant 0 : i32
      %gather3A_956 = arith.constant 0 : i32
      %gather3A_957 = arith.constant 0 : i32
      %gather3A_958 = arith.constant 0 : i32
      %gather3A_959 = tpu.memref_slice %arg9[%gather3A_955, %gather3A_956, %gather3A_957, %gather3A_958] : memref<2x8x32x128xf32, #tpu.memory_space<vmem>> -> memref<1x8x32x128xf32, #tpu.memory_space<vmem>>
      %gather3A_960 = tpu.memref_squeeze %gather3A_959 : memref<1x8x32x128xf32, #tpu.memory_space<vmem>> -> memref<8x32x128xf32, #tpu.memory_space<vmem>>
      %gather3A_961 = tpu.vector_load_idx %gather3A_960[%iota3A, %broadcast_in_dim3A_954, %and3A_866] masked %lt3A_868 : memref<8x32x128xf32, #tpu.memory_space<vmem>>[vector<16xi32>, vector<16xi32>, vector<16xi32>], vector<16xf32>, vector<16xi1>
      tpu.vector_store_idx %arg10[%broadcast_in_dim3A_954, %add3A_872], %gather3A_961 masked %lt3A_868 : memref<32x512xf32, #tpu.memory_space<vmem>>[vector<16xi32>, vector<16xi32>], vector<16xf32>, vector<16xi1>
      %broadcast_in_dim3A_962 = arith.constant 10 : i32
      %broadcast_in_dim3A_963 = vector.broadcast %broadcast_in_dim3A_962 : i32 to vector<16xi32>
      %gather3A_964 = arith.constant 0 : i32
      %gather3A_965 = arith.constant 0 : i32
      %gather3A_966 = arith.constant 0 : i32
      %gather3A_967 = arith.constant 0 : i32
      %gather3A_968 = tpu.memref_slice %arg9[%gather3A_964, %gather3A_965, %gather3A_966, %gather3A_967] : memref<2x8x32x128xf32, #tpu.memory_space<vmem>> -> memref<1x8x32x128xf32, #tpu.memory_space<vmem>>
      %gather3A_969 = tpu.memref_squeeze %gather3A_968 : memref<1x8x32x128xf32, #tpu.memory_space<vmem>> -> memref<8x32x128xf32, #tpu.memory_space<vmem>>
      %gather3A_970 = tpu.vector_load_idx %gather3A_969[%iota3A, %broadcast_in_dim3A_963, %and3A_866] masked %lt3A_868 : memref<8x32x128xf32, #tpu.memory_space<vmem>>[vector<16xi32>, vector<16xi32>, vector<16xi32>], vector<16xf32>, vector<16xi1>
      tpu.vector_store_idx %arg10[%broadcast_in_dim3A_963, %add3A_872], %gather3A_970 masked %lt3A_868 : memref<32x512xf32, #tpu.memory_space<vmem>>[vector<16xi32>, vector<16xi32>], vector<16xf32>, vector<16xi1>
      %broadcast_in_dim3A_971 = arith.constant 11 : i32
      %broadcast_in_dim3A_972 = vector.broadcast %broadcast_in_dim3A_971 : i32 to vector<16xi32>
      %gather3A_973 = arith.constant 0 : i32
      %gather3A_974 = arith.constant 0 : i32
      %gather3A_975 = arith.constant 0 : i32
      %gather3A_976 = arith.constant 0 : i32
      %gather3A_977 = tpu.memref_slice %arg9[%gather3A_973, %gather3A_974, %gather3A_975, %gather3A_976] : memref<2x8x32x128xf32, #tpu.memory_space<vmem>> -> memref<1x8x32x128xf32, #tpu.memory_space<vmem>>
      %gather3A_978 = tpu.memref_squeeze %gather3A_977 : memref<1x8x32x128xf32, #tpu.memory_space<vmem>> -> memref<8x32x128xf32, #tpu.memory_space<vmem>>
      %gather3A_979 = tpu.vector_load_idx %gather3A_978[%iota3A, %broadcast_in_dim3A_972, %and3A_866] masked %lt3A_868 : memref<8x32x128xf32, #tpu.memory_space<vmem>>[vector<16xi32>, vector<16xi32>, vector<16xi32>], vector<16xf32>, vector<16xi1>
      tpu.vector_store_idx %arg10[%broadcast_in_dim3A_972, %add3A_872], %gather3A_979 masked %lt3A_868 : memref<32x512xf32, #tpu.memory_space<vmem>>[vector<16xi32>, vector<16xi32>], vector<16xf32>, vector<16xi1>
      %broadcast_in_dim3A_980 = arith.constant 12 : i32
      %broadcast_in_dim3A_981 = vector.broadcast %broadcast_in_dim3A_980 : i32 to vector<16xi32>
      %gather3A_982 = arith.constant 0 : i32
      %gather3A_983 = arith.constant 0 : i32
      %gather3A_984 = arith.constant 0 : i32
      %gather3A_985 = arith.constant 0 : i32
      %gather3A_986 = tpu.memref_slice %arg9[%gather3A_982, %gather3A_983, %gather3A_984, %gather3A_985] : memref<2x8x32x128xf32, #tpu.memory_space<vmem>> -> memref<1x8x32x128xf32, #tpu.memory_space<vmem>>
      %gather3A_987 = tpu.memref_squeeze %gather3A_986 : memref<1x8x32x128xf32, #tpu.memory_space<vmem>> -> memref<8x32x128xf32, #tpu.memory_space<vmem>>
      %gather3A_988 = tpu.vector_load_idx %gather3A_987[%iota3A, %broadcast_in_dim3A_981, %and3A_866] masked %lt3A_868 : memref<8x32x128xf32, #tpu.memory_space<vmem>>[vector<16xi32>, vector<16xi32>, vector<16xi32>], vector<16xf32>, vector<16xi1>
      tpu.vector_store_idx %arg10[%broadcast_in_dim3A_981, %add3A_872], %gather3A_988 masked %lt3A_868 : memref<32x512xf32, #tpu.memory_space<vmem>>[vector<16xi32>, vector<16xi32>], vector<16xf32>, vector<16xi1>
      %broadcast_in_dim3A_989 = arith.constant 13 : i32
      %broadcast_in_dim3A_990 = vector.broadcast %broadcast_in_dim3A_989 : i32 to vector<16xi32>
      %gather3A_991 = arith.constant 0 : i32
      %gather3A_992 = arith.constant 0 : i32
      %gather3A_993 = arith.constant 0 : i32
      %gather3A_994 = arith.constant 0 : i32
      %gather3A_995 = tpu.memref_slice %arg9[%gather3A_991, %gather3A_992, %gather3A_993, %gather3A_994] : memref<2x8x32x128xf32, #tpu.memory_space<vmem>> -> memref<1x8x32x128xf32, #tpu.memory_space<vmem>>
      %gather3A_996 = tpu.memref_squeeze %gather3A_995 : memref<1x8x32x128xf32, #tpu.memory_space<vmem>> -> memref<8x32x128xf32, #tpu.memory_space<vmem>>
      %gather3A_997 = tpu.vector_load_idx %gather3A_996[%iota3A, %broadcast_in_dim3A_990, %and3A_866] masked %lt3A_868 : memref<8x32x128xf32, #tpu.memory_space<vmem>>[vector<16xi32>, vector<16xi32>, vector<16xi32>], vector<16xf32>, vector<16xi1>
      tpu.vector_store_idx %arg10[%broadcast_in_dim3A_990, %add3A_872], %gather3A_997 masked %lt3A_868 : memref<32x512xf32, #tpu.memory_space<vmem>>[vector<16xi32>, vector<16xi32>], vector<16xf32>, vector<16xi1>
      %broadcast_in_dim3A_998 = arith.constant 14 : i32
      %broadcast_in_dim3A_999 = vector.broadcast %broadcast_in_dim3A_998 : i32 to vector<16xi32>
      %gather3A_1000 = arith.constant 0 : i32
      %gather3A_1001 = arith.constant 0 : i32
      %gather3A_1002 = arith.constant 0 : i32
      %gather3A_1003 = arith.constant 0 : i32
      %gather3A_1004 = tpu.memref_slice %arg9[%gather3A_1000, %gather3A_1001, %gather3A_1002, %gather3A_1003] : memref<2x8x32x128xf32, #tpu.memory_space<vmem>> -> memref<1x8x32x128xf32, #tpu.memory_space<vmem>>
      %gather3A_1005 = tpu.memref_squeeze %gather3A_1004 : memref<1x8x32x128xf32, #tpu.memory_space<vmem>> -> memref<8x32x128xf32, #tpu.memory_space<vmem>>
      %gather3A_1006 = tpu.vector_load_idx %gather3A_1005[%iota3A, %broadcast_in_dim3A_999, %and3A_866] masked %lt3A_868 : memref<8x32x128xf32, #tpu.memory_space<vmem>>[vector<16xi32>, vector<16xi32>, vector<16xi32>], vector<16xf32>, vector<16xi1>
      tpu.vector_store_idx %arg10[%broadcast_in_dim3A_999, %add3A_872], %gather3A_1006 masked %lt3A_868 : memref<32x512xf32, #tpu.memory_space<vmem>>[vector<16xi32>, vector<16xi32>], vector<16xf32>, vector<16xi1>
      %broadcast_in_dim3A_1007 = arith.constant 15 : i32
      %broadcast_in_dim3A_1008 = vector.broadcast %broadcast_in_dim3A_1007 : i32 to vector<16xi32>
      %gather3A_1009 = arith.constant 0 : i32
      %gather3A_1010 = arith.constant 0 : i32
      %gather3A_1011 = arith.constant 0 : i32
      %gather3A_1012 = arith.constant 0 : i32
      %gather3A_1013 = tpu.memref_slice %arg9[%gather3A_1009, %gather3A_1010, %gather3A_1011, %gather3A_1012] : memref<2x8x32x128xf32, #tpu.memory_space<vmem>> -> memref<1x8x32x128xf32, #tpu.memory_space<vmem>>
      %gather3A_1014 = tpu.memref_squeeze %gather3A_1013 : memref<1x8x32x128xf32, #tpu.memory_space<vmem>> -> memref<8x32x128xf32, #tpu.memory_space<vmem>>
      %gather3A_1015 = tpu.vector_load_idx %gather3A_1014[%iota3A, %broadcast_in_dim3A_1008, %and3A_866] masked %lt3A_868 : memref<8x32x128xf32, #tpu.memory_space<vmem>>[vector<16xi32>, vector<16xi32>, vector<16xi32>], vector<16xf32>, vector<16xi1>
      tpu.vector_store_idx %arg10[%broadcast_in_dim3A_1008, %add3A_872], %gather3A_1015 masked %lt3A_868 : memref<32x512xf32, #tpu.memory_space<vmem>>[vector<16xi32>, vector<16xi32>], vector<16xf32>, vector<16xi1>
      %broadcast_in_dim3A_1016 = arith.constant 16 : i32
      %broadcast_in_dim3A_1017 = vector.broadcast %broadcast_in_dim3A_1016 : i32 to vector<16xi32>
      %gather3A_1018 = arith.constant 0 : i32
      %gather3A_1019 = arith.constant 0 : i32
      %gather3A_1020 = arith.constant 0 : i32
      %gather3A_1021 = arith.constant 0 : i32
      %gather3A_1022 = tpu.memref_slice %arg9[%gather3A_1018, %gather3A_1019, %gather3A_1020, %gather3A_1021] : memref<2x8x32x128xf32, #tpu.memory_space<vmem>> -> memref<1x8x32x128xf32, #tpu.memory_space<vmem>>
      %gather3A_1023 = tpu.memref_squeeze %gather3A_1022 : memref<1x8x32x128xf32, #tpu.memory_space<vmem>> -> memref<8x32x128xf32, #tpu.memory_space<vmem>>
      %gather3A_1024 = tpu.vector_load_idx %gather3A_1023[%iota3A, %broadcast_in_dim3A_1017, %and3A_866] masked %lt3A_868 : memref<8x32x128xf32, #tpu.memory_space<vmem>>[vector<16xi32>, vector<16xi32>, vector<16xi32>], vector<16xf32>, vector<16xi1>
      tpu.vector_store_idx %arg10[%broadcast_in_dim3A_1017, %add3A_872], %gather3A_1024 masked %lt3A_868 : memref<32x512xf32, #tpu.memory_space<vmem>>[vector<16xi32>, vector<16xi32>], vector<16xf32>, vector<16xi1>
      %broadcast_in_dim3A_1025 = arith.constant 17 : i32
      %broadcast_in_dim3A_1026 = vector.broadcast %broadcast_in_dim3A_1025 : i32 to vector<16xi32>
      %gather3A_1027 = arith.constant 0 : i32
      %gather3A_1028 = arith.constant 0 : i32
      %gather3A_1029 = arith.constant 0 : i32
      %gather3A_1030 = arith.constant 0 : i32
      %gather3A_1031 = tpu.memref_slice %arg9[%gather3A_1027, %gather3A_1028, %gather3A_1029, %gather3A_1030] : memref<2x8x32x128xf32, #tpu.memory_space<vmem>> -> memref<1x8x32x128xf32, #tpu.memory_space<vmem>>
      %gather3A_1032 = tpu.memref_squeeze %gather3A_1031 : memref<1x8x32x128xf32, #tpu.memory_space<vmem>> -> memref<8x32x128xf32, #tpu.memory_space<vmem>>
      %gather3A_1033 = tpu.vector_load_idx %gather3A_1032[%iota3A, %broadcast_in_dim3A_1026, %and3A_866] masked %lt3A_868 : memref<8x32x128xf32, #tpu.memory_space<vmem>>[vector<16xi32>, vector<16xi32>, vector<16xi32>], vector<16xf32>, vector<16xi1>
      tpu.vector_store_idx %arg10[%broadcast_in_dim3A_1026, %add3A_872], %gather3A_1033 masked %lt3A_868 : memref<32x512xf32, #tpu.memory_space<vmem>>[vector<16xi32>, vector<16xi32>], vector<16xf32>, vector<16xi1>
      %broadcast_in_dim3A_1034 = arith.constant 18 : i32
      %broadcast_in_dim3A_1035 = vector.broadcast %broadcast_in_dim3A_1034 : i32 to vector<16xi32>
      %gather3A_1036 = arith.constant 0 : i32
      %gather3A_1037 = arith.constant 0 : i32
      %gather3A_1038 = arith.constant 0 : i32
      %gather3A_1039 = arith.constant 0 : i32
      %gather3A_1040 = tpu.memref_slice %arg9[%gather3A_1036, %gather3A_1037, %gather3A_1038, %gather3A_1039] : memref<2x8x32x128xf32, #tpu.memory_space<vmem>> -> memref<1x8x32x128xf32, #tpu.memory_space<vmem>>
      %gather3A_1041 = tpu.memref_squeeze %gather3A_1040 : memref<1x8x32x128xf32, #tpu.memory_space<vmem>> -> memref<8x32x128xf32, #tpu.memory_space<vmem>>
      %gather3A_1042 = tpu.vector_load_idx %gather3A_1041[%iota3A, %broadcast_in_dim3A_1035, %and3A_866] masked %lt3A_868 : memref<8x32x128xf32, #tpu.memory_space<vmem>>[vector<16xi32>, vector<16xi32>, vector<16xi32>], vector<16xf32>, vector<16xi1>
      tpu.vector_store_idx %arg10[%broadcast_in_dim3A_1035, %add3A_872], %gather3A_1042 masked %lt3A_868 : memref<32x512xf32, #tpu.memory_space<vmem>>[vector<16xi32>, vector<16xi32>], vector<16xf32>, vector<16xi1>
      %broadcast_in_dim3A_1043 = arith.constant 19 : i32
      %broadcast_in_dim3A_1044 = vector.broadcast %broadcast_in_dim3A_1043 : i32 to vector<16xi32>
      %gather3A_1045 = arith.constant 0 : i32
      %gather3A_1046 = arith.constant 0 : i32
      %gather3A_1047 = arith.constant 0 : i32
      %gather3A_1048 = arith.constant 0 : i32
      %gather3A_1049 = tpu.memref_slice %arg9[%gather3A_1045, %gather3A_1046, %gather3A_1047, %gather3A_1048] : memref<2x8x32x128xf32, #tpu.memory_space<vmem>> -> memref<1x8x32x128xf32, #tpu.memory_space<vmem>>
      %gather3A_1050 = tpu.memref_squeeze %gather3A_1049 : memref<1x8x32x128xf32, #tpu.memory_space<vmem>> -> memref<8x32x128xf32, #tpu.memory_space<vmem>>
      %gather3A_1051 = tpu.vector_load_idx %gather3A_1050[%iota3A, %broadcast_in_dim3A_1044, %and3A_866] masked %lt3A_868 : memref<8x32x128xf32, #tpu.memory_space<vmem>>[vector<16xi32>, vector<16xi32>, vector<16xi32>], vector<16xf32>, vector<16xi1>
      tpu.vector_store_idx %arg10[%broadcast_in_dim3A_1044, %add3A_872], %gather3A_1051 masked %lt3A_868 : memref<32x512xf32, #tpu.memory_space<vmem>>[vector<16xi32>, vector<16xi32>], vector<16xf32>, vector<16xi1>
      %broadcast_in_dim3A_1052 = arith.constant 20 : i32
      %broadcast_in_dim3A_1053 = vector.broadcast %broadcast_in_dim3A_1052 : i32 to vector<16xi32>
      %gather3A_1054 = arith.constant 0 : i32
      %gather3A_1055 = arith.constant 0 : i32
      %gather3A_1056 = arith.constant 0 : i32
      %gather3A_1057 = arith.constant 0 : i32
      %gather3A_1058 = tpu.memref_slice %arg9[%gather3A_1054, %gather3A_1055, %gather3A_1056, %gather3A_1057] : memref<2x8x32x128xf32, #tpu.memory_space<vmem>> -> memref<1x8x32x128xf32, #tpu.memory_space<vmem>>
      %gather3A_1059 = tpu.memref_squeeze %gather3A_1058 : memref<1x8x32x128xf32, #tpu.memory_space<vmem>> -> memref<8x32x128xf32, #tpu.memory_space<vmem>>
      %gather3A_1060 = tpu.vector_load_idx %gather3A_1059[%iota3A, %broadcast_in_dim3A_1053, %and3A_866] masked %lt3A_868 : memref<8x32x128xf32, #tpu.memory_space<vmem>>[vector<16xi32>, vector<16xi32>, vector<16xi32>], vector<16xf32>, vector<16xi1>
      tpu.vector_store_idx %arg10[%broadcast_in_dim3A_1053, %add3A_872], %gather3A_1060 masked %lt3A_868 : memref<32x512xf32, #tpu.memory_space<vmem>>[vector<16xi32>, vector<16xi32>], vector<16xf32>, vector<16xi1>
      %broadcast_in_dim3A_1061 = arith.constant 21 : i32
      %broadcast_in_dim3A_1062 = vector.broadcast %broadcast_in_dim3A_1061 : i32 to vector<16xi32>
      %gather3A_1063 = arith.constant 0 : i32
      %gather3A_1064 = arith.constant 0 : i32
      %gather3A_1065 = arith.constant 0 : i32
      %gather3A_1066 = arith.constant 0 : i32
      %gather3A_1067 = tpu.memref_slice %arg9[%gather3A_1063, %gather3A_1064, %gather3A_1065, %gather3A_1066] : memref<2x8x32x128xf32, #tpu.memory_space<vmem>> -> memref<1x8x32x128xf32, #tpu.memory_space<vmem>>
      %gather3A_1068 = tpu.memref_squeeze %gather3A_1067 : memref<1x8x32x128xf32, #tpu.memory_space<vmem>> -> memref<8x32x128xf32, #tpu.memory_space<vmem>>
      %gather3A_1069 = tpu.vector_load_idx %gather3A_1068[%iota3A, %broadcast_in_dim3A_1062, %and3A_866] masked %lt3A_868 : memref<8x32x128xf32, #tpu.memory_space<vmem>>[vector<16xi32>, vector<16xi32>, vector<16xi32>], vector<16xf32>, vector<16xi1>
      tpu.vector_store_idx %arg10[%broadcast_in_dim3A_1062, %add3A_872], %gather3A_1069 masked %lt3A_868 : memref<32x512xf32, #tpu.memory_space<vmem>>[vector<16xi32>, vector<16xi32>], vector<16xf32>, vector<16xi1>
      %broadcast_in_dim3A_1070 = arith.constant 22 : i32
      %broadcast_in_dim3A_1071 = vector.broadcast %broadcast_in_dim3A_1070 : i32 to vector<16xi32>
      %gather3A_1072 = arith.constant 0 : i32
      %gather3A_1073 = arith.constant 0 : i32
      %gather3A_1074 = arith.constant 0 : i32
      %gather3A_1075 = arith.constant 0 : i32
      %gather3A_1076 = tpu.memref_slice %arg9[%gather3A_1072, %gather3A_1073, %gather3A_1074, %gather3A_1075] : memref<2x8x32x128xf32, #tpu.memory_space<vmem>> -> memref<1x8x32x128xf32, #tpu.memory_space<vmem>>
      %gather3A_1077 = tpu.memref_squeeze %gather3A_1076 : memref<1x8x32x128xf32, #tpu.memory_space<vmem>> -> memref<8x32x128xf32, #tpu.memory_space<vmem>>
      %gather3A_1078 = tpu.vector_load_idx %gather3A_1077[%iota3A, %broadcast_in_dim3A_1071, %and3A_866] masked %lt3A_868 : memref<8x32x128xf32, #tpu.memory_space<vmem>>[vector<16xi32>, vector<16xi32>, vector<16xi32>], vector<16xf32>, vector<16xi1>
      tpu.vector_store_idx %arg10[%broadcast_in_dim3A_1071, %add3A_872], %gather3A_1078 masked %lt3A_868 : memref<32x512xf32, #tpu.memory_space<vmem>>[vector<16xi32>, vector<16xi32>], vector<16xf32>, vector<16xi1>
      %broadcast_in_dim3A_1079 = arith.constant 23 : i32
      %broadcast_in_dim3A_1080 = vector.broadcast %broadcast_in_dim3A_1079 : i32 to vector<16xi32>
      %gather3A_1081 = arith.constant 0 : i32
      %gather3A_1082 = arith.constant 0 : i32
      %gather3A_1083 = arith.constant 0 : i32
      %gather3A_1084 = arith.constant 0 : i32
      %gather3A_1085 = tpu.memref_slice %arg9[%gather3A_1081, %gather3A_1082, %gather3A_1083, %gather3A_1084] : memref<2x8x32x128xf32, #tpu.memory_space<vmem>> -> memref<1x8x32x128xf32, #tpu.memory_space<vmem>>
      %gather3A_1086 = tpu.memref_squeeze %gather3A_1085 : memref<1x8x32x128xf32, #tpu.memory_space<vmem>> -> memref<8x32x128xf32, #tpu.memory_space<vmem>>
      %gather3A_1087 = tpu.vector_load_idx %gather3A_1086[%iota3A, %broadcast_in_dim3A_1080, %and3A_866] masked %lt3A_868 : memref<8x32x128xf32, #tpu.memory_space<vmem>>[vector<16xi32>, vector<16xi32>, vector<16xi32>], vector<16xf32>, vector<16xi1>
      tpu.vector_store_idx %arg10[%broadcast_in_dim3A_1080, %add3A_872], %gather3A_1087 masked %lt3A_868 : memref<32x512xf32, #tpu.memory_space<vmem>>[vector<16xi32>, vector<16xi32>], vector<16xf32>, vector<16xi1>
      %broadcast_in_dim3A_1088 = arith.constant 24 : i32
      %broadcast_in_dim3A_1089 = vector.broadcast %broadcast_in_dim3A_1088 : i32 to vector<16xi32>
      %gather3A_1090 = arith.constant 0 : i32
      %gather3A_1091 = arith.constant 0 : i32
      %gather3A_1092 = arith.constant 0 : i32
      %gather3A_1093 = arith.constant 0 : i32
      %gather3A_1094 = tpu.memref_slice %arg9[%gather3A_1090, %gather3A_1091, %gather3A_1092, %gather3A_1093] : memref<2x8x32x128xf32, #tpu.memory_space<vmem>> -> memref<1x8x32x128xf32, #tpu.memory_space<vmem>>
      %gather3A_1095 = tpu.memref_squeeze %gather3A_1094 : memref<1x8x32x128xf32, #tpu.memory_space<vmem>> -> memref<8x32x128xf32, #tpu.memory_space<vmem>>
      %gather3A_1096 = tpu.vector_load_idx %gather3A_1095[%iota3A, %broadcast_in_dim3A_1089, %and3A_866] masked %lt3A_868 : memref<8x32x128xf32, #tpu.memory_space<vmem>>[vector<16xi32>, vector<16xi32>, vector<16xi32>], vector<16xf32>, vector<16xi1>
      tpu.vector_store_idx %arg10[%broadcast_in_dim3A_1089, %add3A_872], %gather3A_1096 masked %lt3A_868 : memref<32x512xf32, #tpu.memory_space<vmem>>[vector<16xi32>, vector<16xi32>], vector<16xf32>, vector<16xi1>
      %broadcast_in_dim3A_1097 = arith.constant 25 : i32
      %broadcast_in_dim3A_1098 = vector.broadcast %broadcast_in_dim3A_1097 : i32 to vector<16xi32>
      %gather3A_1099 = arith.constant 0 : i32
      %gather3A_1100 = arith.constant 0 : i32
      %gather3A_1101 = arith.constant 0 : i32
      %gather3A_1102 = arith.constant 0 : i32
      %gather3A_1103 = tpu.memref_slice %arg9[%gather3A_1099, %gather3A_1100, %gather3A_1101, %gather3A_1102] : memref<2x8x32x128xf32, #tpu.memory_space<vmem>> -> memref<1x8x32x128xf32, #tpu.memory_space<vmem>>
      %gather3A_1104 = tpu.memref_squeeze %gather3A_1103 : memref<1x8x32x128xf32, #tpu.memory_space<vmem>> -> memref<8x32x128xf32, #tpu.memory_space<vmem>>
      %gather3A_1105 = tpu.vector_load_idx %gather3A_1104[%iota3A, %broadcast_in_dim3A_1098, %and3A_866] masked %lt3A_868 : memref<8x32x128xf32, #tpu.memory_space<vmem>>[vector<16xi32>, vector<16xi32>, vector<16xi32>], vector<16xf32>, vector<16xi1>
      tpu.vector_store_idx %arg10[%broadcast_in_dim3A_1098, %add3A_872], %gather3A_1105 masked %lt3A_868 : memref<32x512xf32, #tpu.memory_space<vmem>>[vector<16xi32>, vector<16xi32>], vector<16xf32>, vector<16xi1>
      %broadcast_in_dim3A_1106 = arith.constant 26 : i32
      %broadcast_in_dim3A_1107 = vector.broadcast %broadcast_in_dim3A_1106 : i32 to vector<16xi32>
      %gather3A_1108 = arith.constant 0 : i32
      %gather3A_1109 = arith.constant 0 : i32
      %gather3A_1110 = arith.constant 0 : i32
      %gather3A_1111 = arith.constant 0 : i32
      %gather3A_1112 = tpu.memref_slice %arg9[%gather3A_1108, %gather3A_1109, %gather3A_1110, %gather3A_1111] : memref<2x8x32x128xf32, #tpu.memory_space<vmem>> -> memref<1x8x32x128xf32, #tpu.memory_space<vmem>>
      %gather3A_1113 = tpu.memref_squeeze %gather3A_1112 : memref<1x8x32x128xf32, #tpu.memory_space<vmem>> -> memref<8x32x128xf32, #tpu.memory_space<vmem>>
      %gather3A_1114 = tpu.vector_load_idx %gather3A_1113[%iota3A, %broadcast_in_dim3A_1107, %and3A_866] masked %lt3A_868 : memref<8x32x128xf32, #tpu.memory_space<vmem>>[vector<16xi32>, vector<16xi32>, vector<16xi32>], vector<16xf32>, vector<16xi1>
      tpu.vector_store_idx %arg10[%broadcast_in_dim3A_1107, %add3A_872], %gather3A_1114 masked %lt3A_868 : memref<32x512xf32, #tpu.memory_space<vmem>>[vector<16xi32>, vector<16xi32>], vector<16xf32>, vector<16xi1>
      %broadcast_in_dim3A_1115 = arith.constant 27 : i32
      %broadcast_in_dim3A_1116 = vector.broadcast %broadcast_in_dim3A_1115 : i32 to vector<16xi32>
      %gather3A_1117 = arith.constant 0 : i32
      %gather3A_1118 = arith.constant 0 : i32
      %gather3A_1119 = arith.constant 0 : i32
      %gather3A_1120 = arith.constant 0 : i32
      %gather3A_1121 = tpu.memref_slice %arg9[%gather3A_1117, %gather3A_1118, %gather3A_1119, %gather3A_1120] : memref<2x8x32x128xf32, #tpu.memory_space<vmem>> -> memref<1x8x32x128xf32, #tpu.memory_space<vmem>>
      %gather3A_1122 = tpu.memref_squeeze %gather3A_1121 : memref<1x8x32x128xf32, #tpu.memory_space<vmem>> -> memref<8x32x128xf32, #tpu.memory_space<vmem>>
      %gather3A_1123 = tpu.vector_load_idx %gather3A_1122[%iota3A, %broadcast_in_dim3A_1116, %and3A_866] masked %lt3A_868 : memref<8x32x128xf32, #tpu.memory_space<vmem>>[vector<16xi32>, vector<16xi32>, vector<16xi32>], vector<16xf32>, vector<16xi1>
      tpu.vector_store_idx %arg10[%broadcast_in_dim3A_1116, %add3A_872], %gather3A_1123 masked %lt3A_868 : memref<32x512xf32, #tpu.memory_space<vmem>>[vector<16xi32>, vector<16xi32>], vector<16xf32>, vector<16xi1>
      %broadcast_in_dim3A_1124 = arith.constant 28 : i32
      %broadcast_in_dim3A_1125 = vector.broadcast %broadcast_in_dim3A_1124 : i32 to vector<16xi32>
      %gather3A_1126 = arith.constant 0 : i32
      %gather3A_1127 = arith.constant 0 : i32
      %gather3A_1128 = arith.constant 0 : i32
      %gather3A_1129 = arith.constant 0 : i32
      %gather3A_1130 = tpu.memref_slice %arg9[%gather3A_1126, %gather3A_1127, %gather3A_1128, %gather3A_1129] : memref<2x8x32x128xf32, #tpu.memory_space<vmem>> -> memref<1x8x32x128xf32, #tpu.memory_space<vmem>>
      %gather3A_1131 = tpu.memref_squeeze %gather3A_1130 : memref<1x8x32x128xf32, #tpu.memory_space<vmem>> -> memref<8x32x128xf32, #tpu.memory_space<vmem>>
      %gather3A_1132 = tpu.vector_load_idx %gather3A_1131[%iota3A, %broadcast_in_dim3A_1125, %and3A_866] masked %lt3A_868 : memref<8x32x128xf32, #tpu.memory_space<vmem>>[vector<16xi32>, vector<16xi32>, vector<16xi32>], vector<16xf32>, vector<16xi1>
      tpu.vector_store_idx %arg10[%broadcast_in_dim3A_1125, %add3A_872], %gather3A_1132 masked %lt3A_868 : memref<32x512xf32, #tpu.memory_space<vmem>>[vector<16xi32>, vector<16xi32>], vector<16xf32>, vector<16xi1>
      %broadcast_in_dim3A_1133 = arith.constant 29 : i32
      %broadcast_in_dim3A_1134 = vector.broadcast %broadcast_in_dim3A_1133 : i32 to vector<16xi32>
      %gather3A_1135 = arith.constant 0 : i32
      %gather3A_1136 = arith.constant 0 : i32
      %gather3A_1137 = arith.constant 0 : i32
      %gather3A_1138 = arith.constant 0 : i32
      %gather3A_1139 = tpu.memref_slice %arg9[%gather3A_1135, %gather3A_1136, %gather3A_1137, %gather3A_1138] : memref<2x8x32x128xf32, #tpu.memory_space<vmem>> -> memref<1x8x32x128xf32, #tpu.memory_space<vmem>>
      %gather3A_1140 = tpu.memref_squeeze %gather3A_1139 : memref<1x8x32x128xf32, #tpu.memory_space<vmem>> -> memref<8x32x128xf32, #tpu.memory_space<vmem>>
      %gather3A_1141 = tpu.vector_load_idx %gather3A_1140[%iota3A, %broadcast_in_dim3A_1134, %and3A_866] masked %lt3A_868 : memref<8x32x128xf32, #tpu.memory_space<vmem>>[vector<16xi32>, vector<16xi32>, vector<16xi32>], vector<16xf32>, vector<16xi1>
      tpu.vector_store_idx %arg10[%broadcast_in_dim3A_1134, %add3A_872], %gather3A_1141 masked %lt3A_868 : memref<32x512xf32, #tpu.memory_space<vmem>>[vector<16xi32>, vector<16xi32>], vector<16xf32>, vector<16xi1>
      %broadcast_in_dim3A_1142 = arith.constant 30 : i32
      %broadcast_in_dim3A_1143 = vector.broadcast %broadcast_in_dim3A_1142 : i32 to vector<16xi32>
      %gather3A_1144 = arith.constant 0 : i32
      %gather3A_1145 = arith.constant 0 : i32
      %gather3A_1146 = arith.constant 0 : i32
      %gather3A_1147 = arith.constant 0 : i32
      %gather3A_1148 = tpu.memref_slice %arg9[%gather3A_1144, %gather3A_1145, %gather3A_1146, %gather3A_1147] : memref<2x8x32x128xf32, #tpu.memory_space<vmem>> -> memref<1x8x32x128xf32, #tpu.memory_space<vmem>>
      %gather3A_1149 = tpu.memref_squeeze %gather3A_1148 : memref<1x8x32x128xf32, #tpu.memory_space<vmem>> -> memref<8x32x128xf32, #tpu.memory_space<vmem>>
      %gather3A_1150 = tpu.vector_load_idx %gather3A_1149[%iota3A, %broadcast_in_dim3A_1143, %and3A_866] masked %lt3A_868 : memref<8x32x128xf32, #tpu.memory_space<vmem>>[vector<16xi32>, vector<16xi32>, vector<16xi32>], vector<16xf32>, vector<16xi1>
      tpu.vector_store_idx %arg10[%broadcast_in_dim3A_1143, %add3A_872], %gather3A_1150 masked %lt3A_868 : memref<32x512xf32, #tpu.memory_space<vmem>>[vector<16xi32>, vector<16xi32>], vector<16xf32>, vector<16xi1>
      %broadcast_in_dim3A_1151 = arith.constant 31 : i32
      %broadcast_in_dim3A_1152 = vector.broadcast %broadcast_in_dim3A_1151 : i32 to vector<16xi32>
      %gather3A_1153 = arith.constant 0 : i32
      %gather3A_1154 = arith.constant 0 : i32
      %gather3A_1155 = arith.constant 0 : i32
      %gather3A_1156 = arith.constant 0 : i32
      %gather3A_1157 = tpu.memref_slice %arg9[%gather3A_1153, %gather3A_1154, %gather3A_1155, %gather3A_1156] : memref<2x8x32x128xf32, #tpu.memory_space<vmem>> -> memref<1x8x32x128xf32, #tpu.memory_space<vmem>>
      %gather3A_1158 = tpu.memref_squeeze %gather3A_1157 : memref<1x8x32x128xf32, #tpu.memory_space<vmem>> -> memref<8x32x128xf32, #tpu.memory_space<vmem>>
      %gather3A_1159 = tpu.vector_load_idx %gather3A_1158[%iota3A, %broadcast_in_dim3A_1152, %and3A_866] masked %lt3A_868 : memref<8x32x128xf32, #tpu.memory_space<vmem>>[vector<16xi32>, vector<16xi32>, vector<16xi32>], vector<16xf32>, vector<16xi1>
      tpu.vector_store_idx %arg10[%broadcast_in_dim3A_1152, %add3A_872], %gather3A_1159 masked %lt3A_868 : memref<32x512xf32, #tpu.memory_space<vmem>>[vector<16xi32>, vector<16xi32>], vector<16xf32>, vector<16xi1>
      %add3A_1160 = arith.constant 2 : i32
      %add3A_1161 = arith.addi %mul3A_489, %add3A_1160 : i32
      %lt3A_1162 = arith.constant 64 : i32
      %lt3A_1163 = arith.cmpi slt, %add3A_1161, %lt3A_1162 : i32
      %convert_element_type3A = arith.extui %lt3A_1163 : i1 to i32
      %cond3A = arith.constant 0 : i32
      %cond3A_1164 = arith.cmpi ne, %convert_element_type3A, %cond3A : i32
      scf.if %cond3A_1164 {
        %add3A_1597 = arith.constant 2 : i32
        %add3A_1598 = arith.addi %mul3A_489, %add3A_1597 : i32
        %mul3A_1599 = arith.constant 8 : i32
        %mul3A_1600 = arith.muli %add3A_1598, %mul3A_1599 : i32
        %get3A_1601 = arith.index_cast %mul3A_1600 : i32 to index
        %get3A_1602 = tpu.vector_load %arg8[%get3A_1601] {strides = array<i32>} : memref<528xi32, #tpu.memory_space<vmem>>, vector<16xi32>,
        %shift_right_arithmetic3A_1603 = arith.constant 7 : i32
        %shift_right_arithmetic3A_1604 = vector.broadcast %shift_right_arithmetic3A_1603 : i32 to vector<16xi32>
        %shift_right_arithmetic3A_1605 = arith.shrsi %get3A_1602, %shift_right_arithmetic3A_1604 : vector<16xi32>
        %mul3A_1606 = arith.constant 128 : i32
        %mul3A_1607 = vector.broadcast %mul3A_1606 : i32 to vector<16xi32>
        %mul3A_1608 = arith.muli %shift_right_arithmetic3A_1605, %mul3A_1607 : vector<16xi32>
        %eq3A_1609 = arith.constant 0 : i32
        %eq3A_1610 = vector.broadcast %eq3A_1609 : i32 to vector<16xi32>
        %eq3A_1611 = arith.cmpi eq, %iota3A, %eq3A_1610 : vector<16xi32>
        %jit3A_1612 = arith.constant 0 : i32
        %broadcast_in_dim3A_1613 = vector.broadcast %jit3A_1612 : i32 to vector<16xi32>
        %select_n3A_1614 = arith.select %eq3A_1611, %mul3A_1608, %broadcast_in_dim3A_1613 : vector<16xi1>, vector<16xi32>
        %reduce_max3A_1615 = arith.constant true
        %reduce_max3A_1616 = vector.broadcast %reduce_max3A_1615 : i1 to vector<16xi1>
        %reduce_max3A_1617 = arith.constant -2147483648 : i32
        %reduce_max3A_1618 = vector.broadcast %reduce_max3A_1617 : i32 to vector<16xi32>
        %reduce_max3A_1619 = arith.xori %select_n3A_1614, %reduce_max3A_1618 : vector<16xi32>
        %reduce_max3A_1620 = tpu.scan <max>, %reduce_max3A_1619 masked %reduce_max3A_1616 : vector<16xi32>, vector<16xi1> -> vector<16xi32>
        %reduce_max3A_1621 = arith.xori %reduce_max3A_1620, %reduce_max3A_1618 : vector<16xi32>
        %reduce_max3A_1622 = vector.extract %reduce_max3A_1621[15] : i32 from vector<16xi32>
        %multiple_of3A_1623 = tpu.assume_multiple %reduce_max3A_1622, 128 : i32
        %dma_start3A_1624 = arith.constant 0 : i32
        %dma_start3A_1625 = arith.constant 0 : i32
        %dma_start3A_1626 = arith.constant 0 : i32
        %dma_start3A_1627 = arith.constant 0 : i32
        %dma_start3A_1628 = tpu.memref_slice %arg9[%dma_start3A_1624, %dma_start3A_1625, %dma_start3A_1626, %dma_start3A_1627] : memref<2x8x32x128xf32, #tpu.memory_space<vmem>> -> memref<1x1x32x128xf32, #tpu.memory_space<vmem>>
        %dma_start3A_1629 = tpu.memref_squeeze %dma_start3A_1628 : memref<1x1x32x128xf32, #tpu.memory_space<vmem>> -> memref<32x128xf32, #tpu.memory_space<vmem>>
        %dma_start3A_1630 = arith.constant 0 : i32
        %dma_start3A_1631 = tpu.memref_slice %arg5[%dma_start3A_1630, %multiple_of3A_1623] : memref<32x1000000xf32, #tpu.memory_space<hbm>> -> memref<32x128xf32, #tpu.memory_space<hbm>>
        %dma_start3A_1632 = arith.constant 0 : i32
        %dma_start3A_1633 = arith.constant 0 : i32
        %dma_start3A_1634 = tpu.memref_slice %arg9[%dma_start3A_1624, %dma_start3A_1625, %dma_start3A_1632, %dma_start3A_1633] : memref<2x8x32x128xf32, #tpu.memory_space<vmem>> -> memref<1x1x32x128xf32, #tpu.memory_space<vmem>>
        %dma_start3A_1635 = tpu.memref_squeeze %dma_start3A_1634 : memref<1x1x32x128xf32, #tpu.memory_space<vmem>> -> memref<32x128xf32, #tpu.memory_space<vmem>>
        %dma_start3A_1636 = arith.constant 0 : i32
        %dma_start3A_1637 = tpu.memref_slice %arg5[%dma_start3A_1636, %multiple_of3A_1623] : memref<32x1000000xf32, #tpu.memory_space<hbm>> -> memref<32x128xf32, #tpu.memory_space<hbm>>
        tpu.enqueue_dma source(%dma_start3A_1637 : memref<32x128xf32, #tpu.memory_space<hbm>>) target(%dma_start3A_1635 : memref<32x128xf32, #tpu.memory_space<vmem>>) target_semaphore(%arg11 : memref<!tpu.dma_semaphore, #tpu.memory_space<semaphore_mem>>)
        %eq3A_1638 = arith.constant 1 : i32
        %eq3A_1639 = vector.broadcast %eq3A_1638 : i32 to vector<16xi32>
        %eq3A_1640 = arith.cmpi eq, %iota3A, %eq3A_1639 : vector<16xi32>
        %jit3A_1641 = arith.constant 0 : i32
        %broadcast_in_dim3A_1642 = vector.broadcast %jit3A_1641 : i32 to vector<16xi32>
        %select_n3A_1643 = arith.select %eq3A_1640, %mul3A_1608, %broadcast_in_dim3A_1642 : vector<16xi1>, vector<16xi32>
        %reduce_max3A_1644 = arith.constant true
        %reduce_max3A_1645 = vector.broadcast %reduce_max3A_1644 : i1 to vector<16xi1>
        %reduce_max3A_1646 = arith.constant -2147483648 : i32
        %reduce_max3A_1647 = vector.broadcast %reduce_max3A_1646 : i32 to vector<16xi32>
        %reduce_max3A_1648 = arith.xori %select_n3A_1643, %reduce_max3A_1647 : vector<16xi32>
        %reduce_max3A_1649 = tpu.scan <max>, %reduce_max3A_1648 masked %reduce_max3A_1645 : vector<16xi32>, vector<16xi1> -> vector<16xi32>
        %reduce_max3A_1650 = arith.xori %reduce_max3A_1649, %reduce_max3A_1647 : vector<16xi32>
        %reduce_max3A_1651 = vector.extract %reduce_max3A_1650[15] : i32 from vector<16xi32>
        %multiple_of3A_1652 = tpu.assume_multiple %reduce_max3A_1651, 128 : i32
        %dma_start3A_1653 = arith.constant 0 : i32
        %dma_start3A_1654 = arith.constant 1 : i32
        %dma_start3A_1655 = arith.constant 0 : i32
        %dma_start3A_1656 = arith.constant 0 : i32
        %dma_start3A_1657 = tpu.memref_slice %arg9[%dma_start3A_1653, %dma_start3A_1654, %dma_start3A_1655, %dma_start3A_1656] : memref<2x8x32x128xf32, #tpu.memory_space<vmem>> -> memref<1x1x32x128xf32, #tpu.memory_space<vmem>>
        %dma_start3A_1658 = tpu.memref_squeeze %dma_start3A_1657 : memref<1x1x32x128xf32, #tpu.memory_space<vmem>> -> memref<32x128xf32, #tpu.memory_space<vmem>>
        %dma_start3A_1659 = arith.constant 0 : i32
        %dma_start3A_1660 = tpu.memref_slice %arg5[%dma_start3A_1659, %multiple_of3A_1652] : memref<32x1000000xf32, #tpu.memory_space<hbm>> -> memref<32x128xf32, #tpu.memory_space<hbm>>
        %dma_start3A_1661 = arith.constant 0 : i32
        %dma_start3A_1662 = arith.constant 0 : i32
        %dma_start3A_1663 = tpu.memref_slice %arg9[%dma_start3A_1653, %dma_start3A_1654, %dma_start3A_1661, %dma_start3A_1662] : memref<2x8x32x128xf32, #tpu.memory_space<vmem>> -> memref<1x1x32x128xf32, #tpu.memory_space<vmem>>
        %dma_start3A_1664 = tpu.memref_squeeze %dma_start3A_1663 : memref<1x1x32x128xf32, #tpu.memory_space<vmem>> -> memref<32x128xf32, #tpu.memory_space<vmem>>
        %dma_start3A_1665 = arith.constant 0 : i32
        %dma_start3A_1666 = tpu.memref_slice %arg5[%dma_start3A_1665, %multiple_of3A_1652] : memref<32x1000000xf32, #tpu.memory_space<hbm>> -> memref<32x128xf32, #tpu.memory_space<hbm>>
        tpu.enqueue_dma source(%dma_start3A_1666 : memref<32x128xf32, #tpu.memory_space<hbm>>) target(%dma_start3A_1664 : memref<32x128xf32, #tpu.memory_space<vmem>>) target_semaphore(%arg11 : memref<!tpu.dma_semaphore, #tpu.memory_space<semaphore_mem>>)
        %eq3A_1667 = arith.constant 2 : i32
        %eq3A_1668 = vector.broadcast %eq3A_1667 : i32 to vector<16xi32>
        %eq3A_1669 = arith.cmpi eq, %iota3A, %eq3A_1668 : vector<16xi32>
        %jit3A_1670 = arith.constant 0 : i32
        %broadcast_in_dim3A_1671 = vector.broadcast %jit3A_1670 : i32 to vector<16xi32>
        %select_n3A_1672 = arith.select %eq3A_1669, %mul3A_1608, %broadcast_in_dim3A_1671 : vector<16xi1>, vector<16xi32>
        %reduce_max3A_1673 = arith.constant true
        %reduce_max3A_1674 = vector.broadcast %reduce_max3A_1673 : i1 to vector<16xi1>
        %reduce_max3A_1675 = arith.constant -2147483648 : i32
        %reduce_max3A_1676 = vector.broadcast %reduce_max3A_1675 : i32 to vector<16xi32>
        %reduce_max3A_1677 = arith.xori %select_n3A_1672, %reduce_max3A_1676 : vector<16xi32>
        %reduce_max3A_1678 = tpu.scan <max>, %reduce_max3A_1677 masked %reduce_max3A_1674 : vector<16xi32>, vector<16xi1> -> vector<16xi32>
        %reduce_max3A_1679 = arith.xori %reduce_max3A_1678, %reduce_max3A_1676 : vector<16xi32>
        %reduce_max3A_1680 = vector.extract %reduce_max3A_1679[15] : i32 from vector<16xi32>
        %multiple_of3A_1681 = tpu.assume_multiple %reduce_max3A_1680, 128 : i32
        %dma_start3A_1682 = arith.constant 0 : i32
        %dma_start3A_1683 = arith.constant 2 : i32
        %dma_start3A_1684 = arith.constant 0 : i32
        %dma_start3A_1685 = arith.constant 0 : i32
        %dma_start3A_1686 = tpu.memref_slice %arg9[%dma_start3A_1682, %dma_start3A_1683, %dma_start3A_1684, %dma_start3A_1685] : memref<2x8x32x128xf32, #tpu.memory_space<vmem>> -> memref<1x1x32x128xf32, #tpu.memory_space<vmem>>
        %dma_start3A_1687 = tpu.memref_squeeze %dma_start3A_1686 : memref<1x1x32x128xf32, #tpu.memory_space<vmem>> -> memref<32x128xf32, #tpu.memory_space<vmem>>
        %dma_start3A_1688 = arith.constant 0 : i32
        %dma_start3A_1689 = tpu.memref_slice %arg5[%dma_start3A_1688, %multiple_of3A_1681] : memref<32x1000000xf32, #tpu.memory_space<hbm>> -> memref<32x128xf32, #tpu.memory_space<hbm>>
        %dma_start3A_1690 = arith.constant 0 : i32
        %dma_start3A_1691 = arith.constant 0 : i32
        %dma_start3A_1692 = tpu.memref_slice %arg9[%dma_start3A_1682, %dma_start3A_1683, %dma_start3A_1690, %dma_start3A_1691] : memref<2x8x32x128xf32, #tpu.memory_space<vmem>> -> memref<1x1x32x128xf32, #tpu.memory_space<vmem>>
        %dma_start3A_1693 = tpu.memref_squeeze %dma_start3A_1692 : memref<1x1x32x128xf32, #tpu.memory_space<vmem>> -> memref<32x128xf32, #tpu.memory_space<vmem>>
        %dma_start3A_1694 = arith.constant 0 : i32
        %dma_start3A_1695 = tpu.memref_slice %arg5[%dma_start3A_1694, %multiple_of3A_1681] : memref<32x1000000xf32, #tpu.memory_space<hbm>> -> memref<32x128xf32, #tpu.memory_space<hbm>>
        tpu.enqueue_dma source(%dma_start3A_1695 : memref<32x128xf32, #tpu.memory_space<hbm>>) target(%dma_start3A_1693 : memref<32x128xf32, #tpu.memory_space<vmem>>) target_semaphore(%arg11 : memref<!tpu.dma_semaphore, #tpu.memory_space<semaphore_mem>>)
        %eq3A_1696 = arith.constant 3 : i32
        %eq3A_1697 = vector.broadcast %eq3A_1696 : i32 to vector<16xi32>
        %eq3A_1698 = arith.cmpi eq, %iota3A, %eq3A_1697 : vector<16xi32>
        %jit3A_1699 = arith.constant 0 : i32
        %broadcast_in_dim3A_1700 = vector.broadcast %jit3A_1699 : i32 to vector<16xi32>
        %select_n3A_1701 = arith.select %eq3A_1698, %mul3A_1608, %broadcast_in_dim3A_1700 : vector<16xi1>, vector<16xi32>
        %reduce_max3A_1702 = arith.constant true
        %reduce_max3A_1703 = vector.broadcast %reduce_max3A_1702 : i1 to vector<16xi1>
        %reduce_max3A_1704 = arith.constant -2147483648 : i32
        %reduce_max3A_1705 = vector.broadcast %reduce_max3A_1704 : i32 to vector<16xi32>
        %reduce_max3A_1706 = arith.xori %select_n3A_1701, %reduce_max3A_1705 : vector<16xi32>
        %reduce_max3A_1707 = tpu.scan <max>, %reduce_max3A_1706 masked %reduce_max3A_1703 : vector<16xi32>, vector<16xi1> -> vector<16xi32>
        %reduce_max3A_1708 = arith.xori %reduce_max3A_1707, %reduce_max3A_1705 : vector<16xi32>
        %reduce_max3A_1709 = vector.extract %reduce_max3A_1708[15] : i32 from vector<16xi32>
        %multiple_of3A_1710 = tpu.assume_multiple %reduce_max3A_1709, 128 : i32
        %dma_start3A_1711 = arith.constant 0 : i32
        %dma_start3A_1712 = arith.constant 3 : i32
        %dma_start3A_1713 = arith.constant 0 : i32
        %dma_start3A_1714 = arith.constant 0 : i32
        %dma_start3A_1715 = tpu.memref_slice %arg9[%dma_start3A_1711, %dma_start3A_1712, %dma_start3A_1713, %dma_start3A_1714] : memref<2x8x32x128xf32, #tpu.memory_space<vmem>> -> memref<1x1x32x128xf32, #tpu.memory_space<vmem>>
        %dma_start3A_1716 = tpu.memref_squeeze %dma_start3A_1715 : memref<1x1x32x128xf32, #tpu.memory_space<vmem>> -> memref<32x128xf32, #tpu.memory_space<vmem>>
        %dma_start3A_1717 = arith.constant 0 : i32
        %dma_start3A_1718 = tpu.memref_slice %arg5[%dma_start3A_1717, %multiple_of3A_1710] : memref<32x1000000xf32, #tpu.memory_space<hbm>> -> memref<32x128xf32, #tpu.memory_space<hbm>>
        %dma_start3A_1719 = arith.constant 0 : i32
        %dma_start3A_1720 = arith.constant 0 : i32
        %dma_start3A_1721 = tpu.memref_slice %arg9[%dma_start3A_1711, %dma_start3A_1712, %dma_start3A_1719, %dma_start3A_1720] : memref<2x8x32x128xf32, #tpu.memory_space<vmem>> -> memref<1x1x32x128xf32, #tpu.memory_space<vmem>>
        %dma_start3A_1722 = tpu.memref_squeeze %dma_start3A_1721 : memref<1x1x32x128xf32, #tpu.memory_space<vmem>> -> memref<32x128xf32, #tpu.memory_space<vmem>>
        %dma_start3A_1723 = arith.constant 0 : i32
        %dma_start3A_1724 = tpu.memref_slice %arg5[%dma_start3A_1723, %multiple_of3A_1710] : memref<32x1000000xf32, #tpu.memory_space<hbm>> -> memref<32x128xf32, #tpu.memory_space<hbm>>
        tpu.enqueue_dma source(%dma_start3A_1724 : memref<32x128xf32, #tpu.memory_space<hbm>>) target(%dma_start3A_1722 : memref<32x128xf32, #tpu.memory_space<vmem>>) target_semaphore(%arg11 : memref<!tpu.dma_semaphore, #tpu.memory_space<semaphore_mem>>)
        %eq3A_1725 = arith.constant 4 : i32
        %eq3A_1726 = vector.broadcast %eq3A_1725 : i32 to vector<16xi32>
        %eq3A_1727 = arith.cmpi eq, %iota3A, %eq3A_1726 : vector<16xi32>
        %jit3A_1728 = arith.constant 0 : i32
        %broadcast_in_dim3A_1729 = vector.broadcast %jit3A_1728 : i32 to vector<16xi32>
        %select_n3A_1730 = arith.select %eq3A_1727, %mul3A_1608, %broadcast_in_dim3A_1729 : vector<16xi1>, vector<16xi32>
        %reduce_max3A_1731 = arith.constant true
        %reduce_max3A_1732 = vector.broadcast %reduce_max3A_1731 : i1 to vector<16xi1>
        %reduce_max3A_1733 = arith.constant -2147483648 : i32
        %reduce_max3A_1734 = vector.broadcast %reduce_max3A_1733 : i32 to vector<16xi32>
        %reduce_max3A_1735 = arith.xori %select_n3A_1730, %reduce_max3A_1734 : vector<16xi32>
        %reduce_max3A_1736 = tpu.scan <max>, %reduce_max3A_1735 masked %reduce_max3A_1732 : vector<16xi32>, vector<16xi1> -> vector<16xi32>
        %reduce_max3A_1737 = arith.xori %reduce_max3A_1736, %reduce_max3A_1734 : vector<16xi32>
        %reduce_max3A_1738 = vector.extract %reduce_max3A_1737[15] : i32 from vector<16xi32>
        %multiple_of3A_1739 = tpu.assume_multiple %reduce_max3A_1738, 128 : i32
        %dma_start3A_1740 = arith.constant 0 : i32
        %dma_start3A_1741 = arith.constant 4 : i32
        %dma_start3A_1742 = arith.constant 0 : i32
        %dma_start3A_1743 = arith.constant 0 : i32
        %dma_start3A_1744 = tpu.memref_slice %arg9[%dma_start3A_1740, %dma_start3A_1741, %dma_start3A_1742, %dma_start3A_1743] : memref<2x8x32x128xf32, #tpu.memory_space<vmem>> -> memref<1x1x32x128xf32, #tpu.memory_space<vmem>>
        %dma_start3A_1745 = tpu.memref_squeeze %dma_start3A_1744 : memref<1x1x32x128xf32, #tpu.memory_space<vmem>> -> memref<32x128xf32, #tpu.memory_space<vmem>>
        %dma_start3A_1746 = arith.constant 0 : i32
        %dma_start3A_1747 = tpu.memref_slice %arg5[%dma_start3A_1746, %multiple_of3A_1739] : memref<32x1000000xf32, #tpu.memory_space<hbm>> -> memref<32x128xf32, #tpu.memory_space<hbm>>
        %dma_start3A_1748 = arith.constant 0 : i32
        %dma_start3A_1749 = arith.constant 0 : i32
        %dma_start3A_1750 = tpu.memref_slice %arg9[%dma_start3A_1740, %dma_start3A_1741, %dma_start3A_1748, %dma_start3A_1749] : memref<2x8x32x128xf32, #tpu.memory_space<vmem>> -> memref<1x1x32x128xf32, #tpu.memory_space<vmem>>
        %dma_start3A_1751 = tpu.memref_squeeze %dma_start3A_1750 : memref<1x1x32x128xf32, #tpu.memory_space<vmem>> -> memref<32x128xf32, #tpu.memory_space<vmem>>
        %dma_start3A_1752 = arith.constant 0 : i32
        %dma_start3A_1753 = tpu.memref_slice %arg5[%dma_start3A_1752, %multiple_of3A_1739] : memref<32x1000000xf32, #tpu.memory_space<hbm>> -> memref<32x128xf32, #tpu.memory_space<hbm>>
        tpu.enqueue_dma source(%dma_start3A_1753 : memref<32x128xf32, #tpu.memory_space<hbm>>) target(%dma_start3A_1751 : memref<32x128xf32, #tpu.memory_space<vmem>>) target_semaphore(%arg11 : memref<!tpu.dma_semaphore, #tpu.memory_space<semaphore_mem>>)
        %eq3A_1754 = arith.constant 5 : i32
        %eq3A_1755 = vector.broadcast %eq3A_1754 : i32 to vector<16xi32>
        %eq3A_1756 = arith.cmpi eq, %iota3A, %eq3A_1755 : vector<16xi32>
        %jit3A_1757 = arith.constant 0 : i32
        %broadcast_in_dim3A_1758 = vector.broadcast %jit3A_1757 : i32 to vector<16xi32>
        %select_n3A_1759 = arith.select %eq3A_1756, %mul3A_1608, %broadcast_in_dim3A_1758 : vector<16xi1>, vector<16xi32>
        %reduce_max3A_1760 = arith.constant true
        %reduce_max3A_1761 = vector.broadcast %reduce_max3A_1760 : i1 to vector<16xi1>
        %reduce_max3A_1762 = arith.constant -2147483648 : i32
        %reduce_max3A_1763 = vector.broadcast %reduce_max3A_1762 : i32 to vector<16xi32>
        %reduce_max3A_1764 = arith.xori %select_n3A_1759, %reduce_max3A_1763 : vector<16xi32>
        %reduce_max3A_1765 = tpu.scan <max>, %reduce_max3A_1764 masked %reduce_max3A_1761 : vector<16xi32>, vector<16xi1> -> vector<16xi32>
        %reduce_max3A_1766 = arith.xori %reduce_max3A_1765, %reduce_max3A_1763 : vector<16xi32>
        %reduce_max3A_1767 = vector.extract %reduce_max3A_1766[15] : i32 from vector<16xi32>
        %multiple_of3A_1768 = tpu.assume_multiple %reduce_max3A_1767, 128 : i32
        %dma_start3A_1769 = arith.constant 0 : i32
        %dma_start3A_1770 = arith.constant 5 : i32
        %dma_start3A_1771 = arith.constant 0 : i32
        %dma_start3A_1772 = arith.constant 0 : i32
        %dma_start3A_1773 = tpu.memref_slice %arg9[%dma_start3A_1769, %dma_start3A_1770, %dma_start3A_1771, %dma_start3A_1772] : memref<2x8x32x128xf32, #tpu.memory_space<vmem>> -> memref<1x1x32x128xf32, #tpu.memory_space<vmem>>
        %dma_start3A_1774 = tpu.memref_squeeze %dma_start3A_1773 : memref<1x1x32x128xf32, #tpu.memory_space<vmem>> -> memref<32x128xf32, #tpu.memory_space<vmem>>
        %dma_start3A_1775 = arith.constant 0 : i32
        %dma_start3A_1776 = tpu.memref_slice %arg5[%dma_start3A_1775, %multiple_of3A_1768] : memref<32x1000000xf32, #tpu.memory_space<hbm>> -> memref<32x128xf32, #tpu.memory_space<hbm>>
        %dma_start3A_1777 = arith.constant 0 : i32
        %dma_start3A_1778 = arith.constant 0 : i32
        %dma_start3A_1779 = tpu.memref_slice %arg9[%dma_start3A_1769, %dma_start3A_1770, %dma_start3A_1777, %dma_start3A_1778] : memref<2x8x32x128xf32, #tpu.memory_space<vmem>> -> memref<1x1x32x128xf32, #tpu.memory_space<vmem>>
        %dma_start3A_1780 = tpu.memref_squeeze %dma_start3A_1779 : memref<1x1x32x128xf32, #tpu.memory_space<vmem>> -> memref<32x128xf32, #tpu.memory_space<vmem>>
        %dma_start3A_1781 = arith.constant 0 : i32
        %dma_start3A_1782 = tpu.memref_slice %arg5[%dma_start3A_1781, %multiple_of3A_1768] : memref<32x1000000xf32, #tpu.memory_space<hbm>> -> memref<32x128xf32, #tpu.memory_space<hbm>>
        tpu.enqueue_dma source(%dma_start3A_1782 : memref<32x128xf32, #tpu.memory_space<hbm>>) target(%dma_start3A_1780 : memref<32x128xf32, #tpu.memory_space<vmem>>) target_semaphore(%arg11 : memref<!tpu.dma_semaphore, #tpu.memory_space<semaphore_mem>>)
        %eq3A_1783 = arith.constant 6 : i32
        %eq3A_1784 = vector.broadcast %eq3A_1783 : i32 to vector<16xi32>
        %eq3A_1785 = arith.cmpi eq, %iota3A, %eq3A_1784 : vector<16xi32>
        %jit3A_1786 = arith.constant 0 : i32
        %broadcast_in_dim3A_1787 = vector.broadcast %jit3A_1786 : i32 to vector<16xi32>
        %select_n3A_1788 = arith.select %eq3A_1785, %mul3A_1608, %broadcast_in_dim3A_1787 : vector<16xi1>, vector<16xi32>
        %reduce_max3A_1789 = arith.constant true
        %reduce_max3A_1790 = vector.broadcast %reduce_max3A_1789 : i1 to vector<16xi1>
        %reduce_max3A_1791 = arith.constant -2147483648 : i32
        %reduce_max3A_1792 = vector.broadcast %reduce_max3A_1791 : i32 to vector<16xi32>
        %reduce_max3A_1793 = arith.xori %select_n3A_1788, %reduce_max3A_1792 : vector<16xi32>
        %reduce_max3A_1794 = tpu.scan <max>, %reduce_max3A_1793 masked %reduce_max3A_1790 : vector<16xi32>, vector<16xi1> -> vector<16xi32>
        %reduce_max3A_1795 = arith.xori %reduce_max3A_1794, %reduce_max3A_1792 : vector<16xi32>
        %reduce_max3A_1796 = vector.extract %reduce_max3A_1795[15] : i32 from vector<16xi32>
        %multiple_of3A_1797 = tpu.assume_multiple %reduce_max3A_1796, 128 : i32
        %dma_start3A_1798 = arith.constant 0 : i32
        %dma_start3A_1799 = arith.constant 6 : i32
        %dma_start3A_1800 = arith.constant 0 : i32
        %dma_start3A_1801 = arith.constant 0 : i32
        %dma_start3A_1802 = tpu.memref_slice %arg9[%dma_start3A_1798, %dma_start3A_1799, %dma_start3A_1800, %dma_start3A_1801] : memref<2x8x32x128xf32, #tpu.memory_space<vmem>> -> memref<1x1x32x128xf32, #tpu.memory_space<vmem>>
        %dma_start3A_1803 = tpu.memref_squeeze %dma_start3A_1802 : memref<1x1x32x128xf32, #tpu.memory_space<vmem>> -> memref<32x128xf32, #tpu.memory_space<vmem>>
        %dma_start3A_1804 = arith.constant 0 : i32
        %dma_start3A_1805 = tpu.memref_slice %arg5[%dma_start3A_1804, %multiple_of3A_1797] : memref<32x1000000xf32, #tpu.memory_space<hbm>> -> memref<32x128xf32, #tpu.memory_space<hbm>>
        %dma_start3A_1806 = arith.constant 0 : i32
        %dma_start3A_1807 = arith.constant 0 : i32
        %dma_start3A_1808 = tpu.memref_slice %arg9[%dma_start3A_1798, %dma_start3A_1799, %dma_start3A_1806, %dma_start3A_1807] : memref<2x8x32x128xf32, #tpu.memory_space<vmem>> -> memref<1x1x32x128xf32, #tpu.memory_space<vmem>>
        %dma_start3A_1809 = tpu.memref_squeeze %dma_start3A_1808 : memref<1x1x32x128xf32, #tpu.memory_space<vmem>> -> memref<32x128xf32, #tpu.memory_space<vmem>>
        %dma_start3A_1810 = arith.constant 0 : i32
        %dma_start3A_1811 = tpu.memref_slice %arg5[%dma_start3A_1810, %multiple_of3A_1797] : memref<32x1000000xf32, #tpu.memory_space<hbm>> -> memref<32x128xf32, #tpu.memory_space<hbm>>
        tpu.enqueue_dma source(%dma_start3A_1811 : memref<32x128xf32, #tpu.memory_space<hbm>>) target(%dma_start3A_1809 : memref<32x128xf32, #tpu.memory_space<vmem>>) target_semaphore(%arg11 : memref<!tpu.dma_semaphore, #tpu.memory_space<semaphore_mem>>)
        %eq3A_1812 = arith.constant 7 : i32
        %eq3A_1813 = vector.broadcast %eq3A_1812 : i32 to vector<16xi32>
        %eq3A_1814 = arith.cmpi eq, %iota3A, %eq3A_1813 : vector<16xi32>
        %jit3A_1815 = arith.constant 0 : i32
        %broadcast_in_dim3A_1816 = vector.broadcast %jit3A_1815 : i32 to vector<16xi32>
        %select_n3A_1817 = arith.select %eq3A_1814, %mul3A_1608, %broadcast_in_dim3A_1816 : vector<16xi1>, vector<16xi32>
        %reduce_max3A_1818 = arith.constant true
        %reduce_max3A_1819 = vector.broadcast %reduce_max3A_1818 : i1 to vector<16xi1>
        %reduce_max3A_1820 = arith.constant -2147483648 : i32
        %reduce_max3A_1821 = vector.broadcast %reduce_max3A_1820 : i32 to vector<16xi32>
        %reduce_max3A_1822 = arith.xori %select_n3A_1817, %reduce_max3A_1821 : vector<16xi32>
        %reduce_max3A_1823 = tpu.scan <max>, %reduce_max3A_1822 masked %reduce_max3A_1819 : vector<16xi32>, vector<16xi1> -> vector<16xi32>
        %reduce_max3A_1824 = arith.xori %reduce_max3A_1823, %reduce_max3A_1821 : vector<16xi32>
        %reduce_max3A_1825 = vector.extract %reduce_max3A_1824[15] : i32 from vector<16xi32>
        %multiple_of3A_1826 = tpu.assume_multiple %reduce_max3A_1825, 128 : i32
        %dma_start3A_1827 = arith.constant 0 : i32
        %dma_start3A_1828 = arith.constant 7 : i32
        %dma_start3A_1829 = arith.constant 0 : i32
        %dma_start3A_1830 = arith.constant 0 : i32
        %dma_start3A_1831 = tpu.memref_slice %arg9[%dma_start3A_1827, %dma_start3A_1828, %dma_start3A_1829, %dma_start3A_1830] : memref<2x8x32x128xf32, #tpu.memory_space<vmem>> -> memref<1x1x32x128xf32, #tpu.memory_space<vmem>>
        %dma_start3A_1832 = tpu.memref_squeeze %dma_start3A_1831 : memref<1x1x32x128xf32, #tpu.memory_space<vmem>> -> memref<32x128xf32, #tpu.memory_space<vmem>>
        %dma_start3A_1833 = arith.constant 0 : i32
        %dma_start3A_1834 = tpu.memref_slice %arg5[%dma_start3A_1833, %multiple_of3A_1826] : memref<32x1000000xf32, #tpu.memory_space<hbm>> -> memref<32x128xf32, #tpu.memory_space<hbm>>
        %dma_start3A_1835 = arith.constant 0 : i32
        %dma_start3A_1836 = arith.constant 0 : i32
        %dma_start3A_1837 = tpu.memref_slice %arg9[%dma_start3A_1827, %dma_start3A_1828, %dma_start3A_1835, %dma_start3A_1836] : memref<2x8x32x128xf32, #tpu.memory_space<vmem>> -> memref<1x1x32x128xf32, #tpu.memory_space<vmem>>
        %dma_start3A_1838 = tpu.memref_squeeze %dma_start3A_1837 : memref<1x1x32x128xf32, #tpu.memory_space<vmem>> -> memref<32x128xf32, #tpu.memory_space<vmem>>
        %dma_start3A_1839 = arith.constant 0 : i32
        %dma_start3A_1840 = tpu.memref_slice %arg5[%dma_start3A_1839, %multiple_of3A_1826] : memref<32x1000000xf32, #tpu.memory_space<hbm>> -> memref<32x128xf32, #tpu.memory_space<hbm>>
        tpu.enqueue_dma source(%dma_start3A_1840 : memref<32x128xf32, #tpu.memory_space<hbm>>) target(%dma_start3A_1838 : memref<32x128xf32, #tpu.memory_space<vmem>>) target_semaphore(%arg11 : memref<!tpu.dma_semaphore, #tpu.memory_space<semaphore_mem>>)
      } else {
      }
      %dma_wait3A_1165 = arith.constant 1 : i32
      %dma_wait3A_1166 = arith.constant 0 : i32
      %dma_wait3A_1167 = arith.constant 0 : i32
      %dma_wait3A_1168 = arith.constant 0 : i32
      %dma_wait3A_1169 = tpu.memref_slice %arg9[%dma_wait3A_1165, %dma_wait3A_1166, %dma_wait3A_1167, %dma_wait3A_1168] : memref<2x8x32x128xf32, #tpu.memory_space<vmem>> -> memref<1x1x32x128xf32, #tpu.memory_space<vmem>>
      %dma_wait3A_1170 = tpu.memref_squeeze %dma_wait3A_1169 : memref<1x1x32x128xf32, #tpu.memory_space<vmem>> -> memref<32x128xf32, #tpu.memory_space<vmem>>
      %dma_wait3A_1171 = arith.constant 0 : i32
      %dma_wait3A_1172 = arith.constant 0 : i32
      %dma_wait3A_1173 = tpu.memref_slice %arg5[%dma_wait3A_1171, %dma_wait3A_1172] : memref<32x1000000xf32, #tpu.memory_space<hbm>> -> memref<32x128xf32, #tpu.memory_space<hbm>>
      %dma_wait3A_1174 = arith.constant 0 : i32
      %dma_wait3A_1175 = arith.constant 0 : i32
      %dma_wait3A_1176 = tpu.memref_slice %arg9[%dma_wait3A_1165, %dma_wait3A_1166, %dma_wait3A_1174, %dma_wait3A_1175] : memref<2x8x32x128xf32, #tpu.memory_space<vmem>> -> memref<1x1x32x128xf32, #tpu.memory_space<vmem>>
      %dma_wait3A_1177 = tpu.memref_squeeze %dma_wait3A_1176 : memref<1x1x32x128xf32, #tpu.memory_space<vmem>> -> memref<32x128xf32, #tpu.memory_space<vmem>>
      %dma_wait3A_1178 = arith.constant 0 : i32
      %dma_wait3A_1179 = arith.constant 0 : i32
      %dma_wait3A_1180 = tpu.memref_slice %arg5[%dma_wait3A_1178, %dma_wait3A_1179] : memref<32x1000000xf32, #tpu.memory_space<hbm>> -> memref<32x128xf32, #tpu.memory_space<hbm>>
      tpu.wait_dma2 semaphore(%arg12 : memref<!tpu.dma_semaphore, #tpu.memory_space<semaphore_mem>>) src(%dma_wait3A_1180 : memref<32x128xf32, #tpu.memory_space<hbm>>) dst(%dma_wait3A_1177 : memref<32x128xf32, #tpu.memory_space<vmem>>)
      %dma_wait3A_1181 = arith.constant 1 : i32
      %dma_wait3A_1182 = arith.constant 1 : i32
      %dma_wait3A_1183 = arith.constant 0 : i32
      %dma_wait3A_1184 = arith.constant 0 : i32
      %dma_wait3A_1185 = tpu.memref_slice %arg9[%dma_wait3A_1181, %dma_wait3A_1182, %dma_wait3A_1183, %dma_wait3A_1184] : memref<2x8x32x128xf32, #tpu.memory_space<vmem>> -> memref<1x1x32x128xf32, #tpu.memory_space<vmem>>
      %dma_wait3A_1186 = tpu.memref_squeeze %dma_wait3A_1185 : memref<1x1x32x128xf32, #tpu.memory_space<vmem>> -> memref<32x128xf32, #tpu.memory_space<vmem>>
      %dma_wait3A_1187 = arith.constant 0 : i32
      %dma_wait3A_1188 = arith.constant 0 : i32
      %dma_wait3A_1189 = tpu.memref_slice %arg5[%dma_wait3A_1187, %dma_wait3A_1188] : memref<32x1000000xf32, #tpu.memory_space<hbm>> -> memref<32x128xf32, #tpu.memory_space<hbm>>
      %dma_wait3A_1190 = arith.constant 0 : i32
      %dma_wait3A_1191 = arith.constant 0 : i32
      %dma_wait3A_1192 = tpu.memref_slice %arg9[%dma_wait3A_1181, %dma_wait3A_1182, %dma_wait3A_1190, %dma_wait3A_1191] : memref<2x8x32x128xf32, #tpu.memory_space<vmem>> -> memref<1x1x32x128xf32, #tpu.memory_space<vmem>>
      %dma_wait3A_1193 = tpu.memref_squeeze %dma_wait3A_1192 : memref<1x1x32x128xf32, #tpu.memory_space<vmem>> -> memref<32x128xf32, #tpu.memory_space<vmem>>
      %dma_wait3A_1194 = arith.constant 0 : i32
      %dma_wait3A_1195 = arith.constant 0 : i32
      %dma_wait3A_1196 = tpu.memref_slice %arg5[%dma_wait3A_1194, %dma_wait3A_1195] : memref<32x1000000xf32, #tpu.memory_space<hbm>> -> memref<32x128xf32, #tpu.memory_space<hbm>>
      tpu.wait_dma2 semaphore(%arg12 : memref<!tpu.dma_semaphore, #tpu.memory_space<semaphore_mem>>) src(%dma_wait3A_1196 : memref<32x128xf32, #tpu.memory_space<hbm>>) dst(%dma_wait3A_1193 : memref<32x128xf32, #tpu.memory_space<vmem>>)
      %dma_wait3A_1197 = arith.constant 1 : i32
      %dma_wait3A_1198 = arith.constant 2 : i32
      %dma_wait3A_1199 = arith.constant 0 : i32
      %dma_wait3A_1200 = arith.constant 0 : i32
      %dma_wait3A_1201 = tpu.memref_slice %arg9[%dma_wait3A_1197, %dma_wait3A_1198, %dma_wait3A_1199, %dma_wait3A_1200] : memref<2x8x32x128xf32, #tpu.memory_space<vmem>> -> memref<1x1x32x128xf32, #tpu.memory_space<vmem>>
      %dma_wait3A_1202 = tpu.memref_squeeze %dma_wait3A_1201 : memref<1x1x32x128xf32, #tpu.memory_space<vmem>> -> memref<32x128xf32, #tpu.memory_space<vmem>>
      %dma_wait3A_1203 = arith.constant 0 : i32
      %dma_wait3A_1204 = arith.constant 0 : i32
      %dma_wait3A_1205 = tpu.memref_slice %arg5[%dma_wait3A_1203, %dma_wait3A_1204] : memref<32x1000000xf32, #tpu.memory_space<hbm>> -> memref<32x128xf32, #tpu.memory_space<hbm>>
      %dma_wait3A_1206 = arith.constant 0 : i32
      %dma_wait3A_1207 = arith.constant 0 : i32
      %dma_wait3A_1208 = tpu.memref_slice %arg9[%dma_wait3A_1197, %dma_wait3A_1198, %dma_wait3A_1206, %dma_wait3A_1207] : memref<2x8x32x128xf32, #tpu.memory_space<vmem>> -> memref<1x1x32x128xf32, #tpu.memory_space<vmem>>
      %dma_wait3A_1209 = tpu.memref_squeeze %dma_wait3A_1208 : memref<1x1x32x128xf32, #tpu.memory_space<vmem>> -> memref<32x128xf32, #tpu.memory_space<vmem>>
      %dma_wait3A_1210 = arith.constant 0 : i32
      %dma_wait3A_1211 = arith.constant 0 : i32
      %dma_wait3A_1212 = tpu.memref_slice %arg5[%dma_wait3A_1210, %dma_wait3A_1211] : memref<32x1000000xf32, #tpu.memory_space<hbm>> -> memref<32x128xf32, #tpu.memory_space<hbm>>
      tpu.wait_dma2 semaphore(%arg12 : memref<!tpu.dma_semaphore, #tpu.memory_space<semaphore_mem>>) src(%dma_wait3A_1212 : memref<32x128xf32, #tpu.memory_space<hbm>>) dst(%dma_wait3A_1209 : memref<32x128xf32, #tpu.memory_space<vmem>>)
      %dma_wait3A_1213 = arith.constant 1 : i32
      %dma_wait3A_1214 = arith.constant 3 : i32
      %dma_wait3A_1215 = arith.constant 0 : i32
      %dma_wait3A_1216 = arith.constant 0 : i32
      %dma_wait3A_1217 = tpu.memref_slice %arg9[%dma_wait3A_1213, %dma_wait3A_1214, %dma_wait3A_1215, %dma_wait3A_1216] : memref<2x8x32x128xf32, #tpu.memory_space<vmem>> -> memref<1x1x32x128xf32, #tpu.memory_space<vmem>>
      %dma_wait3A_1218 = tpu.memref_squeeze %dma_wait3A_1217 : memref<1x1x32x128xf32, #tpu.memory_space<vmem>> -> memref<32x128xf32, #tpu.memory_space<vmem>>
      %dma_wait3A_1219 = arith.constant 0 : i32
      %dma_wait3A_1220 = arith.constant 0 : i32
      %dma_wait3A_1221 = tpu.memref_slice %arg5[%dma_wait3A_1219, %dma_wait3A_1220] : memref<32x1000000xf32, #tpu.memory_space<hbm>> -> memref<32x128xf32, #tpu.memory_space<hbm>>
      %dma_wait3A_1222 = arith.constant 0 : i32
      %dma_wait3A_1223 = arith.constant 0 : i32
      %dma_wait3A_1224 = tpu.memref_slice %arg9[%dma_wait3A_1213, %dma_wait3A_1214, %dma_wait3A_1222, %dma_wait3A_1223] : memref<2x8x32x128xf32, #tpu.memory_space<vmem>> -> memref<1x1x32x128xf32, #tpu.memory_space<vmem>>
      %dma_wait3A_1225 = tpu.memref_squeeze %dma_wait3A_1224 : memref<1x1x32x128xf32, #tpu.memory_space<vmem>> -> memref<32x128xf32, #tpu.memory_space<vmem>>
      %dma_wait3A_1226 = arith.constant 0 : i32
      %dma_wait3A_1227 = arith.constant 0 : i32
      %dma_wait3A_1228 = tpu.memref_slice %arg5[%dma_wait3A_1226, %dma_wait3A_1227] : memref<32x1000000xf32, #tpu.memory_space<hbm>> -> memref<32x128xf32, #tpu.memory_space<hbm>>
      tpu.wait_dma2 semaphore(%arg12 : memref<!tpu.dma_semaphore, #tpu.memory_space<semaphore_mem>>) src(%dma_wait3A_1228 : memref<32x128xf32, #tpu.memory_space<hbm>>) dst(%dma_wait3A_1225 : memref<32x128xf32, #tpu.memory_space<vmem>>)
      %dma_wait3A_1229 = arith.constant 1 : i32
      %dma_wait3A_1230 = arith.constant 4 : i32
      %dma_wait3A_1231 = arith.constant 0 : i32
      %dma_wait3A_1232 = arith.constant 0 : i32
      %dma_wait3A_1233 = tpu.memref_slice %arg9[%dma_wait3A_1229, %dma_wait3A_1230, %dma_wait3A_1231, %dma_wait3A_1232] : memref<2x8x32x128xf32, #tpu.memory_space<vmem>> -> memref<1x1x32x128xf32, #tpu.memory_space<vmem>>
      %dma_wait3A_1234 = tpu.memref_squeeze %dma_wait3A_1233 : memref<1x1x32x128xf32, #tpu.memory_space<vmem>> -> memref<32x128xf32, #tpu.memory_space<vmem>>
      %dma_wait3A_1235 = arith.constant 0 : i32
      %dma_wait3A_1236 = arith.constant 0 : i32
      %dma_wait3A_1237 = tpu.memref_slice %arg5[%dma_wait3A_1235, %dma_wait3A_1236] : memref<32x1000000xf32, #tpu.memory_space<hbm>> -> memref<32x128xf32, #tpu.memory_space<hbm>>
      %dma_wait3A_1238 = arith.constant 0 : i32
      %dma_wait3A_1239 = arith.constant 0 : i32
      %dma_wait3A_1240 = tpu.memref_slice %arg9[%dma_wait3A_1229, %dma_wait3A_1230, %dma_wait3A_1238, %dma_wait3A_1239] : memref<2x8x32x128xf32, #tpu.memory_space<vmem>> -> memref<1x1x32x128xf32, #tpu.memory_space<vmem>>
      %dma_wait3A_1241 = tpu.memref_squeeze %dma_wait3A_1240 : memref<1x1x32x128xf32, #tpu.memory_space<vmem>> -> memref<32x128xf32, #tpu.memory_space<vmem>>
      %dma_wait3A_1242 = arith.constant 0 : i32
      %dma_wait3A_1243 = arith.constant 0 : i32
      %dma_wait3A_1244 = tpu.memref_slice %arg5[%dma_wait3A_1242, %dma_wait3A_1243] : memref<32x1000000xf32, #tpu.memory_space<hbm>> -> memref<32x128xf32, #tpu.memory_space<hbm>>
      tpu.wait_dma2 semaphore(%arg12 : memref<!tpu.dma_semaphore, #tpu.memory_space<semaphore_mem>>) src(%dma_wait3A_1244 : memref<32x128xf32, #tpu.memory_space<hbm>>) dst(%dma_wait3A_1241 : memref<32x128xf32, #tpu.memory_space<vmem>>)
      %dma_wait3A_1245 = arith.constant 1 : i32
      %dma_wait3A_1246 = arith.constant 5 : i32
      %dma_wait3A_1247 = arith.constant 0 : i32
      %dma_wait3A_1248 = arith.constant 0 : i32
      %dma_wait3A_1249 = tpu.memref_slice %arg9[%dma_wait3A_1245, %dma_wait3A_1246, %dma_wait3A_1247, %dma_wait3A_1248] : memref<2x8x32x128xf32, #tpu.memory_space<vmem>> -> memref<1x1x32x128xf32, #tpu.memory_space<vmem>>
      %dma_wait3A_1250 = tpu.memref_squeeze %dma_wait3A_1249 : memref<1x1x32x128xf32, #tpu.memory_space<vmem>> -> memref<32x128xf32, #tpu.memory_space<vmem>>
      %dma_wait3A_1251 = arith.constant 0 : i32
      %dma_wait3A_1252 = arith.constant 0 : i32
      %dma_wait3A_1253 = tpu.memref_slice %arg5[%dma_wait3A_1251, %dma_wait3A_1252] : memref<32x1000000xf32, #tpu.memory_space<hbm>> -> memref<32x128xf32, #tpu.memory_space<hbm>>
      %dma_wait3A_1254 = arith.constant 0 : i32
      %dma_wait3A_1255 = arith.constant 0 : i32
      %dma_wait3A_1256 = tpu.memref_slice %arg9[%dma_wait3A_1245, %dma_wait3A_1246, %dma_wait3A_1254, %dma_wait3A_1255] : memref<2x8x32x128xf32, #tpu.memory_space<vmem>> -> memref<1x1x32x128xf32, #tpu.memory_space<vmem>>
      %dma_wait3A_1257 = tpu.memref_squeeze %dma_wait3A_1256 : memref<1x1x32x128xf32, #tpu.memory_space<vmem>> -> memref<32x128xf32, #tpu.memory_space<vmem>>
      %dma_wait3A_1258 = arith.constant 0 : i32
      %dma_wait3A_1259 = arith.constant 0 : i32
      %dma_wait3A_1260 = tpu.memref_slice %arg5[%dma_wait3A_1258, %dma_wait3A_1259] : memref<32x1000000xf32, #tpu.memory_space<hbm>> -> memref<32x128xf32, #tpu.memory_space<hbm>>
      tpu.wait_dma2 semaphore(%arg12 : memref<!tpu.dma_semaphore, #tpu.memory_space<semaphore_mem>>) src(%dma_wait3A_1260 : memref<32x128xf32, #tpu.memory_space<hbm>>) dst(%dma_wait3A_1257 : memref<32x128xf32, #tpu.memory_space<vmem>>)
      %dma_wait3A_1261 = arith.constant 1 : i32
      %dma_wait3A_1262 = arith.constant 6 : i32
      %dma_wait3A_1263 = arith.constant 0 : i32
      %dma_wait3A_1264 = arith.constant 0 : i32
      %dma_wait3A_1265 = tpu.memref_slice %arg9[%dma_wait3A_1261, %dma_wait3A_1262, %dma_wait3A_1263, %dma_wait3A_1264] : memref<2x8x32x128xf32, #tpu.memory_space<vmem>> -> memref<1x1x32x128xf32, #tpu.memory_space<vmem>>
      %dma_wait3A_1266 = tpu.memref_squeeze %dma_wait3A_1265 : memref<1x1x32x128xf32, #tpu.memory_space<vmem>> -> memref<32x128xf32, #tpu.memory_space<vmem>>
      %dma_wait3A_1267 = arith.constant 0 : i32
      %dma_wait3A_1268 = arith.constant 0 : i32
      %dma_wait3A_1269 = tpu.memref_slice %arg5[%dma_wait3A_1267, %dma_wait3A_1268] : memref<32x1000000xf32, #tpu.memory_space<hbm>> -> memref<32x128xf32, #tpu.memory_space<hbm>>
      %dma_wait3A_1270 = arith.constant 0 : i32
      %dma_wait3A_1271 = arith.constant 0 : i32
      %dma_wait3A_1272 = tpu.memref_slice %arg9[%dma_wait3A_1261, %dma_wait3A_1262, %dma_wait3A_1270, %dma_wait3A_1271] : memref<2x8x32x128xf32, #tpu.memory_space<vmem>> -> memref<1x1x32x128xf32, #tpu.memory_space<vmem>>
      %dma_wait3A_1273 = tpu.memref_squeeze %dma_wait3A_1272 : memref<1x1x32x128xf32, #tpu.memory_space<vmem>> -> memref<32x128xf32, #tpu.memory_space<vmem>>
      %dma_wait3A_1274 = arith.constant 0 : i32
      %dma_wait3A_1275 = arith.constant 0 : i32
      %dma_wait3A_1276 = tpu.memref_slice %arg5[%dma_wait3A_1274, %dma_wait3A_1275] : memref<32x1000000xf32, #tpu.memory_space<hbm>> -> memref<32x128xf32, #tpu.memory_space<hbm>>
      tpu.wait_dma2 semaphore(%arg12 : memref<!tpu.dma_semaphore, #tpu.memory_space<semaphore_mem>>) src(%dma_wait3A_1276 : memref<32x128xf32, #tpu.memory_space<hbm>>) dst(%dma_wait3A_1273 : memref<32x128xf32, #tpu.memory_space<vmem>>)
      %dma_wait3A_1277 = arith.constant 1 : i32
      %dma_wait3A_1278 = arith.constant 7 : i32
      %dma_wait3A_1279 = arith.constant 0 : i32
      %dma_wait3A_1280 = arith.constant 0 : i32
      %dma_wait3A_1281 = tpu.memref_slice %arg9[%dma_wait3A_1277, %dma_wait3A_1278, %dma_wait3A_1279, %dma_wait3A_1280] : memref<2x8x32x128xf32, #tpu.memory_space<vmem>> -> memref<1x1x32x128xf32, #tpu.memory_space<vmem>>
      %dma_wait3A_1282 = tpu.memref_squeeze %dma_wait3A_1281 : memref<1x1x32x128xf32, #tpu.memory_space<vmem>> -> memref<32x128xf32, #tpu.memory_space<vmem>>
      %dma_wait3A_1283 = arith.constant 0 : i32
      %dma_wait3A_1284 = arith.constant 0 : i32
      %dma_wait3A_1285 = tpu.memref_slice %arg5[%dma_wait3A_1283, %dma_wait3A_1284] : memref<32x1000000xf32, #tpu.memory_space<hbm>> -> memref<32x128xf32, #tpu.memory_space<hbm>>
      %dma_wait3A_1286 = arith.constant 0 : i32
      %dma_wait3A_1287 = arith.constant 0 : i32
      %dma_wait3A_1288 = tpu.memref_slice %arg9[%dma_wait3A_1277, %dma_wait3A_1278, %dma_wait3A_1286, %dma_wait3A_1287] : memref<2x8x32x128xf32, #tpu.memory_space<vmem>> -> memref<1x1x32x128xf32, #tpu.memory_space<vmem>>
      %dma_wait3A_1289 = tpu.memref_squeeze %dma_wait3A_1288 : memref<1x1x32x128xf32, #tpu.memory_space<vmem>> -> memref<32x128xf32, #tpu.memory_space<vmem>>
      %dma_wait3A_1290 = arith.constant 0 : i32
      %dma_wait3A_1291 = arith.constant 0 : i32
      %dma_wait3A_1292 = tpu.memref_slice %arg5[%dma_wait3A_1290, %dma_wait3A_1291] : memref<32x1000000xf32, #tpu.memory_space<hbm>> -> memref<32x128xf32, #tpu.memory_space<hbm>>
      tpu.wait_dma2 semaphore(%arg12 : memref<!tpu.dma_semaphore, #tpu.memory_space<semaphore_mem>>) src(%dma_wait3A_1292 : memref<32x128xf32, #tpu.memory_space<hbm>>) dst(%dma_wait3A_1289 : memref<32x128xf32, #tpu.memory_space<vmem>>)
      %add3A_1293 = arith.constant 1 : i32
      %add3A_1294 = arith.addi %mul3A_489, %add3A_1293 : i32
      %mul3A_1295 = arith.constant 8 : i32
      %mul3A_1296 = arith.muli %add3A_1294, %mul3A_1295 : i32
      %get3A_1297 = arith.index_cast %mul3A_1296 : i32 to index
      %get3A_1298 = tpu.vector_load %arg8[%get3A_1297] {strides = array<i32>} : memref<528xi32, #tpu.memory_space<vmem>>, vector<16xi32>,
      %and3A_1299 = arith.constant 127 : i32
      %and3A_1300 = vector.broadcast %and3A_1299 : i32 to vector<16xi32>
      %and3A_1301 = arith.andi %get3A_1298, %and3A_1300 : vector<16xi32>
      %lt3A_1302 = arith.constant 8 : i32
      %lt3A_1303 = vector.broadcast %lt3A_1302 : i32 to vector<16xi32>
      %lt3A_1304 = arith.cmpi slt, %iota3A, %lt3A_1303 : vector<16xi32>
      %mul3A_1305 = arith.constant 8 : i32
      %mul3A_1306 = arith.muli %add3A_1294, %mul3A_1305 : i32
      %add3A_1307 = vector.broadcast %mul3A_1306 : i32 to vector<16xi32>
      %add3A_1308 = arith.addi %add3A_1307, %iota3A : vector<16xi32>
      %broadcast_in_dim3A_1309 = arith.constant 0 : i32
      %broadcast_in_dim3A_1310 = vector.broadcast %broadcast_in_dim3A_1309 : i32 to vector<16xi32>
      %gather3A_1311 = arith.constant 1 : i32
      %gather3A_1312 = arith.constant 0 : i32
      %gather3A_1313 = arith.constant 0 : i32
      %gather3A_1314 = arith.constant 0 : i32
      %gather3A_1315 = tpu.memref_slice %arg9[%gather3A_1311, %gather3A_1312, %gather3A_1313, %gather3A_1314] : memref<2x8x32x128xf32, #tpu.memory_space<vmem>> -> memref<1x8x32x128xf32, #tpu.memory_space<vmem>>
      %gather3A_1316 = tpu.memref_squeeze %gather3A_1315 : memref<1x8x32x128xf32, #tpu.memory_space<vmem>> -> memref<8x32x128xf32, #tpu.memory_space<vmem>>
      %gather3A_1317 = tpu.vector_load_idx %gather3A_1316[%iota3A, %broadcast_in_dim3A_1310, %and3A_1301] masked %lt3A_1304 : memref<8x32x128xf32, #tpu.memory_space<vmem>>[vector<16xi32>, vector<16xi32>, vector<16xi32>], vector<16xf32>, vector<16xi1>
      tpu.vector_store_idx %arg10[%broadcast_in_dim3A_1310, %add3A_1308], %gather3A_1317 masked %lt3A_1304 : memref<32x512xf32, #tpu.memory_space<vmem>>[vector<16xi32>, vector<16xi32>], vector<16xf32>, vector<16xi1>
      %broadcast_in_dim3A_1318 = arith.constant 1 : i32
      %broadcast_in_dim3A_1319 = vector.broadcast %broadcast_in_dim3A_1318 : i32 to vector<16xi32>
      %gather3A_1320 = arith.constant 1 : i32
      %gather3A_1321 = arith.constant 0 : i32
      %gather3A_1322 = arith.constant 0 : i32
      %gather3A_1323 = arith.constant 0 : i32
      %gather3A_1324 = tpu.memref_slice %arg9[%gather3A_1320, %gather3A_1321, %gather3A_1322, %gather3A_1323] : memref<2x8x32x128xf32, #tpu.memory_space<vmem>> -> memref<1x8x32x128xf32, #tpu.memory_space<vmem>>
      %gather3A_1325 = tpu.memref_squeeze %gather3A_1324 : memref<1x8x32x128xf32, #tpu.memory_space<vmem>> -> memref<8x32x128xf32, #tpu.memory_space<vmem>>
      %gather3A_1326 = tpu.vector_load_idx %gather3A_1325[%iota3A, %broadcast_in_dim3A_1319, %and3A_1301] masked %lt3A_1304 : memref<8x32x128xf32, #tpu.memory_space<vmem>>[vector<16xi32>, vector<16xi32>, vector<16xi32>], vector<16xf32>, vector<16xi1>
      tpu.vector_store_idx %arg10[%broadcast_in_dim3A_1319, %add3A_1308], %gather3A_1326 masked %lt3A_1304 : memref<32x512xf32, #tpu.memory_space<vmem>>[vector<16xi32>, vector<16xi32>], vector<16xf32>, vector<16xi1>
      %broadcast_in_dim3A_1327 = arith.constant 2 : i32
      %broadcast_in_dim3A_1328 = vector.broadcast %broadcast_in_dim3A_1327 : i32 to vector<16xi32>
      %gather3A_1329 = arith.constant 1 : i32
      %gather3A_1330 = arith.constant 0 : i32
      %gather3A_1331 = arith.constant 0 : i32
      %gather3A_1332 = arith.constant 0 : i32
      %gather3A_1333 = tpu.memref_slice %arg9[%gather3A_1329, %gather3A_1330, %gather3A_1331, %gather3A_1332] : memref<2x8x32x128xf32, #tpu.memory_space<vmem>> -> memref<1x8x32x128xf32, #tpu.memory_space<vmem>>
      %gather3A_1334 = tpu.memref_squeeze %gather3A_1333 : memref<1x8x32x128xf32, #tpu.memory_space<vmem>> -> memref<8x32x128xf32, #tpu.memory_space<vmem>>
      %gather3A_1335 = tpu.vector_load_idx %gather3A_1334[%iota3A, %broadcast_in_dim3A_1328, %and3A_1301] masked %lt3A_1304 : memref<8x32x128xf32, #tpu.memory_space<vmem>>[vector<16xi32>, vector<16xi32>, vector<16xi32>], vector<16xf32>, vector<16xi1>
      tpu.vector_store_idx %arg10[%broadcast_in_dim3A_1328, %add3A_1308], %gather3A_1335 masked %lt3A_1304 : memref<32x512xf32, #tpu.memory_space<vmem>>[vector<16xi32>, vector<16xi32>], vector<16xf32>, vector<16xi1>
      %broadcast_in_dim3A_1336 = arith.constant 3 : i32
      %broadcast_in_dim3A_1337 = vector.broadcast %broadcast_in_dim3A_1336 : i32 to vector<16xi32>
      %gather3A_1338 = arith.constant 1 : i32
      %gather3A_1339 = arith.constant 0 : i32
      %gather3A_1340 = arith.constant 0 : i32
      %gather3A_1341 = arith.constant 0 : i32
      %gather3A_1342 = tpu.memref_slice %arg9[%gather3A_1338, %gather3A_1339, %gather3A_1340, %gather3A_1341] : memref<2x8x32x128xf32, #tpu.memory_space<vmem>> -> memref<1x8x32x128xf32, #tpu.memory_space<vmem>>
      %gather3A_1343 = tpu.memref_squeeze %gather3A_1342 : memref<1x8x32x128xf32, #tpu.memory_space<vmem>> -> memref<8x32x128xf32, #tpu.memory_space<vmem>>
      %gather3A_1344 = tpu.vector_load_idx %gather3A_1343[%iota3A, %broadcast_in_dim3A_1337, %and3A_1301] masked %lt3A_1304 : memref<8x32x128xf32, #tpu.memory_space<vmem>>[vector<16xi32>, vector<16xi32>, vector<16xi32>], vector<16xf32>, vector<16xi1>
      tpu.vector_store_idx %arg10[%broadcast_in_dim3A_1337, %add3A_1308], %gather3A_1344 masked %lt3A_1304 : memref<32x512xf32, #tpu.memory_space<vmem>>[vector<16xi32>, vector<16xi32>], vector<16xf32>, vector<16xi1>
      %broadcast_in_dim3A_1345 = arith.constant 4 : i32
      %broadcast_in_dim3A_1346 = vector.broadcast %broadcast_in_dim3A_1345 : i32 to vector<16xi32>
      %gather3A_1347 = arith.constant 1 : i32
      %gather3A_1348 = arith.constant 0 : i32
      %gather3A_1349 = arith.constant 0 : i32
      %gather3A_1350 = arith.constant 0 : i32
      %gather3A_1351 = tpu.memref_slice %arg9[%gather3A_1347, %gather3A_1348, %gather3A_1349, %gather3A_1350] : memref<2x8x32x128xf32, #tpu.memory_space<vmem>> -> memref<1x8x32x128xf32, #tpu.memory_space<vmem>>
      %gather3A_1352 = tpu.memref_squeeze %gather3A_1351 : memref<1x8x32x128xf32, #tpu.memory_space<vmem>> -> memref<8x32x128xf32, #tpu.memory_space<vmem>>
      %gather3A_1353 = tpu.vector_load_idx %gather3A_1352[%iota3A, %broadcast_in_dim3A_1346, %and3A_1301] masked %lt3A_1304 : memref<8x32x128xf32, #tpu.memory_space<vmem>>[vector<16xi32>, vector<16xi32>, vector<16xi32>], vector<16xf32>, vector<16xi1>
      tpu.vector_store_idx %arg10[%broadcast_in_dim3A_1346, %add3A_1308], %gather3A_1353 masked %lt3A_1304 : memref<32x512xf32, #tpu.memory_space<vmem>>[vector<16xi32>, vector<16xi32>], vector<16xf32>, vector<16xi1>
      %broadcast_in_dim3A_1354 = arith.constant 5 : i32
      %broadcast_in_dim3A_1355 = vector.broadcast %broadcast_in_dim3A_1354 : i32 to vector<16xi32>
      %gather3A_1356 = arith.constant 1 : i32
      %gather3A_1357 = arith.constant 0 : i32
      %gather3A_1358 = arith.constant 0 : i32
      %gather3A_1359 = arith.constant 0 : i32
      %gather3A_1360 = tpu.memref_slice %arg9[%gather3A_1356, %gather3A_1357, %gather3A_1358, %gather3A_1359] : memref<2x8x32x128xf32, #tpu.memory_space<vmem>> -> memref<1x8x32x128xf32, #tpu.memory_space<vmem>>
      %gather3A_1361 = tpu.memref_squeeze %gather3A_1360 : memref<1x8x32x128xf32, #tpu.memory_space<vmem>> -> memref<8x32x128xf32, #tpu.memory_space<vmem>>
      %gather3A_1362 = tpu.vector_load_idx %gather3A_1361[%iota3A, %broadcast_in_dim3A_1355, %and3A_1301] masked %lt3A_1304 : memref<8x32x128xf32, #tpu.memory_space<vmem>>[vector<16xi32>, vector<16xi32>, vector<16xi32>], vector<16xf32>, vector<16xi1>
      tpu.vector_store_idx %arg10[%broadcast_in_dim3A_1355, %add3A_1308], %gather3A_1362 masked %lt3A_1304 : memref<32x512xf32, #tpu.memory_space<vmem>>[vector<16xi32>, vector<16xi32>], vector<16xf32>, vector<16xi1>
      %broadcast_in_dim3A_1363 = arith.constant 6 : i32
      %broadcast_in_dim3A_1364 = vector.broadcast %broadcast_in_dim3A_1363 : i32 to vector<16xi32>
      %gather3A_1365 = arith.constant 1 : i32
      %gather3A_1366 = arith.constant 0 : i32
      %gather3A_1367 = arith.constant 0 : i32
      %gather3A_1368 = arith.constant 0 : i32
      %gather3A_1369 = tpu.memref_slice %arg9[%gather3A_1365, %gather3A_1366, %gather3A_1367, %gather3A_1368] : memref<2x8x32x128xf32, #tpu.memory_space<vmem>> -> memref<1x8x32x128xf32, #tpu.memory_space<vmem>>
      %gather3A_1370 = tpu.memref_squeeze %gather3A_1369 : memref<1x8x32x128xf32, #tpu.memory_space<vmem>> -> memref<8x32x128xf32, #tpu.memory_space<vmem>>
      %gather3A_1371 = tpu.vector_load_idx %gather3A_1370[%iota3A, %broadcast_in_dim3A_1364, %and3A_1301] masked %lt3A_1304 : memref<8x32x128xf32, #tpu.memory_space<vmem>>[vector<16xi32>, vector<16xi32>, vector<16xi32>], vector<16xf32>, vector<16xi1>
      tpu.vector_store_idx %arg10[%broadcast_in_dim3A_1364, %add3A_1308], %gather3A_1371 masked %lt3A_1304 : memref<32x512xf32, #tpu.memory_space<vmem>>[vector<16xi32>, vector<16xi32>], vector<16xf32>, vector<16xi1>
      %broadcast_in_dim3A_1372 = arith.constant 7 : i32
      %broadcast_in_dim3A_1373 = vector.broadcast %broadcast_in_dim3A_1372 : i32 to vector<16xi32>
      %gather3A_1374 = arith.constant 1 : i32
      %gather3A_1375 = arith.constant 0 : i32
      %gather3A_1376 = arith.constant 0 : i32
      %gather3A_1377 = arith.constant 0 : i32
      %gather3A_1378 = tpu.memref_slice %arg9[%gather3A_1374, %gather3A_1375, %gather3A_1376, %gather3A_1377] : memref<2x8x32x128xf32, #tpu.memory_space<vmem>> -> memref<1x8x32x128xf32, #tpu.memory_space<vmem>>
      %gather3A_1379 = tpu.memref_squeeze %gather3A_1378 : memref<1x8x32x128xf32, #tpu.memory_space<vmem>> -> memref<8x32x128xf32, #tpu.memory_space<vmem>>
      %gather3A_1380 = tpu.vector_load_idx %gather3A_1379[%iota3A, %broadcast_in_dim3A_1373, %and3A_1301] masked %lt3A_1304 : memref<8x32x128xf32, #tpu.memory_space<vmem>>[vector<16xi32>, vector<16xi32>, vector<16xi32>], vector<16xf32>, vector<16xi1>
      tpu.vector_store_idx %arg10[%broadcast_in_dim3A_1373, %add3A_1308], %gather3A_1380 masked %lt3A_1304 : memref<32x512xf32, #tpu.memory_space<vmem>>[vector<16xi32>, vector<16xi32>], vector<16xf32>, vector<16xi1>
      %broadcast_in_dim3A_1381 = arith.constant 8 : i32
      %broadcast_in_dim3A_1382 = vector.broadcast %broadcast_in_dim3A_1381 : i32 to vector<16xi32>
      %gather3A_1383 = arith.constant 1 : i32
      %gather3A_1384 = arith.constant 0 : i32
      %gather3A_1385 = arith.constant 0 : i32
      %gather3A_1386 = arith.constant 0 : i32
      %gather3A_1387 = tpu.memref_slice %arg9[%gather3A_1383, %gather3A_1384, %gather3A_1385, %gather3A_1386] : memref<2x8x32x128xf32, #tpu.memory_space<vmem>> -> memref<1x8x32x128xf32, #tpu.memory_space<vmem>>
      %gather3A_1388 = tpu.memref_squeeze %gather3A_1387 : memref<1x8x32x128xf32, #tpu.memory_space<vmem>> -> memref<8x32x128xf32, #tpu.memory_space<vmem>>
      %gather3A_1389 = tpu.vector_load_idx %gather3A_1388[%iota3A, %broadcast_in_dim3A_1382, %and3A_1301] masked %lt3A_1304 : memref<8x32x128xf32, #tpu.memory_space<vmem>>[vector<16xi32>, vector<16xi32>, vector<16xi32>], vector<16xf32>, vector<16xi1>
      tpu.vector_store_idx %arg10[%broadcast_in_dim3A_1382, %add3A_1308], %gather3A_1389 masked %lt3A_1304 : memref<32x512xf32, #tpu.memory_space<vmem>>[vector<16xi32>, vector<16xi32>], vector<16xf32>, vector<16xi1>
      %broadcast_in_dim3A_1390 = arith.constant 9 : i32
      %broadcast_in_dim3A_1391 = vector.broadcast %broadcast_in_dim3A_1390 : i32 to vector<16xi32>
      %gather3A_1392 = arith.constant 1 : i32
      %gather3A_1393 = arith.constant 0 : i32
      %gather3A_1394 = arith.constant 0 : i32
      %gather3A_1395 = arith.constant 0 : i32
      %gather3A_1396 = tpu.memref_slice %arg9[%gather3A_1392, %gather3A_1393, %gather3A_1394, %gather3A_1395] : memref<2x8x32x128xf32, #tpu.memory_space<vmem>> -> memref<1x8x32x128xf32, #tpu.memory_space<vmem>>
      %gather3A_1397 = tpu.memref_squeeze %gather3A_1396 : memref<1x8x32x128xf32, #tpu.memory_space<vmem>> -> memref<8x32x128xf32, #tpu.memory_space<vmem>>
      %gather3A_1398 = tpu.vector_load_idx %gather3A_1397[%iota3A, %broadcast_in_dim3A_1391, %and3A_1301] masked %lt3A_1304 : memref<8x32x128xf32, #tpu.memory_space<vmem>>[vector<16xi32>, vector<16xi32>, vector<16xi32>], vector<16xf32>, vector<16xi1>
      tpu.vector_store_idx %arg10[%broadcast_in_dim3A_1391, %add3A_1308], %gather3A_1398 masked %lt3A_1304 : memref<32x512xf32, #tpu.memory_space<vmem>>[vector<16xi32>, vector<16xi32>], vector<16xf32>, vector<16xi1>
      %broadcast_in_dim3A_1399 = arith.constant 10 : i32
      %broadcast_in_dim3A_1400 = vector.broadcast %broadcast_in_dim3A_1399 : i32 to vector<16xi32>
      %gather3A_1401 = arith.constant 1 : i32
      %gather3A_1402 = arith.constant 0 : i32
      %gather3A_1403 = arith.constant 0 : i32
      %gather3A_1404 = arith.constant 0 : i32
      %gather3A_1405 = tpu.memref_slice %arg9[%gather3A_1401, %gather3A_1402, %gather3A_1403, %gather3A_1404] : memref<2x8x32x128xf32, #tpu.memory_space<vmem>> -> memref<1x8x32x128xf32, #tpu.memory_space<vmem>>
      %gather3A_1406 = tpu.memref_squeeze %gather3A_1405 : memref<1x8x32x128xf32, #tpu.memory_space<vmem>> -> memref<8x32x128xf32, #tpu.memory_space<vmem>>
      %gather3A_1407 = tpu.vector_load_idx %gather3A_1406[%iota3A, %broadcast_in_dim3A_1400, %and3A_1301] masked %lt3A_1304 : memref<8x32x128xf32, #tpu.memory_space<vmem>>[vector<16xi32>, vector<16xi32>, vector<16xi32>], vector<16xf32>, vector<16xi1>
      tpu.vector_store_idx %arg10[%broadcast_in_dim3A_1400, %add3A_1308], %gather3A_1407 masked %lt3A_1304 : memref<32x512xf32, #tpu.memory_space<vmem>>[vector<16xi32>, vector<16xi32>], vector<16xf32>, vector<16xi1>
      %broadcast_in_dim3A_1408 = arith.constant 11 : i32
      %broadcast_in_dim3A_1409 = vector.broadcast %broadcast_in_dim3A_1408 : i32 to vector<16xi32>
      %gather3A_1410 = arith.constant 1 : i32
      %gather3A_1411 = arith.constant 0 : i32
      %gather3A_1412 = arith.constant 0 : i32
      %gather3A_1413 = arith.constant 0 : i32
      %gather3A_1414 = tpu.memref_slice %arg9[%gather3A_1410, %gather3A_1411, %gather3A_1412, %gather3A_1413] : memref<2x8x32x128xf32, #tpu.memory_space<vmem>> -> memref<1x8x32x128xf32, #tpu.memory_space<vmem>>
      %gather3A_1415 = tpu.memref_squeeze %gather3A_1414 : memref<1x8x32x128xf32, #tpu.memory_space<vmem>> -> memref<8x32x128xf32, #tpu.memory_space<vmem>>
      %gather3A_1416 = tpu.vector_load_idx %gather3A_1415[%iota3A, %broadcast_in_dim3A_1409, %and3A_1301] masked %lt3A_1304 : memref<8x32x128xf32, #tpu.memory_space<vmem>>[vector<16xi32>, vector<16xi32>, vector<16xi32>], vector<16xf32>, vector<16xi1>
      tpu.vector_store_idx %arg10[%broadcast_in_dim3A_1409, %add3A_1308], %gather3A_1416 masked %lt3A_1304 : memref<32x512xf32, #tpu.memory_space<vmem>>[vector<16xi32>, vector<16xi32>], vector<16xf32>, vector<16xi1>
      %broadcast_in_dim3A_1417 = arith.constant 12 : i32
      %broadcast_in_dim3A_1418 = vector.broadcast %broadcast_in_dim3A_1417 : i32 to vector<16xi32>
      %gather3A_1419 = arith.constant 1 : i32
      %gather3A_1420 = arith.constant 0 : i32
      %gather3A_1421 = arith.constant 0 : i32
      %gather3A_1422 = arith.constant 0 : i32
      %gather3A_1423 = tpu.memref_slice %arg9[%gather3A_1419, %gather3A_1420, %gather3A_1421, %gather3A_1422] : memref<2x8x32x128xf32, #tpu.memory_space<vmem>> -> memref<1x8x32x128xf32, #tpu.memory_space<vmem>>
      %gather3A_1424 = tpu.memref_squeeze %gather3A_1423 : memref<1x8x32x128xf32, #tpu.memory_space<vmem>> -> memref<8x32x128xf32, #tpu.memory_space<vmem>>
      %gather3A_1425 = tpu.vector_load_idx %gather3A_1424[%iota3A, %broadcast_in_dim3A_1418, %and3A_1301] masked %lt3A_1304 : memref<8x32x128xf32, #tpu.memory_space<vmem>>[vector<16xi32>, vector<16xi32>, vector<16xi32>], vector<16xf32>, vector<16xi1>
      tpu.vector_store_idx %arg10[%broadcast_in_dim3A_1418, %add3A_1308], %gather3A_1425 masked %lt3A_1304 : memref<32x512xf32, #tpu.memory_space<vmem>>[vector<16xi32>, vector<16xi32>], vector<16xf32>, vector<16xi1>
      %broadcast_in_dim3A_1426 = arith.constant 13 : i32
      %broadcast_in_dim3A_1427 = vector.broadcast %broadcast_in_dim3A_1426 : i32 to vector<16xi32>
      %gather3A_1428 = arith.constant 1 : i32
      %gather3A_1429 = arith.constant 0 : i32
      %gather3A_1430 = arith.constant 0 : i32
      %gather3A_1431 = arith.constant 0 : i32
      %gather3A_1432 = tpu.memref_slice %arg9[%gather3A_1428, %gather3A_1429, %gather3A_1430, %gather3A_1431] : memref<2x8x32x128xf32, #tpu.memory_space<vmem>> -> memref<1x8x32x128xf32, #tpu.memory_space<vmem>>
      %gather3A_1433 = tpu.memref_squeeze %gather3A_1432 : memref<1x8x32x128xf32, #tpu.memory_space<vmem>> -> memref<8x32x128xf32, #tpu.memory_space<vmem>>
      %gather3A_1434 = tpu.vector_load_idx %gather3A_1433[%iota3A, %broadcast_in_dim3A_1427, %and3A_1301] masked %lt3A_1304 : memref<8x32x128xf32, #tpu.memory_space<vmem>>[vector<16xi32>, vector<16xi32>, vector<16xi32>], vector<16xf32>, vector<16xi1>
      tpu.vector_store_idx %arg10[%broadcast_in_dim3A_1427, %add3A_1308], %gather3A_1434 masked %lt3A_1304 : memref<32x512xf32, #tpu.memory_space<vmem>>[vector<16xi32>, vector<16xi32>], vector<16xf32>, vector<16xi1>
      %broadcast_in_dim3A_1435 = arith.constant 14 : i32
      %broadcast_in_dim3A_1436 = vector.broadcast %broadcast_in_dim3A_1435 : i32 to vector<16xi32>
      %gather3A_1437 = arith.constant 1 : i32
      %gather3A_1438 = arith.constant 0 : i32
      %gather3A_1439 = arith.constant 0 : i32
      %gather3A_1440 = arith.constant 0 : i32
      %gather3A_1441 = tpu.memref_slice %arg9[%gather3A_1437, %gather3A_1438, %gather3A_1439, %gather3A_1440] : memref<2x8x32x128xf32, #tpu.memory_space<vmem>> -> memref<1x8x32x128xf32, #tpu.memory_space<vmem>>
      %gather3A_1442 = tpu.memref_squeeze %gather3A_1441 : memref<1x8x32x128xf32, #tpu.memory_space<vmem>> -> memref<8x32x128xf32, #tpu.memory_space<vmem>>
      %gather3A_1443 = tpu.vector_load_idx %gather3A_1442[%iota3A, %broadcast_in_dim3A_1436, %and3A_1301] masked %lt3A_1304 : memref<8x32x128xf32, #tpu.memory_space<vmem>>[vector<16xi32>, vector<16xi32>, vector<16xi32>], vector<16xf32>, vector<16xi1>
      tpu.vector_store_idx %arg10[%broadcast_in_dim3A_1436, %add3A_1308], %gather3A_1443 masked %lt3A_1304 : memref<32x512xf32, #tpu.memory_space<vmem>>[vector<16xi32>, vector<16xi32>], vector<16xf32>, vector<16xi1>
      %broadcast_in_dim3A_1444 = arith.constant 15 : i32
      %broadcast_in_dim3A_1445 = vector.broadcast %broadcast_in_dim3A_1444 : i32 to vector<16xi32>
      %gather3A_1446 = arith.constant 1 : i32
      %gather3A_1447 = arith.constant 0 : i32
      %gather3A_1448 = arith.constant 0 : i32
      %gather3A_1449 = arith.constant 0 : i32
      %gather3A_1450 = tpu.memref_slice %arg9[%gather3A_1446, %gather3A_1447, %gather3A_1448, %gather3A_1449] : memref<2x8x32x128xf32, #tpu.memory_space<vmem>> -> memref<1x8x32x128xf32, #tpu.memory_space<vmem>>
      %gather3A_1451 = tpu.memref_squeeze %gather3A_1450 : memref<1x8x32x128xf32, #tpu.memory_space<vmem>> -> memref<8x32x128xf32, #tpu.memory_space<vmem>>
      %gather3A_1452 = tpu.vector_load_idx %gather3A_1451[%iota3A, %broadcast_in_dim3A_1445, %and3A_1301] masked %lt3A_1304 : memref<8x32x128xf32, #tpu.memory_space<vmem>>[vector<16xi32>, vector<16xi32>, vector<16xi32>], vector<16xf32>, vector<16xi1>
      tpu.vector_store_idx %arg10[%broadcast_in_dim3A_1445, %add3A_1308], %gather3A_1452 masked %lt3A_1304 : memref<32x512xf32, #tpu.memory_space<vmem>>[vector<16xi32>, vector<16xi32>], vector<16xf32>, vector<16xi1>
      %broadcast_in_dim3A_1453 = arith.constant 16 : i32
      %broadcast_in_dim3A_1454 = vector.broadcast %broadcast_in_dim3A_1453 : i32 to vector<16xi32>
      %gather3A_1455 = arith.constant 1 : i32
      %gather3A_1456 = arith.constant 0 : i32
      %gather3A_1457 = arith.constant 0 : i32
      %gather3A_1458 = arith.constant 0 : i32
      %gather3A_1459 = tpu.memref_slice %arg9[%gather3A_1455, %gather3A_1456, %gather3A_1457, %gather3A_1458] : memref<2x8x32x128xf32, #tpu.memory_space<vmem>> -> memref<1x8x32x128xf32, #tpu.memory_space<vmem>>
      %gather3A_1460 = tpu.memref_squeeze %gather3A_1459 : memref<1x8x32x128xf32, #tpu.memory_space<vmem>> -> memref<8x32x128xf32, #tpu.memory_space<vmem>>
      %gather3A_1461 = tpu.vector_load_idx %gather3A_1460[%iota3A, %broadcast_in_dim3A_1454, %and3A_1301] masked %lt3A_1304 : memref<8x32x128xf32, #tpu.memory_space<vmem>>[vector<16xi32>, vector<16xi32>, vector<16xi32>], vector<16xf32>, vector<16xi1>
      tpu.vector_store_idx %arg10[%broadcast_in_dim3A_1454, %add3A_1308], %gather3A_1461 masked %lt3A_1304 : memref<32x512xf32, #tpu.memory_space<vmem>>[vector<16xi32>, vector<16xi32>], vector<16xf32>, vector<16xi1>
      %broadcast_in_dim3A_1462 = arith.constant 17 : i32
      %broadcast_in_dim3A_1463 = vector.broadcast %broadcast_in_dim3A_1462 : i32 to vector<16xi32>
      %gather3A_1464 = arith.constant 1 : i32
      %gather3A_1465 = arith.constant 0 : i32
      %gather3A_1466 = arith.constant 0 : i32
      %gather3A_1467 = arith.constant 0 : i32
      %gather3A_1468 = tpu.memref_slice %arg9[%gather3A_1464, %gather3A_1465, %gather3A_1466, %gather3A_1467] : memref<2x8x32x128xf32, #tpu.memory_space<vmem>> -> memref<1x8x32x128xf32, #tpu.memory_space<vmem>>
      %gather3A_1469 = tpu.memref_squeeze %gather3A_1468 : memref<1x8x32x128xf32, #tpu.memory_space<vmem>> -> memref<8x32x128xf32, #tpu.memory_space<vmem>>
      %gather3A_1470 = tpu.vector_load_idx %gather3A_1469[%iota3A, %broadcast_in_dim3A_1463, %and3A_1301] masked %lt3A_1304 : memref<8x32x128xf32, #tpu.memory_space<vmem>>[vector<16xi32>, vector<16xi32>, vector<16xi32>], vector<16xf32>, vector<16xi1>
      tpu.vector_store_idx %arg10[%broadcast_in_dim3A_1463, %add3A_1308], %gather3A_1470 masked %lt3A_1304 : memref<32x512xf32, #tpu.memory_space<vmem>>[vector<16xi32>, vector<16xi32>], vector<16xf32>, vector<16xi1>
      %broadcast_in_dim3A_1471 = arith.constant 18 : i32
      %broadcast_in_dim3A_1472 = vector.broadcast %broadcast_in_dim3A_1471 : i32 to vector<16xi32>
      %gather3A_1473 = arith.constant 1 : i32
      %gather3A_1474 = arith.constant 0 : i32
      %gather3A_1475 = arith.constant 0 : i32
      %gather3A_1476 = arith.constant 0 : i32
      %gather3A_1477 = tpu.memref_slice %arg9[%gather3A_1473, %gather3A_1474, %gather3A_1475, %gather3A_1476] : memref<2x8x32x128xf32, #tpu.memory_space<vmem>> -> memref<1x8x32x128xf32, #tpu.memory_space<vmem>>
      %gather3A_1478 = tpu.memref_squeeze %gather3A_1477 : memref<1x8x32x128xf32, #tpu.memory_space<vmem>> -> memref<8x32x128xf32, #tpu.memory_space<vmem>>
      %gather3A_1479 = tpu.vector_load_idx %gather3A_1478[%iota3A, %broadcast_in_dim3A_1472, %and3A_1301] masked %lt3A_1304 : memref<8x32x128xf32, #tpu.memory_space<vmem>>[vector<16xi32>, vector<16xi32>, vector<16xi32>], vector<16xf32>, vector<16xi1>
      tpu.vector_store_idx %arg10[%broadcast_in_dim3A_1472, %add3A_1308], %gather3A_1479 masked %lt3A_1304 : memref<32x512xf32, #tpu.memory_space<vmem>>[vector<16xi32>, vector<16xi32>], vector<16xf32>, vector<16xi1>
      %broadcast_in_dim3A_1480 = arith.constant 19 : i32
      %broadcast_in_dim3A_1481 = vector.broadcast %broadcast_in_dim3A_1480 : i32 to vector<16xi32>
      %gather3A_1482 = arith.constant 1 : i32
      %gather3A_1483 = arith.constant 0 : i32
      %gather3A_1484 = arith.constant 0 : i32
      %gather3A_1485 = arith.constant 0 : i32
      %gather3A_1486 = tpu.memref_slice %arg9[%gather3A_1482, %gather3A_1483, %gather3A_1484, %gather3A_1485] : memref<2x8x32x128xf32, #tpu.memory_space<vmem>> -> memref<1x8x32x128xf32, #tpu.memory_space<vmem>>
      %gather3A_1487 = tpu.memref_squeeze %gather3A_1486 : memref<1x8x32x128xf32, #tpu.memory_space<vmem>> -> memref<8x32x128xf32, #tpu.memory_space<vmem>>
      %gather3A_1488 = tpu.vector_load_idx %gather3A_1487[%iota3A, %broadcast_in_dim3A_1481, %and3A_1301] masked %lt3A_1304 : memref<8x32x128xf32, #tpu.memory_space<vmem>>[vector<16xi32>, vector<16xi32>, vector<16xi32>], vector<16xf32>, vector<16xi1>
      tpu.vector_store_idx %arg10[%broadcast_in_dim3A_1481, %add3A_1308], %gather3A_1488 masked %lt3A_1304 : memref<32x512xf32, #tpu.memory_space<vmem>>[vector<16xi32>, vector<16xi32>], vector<16xf32>, vector<16xi1>
      %broadcast_in_dim3A_1489 = arith.constant 20 : i32
      %broadcast_in_dim3A_1490 = vector.broadcast %broadcast_in_dim3A_1489 : i32 to vector<16xi32>
      %gather3A_1491 = arith.constant 1 : i32
      %gather3A_1492 = arith.constant 0 : i32
      %gather3A_1493 = arith.constant 0 : i32
      %gather3A_1494 = arith.constant 0 : i32
      %gather3A_1495 = tpu.memref_slice %arg9[%gather3A_1491, %gather3A_1492, %gather3A_1493, %gather3A_1494] : memref<2x8x32x128xf32, #tpu.memory_space<vmem>> -> memref<1x8x32x128xf32, #tpu.memory_space<vmem>>
      %gather3A_1496 = tpu.memref_squeeze %gather3A_1495 : memref<1x8x32x128xf32, #tpu.memory_space<vmem>> -> memref<8x32x128xf32, #tpu.memory_space<vmem>>
      %gather3A_1497 = tpu.vector_load_idx %gather3A_1496[%iota3A, %broadcast_in_dim3A_1490, %and3A_1301] masked %lt3A_1304 : memref<8x32x128xf32, #tpu.memory_space<vmem>>[vector<16xi32>, vector<16xi32>, vector<16xi32>], vector<16xf32>, vector<16xi1>
      tpu.vector_store_idx %arg10[%broadcast_in_dim3A_1490, %add3A_1308], %gather3A_1497 masked %lt3A_1304 : memref<32x512xf32, #tpu.memory_space<vmem>>[vector<16xi32>, vector<16xi32>], vector<16xf32>, vector<16xi1>
      %broadcast_in_dim3A_1498 = arith.constant 21 : i32
      %broadcast_in_dim3A_1499 = vector.broadcast %broadcast_in_dim3A_1498 : i32 to vector<16xi32>
      %gather3A_1500 = arith.constant 1 : i32
      %gather3A_1501 = arith.constant 0 : i32
      %gather3A_1502 = arith.constant 0 : i32
      %gather3A_1503 = arith.constant 0 : i32
      %gather3A_1504 = tpu.memref_slice %arg9[%gather3A_1500, %gather3A_1501, %gather3A_1502, %gather3A_1503] : memref<2x8x32x128xf32, #tpu.memory_space<vmem>> -> memref<1x8x32x128xf32, #tpu.memory_space<vmem>>
      %gather3A_1505 = tpu.memref_squeeze %gather3A_1504 : memref<1x8x32x128xf32, #tpu.memory_space<vmem>> -> memref<8x32x128xf32, #tpu.memory_space<vmem>>
      %gather3A_1506 = tpu.vector_load_idx %gather3A_1505[%iota3A, %broadcast_in_dim3A_1499, %and3A_1301] masked %lt3A_1304 : memref<8x32x128xf32, #tpu.memory_space<vmem>>[vector<16xi32>, vector<16xi32>, vector<16xi32>], vector<16xf32>, vector<16xi1>
      tpu.vector_store_idx %arg10[%broadcast_in_dim3A_1499, %add3A_1308], %gather3A_1506 masked %lt3A_1304 : memref<32x512xf32, #tpu.memory_space<vmem>>[vector<16xi32>, vector<16xi32>], vector<16xf32>, vector<16xi1>
      %broadcast_in_dim3A_1507 = arith.constant 22 : i32
      %broadcast_in_dim3A_1508 = vector.broadcast %broadcast_in_dim3A_1507 : i32 to vector<16xi32>
      %gather3A_1509 = arith.constant 1 : i32
      %gather3A_1510 = arith.constant 0 : i32
      %gather3A_1511 = arith.constant 0 : i32
      %gather3A_1512 = arith.constant 0 : i32
      %gather3A_1513 = tpu.memref_slice %arg9[%gather3A_1509, %gather3A_1510, %gather3A_1511, %gather3A_1512] : memref<2x8x32x128xf32, #tpu.memory_space<vmem>> -> memref<1x8x32x128xf32, #tpu.memory_space<vmem>>
      %gather3A_1514 = tpu.memref_squeeze %gather3A_1513 : memref<1x8x32x128xf32, #tpu.memory_space<vmem>> -> memref<8x32x128xf32, #tpu.memory_space<vmem>>
      %gather3A_1515 = tpu.vector_load_idx %gather3A_1514[%iota3A, %broadcast_in_dim3A_1508, %and3A_1301] masked %lt3A_1304 : memref<8x32x128xf32, #tpu.memory_space<vmem>>[vector<16xi32>, vector<16xi32>, vector<16xi32>], vector<16xf32>, vector<16xi1>
      tpu.vector_store_idx %arg10[%broadcast_in_dim3A_1508, %add3A_1308], %gather3A_1515 masked %lt3A_1304 : memref<32x512xf32, #tpu.memory_space<vmem>>[vector<16xi32>, vector<16xi32>], vector<16xf32>, vector<16xi1>
      %broadcast_in_dim3A_1516 = arith.constant 23 : i32
      %broadcast_in_dim3A_1517 = vector.broadcast %broadcast_in_dim3A_1516 : i32 to vector<16xi32>
      %gather3A_1518 = arith.constant 1 : i32
      %gather3A_1519 = arith.constant 0 : i32
      %gather3A_1520 = arith.constant 0 : i32
      %gather3A_1521 = arith.constant 0 : i32
      %gather3A_1522 = tpu.memref_slice %arg9[%gather3A_1518, %gather3A_1519, %gather3A_1520, %gather3A_1521] : memref<2x8x32x128xf32, #tpu.memory_space<vmem>> -> memref<1x8x32x128xf32, #tpu.memory_space<vmem>>
      %gather3A_1523 = tpu.memref_squeeze %gather3A_1522 : memref<1x8x32x128xf32, #tpu.memory_space<vmem>> -> memref<8x32x128xf32, #tpu.memory_space<vmem>>
      %gather3A_1524 = tpu.vector_load_idx %gather3A_1523[%iota3A, %broadcast_in_dim3A_1517, %and3A_1301] masked %lt3A_1304 : memref<8x32x128xf32, #tpu.memory_space<vmem>>[vector<16xi32>, vector<16xi32>, vector<16xi32>], vector<16xf32>, vector<16xi1>
      tpu.vector_store_idx %arg10[%broadcast_in_dim3A_1517, %add3A_1308], %gather3A_1524 masked %lt3A_1304 : memref<32x512xf32, #tpu.memory_space<vmem>>[vector<16xi32>, vector<16xi32>], vector<16xf32>, vector<16xi1>
      %broadcast_in_dim3A_1525 = arith.constant 24 : i32
      %broadcast_in_dim3A_1526 = vector.broadcast %broadcast_in_dim3A_1525 : i32 to vector<16xi32>
      %gather3A_1527 = arith.constant 1 : i32
      %gather3A_1528 = arith.constant 0 : i32
      %gather3A_1529 = arith.constant 0 : i32
      %gather3A_1530 = arith.constant 0 : i32
      %gather3A_1531 = tpu.memref_slice %arg9[%gather3A_1527, %gather3A_1528, %gather3A_1529, %gather3A_1530] : memref<2x8x32x128xf32, #tpu.memory_space<vmem>> -> memref<1x8x32x128xf32, #tpu.memory_space<vmem>>
      %gather3A_1532 = tpu.memref_squeeze %gather3A_1531 : memref<1x8x32x128xf32, #tpu.memory_space<vmem>> -> memref<8x32x128xf32, #tpu.memory_space<vmem>>
      %gather3A_1533 = tpu.vector_load_idx %gather3A_1532[%iota3A, %broadcast_in_dim3A_1526, %and3A_1301] masked %lt3A_1304 : memref<8x32x128xf32, #tpu.memory_space<vmem>>[vector<16xi32>, vector<16xi32>, vector<16xi32>], vector<16xf32>, vector<16xi1>
      tpu.vector_store_idx %arg10[%broadcast_in_dim3A_1526, %add3A_1308], %gather3A_1533 masked %lt3A_1304 : memref<32x512xf32, #tpu.memory_space<vmem>>[vector<16xi32>, vector<16xi32>], vector<16xf32>, vector<16xi1>
      %broadcast_in_dim3A_1534 = arith.constant 25 : i32
      %broadcast_in_dim3A_1535 = vector.broadcast %broadcast_in_dim3A_1534 : i32 to vector<16xi32>
      %gather3A_1536 = arith.constant 1 : i32
      %gather3A_1537 = arith.constant 0 : i32
      %gather3A_1538 = arith.constant 0 : i32
      %gather3A_1539 = arith.constant 0 : i32
      %gather3A_1540 = tpu.memref_slice %arg9[%gather3A_1536, %gather3A_1537, %gather3A_1538, %gather3A_1539] : memref<2x8x32x128xf32, #tpu.memory_space<vmem>> -> memref<1x8x32x128xf32, #tpu.memory_space<vmem>>
      %gather3A_1541 = tpu.memref_squeeze %gather3A_1540 : memref<1x8x32x128xf32, #tpu.memory_space<vmem>> -> memref<8x32x128xf32, #tpu.memory_space<vmem>>
      %gather3A_1542 = tpu.vector_load_idx %gather3A_1541[%iota3A, %broadcast_in_dim3A_1535, %and3A_1301] masked %lt3A_1304 : memref<8x32x128xf32, #tpu.memory_space<vmem>>[vector<16xi32>, vector<16xi32>, vector<16xi32>], vector<16xf32>, vector<16xi1>
      tpu.vector_store_idx %arg10[%broadcast_in_dim3A_1535, %add3A_1308], %gather3A_1542 masked %lt3A_1304 : memref<32x512xf32, #tpu.memory_space<vmem>>[vector<16xi32>, vector<16xi32>], vector<16xf32>, vector<16xi1>
      %broadcast_in_dim3A_1543 = arith.constant 26 : i32
      %broadcast_in_dim3A_1544 = vector.broadcast %broadcast_in_dim3A_1543 : i32 to vector<16xi32>
      %gather3A_1545 = arith.constant 1 : i32
      %gather3A_1546 = arith.constant 0 : i32
      %gather3A_1547 = arith.constant 0 : i32
      %gather3A_1548 = arith.constant 0 : i32
      %gather3A_1549 = tpu.memref_slice %arg9[%gather3A_1545, %gather3A_1546, %gather3A_1547, %gather3A_1548] : memref<2x8x32x128xf32, #tpu.memory_space<vmem>> -> memref<1x8x32x128xf32, #tpu.memory_space<vmem>>
      %gather3A_1550 = tpu.memref_squeeze %gather3A_1549 : memref<1x8x32x128xf32, #tpu.memory_space<vmem>> -> memref<8x32x128xf32, #tpu.memory_space<vmem>>
      %gather3A_1551 = tpu.vector_load_idx %gather3A_1550[%iota3A, %broadcast_in_dim3A_1544, %and3A_1301] masked %lt3A_1304 : memref<8x32x128xf32, #tpu.memory_space<vmem>>[vector<16xi32>, vector<16xi32>, vector<16xi32>], vector<16xf32>, vector<16xi1>
      tpu.vector_store_idx %arg10[%broadcast_in_dim3A_1544, %add3A_1308], %gather3A_1551 masked %lt3A_1304 : memref<32x512xf32, #tpu.memory_space<vmem>>[vector<16xi32>, vector<16xi32>], vector<16xf32>, vector<16xi1>
      %broadcast_in_dim3A_1552 = arith.constant 27 : i32
      %broadcast_in_dim3A_1553 = vector.broadcast %broadcast_in_dim3A_1552 : i32 to vector<16xi32>
      %gather3A_1554 = arith.constant 1 : i32
      %gather3A_1555 = arith.constant 0 : i32
      %gather3A_1556 = arith.constant 0 : i32
      %gather3A_1557 = arith.constant 0 : i32
      %gather3A_1558 = tpu.memref_slice %arg9[%gather3A_1554, %gather3A_1555, %gather3A_1556, %gather3A_1557] : memref<2x8x32x128xf32, #tpu.memory_space<vmem>> -> memref<1x8x32x128xf32, #tpu.memory_space<vmem>>
      %gather3A_1559 = tpu.memref_squeeze %gather3A_1558 : memref<1x8x32x128xf32, #tpu.memory_space<vmem>> -> memref<8x32x128xf32, #tpu.memory_space<vmem>>
      %gather3A_1560 = tpu.vector_load_idx %gather3A_1559[%iota3A, %broadcast_in_dim3A_1553, %and3A_1301] masked %lt3A_1304 : memref<8x32x128xf32, #tpu.memory_space<vmem>>[vector<16xi32>, vector<16xi32>, vector<16xi32>], vector<16xf32>, vector<16xi1>
      tpu.vector_store_idx %arg10[%broadcast_in_dim3A_1553, %add3A_1308], %gather3A_1560 masked %lt3A_1304 : memref<32x512xf32, #tpu.memory_space<vmem>>[vector<16xi32>, vector<16xi32>], vector<16xf32>, vector<16xi1>
      %broadcast_in_dim3A_1561 = arith.constant 28 : i32
      %broadcast_in_dim3A_1562 = vector.broadcast %broadcast_in_dim3A_1561 : i32 to vector<16xi32>
      %gather3A_1563 = arith.constant 1 : i32
      %gather3A_1564 = arith.constant 0 : i32
      %gather3A_1565 = arith.constant 0 : i32
      %gather3A_1566 = arith.constant 0 : i32
      %gather3A_1567 = tpu.memref_slice %arg9[%gather3A_1563, %gather3A_1564, %gather3A_1565, %gather3A_1566] : memref<2x8x32x128xf32, #tpu.memory_space<vmem>> -> memref<1x8x32x128xf32, #tpu.memory_space<vmem>>
      %gather3A_1568 = tpu.memref_squeeze %gather3A_1567 : memref<1x8x32x128xf32, #tpu.memory_space<vmem>> -> memref<8x32x128xf32, #tpu.memory_space<vmem>>
      %gather3A_1569 = tpu.vector_load_idx %gather3A_1568[%iota3A, %broadcast_in_dim3A_1562, %and3A_1301] masked %lt3A_1304 : memref<8x32x128xf32, #tpu.memory_space<vmem>>[vector<16xi32>, vector<16xi32>, vector<16xi32>], vector<16xf32>, vector<16xi1>
      tpu.vector_store_idx %arg10[%broadcast_in_dim3A_1562, %add3A_1308], %gather3A_1569 masked %lt3A_1304 : memref<32x512xf32, #tpu.memory_space<vmem>>[vector<16xi32>, vector<16xi32>], vector<16xf32>, vector<16xi1>
      %broadcast_in_dim3A_1570 = arith.constant 29 : i32
      %broadcast_in_dim3A_1571 = vector.broadcast %broadcast_in_dim3A_1570 : i32 to vector<16xi32>
      %gather3A_1572 = arith.constant 1 : i32
      %gather3A_1573 = arith.constant 0 : i32
      %gather3A_1574 = arith.constant 0 : i32
      %gather3A_1575 = arith.constant 0 : i32
      %gather3A_1576 = tpu.memref_slice %arg9[%gather3A_1572, %gather3A_1573, %gather3A_1574, %gather3A_1575] : memref<2x8x32x128xf32, #tpu.memory_space<vmem>> -> memref<1x8x32x128xf32, #tpu.memory_space<vmem>>
      %gather3A_1577 = tpu.memref_squeeze %gather3A_1576 : memref<1x8x32x128xf32, #tpu.memory_space<vmem>> -> memref<8x32x128xf32, #tpu.memory_space<vmem>>
      %gather3A_1578 = tpu.vector_load_idx %gather3A_1577[%iota3A, %broadcast_in_dim3A_1571, %and3A_1301] masked %lt3A_1304 : memref<8x32x128xf32, #tpu.memory_space<vmem>>[vector<16xi32>, vector<16xi32>, vector<16xi32>], vector<16xf32>, vector<16xi1>
      tpu.vector_store_idx %arg10[%broadcast_in_dim3A_1571, %add3A_1308], %gather3A_1578 masked %lt3A_1304 : memref<32x512xf32, #tpu.memory_space<vmem>>[vector<16xi32>, vector<16xi32>], vector<16xf32>, vector<16xi1>
      %broadcast_in_dim3A_1579 = arith.constant 30 : i32
      %broadcast_in_dim3A_1580 = vector.broadcast %broadcast_in_dim3A_1579 : i32 to vector<16xi32>
      %gather3A_1581 = arith.constant 1 : i32
      %gather3A_1582 = arith.constant 0 : i32
      %gather3A_1583 = arith.constant 0 : i32
      %gather3A_1584 = arith.constant 0 : i32
      %gather3A_1585 = tpu.memref_slice %arg9[%gather3A_1581, %gather3A_1582, %gather3A_1583, %gather3A_1584] : memref<2x8x32x128xf32, #tpu.memory_space<vmem>> -> memref<1x8x32x128xf32, #tpu.memory_space<vmem>>
      %gather3A_1586 = tpu.memref_squeeze %gather3A_1585 : memref<1x8x32x128xf32, #tpu.memory_space<vmem>> -> memref<8x32x128xf32, #tpu.memory_space<vmem>>
      %gather3A_1587 = tpu.vector_load_idx %gather3A_1586[%iota3A, %broadcast_in_dim3A_1580, %and3A_1301] masked %lt3A_1304 : memref<8x32x128xf32, #tpu.memory_space<vmem>>[vector<16xi32>, vector<16xi32>, vector<16xi32>], vector<16xf32>, vector<16xi1>
      tpu.vector_store_idx %arg10[%broadcast_in_dim3A_1580, %add3A_1308], %gather3A_1587 masked %lt3A_1304 : memref<32x512xf32, #tpu.memory_space<vmem>>[vector<16xi32>, vector<16xi32>], vector<16xf32>, vector<16xi1>
      %broadcast_in_dim3A_1588 = arith.constant 31 : i32
      %broadcast_in_dim3A_1589 = vector.broadcast %broadcast_in_dim3A_1588 : i32 to vector<16xi32>
      %gather3A_1590 = arith.constant 1 : i32
      %gather3A_1591 = arith.constant 0 : i32
      %gather3A_1592 = arith.constant 0 : i32
      %gather3A_1593 = arith.constant 0 : i32
      %gather3A_1594 = tpu.memref_slice %arg9[%gather3A_1590, %gather3A_1591, %gather3A_1592, %gather3A_1593] : memref<2x8x32x128xf32, #tpu.memory_space<vmem>> -> memref<1x8x32x128xf32, #tpu.memory_space<vmem>>
      %gather3A_1595 = tpu.memref_squeeze %gather3A_1594 : memref<1x8x32x128xf32, #tpu.memory_space<vmem>> -> memref<8x32x128xf32, #tpu.memory_space<vmem>>
      %gather3A_1596 = tpu.vector_load_idx %gather3A_1595[%iota3A, %broadcast_in_dim3A_1589, %and3A_1301] masked %lt3A_1304 : memref<8x32x128xf32, #tpu.memory_space<vmem>>[vector<16xi32>, vector<16xi32>, vector<16xi32>], vector<16xf32>, vector<16xi1>
      tpu.vector_store_idx %arg10[%broadcast_in_dim3A_1589, %add3A_1308], %gather3A_1596 masked %lt3A_1304 : memref<32x512xf32, #tpu.memory_space<vmem>>[vector<16xi32>, vector<16xi32>], vector<16xf32>, vector<16xi1>
    }
    %scan3A_482 = arith.constant 32 : i32
    "tpu.region"() ({
      %run_scoped3A = tpu.sem_alloc : memref<!tpu.dma_semaphore, #tpu.memory_space<semaphore_mem>>
      %dma_start3A_483 = arith.constant 0 : i32
      %dma_start3A_484 = tpu.memref_slice %arg7[%dma_start3A_483, %mul3A_2] : memref<32x16384xf32, #tpu.memory_space<hbm>> -> memref<32x512xf32, #tpu.memory_space<hbm>>
      %dma_start3A_485 = arith.constant 0 : i32
      %dma_start3A_486 = tpu.memref_slice %arg7[%dma_start3A_485, %mul3A_2] : memref<32x16384xf32, #tpu.memory_space<hbm>> -> memref<32x512xf32, #tpu.memory_space<hbm>>
      tpu.enqueue_dma source(%arg10 : memref<32x512xf32, #tpu.memory_space<vmem>>) target(%dma_start3A_486 : memref<32x512xf32, #tpu.memory_space<hbm>>) target_semaphore(%run_scoped3A : memref<!tpu.dma_semaphore, #tpu.memory_space<semaphore_mem>>)
      %dma_wait3A = arith.constant 0 : i32
      %dma_wait3A_487 = tpu.memref_slice %arg7[%dma_wait3A, %mul3A_2] : memref<32x16384xf32, #tpu.memory_space<hbm>> -> memref<32x512xf32, #tpu.memory_space<hbm>>
      %dma_wait3A_488 = arith.constant 0 : i32
      %dma_wait3A_489 = tpu.memref_slice %arg7[%dma_wait3A_488, %mul3A_2] : memref<32x16384xf32, #tpu.memory_space<hbm>> -> memref<32x512xf32, #tpu.memory_space<hbm>>
      tpu.wait_dma2 semaphore(%run_scoped3A : memref<!tpu.dma_semaphore, #tpu.memory_space<semaphore_mem>>) src(%arg10 : memref<32x512xf32, #tpu.memory_space<vmem>>) dst(%dma_wait3A_489 : memref<32x512xf32, #tpu.memory_space<hbm>>)
      tpu.yield
    }) : () -> ()
    return
  }
}

module attributes {stable_mosaic.version = 14 : i64} {
  func.func @_mlp_body(%arg0: i32, %arg1: memref<32x16384xf32, #tpu.memory_space<vmem>>, %arg2: memref<32x16384xf32, #tpu.memory_space<vmem>>, %arg3: memref<1x16384xf32, #tpu.memory_space<vmem>>, %arg4: memref<128x64xf32, #tpu.memory_space<vmem>>, %arg5: memref<128x2xf32, #tpu.memory_space<vmem>>, %arg6: memref<1x128xf32, #tpu.memory_space<vmem>>, %arg7: memref<1x1xf32, #tpu.memory_space<vmem>>, %arg8: memref<1x16384xf32, #tpu.memory_space<vmem>>) attributes {dimension_semantics = [#tpu.dimension_semantics<arbitrary>], iteration_bounds = array<i64: 1>, scalar_prefetch = 0 : i64, scratch_operands = 0 : i64, tpu.core_type = #tpu.core_type<tc>, window_params = [{transform_indices = @transform_0, window_bounds = array<i64: 32, 16384>}, {transform_indices = @transform_1, window_bounds = array<i64: 32, 16384>}, {transform_indices = @transform_2, window_bounds = array<i64: 1, 16384>}, {pipeline_mode = #tpu.pipeline_mode<synchronous>, transform_indices = @transform_3, window_bounds = array<i64: 128, 64>}, {pipeline_mode = #tpu.pipeline_mode<synchronous>, transform_indices = @transform_4, window_bounds = array<i64: 128, 2>}, {pipeline_mode = #tpu.pipeline_mode<synchronous>, transform_indices = @transform_5, window_bounds = array<i64: 1, 128>}, {pipeline_mode = #tpu.pipeline_mode<synchronous>, transform_indices = @transform_6, window_bounds = array<i64: 1, 1>}, {transform_indices = @transform_7, window_bounds = array<i64: 1, 16384>}]} {
    %get3A = arith.constant 0 : index
    %get3A_0 = arith.constant 0 : index
    %get3A_1 = vector.load %arg1[%get3A, %get3A_0] : memref<32x16384xf32, #tpu.memory_space<vmem>>, vector<32x16384xf32>
    %get3A_2 = arith.constant 0 : index
    %get3A_3 = arith.constant 0 : index
    %get3A_4 = vector.load %arg2[%get3A_2, %get3A_3] : memref<32x16384xf32, #tpu.memory_space<vmem>>, vector<32x16384xf32>
    %concatenate3A = tpu.concatenate %get3A_1, %get3A_4 in 0 : vector<32x16384xf32>, vector<32x16384xf32> -> vector<64x16384xf32>
    %get3A_5 = arith.constant 0 : index
    %get3A_6 = arith.constant 0 : index
    %get3A_7 = vector.load %arg3[%get3A_5, %get3A_6] : memref<1x16384xf32, #tpu.memory_space<vmem>>, vector<1x16384xf32>
    %broadcast_in_dim3A = arith.constant 1.000000e+00 : f32
    %broadcast_in_dim3A_8 = vector.broadcast %broadcast_in_dim3A : f32 to vector<1x16384xf32>
    %concatenate3A_9 = tpu.concatenate %get3A_7, %broadcast_in_dim3A_8 in 0 : vector<1x16384xf32>, vector<1x16384xf32> -> vector<2x16384xf32>
    %get3A_10 = arith.constant 0 : index
    %get3A_11 = arith.constant 0 : index
    %get3A_12 = vector.load %arg4[%get3A_10, %get3A_11] : memref<128x64xf32, #tpu.memory_space<vmem>>, vector<128x64xf32>
    %dot_general3A = arith.constant dense<0.000000e+00> : vector<128x16384xf32>
    %dot_general3A_13 = tpu.matmul %get3A_12, %concatenate3A, %dot_general3A {dimension_numbers = #tpu.dot_dimension_numbers<[1], [0], [0], [1], [0, 0, 1, 1], [], []>, transpose_lhs_hint = false} : vector<128x64xf32>, vector<64x16384xf32>, vector<128x16384xf32> -> vector<128x16384xf32>
    %get3A_14 = arith.constant 0 : index
    %get3A_15 = arith.constant 0 : index
    %get3A_16 = vector.load %arg5[%get3A_14, %get3A_15] : memref<128x2xf32, #tpu.memory_space<vmem>>, vector<128x2xf32>
    %dot_general3A_17 = arith.constant dense<0.000000e+00> : vector<128x16384xf32>
    %dot_general3A_18 = tpu.matmul %get3A_16, %concatenate3A_9, %dot_general3A_17 {dimension_numbers = #tpu.dot_dimension_numbers<[1], [0], [0], [1], [0, 0, 1, 1], [], []>, transpose_lhs_hint = false} : vector<128x2xf32>, vector<2x16384xf32>, vector<128x16384xf32> -> vector<128x16384xf32>
    %add3A = arith.addf %dot_general3A_13, %dot_general3A_18 : vector<128x16384xf32>
    %max3A = arith.constant 0.000000e+00 : f32
    %max3A_19 = vector.broadcast %max3A : f32 to vector<128x16384xf32>
    %max3A_20 = arith.maximumf %add3A, %max3A_19 : vector<128x16384xf32>
    %get3A_21 = arith.constant 0 : index
    %get3A_22 = arith.constant 0 : index
    %get3A_23 = vector.load %arg6[%get3A_21, %get3A_22] : memref<1x128xf32, #tpu.memory_space<vmem>>, vector<1x128xf32>
    %dot_general3A_24 = arith.constant dense<0.000000e+00> : vector<1x16384xf32>
    %dot_general3A_25 = tpu.matmul %get3A_23, %max3A_20, %dot_general3A_24 {dimension_numbers = #tpu.dot_dimension_numbers<[1], [0], [0], [1], [0, 0, 1, 1], [], []>, transpose_lhs_hint = false} : vector<1x128xf32>, vector<128x16384xf32>, vector<1x16384xf32> -> vector<1x16384xf32>
    %get3A_26 = arith.constant 0 : index
    %get3A_27 = arith.constant 0 : index
    %get3A_28 = vector.load %arg7[%get3A_26, %get3A_27] : memref<1x1xf32, #tpu.memory_space<vmem>>, vector<1x1xf32>
    %get3A_29 = vector.extract %get3A_28[0, 0] : f32 from vector<1x1xf32>
    %add3A_30 = vector.broadcast %get3A_29 : f32 to vector<1x16384xf32>
    %add3A_31 = arith.addf %dot_general3A_25, %add3A_30 : vector<1x16384xf32>
    %swap3A = arith.constant 0 : index
    %swap3A_32 = arith.constant 0 : index
    %swap3A_33 = vector.load %arg8[%swap3A, %swap3A_32] : memref<1x16384xf32, #tpu.memory_space<vmem>>, vector<1x16384xf32>
    tpu.vector_store %arg8[%swap3A, %swap3A_32], %add3A_31 {strides = array<i32>} : memref<1x16384xf32, #tpu.memory_space<vmem>>, vector<1x16384xf32>,
    return
  }
  func.func @transform_0(%arg0: i32) -> (i32, i32) {
    %c0_i32 = arith.constant 0 : i32
    %c0_i32_0 = arith.constant 0 : i32
    return %c0_i32, %arg0 : i32, i32
  }
  func.func @transform_1(%arg0: i32) -> (i32, i32) {
    %c0_i32 = arith.constant 0 : i32
    %c0_i32_0 = arith.constant 0 : i32
    return %c0_i32, %arg0 : i32, i32
  }
  func.func @transform_2(%arg0: i32) -> (i32, i32) {
    %c0_i32 = arith.constant 0 : i32
    %c0_i32_0 = arith.constant 0 : i32
    return %c0_i32, %arg0 : i32, i32
  }
  func.func @transform_3(%arg0: i32) -> (i32, i32) {
    %c0_i32 = arith.constant 0 : i32
    %c0_i32_0 = arith.constant 0 : i32
    %c0_i32_1 = arith.constant 0 : i32
    return %c0_i32, %c0_i32_0 : i32, i32
  }
  func.func @transform_4(%arg0: i32) -> (i32, i32) {
    %c0_i32 = arith.constant 0 : i32
    %c0_i32_0 = arith.constant 0 : i32
    %c0_i32_1 = arith.constant 0 : i32
    return %c0_i32, %c0_i32_0 : i32, i32
  }
  func.func @transform_5(%arg0: i32) -> (i32, i32) {
    %c0_i32 = arith.constant 0 : i32
    %c0_i32_0 = arith.constant 0 : i32
    %c0_i32_1 = arith.constant 0 : i32
    return %c0_i32, %c0_i32_0 : i32, i32
  }
  func.func @transform_6(%arg0: i32) -> (i32, i32) {
    %c0_i32 = arith.constant 0 : i32
    %c0_i32_0 = arith.constant 0 : i32
    %c0_i32_1 = arith.constant 0 : i32
    return %c0_i32, %c0_i32_0 : i32, i32
  }
  func.func @transform_7(%arg0: i32) -> (i32, i32) {
    %c0_i32 = arith.constant 0 : i32
    %c0_i32_0 = arith.constant 0 : i32
    return %c0_i32, %arg0 : i32, i32
  }
}

</mosaic_0001>

<sc_bundles>
// kernel: kernel.4.cloned.1.call-start
scs
__scs_entry_jumppad:
0x0: {  	(pc) =	sbr.rel $0x88, $3  }
0x1: {  	(tag) =	ssettag $0x0;
	lr =	simm.s32 $0x1  }
0x2: {  	[smem:$0x3F98] =	sst lr;
	_ =	strace $0xD0000000  }
0x3: {  	_ = 	snop  }
0x4: {  	_ = 	snop  }
0x5: {  	_ = 	snop  }
0x6: {  	_ = 	snop  }
0x7: {  	_ = 	snop  }
__scs_overlays_trampoline_lowered:
0x8: {  	[smem:$0x3FA7] =	sst s0  }
0x9: {  	[smem:$0x3FA8] =	sst s1  }
0xa: {  	[smem:$0x3FA9] =	sst s2  }
0xb: {  	[smem:$0x3FAA] =	sst s3  }
0xc: {  	[smem:$0x3FAB] =	sst s4  }
0xd: {  	[smem:$0x3FAC] =	sst s5  }
0xe: {  	[smem:$0x3FAD] =	sst s6  }
0xf: {  	[smem:$0x3FAE] =	sst s7  }
0x10: {  	[smem:$0x3FAF] =	sst s8  }
0x11: {  	[smem:$0x3FB0] =	sst s9;
	s0 =	simm.s32 @!p0 $0x0  }
0x12: {  	s1 =	sld [smem:$0x3F96];
	s0 =	simm.s32 @p0 $0x1  }
0x13: {  	[smem:$0x3FB1] =	sst s0;
	s0 =	simm.s32 @!p1 $0x0  }
0x14: {  	s2 =	sld [smem:$0x3F95];
	s0 =	simm.s32 @p1 $0x1  }
0x15: {  	[smem:$0x3FB2] =	sst s0;
	s0 =	simm.s32 @!p2 $0x0  }
0x16: {  	s3 =	sld [smem:$0x3FDB];
	s0 =	simm.s32 @p2 $0x1  }
0x17: {  	s4 =	simm.s32 $0x1BF5;
	[smem:$0x3FB4] =	sst s0  }
0x18: {  	s0 =	sld [smem:$0x3F97];
	_ =	swait.ge [sflag:s4], $0x0  }
0x19: {  	s7 =	sld [smem:$0x3F98]  }
0x1a: {  	s8 =	sadd.s32 $0xFFFFE003, lr  }
0x1b: {  	s9 =	sadd.s32 $0xFFFFFEF7, lr;
	s5 =	simm.s32 $0xFFFFFFFF;
	p2 =	slt.u32 s8, $0xFFFFF086  }
0x1c: {  	p1 =	slt.u32 s9, $0xF7A;
	s5 =	simm.s32 @!p2 $0x0  }
0x1d: {  	s5 =	simm.s32 @p1 $0x1;
	p0 =	seq.s32 s7, s2  }
0x1e: {  	s7 =	smul.u32 @!p0 $0xF7A, s2;
	p2 =	seq.s32 @!p0 s5, $0x0  }
0x1f: {  	s9 =	smul.u32 $0xF7A, s1;
	s8 =	simm.s32 @!p0 $0x1BF5;
	p2 =	por !p2, p0  }
0x20: {  	[sflag:s8] =	ssyncset.s32 @!p0 $0xFFFFF086;
	s6 =	sadd.s32 @!p0 s3, s7;
	s7 =	simm.s32 @!p0 $0x108  }
0x21: {  	s3 =	sadd.s32 s3, s9;
	s6 =	sadd.s32 @!p0 $0x88, s6;
	s7 =	simm.s32 @p2 $0x1082  }
0x22: {  	[simem:s7], [sflag:s8] =	dma.local @!p0 [hbm:s6], $0xF7A  }
0x23: {  	s9 =	sor.u32 $0xD0000000, s2;
	s6 =	simm.s32 $0x108;
	_ =	swait.ge @!p0 [sflag:s8], $0x0  }
0x24: {  	s3 =	sadd.s32 $0x88, s3;
	s6 =	simm.s32 @!p1 $0x1082;
	[sflag:s4] =	ssyncset.s32 $0xFFFFF086  }
0x25: {  	[simem:s6], [sflag:s4] =	dma.local [hbm:s3], $0xF7A  }
0x26: {  	[smem:$0x3F98] =	sst s1;
	(tag) =	ssettag s2;
	_ =	strace s9  }
0x27: {  	s1 =	sld [smem:$0x3FA8]  }
0x28: {  	s2 =	sld [smem:$0x3FA9]  }
0x29: {  	s4 =	sld [smem:$0x3FAB]  }
0x2a: {  	p0 =	seq.s32 s5, $0x0;
	s5 =	sld [smem:$0x3FAC]  }
0x2b: {  	s6 =	sld [smem:$0x3FAD]  }
0x2c: {  	s7 =	sld [smem:$0x3FAE]  }
0x2d: {  	s3 =	simm.s32 $0x108;
	s8 =	sld [smem:$0x3FAF]  }
0x2e: {  	s3 =	simm.s32 @!p0 $0x1082;
	s9 =	sld [smem:$0x3FB0]  }
0x2f: {  	lr =	sadd.s32 s0, s3;
	s0 =	sld [smem:$0x3FA7]  }
0x30: {  	s3 =	sld [smem:$0x3FAA]  }
0x31: {  	[smem:$0x3FB3] =	sst s10  }
0x32: {  	s10 =	sld [smem:$0x3FB1];
	_ =	sdelay $0x3  }
0x33: {  	p0 =	seq.s32 s10, $0x1;
	s10 =	sld [smem:$0x3FB3];
	_ =	sdelay $0x3  }
0x34: {  	[smem:$0x3FB3] =	sst s10  }
0x35: {  	s10 =	sld [smem:$0x3FB2];
	_ =	sdelay $0x3  }
0x36: {  	p1 =	seq.s32 s10, $0x1;
	s10 =	sld [smem:$0x3FB3];
	_ =	sdelay $0x3  }
0x37: {  	[smem:$0x3FB3] =	sst s10  }
0x38: {  	s10 =	sld [smem:$0x3FB4]  }
0x39: {  	_ = 	snop;
	(pc) =	sbr.ind lr, $3  }
0x3a: {  	_ = 	snop  }
0x3b: {  	_ = 	snop  }
0x3c: {  	p2 =	seq.s32 s10, $0x1;
	s10 =	sld [smem:$0x3FB3]  }
0x3d: {  	_ =	shalt  }
0x3e: {  	_ =	shalt  }
0x3f: {  	_ =	shalt  }
0x40: {  	_ =	shalt  }
0x41: {  	_ =	shalt  }
0x42: {  	_ =	shalt  }
0x43: {  	_ =	shalt  }
0x44: {  	_ =	shalt  }
0x45: {  	_ =	shalt  }
0x46: {  	_ =	shalt  }
0x47: {  	_ =	shalt  }
0x48: {  	_ =	shalt  }
0x49: {  	_ =	shalt  }
0x4a: {  	_ =	shalt  }
0x4b: {  	_ =	shalt  }
0x4c: {  	_ =	shalt  }
0x4d: {  	_ =	shalt  }
0x4e: {  	_ =	shalt  }
0x4f: {  	_ =	shalt  }
0x50: {  	_ =	shalt  }
0x51: {  	_ =	shalt  }
0x52: {  	_ =	shalt  }
0x53: {  	_ =	shalt  }
0x54: {  	_ =	shalt  }
0x55: {  	_ =	shalt  }
0x56: {  	_ =	shalt  }
0x57: {  	_ =	shalt  }
0x58: {  	_ =	shalt  }
0x59: {  	_ =	shalt  }
0x5a: {  	_ =	shalt  }
0x5b: {  	_ =	shalt  }
0x5c: {  	_ =	shalt  }
0x5d: {  	_ =	shalt  }
0x5e: {  	_ =	shalt  }
0x5f: {  	_ =	shalt  }
0x60: {  	_ =	shalt  }
0x61: {  	_ =	shalt  }
0x62: {  	_ =	shalt  }
0x63: {  	_ =	shalt  }
0x64: {  	_ =	shalt  }
0x65: {  	_ =	shalt  }
0x66: {  	_ =	shalt  }
0x67: {  	_ =	shalt  }
0x68: {  	_ =	shalt  }
0x69: {  	_ =	shalt  }
0x6a: {  	_ =	shalt  }
0x6b: {  	_ =	shalt  }
0x6c: {  	_ =	shalt  }
0x6d: {  	_ =	shalt  }
0x6e: {  	_ =	shalt  }
0x6f: {  	_ =	shalt  }
0x70: {  	_ =	shalt  }
0x71: {  	_ =	shalt  }
0x72: {  	_ =	shalt  }
0x73: {  	_ =	shalt  }
0x74: {  	_ =	shalt  }
0x75: {  	_ =	shalt  }
0x76: {  	_ =	shalt  }
0x77: {  	_ =	shalt  }
0x78: {  	_ =	shalt  }
0x79: {  	_ =	shalt  }
0x7a: {  	_ =	shalt  }
0x7b: {  	_ =	shalt  }
0x7c: {  	_ =	shalt  }
0x7d: {  	_ =	shalt  }
0x7e: {  	_ =	shalt  }
0x7f: {  	_ =	shalt  }
0x80: {  	_ =	shalt  }
0x81: {  	_ =	shalt  }
0x82: {  	_ =	shalt  }
0x83: {  	_ =	shalt  }
0x84: {  	_ =	shalt  }
0x85: {  	_ =	shalt  }
0x86: {  	_ =	shalt  }
0x87: {  	_ =	shalt  }
.Lfunc_end0:
.L_simem_size_0:
called_computation_lowered:
.L_overlay_start_0:
0x88: {  	s2 =	sld [smem:$0x3FD9]  }
0x89: {  	s3 =	sld [smem:$0x3FFE];
	_ =	sdelay $0x1  }
0x8a: {  	s1 =	srdreg.scid  }
0x8b: {  	s0 =	sand.u32 $0x1, s1  }
0x8c: {  	s17 =	sshll.u32 s0, $0xA;
	s2 =	sadd.s32 s3, s2  }
0x8d: {  	s2 =	sadd.s32 s2, s17  }
0x8e: {  	[smem:$0x3FBF] =	sst s2  }
0x8f: {  	_ = 	snop  }
0x90: {  	s2 =	sld [smem:$0x3FC9]  }
0x91: {  	s18 =	sld [smem:$0x3FC8]  }
0x92: {  	s4 =	sld [smem:$0x3FC6]  }
0x93: {  	s5 =	sld [smem:$0x3FC5];
	(tm) =	ssettm $0x1  }
0x94: {  	s6 =	sld [smem:$0x3FFB];
	_ =	sdelay $0x3  }
0x95: {  	_ =	strace s6  }
0x96: {  	s6 =	sld [smem:$0x3FFC];
	_ =	sdelay $0x3  }
0x97: {  	_ =	strace s6  }
0x98: {  	s6 =	sld [smem:$0x3FFD];
	_ =	sdelay $0x3  }
0x99: {  	_ =	strace s6  }
0x9a: {  	_ =	strace $0x8FFFFFFF  }
0x9b: {  	s19 =	sld [smem:$0x3FDB];
	_ =	sdelay $0x1  }
0x9c: {  	s7 =	simm.s32 $_scs_section_size  }
0x9d: {  	s8 =	simm.s32 $_size__tile_overlayer_lowered;
	s9 =	simm.s32 $_tile_overlayer_lowered  }
0x9e: {  	s22 =	simm.s32 $0x1BFF;
	s21 =	sshll.u32 s9, $0x1;
	s6 =	sadd.s32 s7, s19  }
0x9f: {  	s10 =	simm.s32 $0x0;
	s20 =	sshll.u32 s8, $0x1;
	s8 =	sadd.s32 s21, s6  }
0xa0: {  	[timem:s10], [sflag:s22] =	dma.local [hbm:s8], s20  }
0xa1: {  	_ =	swait.ge [sflag:s22], s20  }
0xa2: {  	s7 =	ssub.s32 $0x0, s20;
	[sflag:s22] =	ssyncset.done $0x0  }
0xa3: {  	[sflag:s22] =	ssyncadd.s32 s7;
	_ =	sdelay $0x1  }
0xa4: {  	s23 =	simm.s32 $0x1B8B  }
0xa5: {  	_ =	swait.ge [sflag:s23], $0x1  }
0xa6: {  	[sflag:s23] =	ssyncset.done $0x0  }
0xa7: {  	s25 =	simm.s32 $0x1B8E;
	s24 =	sld [smem:$0x3FFE];
	[sflag:s23] =	ssyncadd.s32 $0xFFFFFFFF  }
0xa8: {  	s26 =	simm.s32 $execute0_lowered;
	[smem:$0x3FD2] =	sst s25  }
0xa9: {  	s8 =	sshll.u32 s26, $0x1;
	_ =	strace $0x80000046;
	[dreg:$0x1] =	wrdreg $0xFFFFFFFF  }
0xaa: {  	s28 =	simm.s32 $_size_execute0_lowered;
	s6 =	sadd.s32 s6, s8;
	[dreg:$0x0] =	wrdreg $0x0  }
0xab: {  	s8 =	sshll.u32 s28, $0x1;
	[dreg:$0x2] =	wrdreg s6  }
0xac: {  	[dreg:$0x3] =	wrdreg s8  }
0xad: {  	[dreg:$0x4] =	wrdreg $0xC0  }
0xae: {  	_ =	task [dreg:s10], $0x5FFFF  }
0xaf: {  	[dreg:$0x1] =	wrdreg $0xFFFFFFFF  }
0xb0: {  	[dreg:$0x0] =	wrdreg $0x60  }
0xb1: {  	[dreg:$0x2] =	wrdreg s2  }
0xb2: {  	[dreg:$0x3] =	wrdreg s18  }
0xb3: {  	[dreg:$0x4] =	wrdreg s4  }
0xb4: {  	[dreg:$0x5] =	wrdreg s5  }
0xb5: {  	[dreg:$0x6] =	wrdreg s24  }
0xb6: {  	[dreg:$0x7] =	wrdreg $0x9  }
0xb7: {  	_ =	task.clear_ibuf [dreg:s10], $0x8FFFF;
	_ =	strace $0x90000046  }
0xb8: {  	s29 =	simm.s32 $0x9;
	_ =	strace $0x80000048  }
0xb9: {  	_ =	swait.ge [sflag:s29], $0x1  }
0xba: {  	[sflag:s29] =	ssyncadd.s32 $0xFFFFFFFF  }
0xbb: {  	_ =	strace $0x90000048  }
0xbc: {  	_ =	sfence  }
0xbd: {  	s30 =	sld [smem:$0x0];
	_ =	sdelay $0x2  }
0xbe: {  	s31 =	sshll.u32 s1, $0xD;
	s1 =	sshrl.u32 s1, $0x2  }
0xbf: {  	s3 =	sand.u32 $0x4000, s31;
	s1 =	sadd.s32 s1, s30  }
0xc0: {  	s0 =	sor.u32 s3, s0;
	s1 =	sshll.u32 s1, $0x11  }
0xc1: {  	s0 =	sor.u32 s1, s0  }
0xc2: {  	s0 =	sadd.s32 $0x8F2B, s0  }
0xc3: {  	[sflag:s0] =	ssyncadd.remote.s32 $0x1  }
0xc4: {  	_ =	sfence.sel $0xFFFF  }
0xc5: {  	[dreg:$0x0] =	wrdreg $0xFFFFFFFF;
	(pc) =	sbr.abs _section_cstart, $3  }
0xc6: {  	[dreg:$0x1] =	wrdreg $0xFFFFFFFF  }
0xc7: {  	_ =	task.clear_ibuf [dreg:s10], $0x2FFFF;
	_ =	strace $0x9FFFFFFF  }
0xc8: {  	(tm) =	ssettm $0x7FFFFFFF  }
0xc9: {  	_ =	shalt  }
tec
execute0_lowered:
.L_overlay_start_1:
0x0: {  	(tag) =	ssettag $0x1  }
0x1: {  	s0 =	rddreg [dreg:$0x0]  }
0x2: {  	s3 =	rddreg [dreg:$0x1]  }
0x3: {  	s1 =	rddreg [dreg:$0x2]  }
0x4: {  	s2 =	rddreg [dreg:$0x3]  }
0x5: {  	s4 =	rddreg [dreg:$0x4];
	s6 =	simm.s32 $0x0  }
0x6: {  	s5 =	srdreg.scid;
	s22 =	stileid.u32;
	s10 =	simm.s32 $0x3  }
0x7: {  	s11 =	simm.s32 $0x400;
	s12 =	simm.s32 $0x7A1400;
	s13 =	simm.s32 $0x280  }
0x8: {  	vm0 =	vmmov $0x1;
	v0 =	vlaneseq.u32;
	s14 =	simm.s32 $0x1280;
	s15 =	simm.s32 $0x2280;
	s16 =	simm.s32 $0x3280  }
0x9: {  	vm1 =	vcmask $0x308;
	vm2 =	vcmask $0x70C;
	s17 =	simm.s32 $0x4280;
	s18 =	simm.s32 $0x5280;
	s19 =	simm.s32 $0x6280;
	v1 =	vmul.u32 $0x1000, v0  }
0xa: {  	vm3 =	vcmask $0xB10;
	vm4 =	vcmask $0xF14;
	vm5 =	vcmask $0x1318;
	s20 =	simm.s32 $0x7280;
	s21 =	simm.s32 $0x8280;
	s28 =	simm.s32 $0xE280  }
0xb: {  	vm6 =	vcmask $0x171C;
	vm7 =	vcmask $0x1B20;
	s29 =	simm.s32 $0xF280;
	s30 =	simm.s32 $0x1;
	s31 =	simm.s32 $0x10280;
	v2 =	vor.u32 $0x80, v1  }
0xc: {  	[smem:$0x7FF] =	sst s6;
	s5 =	sand.u32 $0x1, s5;
	s6 =	sshll.u32 s22, $0xA;
	v3 =	vor.u32 $0x100, v1;
	v4 =	vor.u32 $0x180, v1;
	v5 =	vor.u32 $0x200, v1  }
0xd: {  	s22 =	simm.s32 $0x9280;
	s7 =	sshll.u32 s5, $0x9;
	s5 =	ssub.s32 $0x2, s5;
	v6 =	vor.u32 $0x280, v1;
	v7 =	vor.u32 $0x300, v1;
	v8 =	vor.u32 $0x380, v1  }
0xe: {  	_ =	strace $0x80000047;
	s6 =	sor.u32 s7, s6;
	s23 =	sshrl.u32 s5, $0x1;
	v9 =	vor.u32 $0x400, v1;
	v10 =	vor.u32 $0x480, v1;
	v11 =	vor.u32 $0x500, v1  }
0xf: {  	v12 =	vor.u32 $0x580, v1;
	v13 =	vor.u32 $0x600, v1;
	v14 =	vor.u32 $0x680, v1;
	s4 =	sadd.s32 s6, s4;
	s5 =	ssub.s32 s5, s23;
	s6 =	sshrl.u32 s6, $0x3  }
0x10: {  	v15 =	vor.u32 $0x700, v1;
	v16 =	vor.u32 $0x780, v1;
	v17 =	vor.u32 $0x800, v1;
	s23 =	simm.s32 $0xA280;
	s0 =	sadd.s32 s0, s6;
	s24 =	sadd.s32 $0x1A00, s4  }
.Ltmp0:
0x11: {  	v18 =	vor.u32 $0x880, v1;
	v19 =	vor.u32 $0x900, v1;
	v20 =	vor.u32 $0x980, v1;
	s25 =	sadd.s32 s3, s6;
	[dreg:$0x6] =	wrdreg s0;
	(pc) =	sbr.rel .LBB2_1-.Ltmp0, $4  }
0x12: {  	v21 =	vor.u32 $0xA00, v1;
	v22 =	vor.u32 $0xA80, v1;
	v23 =	vor.u32 $0xB00, v1;
	s26 =	sadd.s32 $0x11A00, s4;
	s9 =	smax.u32 s5, $0x1;
	[dreg:$0x7] =	wrdreg s24  }
0x13: {  	v24 =	vor.u32 $0xB80, v1;
	v25 =	vor.u32 $0xC00, v1;
	v26 =	vor.u32 $0xC80, v1;
	s3 =	simm.s32 $0x1000;
	s4 =	simm.s32 $0x20000;
	[dreg:$0x8] =	wrdreg s25  }
0x14: {  	v27 =	vor.u32 $0xD00, v1;
	v28 =	vor.u32 $0xD80, v1;
	v29 =	vor.u32 $0xE00, v1;
	s5 =	simm.s32 $0x0;
	[dreg:$0x9] =	wrdreg s26;
	s24 =	simm.s32 $0xB280  }
0x15: {  	v30 =	vor.u32 $0xE80, v1;
	v31 =	vor.u32 $0xF00, v1;
	v32 =	vor.u32 $0xF80, v1;
	s25 =	simm.s32 $0xC280;
	s26 =	simm.s32 $0xD280;
	s0 =	simm.s32 $0x2  }
.LBB2_9:
0x16: {  	s5 =	sadd.s32 $0x1, s5  }
0x17: {  	p0 =	sne.s32 s5, s9  }
.Ltmp1:
0x18: {  	s6 =	rddreg [dreg:$0x9];
	(pc) =	sbr.rel @!p0 .LBB2_10-.Ltmp1, $4  }
0x19: {  	[hbm4b:s6+s3] =	stream.strided.scatter [tilespmem:s31], [sflag:$0x3], $0x4000, s4, s3, $0x38;
	[tilespmem:$0x14280] =	vst v63  }
0x1a: {  	_ =	swait.ge [sflag:s10], $0x4000  }
0x1b: {  	[sflag:s10] =	ssyncset.done $0x0  }
0x1c: {  	[sflag:s10] =	ssyncadd.s32 $0xFFFFC000  }
.LBB2_1:
0x1d: {  	s6 =	simm.s32 $0x0;
	s7 =	rddreg [dreg:$0x6]  }
0x1e: {  	[tilespmem:s6], [sflag:$0x3] =	stream.linear.gather [hbm4b:s7+s6], $0x200, $0x38;
	[tilespmem:$0x14280] =	vst v63  }
0x1f: {  	_ =	swait.ge [sflag:s10], $0x200  }
0x20: {  	[sflag:s10] =	ssyncset.done $0x0  }
0x21: {  	[sflag:s10] =	ssyncadd.s32 $0xFFFFFE00  }
0x22: {  	v33 =	vld [tilespmem:$0x0];
	_ =	sdelay $0x4  }
0x23: {  	v33 =	vand.u32 $0xFFFFFF80, v33  }
0x24: {  	v34 =	vnsel vm0, $0x0, v33  }
0x25: {  	v49 =	vsel vm1, $0x0, v33;
	v34 =	vxor.u32 $0x80000000, v34  }
0x26: {  	(xrf0) =	vmax.scan.msk.u32 $0xffff, v34;
	v34 =	vxor.u32 $0x80000000, v49  }
0x27: {  	(xrf0) =	vmax.scan.msk.u32 $0xffff, v34;
	_ =	sdelay $0x2  }
0x28: {  	v35 =	vsel vm2, $0x0, v33  }
0x29: {  	v51 =	vxor.u32 $0x80000000, v35  }
0x2a: {  	v52 =	vsel vm3, $0x0, v33;
	v50, _, _ =	vpop (xrf0);
	(xrf0) =	vmax.scan.msk.u32 $0xffff, v51  }
0x2b: {  	v54 =	vsel vm4, $0x0, v33;
	v34 =	vxor.u32 $0x80000000, v52;
	(v2sf) =	vpush v50, $0xF;
	v53, _, _ =	vpop (xrf0)  }
0x2c: {  	(xrf0) =	vmax.scan.msk.u32 $0xffff, v34;
	v34 =	vxor.u32 $0x80000000, v54;
	(v2sf) =	vpush v53, $0xF  }
0x2d: {  	(xrf0) =	vmax.scan.msk.u32 $0xffff, v34;
	_ =	sdelay $0x2  }
0x2e: {  	v55, _, _ =	vpop (xrf0)  }
0x2f: {  	v56 =	vsel vm5, $0x0, v33;
	(v2sf) =	vpush v55, $0xF  }
0x30: {  	v59 =	vsel vm6, $0x0, v33;
	v57 =	vxor.u32 $0x80000000, v56;
	v58, _, _ =	vpop (xrf0)  }
0x31: {  	v34 =	vxor.u32 $0x80000000, v59;
	(xrf0) =	vmax.scan.msk.u32 $0xffff, v57;
	(v2sf) =	vpush v58, $0xF;
	v60, _, _ =	vpop (xrf0)  }
0x32: {  	(xrf0) =	vmax.scan.msk.u32 $0xffff, v34;
	(v2sf) =	vpush v60, $0xF;
	_ =	sdelay $0x2  }
0x33: {  	v33 =	vsel vm7, $0x0, v33  }
0x34: {  	v33 =	vxor.u32 $0x80000000, v33  }
0x35: {  	v61, _, _ =	vpop (xrf0);
	(xrf0) =	vmax.scan.msk.u32 $0xffff, v33  }
0x36: {  	v62, _, _ =	vpop (xrf0);
	s7 =	spop (v2sf);
	(v2sf) =	vpush v61, $0xF  }
0x37: {  	s8 =	spop (v2sf);
	(v2sf) =	vpush v62, $0xF  }
0x38: {  	s6 =	sand.u32 $0x1FFFFF80, s7  }
0x39: {  	s6 =	sadd.s32 s1, s6  }
0x3a: {  	[tilespmem:s13], [sflag:$0x1] =	stream.strided.gather [hbm4b:s6+s11], $0x1000, s12, s11, $0x38;
	[tilespmem:$0x14280] =	vst v63  }
0x3b: {  	v63, _, _ =	vpop (xrf0);
	s6 =	sand.u32 $0x1FFFFF80, s8  }
0x3c: {  	s6 =	sadd.s32 s1, s6;
	s7 =	spop (v2sf);
	(v2sf) =	vpush v63, $0xF  }
0x3d: {  	[tilespmem:s14], [sflag:$0x1] =	stream.strided.gather [hbm4b:s6+s11], $0x1000, s12, s11, $0x38;
	[tilespmem:$0x14280] =	vst v63  }
0x3e: {  	s6 =	sand.u32 $0x1FFFFF80, s7;
	s8 =	spop (v2sf)  }
0x3f: {  	s6 =	sadd.s32 s1, s6;
	s7 =	sand.u32 $0x1FFFFF80, s8;
	s8 =	spop (v2sf)  }
0x40: {  	[tilespmem:s15], [sflag:$0x1] =	stream.strided.gather [hbm4b:s6+s11], $0x1000, s12, s11, $0x38;
	[tilespmem:$0x14280] =	vst v63  }
0x41: {  	s6 =	sadd.s32 s1, s7;
	s7 =	sand.u32 $0x1FFFFF80, s8  }
0x42: {  	[tilespmem:s16], [sflag:$0x1] =	stream.strided.gather [hbm4b:s6+s11], $0x1000, s12, s11, $0x38;
	[tilespmem:$0x14280] =	vst v63  }
0x43: {  	s6 =	sadd.s32 s1, s7  }
0x44: {  	[tilespmem:s17], [sflag:$0x1] =	stream.strided.gather [hbm4b:s6+s11], $0x1000, s12, s11, $0x38;
	[tilespmem:$0x14280] =	vst v63  }
0x45: {  	s8 =	spop (v2sf)  }
0x46: {  	s7 =	sand.u32 $0x1FFFFF80, s8;
	s8 =	spop (v2sf)  }
0x47: {  	s6 =	sadd.s32 s1, s7;
	s7 =	sand.u32 $0x1FFFFF80, s8  }
0x48: {  	[tilespmem:s18], [sflag:$0x1] =	stream.strided.gather [hbm4b:s6+s11], $0x1000, s12, s11, $0x38;
	[tilespmem:$0x14280] =	vst v63  }
0x49: {  	s6 =	sadd.s32 s1, s7  }
0x4a: {  	[tilespmem:s19], [sflag:$0x1] =	stream.strided.gather [hbm4b:s6+s11], $0x1000, s12, s11, $0x38;
	[tilespmem:$0x14280] =	vst v63  }
.Ltmp2:
0x4b: {  	s8 =	spop (v2sf);
	(pc) =	sbr.rel .LBB2_2-.Ltmp2, $4  }
0x4c: {  	s6 =	sand.u32 $0x1FFFFF80, s8  }
0x4d: {  	s6 =	sadd.s32 s1, s6  }
0x4e: {  	[tilespmem:s20], [sflag:$0x1] =	stream.strided.gather [hbm4b:s6+s11], $0x1000, s12, s11, $0x38;
	[tilespmem:$0x14280] =	vst v63  }
0x4f: {  	s7 =	simm.s32 $0x0;
	s6 =	simm.s32 $0x8  }
.LBB2_4:
0x50: {  	_ =	swait.ge [sflag:s0], $0x1000  }
0x51: {  	[sflag:s0] =	ssyncset.done $0x0  }
0x52: {  	[sflag:s0] =	ssyncadd.s32 $0xFFFFF000  }
0x53: {  	_ =	swait.ge [sflag:s0], $0x1000  }
0x54: {  	[sflag:s0] =	ssyncset.done $0x0  }
0x55: {  	[sflag:s0] =	ssyncadd.s32 $0xFFFFF000  }
0x56: {  	_ =	swait.ge [sflag:s0], $0x1000  }
0x57: {  	[sflag:s0] =	ssyncset.done $0x0  }
0x58: {  	[sflag:s0] =	ssyncadd.s32 $0xFFFFF000  }
0x59: {  	_ =	swait.ge [sflag:s0], $0x1000  }
0x5a: {  	[sflag:s0] =	ssyncset.done $0x0  }
0x5b: {  	[sflag:s0] =	ssyncadd.s32 $0xFFFFF000  }
0x5c: {  	_ =	swait.ge [sflag:s0], $0x1000  }
0x5d: {  	[sflag:s0] =	ssyncset.done $0x0  }
0x5e: {  	[sflag:s0] =	ssyncadd.s32 $0xFFFFF000  }
0x5f: {  	_ =	swait.ge [sflag:s0], $0x1000  }
0x60: {  	[sflag:s0] =	ssyncset.done $0x0  }
0x61: {  	[sflag:s0] =	ssyncadd.s32 $0xFFFFF000  }
0x62: {  	_ =	swait.ge [sflag:s0], $0x1000  }
0x63: {  	[sflag:s0] =	ssyncset.done $0x0  }
0x64: {  	[sflag:s0] =	ssyncadd.s32 $0xFFFFF000  }
0x65: {  	_ =	swait.ge [sflag:s0], $0x1000  }
0x66: {  	[sflag:s0] =	ssyncset.done $0x0  }
0x67: {  	[sflag:s0] =	ssyncadd.s32 $0xFFFFF000  }
0x68: {  	v33 =	vld [tilespmem:s6+$0x0];
	_ =	sdelay $0x4  }
0x69: {  	v33 =	vand.u32 $0x7F, v33  }
0x6a: {  	v34 =	vor.u32 v1, v33  }
0x6b: {  	s8 =	sadd.s32 $0x8, s7  }
0x6c: {  	v35 =	vadd.s32 s8, v0  }
0x6d: {  	v36 =	vshll.u32 v35, $0x3  }
0x6e: {  	v35 =	vand.u32 $0x7F, v35;
	v36 =	vand.u32 $0x7FFFFC00, v36  }
0x6f: {  	v35 =	vor.u32 v35, v36;
	v34 =	vld.idx.msk [tilespmem:v34+s21+$0x0], $0xff  }
0x70: {  	v52 =	vor.u32 v2, v33;
	_ =	sdelay $0x3  }
0x71: {  	[tilespmem:v35+s31+$0x0] =	vst.idx.msk $0xff, v34  }
0x72: {  	v53 =	vor.u32 $0x80, v35;
	v34 =	vld.idx.msk [tilespmem:v52+s21+$0x0], $0xff  }
0x73: {  	v37 =	vor.u32 v3, v33;
	_ =	sdelay $0x3  }
0x74: {  	[tilespmem:v53+s31+$0x0] =	vst.idx.msk $0xff, v34  }
0x75: {  	v54 =	vor.u32 $0x100, v35;
	v34 =	vld.idx.msk [tilespmem:v37+s21+$0x0], $0xff  }
0x76: {  	v55 =	vor.u32 v4, v33;
	_ =	sdelay $0x3  }
0x77: {  	[tilespmem:v54+s31+$0x0] =	vst.idx.msk $0xff, v34  }
0x78: {  	v56 =	vor.u32 $0x180, v35;
	v34 =	vld.idx.msk [tilespmem:v55+s21+$0x0], $0xff  }
0x79: {  	v57 =	vor.u32 v5, v33;
	_ =	sdelay $0x3  }
0x7a: {  	[tilespmem:v56+s31+$0x0] =	vst.idx.msk $0xff, v34  }
0x7b: {  	v58 =	vor.u32 $0x200, v35;
	v34 =	vld.idx.msk [tilespmem:v57+s21+$0x0], $0xff  }
0x7c: {  	v59 =	vor.u32 v6, v33;
	_ =	sdelay $0x3  }
0x7d: {  	[tilespmem:v58+s31+$0x0] =	vst.idx.msk $0xff, v34  }
0x7e: {  	v60 =	vor.u32 $0x280, v35;
	v34 =	vld.idx.msk [tilespmem:v59+s21+$0x0], $0xff  }
0x7f: {  	v61 =	vor.u32 v7, v33;
	_ =	sdelay $0x3  }
0x80: {  	[tilespmem:v60+s31+$0x0] =	vst.idx.msk $0xff, v34  }
0x81: {  	v62 =	vor.u32 $0x300, v35;
	v34 =	vld.idx.msk [tilespmem:v61+s21+$0x0], $0xff  }
0x82: {  	v63 =	vor.u32 v8, v33;
	_ =	sdelay $0x3  }
0x83: {  	[tilespmem:v62+s31+$0x0] =	vst.idx.msk $0xff, v34  }
0x84: {  	v40 =	vor.u32 $0x380, v35;
	v34 =	vld.idx.msk [tilespmem:v63+s21+$0x0], $0xff  }
0x85: {  	v41 =	vor.u32 v9, v33;
	_ =	sdelay $0x3  }
0x86: {  	[tilespmem:v40+s31+$0x0] =	vst.idx.msk $0xff, v34  }
0x87: {  	v42 =	vadd.s32 $0x1000, v35;
	v34 =	vld.idx.msk [tilespmem:v41+s21+$0x0], $0xff  }
0x88: {  	v43 =	vor.u32 v10, v33;
	_ =	sdelay $0x3  }
0x89: {  	[tilespmem:v42+s31+$0x0] =	vst.idx.msk $0xff, v34  }
0x8a: {  	v44 =	vadd.s32 $0x1080, v35;
	v34 =	vld.idx.msk [tilespmem:v43+s21+$0x0], $0xff  }
0x8b: {  	v45 =	vor.u32 v11, v33;
	_ =	sdelay $0x3  }
0x8c: {  	[tilespmem:v44+s31+$0x0] =	vst.idx.msk $0xff, v34  }
0x8d: {  	v46 =	vadd.s32 $0x1100, v35;
	v34 =	vld.idx.msk [tilespmem:v45+s21+$0x0], $0xff  }
0x8e: {  	v47 =	vor.u32 v12, v33;
	_ =	sdelay $0x3  }
0x8f: {  	[tilespmem:v46+s31+$0x0] =	vst.idx.msk $0xff, v34  }
0x90: {  	v48 =	vadd.s32 $0x1180, v35;
	v34 =	vld.idx.msk [tilespmem:v47+s21+$0x0], $0xff  }
0x91: {  	v49 =	vor.u32 v13, v33;
	_ =	sdelay $0x3  }
0x92: {  	[tilespmem:v48+s31+$0x0] =	vst.idx.msk $0xff, v34  }
0x93: {  	v50 =	vadd.s32 $0x1200, v35;
	v34 =	vld.idx.msk [tilespmem:v49+s21+$0x0], $0xff  }
0x94: {  	v51 =	vor.u32 v14, v33;
	_ =	sdelay $0x3  }
0x95: {  	[tilespmem:v50+s31+$0x0] =	vst.idx.msk $0xff, v34  }
0x96: {  	v52 =	vadd.s32 $0x1280, v35;
	v34 =	vld.idx.msk [tilespmem:v51+s21+$0x0], $0xff  }
0x97: {  	v53 =	vor.u32 v15, v33;
	_ =	sdelay $0x3  }
0x98: {  	[tilespmem:v52+s31+$0x0] =	vst.idx.msk $0xff, v34  }
0x99: {  	v54 =	vadd.s32 $0x1300, v35;
	v34 =	vld.idx.msk [tilespmem:v53+s21+$0x0], $0xff  }
0x9a: {  	v55 =	vor.u32 v16, v33;
	_ =	sdelay $0x3  }
0x9b: {  	[tilespmem:v54+s31+$0x0] =	vst.idx.msk $0xff, v34  }
0x9c: {  	v56 =	vadd.s32 $0x1380, v35;
	v34 =	vld.idx.msk [tilespmem:v55+s21+$0x0], $0xff  }
0x9d: {  	v57 =	vor.u32 v17, v33;
	_ =	sdelay $0x3  }
0x9e: {  	[tilespmem:v56+s31+$0x0] =	vst.idx.msk $0xff, v34  }
0x9f: {  	v58 =	vadd.s32 $0x2000, v35;
	v34 =	vld.idx.msk [tilespmem:v57+s21+$0x0], $0xff  }
0xa0: {  	v59 =	vor.u32 v18, v33;
	_ =	sdelay $0x3  }
0xa1: {  	[tilespmem:v58+s31+$0x0] =	vst.idx.msk $0xff, v34  }
0xa2: {  	v60 =	vadd.s32 $0x2080, v35;
	v34 =	vld.idx.msk [tilespmem:v59+s21+$0x0], $0xff  }
0xa3: {  	v61 =	vor.u32 v19, v33;
	_ =	sdelay $0x3  }
0xa4: {  	[tilespmem:v60+s31+$0x0] =	vst.idx.msk $0xff, v34  }
0xa5: {  	v62 =	vadd.s32 $0x2100, v35;
	v34 =	vld.idx.msk [tilespmem:v61+s21+$0x0], $0xff  }
0xa6: {  	v63 =	vor.u32 v20, v33;
	_ =	sdelay $0x3  }
0xa7: {  	[tilespmem:v62+s31+$0x0] =	vst.idx.msk $0xff, v34  }
0xa8: {  	v40 =	vadd.s32 $0x2180, v35;
	v34 =	vld.idx.msk [tilespmem:v63+s21+$0x0], $0xff  }
0xa9: {  	v41 =	vor.u32 v21, v33;
	_ =	sdelay $0x3  }
0xaa: {  	[tilespmem:v40+s31+$0x0] =	vst.idx.msk $0xff, v34  }
0xab: {  	v42 =	vadd.s32 $0x2200, v35;
	v34 =	vld.idx.msk [tilespmem:v41+s21+$0x0], $0xff  }
0xac: {  	v43 =	vor.u32 v22, v33;
	_ =	sdelay $0x3  }
0xad: {  	[tilespmem:v42+s31+$0x0] =	vst.idx.msk $0xff, v34  }
0xae: {  	v44 =	vadd.s32 $0x2280, v35;
	v34 =	vld.idx.msk [tilespmem:v43+s21+$0x0], $0xff  }
0xaf: {  	v45 =	vor.u32 v23, v33;
	_ =	sdelay $0x3  }
0xb0: {  	[tilespmem:v44+s31+$0x0] =	vst.idx.msk $0xff, v34  }
0xb1: {  	v46 =	vadd.s32 $0x2300, v35;
	v34 =	vld.idx.msk [tilespmem:v45+s21+$0x0], $0xff  }
0xb2: {  	v47 =	vor.u32 v24, v33;
	_ =	sdelay $0x3  }
0xb3: {  	[tilespmem:v46+s31+$0x0] =	vst.idx.msk $0xff, v34  }
0xb4: {  	v48 =	vadd.s32 $0x2380, v35;
	v34 =	vld.idx.msk [tilespmem:v47+s21+$0x0], $0xff  }
0xb5: {  	v49 =	vor.u32 v25, v33;
	_ =	sdelay $0x3  }
0xb6: {  	[tilespmem:v48+s31+$0x0] =	vst.idx.msk $0xff, v34  }
0xb7: {  	v50 =	vadd.s32 $0x3000, v35;
	v34 =	vld.idx.msk [tilespmem:v49+s21+$0x0], $0xff  }
0xb8: {  	v51 =	vor.u32 v26, v33;
	_ =	sdelay $0x3  }
0xb9: {  	[tilespmem:v50+s31+$0x0] =	vst.idx.msk $0xff, v34  }
0xba: {  	v52 =	vadd.s32 $0x3080, v35;
	v34 =	vld.idx.msk [tilespmem:v51+s21+$0x0], $0xff  }
0xbb: {  	v53 =	vor.u32 v27, v33;
	_ =	sdelay $0x3  }
0xbc: {  	[tilespmem:v52+s31+$0x0] =	vst.idx.msk $0xff, v34  }
0xbd: {  	v54 =	vadd.s32 $0x3100, v35;
	v34 =	vld.idx.msk [tilespmem:v53+s21+$0x0], $0xff  }
0xbe: {  	v55 =	vor.u32 v28, v33;
	_ =	sdelay $0x3  }
0xbf: {  	[tilespmem:v54+s31+$0x0] =	vst.idx.msk $0xff, v34  }
0xc0: {  	v56 =	vadd.s32 $0x3180, v35;
	v34 =	vld.idx.msk [tilespmem:v55+s21+$0x0], $0xff  }
0xc1: {  	v57 =	vor.u32 v29, v33;
	_ =	sdelay $0x3  }
0xc2: {  	[tilespmem:v56+s31+$0x0] =	vst.idx.msk $0xff, v34  }
0xc3: {  	v58 =	vadd.s32 $0x3200, v35;
	v34 =	vld.idx.msk [tilespmem:v57+s21+$0x0], $0xff  }
0xc4: {  	v59 =	vor.u32 v30, v33;
	_ =	sdelay $0x3  }
0xc5: {  	[tilespmem:v58+s31+$0x0] =	vst.idx.msk $0xff, v34  }
0xc6: {  	v60 =	vadd.s32 $0x3280, v35;
	v34 =	vld.idx.msk [tilespmem:v59+s21+$0x0], $0xff  }
0xc7: {  	v61 =	vor.u32 v31, v33;
	_ =	sdelay $0x3  }
0xc8: {  	[tilespmem:v60+s31+$0x0] =	vst.idx.msk $0xff, v34  }
0xc9: {  	v62 =	vadd.s32 $0x3300, v35;
	v34 =	vld.idx.msk [tilespmem:v61+s21+$0x0], $0xff  }
0xca: {  	v33 =	vor.u32 v32, v33;
	_ =	sdelay $0x3  }
0xcb: {  	s7 =	sadd.s32 $0x10, s7;
	[tilespmem:v62+s31+$0x0] =	vst.idx.msk $0xff, v34  }
0xcc: {  	p0 =	sne.s32 s7, $0x200;
	v63 =	vadd.s32 $0x3380, v35;
	v33 =	vld.idx.msk [tilespmem:v33+s21+$0x0], $0xff  }
.Ltmp3:
0xcd: {  	_ = 	snop;
	(pc) =	sbr.rel @!p0 .LBB2_5-.Ltmp3, $2  }
0xce: {  	_ =	sdelay $0x2  }
0xcf: {  	s6 =	sadd.s32 $0x10, s6;
	[tilespmem:v63+s31+$0x0] =	vst.idx.msk $0xff, v33  }
.LBB2_2:
0xd0: {  	v33 =	vld [tilespmem:s6+$0x0];
	_ =	sdelay $0x4  }
0xd1: {  	v33 =	vand.u32 $0xFFFFFF80, v33  }
0xd2: {  	v34 =	vnsel vm0, $0x0, v33  }
0xd3: {  	v34 =	vxor.u32 $0x80000000, v34  }
0xd4: {  	(xrf0) =	vmax.scan.msk.u32 $0xffff, v34;
	_ =	sdelay $0x1  }
0xd5: {  	v60 =	vsel vm1, $0x0, v33  }
0xd6: {  	v34 =	vxor.u32 $0x80000000, v60  }
0xd7: {  	(xrf0) =	vmax.scan.msk.u32 $0xffff, v34;
	_ =	sdelay $0x1  }
0xd8: {  	v35 =	vsel vm2, $0x0, v33;
	v61, _, _ =	vpop (xrf0)  }
0xd9: {  	v62 =	vxor.u32 $0x80000000, v35;
	(v2sf) =	vpush v61, $0xF  }
0xda: {  	(xrf0) =	vmax.scan.msk.u32 $0xffff, v62;
	_ =	sdelay $0x1  }
0xdb: {  	v36 =	vsel vm3, $0x0, v33;
	v63, _, _ =	vpop (xrf0)  }
0xdc: {  	v37 =	vxor.u32 $0x80000000, v36;
	(v2sf) =	vpush v63, $0xF  }
0xdd: {  	(xrf0) =	vmax.scan.msk.u32 $0xffff, v37;
	_ =	sdelay $0x1  }
0xde: {  	v39 =	vsel vm4, $0x0, v33;
	v38, _, _ =	vpop (xrf0)  }
0xdf: {  	v40 =	vxor.u32 $0x80000000, v39;
	(v2sf) =	vpush v38, $0xF  }
0xe0: {  	(xrf0) =	vmax.scan.msk.u32 $0xffff, v40;
	_ =	sdelay $0x1  }
0xe1: {  	v42 =	vsel vm5, $0x0, v33;
	v41, _, _ =	vpop (xrf0)  }
0xe2: {  	v43 =	vxor.u32 $0x80000000, v42;
	(v2sf) =	vpush v41, $0xF  }
0xe3: {  	(xrf0) =	vmax.scan.msk.u32 $0xffff, v43;
	_ =	sdelay $0x1  }
0xe4: {  	v45 =	vsel vm6, $0x0, v33;
	v44, _, _ =	vpop (xrf0);
	s8 =	spop (v2sf)  }
0xe5: {  	v46 =	vxor.u32 $0x80000000, v45;
	(v2sf) =	vpush v44, $0xF;
	s8 =	sand.u32 $0x1FFFFF80, s8  }
0xe6: {  	(xrf0) =	vmax.scan.msk.u32 $0xffff, v46;
	s8 =	sadd.s32 s1, s8  }
0xe7: {  	[tilespmem:s21], [sflag:$0x2] =	stream.strided.gather [hbm4b:s8+s11], $0x1000, s12, s11, $0x38;
	[tilespmem:$0x14280] =	vst v63  }
0xe8: {  	v33 =	vsel vm7, $0x0, v33;
	v47, _, _ =	vpop (xrf0);
	s8 =	spop (v2sf)  }
0xe9: {  	v33 =	vxor.u32 $0x80000000, v33;
	(v2sf) =	vpush v47, $0xF;
	s8 =	sand.u32 $0x1FFFFF80, s8  }
0xea: {  	(xrf0) =	vmax.scan.msk.u32 $0xffff, v33;
	s8 =	sadd.s32 s1, s8  }
0xeb: {  	[tilespmem:s22], [sflag:$0x2] =	stream.strided.gather [hbm4b:s8+s11], $0x1000, s12, s11, $0x38;
	[tilespmem:$0x14280] =	vst v63  }
0xec: {  	v48, _, _ =	vpop (xrf0);
	s8 =	spop (v2sf)  }
0xed: {  	(v2sf) =	vpush v48, $0xF;
	s8 =	sand.u32 $0x1FFFFF80, s8  }
0xee: {  	s8 =	sadd.s32 s1, s8  }
0xef: {  	[tilespmem:s23], [sflag:$0x2] =	stream.strided.gather [hbm4b:s8+s11], $0x1000, s12, s11, $0x38;
	[tilespmem:$0x14280] =	vst v63  }
0xf0: {  	v49, _, _ =	vpop (xrf0);
	s8 =	spop (v2sf)  }
0xf1: {  	(v2sf) =	vpush v49, $0xF;
	s8 =	sand.u32 $0x1FFFFF80, s8  }
0xf2: {  	s8 =	sadd.s32 s1, s8  }
0xf3: {  	[tilespmem:s24], [sflag:$0x2] =	stream.strided.gather [hbm4b:s8+s11], $0x1000, s12, s11, $0x38;
	[tilespmem:$0x14280] =	vst v63  }
0xf4: {  	s8 =	spop (v2sf)  }
0xf5: {  	s8 =	sand.u32 $0x1FFFFF80, s8  }
0xf6: {  	s8 =	sadd.s32 s1, s8  }
0xf7: {  	[tilespmem:s25], [sflag:$0x2] =	stream.strided.gather [hbm4b:s8+s11], $0x1000, s12, s11, $0x38;
	[tilespmem:$0x14280] =	vst v63  }
0xf8: {  	s8 =	spop (v2sf)  }
0xf9: {  	s8 =	sand.u32 $0x1FFFFF80, s8  }
0xfa: {  	s8 =	sadd.s32 s1, s8  }
0xfb: {  	[tilespmem:s26], [sflag:$0x2] =	stream.strided.gather [hbm4b:s8+s11], $0x1000, s12, s11, $0x38;
	[tilespmem:$0x14280] =	vst v63  }
0xfc: {  	s8 =	spop (v2sf)  }
0xfd: {  	s8 =	sand.u32 $0x1FFFFF80, s8  }
0xfe: {  	s8 =	sadd.s32 s1, s8  }
0xff: {  	[tilespmem:s28], [sflag:$0x2] =	stream.strided.gather [hbm4b:s8+s11], $0x1000, s12, s11, $0x38;
	[tilespmem:$0x14280] =	vst v63  }
0x100: {  	s8 =	spop (v2sf)  }
0x101: {  	s8 =	sand.u32 $0x1FFFFF80, s8  }
0x102: {  	s8 =	sadd.s32 s1, s8  }
0x103: {  	[tilespmem:s29], [sflag:$0x2] =	stream.strided.gather [hbm4b:s8+s11], $0x1000, s12, s11, $0x38;
	[tilespmem:$0x14280] =	vst v63  }
0x104: {  	_ =	swait.ge [sflag:s30], $0x1000  }
0x105: {  	[sflag:s30] =	ssyncset.done $0x0  }
0x106: {  	[sflag:s30] =	ssyncadd.s32 $0xFFFFF000  }
0x107: {  	_ =	swait.ge [sflag:s30], $0x1000  }
0x108: {  	[sflag:s30] =	ssyncset.done $0x0  }
0x109: {  	[sflag:s30] =	ssyncadd.s32 $0xFFFFF000  }
0x10a: {  	_ =	swait.ge [sflag:s30], $0x1000  }
0x10b: {  	[sflag:s30] =	ssyncset.done $0x0  }
0x10c: {  	[sflag:s30] =	ssyncadd.s32 $0xFFFFF000  }
0x10d: {  	_ =	swait.ge [sflag:s30], $0x1000  }
0x10e: {  	[sflag:s30] =	ssyncset.done $0x0  }
0x10f: {  	[sflag:s30] =	ssyncadd.s32 $0xFFFFF000  }
0x110: {  	_ =	swait.ge [sflag:s30], $0x1000  }
0x111: {  	[sflag:s30] =	ssyncset.done $0x0  }
0x112: {  	[sflag:s30] =	ssyncadd.s32 $0xFFFFF000  }
0x113: {  	_ =	swait.ge [sflag:s30], $0x1000  }
0x114: {  	[sflag:s30] =	ssyncset.done $0x0  }
0x115: {  	[sflag:s30] =	ssyncadd.s32 $0xFFFFF000  }
0x116: {  	_ =	swait.ge [sflag:s30], $0x1000  }
0x117: {  	[sflag:s30] =	ssyncset.done $0x0  }
0x118: {  	[sflag:s30] =	ssyncadd.s32 $0xFFFFF000  }
0x119: {  	_ =	swait.ge [sflag:s30], $0x1000  }
0x11a: {  	[sflag:s30] =	ssyncset.done $0x0  }
0x11b: {  	[sflag:s30] =	ssyncadd.s32 $0xFFFFF000  }
0x11c: {  	v50 =	vld [tilespmem:s6+$0xFFFFFFF8];
	_ =	sdelay $0x4  }
0x11d: {  	v33 =	vand.u32 $0x7F, v50  }
0x11e: {  	v51 =	vor.u32 v1, v33;
	_ =	sdelay $0x1  }
0x11f: {  	v52 =	vmov s7  }
0x120: {  	v36 =	vor.u32 s7, v0;
	v35 =	vshll.u32 v52, $0x3  }
0x121: {  	v36 =	vand.u32 $0x7F, v36;
	v37 =	vand.u32 $0xC00, v35  }
0x122: {  	v37 =	vor.u32 v36, v37;
	v34 =	vld.idx.msk [tilespmem:v51+s13+$0x0], $0xff  }
0x123: {  	v38 =	vor.u32 v2, v33;
	_ =	sdelay $0x3  }
0x124: {  	[tilespmem:v37+s31+$0x0] =	vst.idx.msk $0xff, v34  }
0x125: {  	v53 =	vor.u32 $0x80, v37;
	v34 =	vld.idx.msk [tilespmem:v38+s13+$0x0], $0xff  }
0x126: {  	v39 =	vor.u32 v3, v33;
	_ =	sdelay $0x3  }
0x127: {  	[tilespmem:v53+s31+$0x0] =	vst.idx.msk $0xff, v34  }
0x128: {  	v54 =	vor.u32 $0x100, v37;
	v34 =	vld.idx.msk [tilespmem:v39+s13+$0x0], $0xff  }
0x129: {  	v55 =	vor.u32 v4, v33;
	_ =	sdelay $0x3  }
0x12a: {  	[tilespmem:v54+s31+$0x0] =	vst.idx.msk $0xff, v34  }
0x12b: {  	v56 =	vor.u32 $0x180, v37;
	v34 =	vld.idx.msk [tilespmem:v55+s13+$0x0], $0xff  }
0x12c: {  	v57 =	vor.u32 v5, v33;
	_ =	sdelay $0x3  }
0x12d: {  	[tilespmem:v56+s31+$0x0] =	vst.idx.msk $0xff, v34  }
0x12e: {  	v58 =	vor.u32 $0x200, v37;
	v34 =	vld.idx.msk [tilespmem:v57+s13+$0x0], $0xff  }
0x12f: {  	v59 =	vor.u32 v6, v33;
	_ =	sdelay $0x3  }
0x130: {  	[tilespmem:v58+s31+$0x0] =	vst.idx.msk $0xff, v34  }
0x131: {  	v60 =	vor.u32 $0x280, v37;
	v34 =	vld.idx.msk [tilespmem:v59+s13+$0x0], $0xff  }
0x132: {  	v61 =	vor.u32 v7, v33;
	_ =	sdelay $0x3  }
0x133: {  	[tilespmem:v60+s31+$0x0] =	vst.idx.msk $0xff, v34  }
0x134: {  	v62 =	vor.u32 $0x300, v37;
	v34 =	vld.idx.msk [tilespmem:v61+s13+$0x0], $0xff  }
0x135: {  	v63 =	vor.u32 v8, v33;
	_ =	sdelay $0x3  }
0x136: {  	[tilespmem:v62+s31+$0x0] =	vst.idx.msk $0xff, v34;
	v34 =	vor.u32 v35, v36  }
0x137: {  	v41 =	vld.idx.msk [tilespmem:v63+s13+$0x0], $0xff;
	v36 =	vor.u32 $0x380, v34  }
0x138: {  	v42 =	vor.u32 v9, v33;
	_ =	sdelay $0x3  }
0x139: {  	[tilespmem:v36+s31+$0x0] =	vst.idx.msk $0xff, v41  }
0x13a: {  	v43 =	vor.u32 $0x1000, v37;
	v35 =	vld.idx.msk [tilespmem:v42+s13+$0x0], $0xff  }
0x13b: {  	v44 =	vor.u32 v10, v33;
	_ =	sdelay $0x3  }
0x13c: {  	[tilespmem:v43+s31+$0x0] =	vst.idx.msk $0xff, v35  }
0x13d: {  	v45 =	vor.u32 $0x1080, v37;
	v35 =	vld.idx.msk [tilespmem:v44+s13+$0x0], $0xff  }
0x13e: {  	v46 =	vor.u32 v11, v33;
	_ =	sdelay $0x3  }
0x13f: {  	[tilespmem:v45+s31+$0x0] =	vst.idx.msk $0xff, v35  }
0x140: {  	v47 =	vor.u32 $0x1100, v37;
	v35 =	vld.idx.msk [tilespmem:v46+s13+$0x0], $0xff  }
0x141: {  	v48 =	vor.u32 v12, v33;
	_ =	sdelay $0x3  }
0x142: {  	[tilespmem:v47+s31+$0x0] =	vst.idx.msk $0xff, v35  }
0x143: {  	v49 =	vor.u32 $0x1180, v37;
	v35 =	vld.idx.msk [tilespmem:v48+s13+$0x0], $0xff  }
0x144: {  	v50 =	vor.u32 v13, v33;
	_ =	sdelay $0x3  }
0x145: {  	[tilespmem:v49+s31+$0x0] =	vst.idx.msk $0xff, v35  }
0x146: {  	v51 =	vor.u32 $0x1200, v37;
	v35 =	vld.idx.msk [tilespmem:v50+s13+$0x0], $0xff  }
0x147: {  	v52 =	vor.u32 v14, v33;
	_ =	sdelay $0x3  }
0x148: {  	[tilespmem:v51+s31+$0x0] =	vst.idx.msk $0xff, v35  }
0x149: {  	v53 =	vor.u32 $0x1280, v37;
	v35 =	vld.idx.msk [tilespmem:v52+s13+$0x0], $0xff  }
0x14a: {  	v54 =	vor.u32 v15, v33;
	_ =	sdelay $0x3  }
0x14b: {  	[tilespmem:v53+s31+$0x0] =	vst.idx.msk $0xff, v35  }
0x14c: {  	v55 =	vor.u32 $0x1300, v37;
	v35 =	vld.idx.msk [tilespmem:v54+s13+$0x0], $0xff  }
0x14d: {  	v56 =	vor.u32 v16, v33;
	_ =	sdelay $0x3  }
0x14e: {  	[tilespmem:v55+s31+$0x0] =	vst.idx.msk $0xff, v35  }
0x14f: {  	v57 =	vor.u32 $0x1380, v34;
	v35 =	vld.idx.msk [tilespmem:v56+s13+$0x0], $0xff  }
0x150: {  	v58 =	vor.u32 v17, v33;
	_ =	sdelay $0x3  }
0x151: {  	[tilespmem:v57+s31+$0x0] =	vst.idx.msk $0xff, v35  }
0x152: {  	v59 =	vor.u32 $0x2000, v37;
	v35 =	vld.idx.msk [tilespmem:v58+s13+$0x0], $0xff  }
0x153: {  	v60 =	vor.u32 v18, v33;
	_ =	sdelay $0x3  }
0x154: {  	[tilespmem:v59+s31+$0x0] =	vst.idx.msk $0xff, v35  }
0x155: {  	v61 =	vor.u32 $0x2080, v37;
	v35 =	vld.idx.msk [tilespmem:v60+s13+$0x0], $0xff  }
0x156: {  	v62 =	vor.u32 v19, v33;
	_ =	sdelay $0x3  }
0x157: {  	[tilespmem:v61+s31+$0x0] =	vst.idx.msk $0xff, v35  }
0x158: {  	v63 =	vor.u32 $0x2100, v37;
	v35 =	vld.idx.msk [tilespmem:v62+s13+$0x0], $0xff  }
0x159: {  	v40 =	vor.u32 v20, v33;
	_ =	sdelay $0x3  }
0x15a: {  	[tilespmem:v63+s31+$0x0] =	vst.idx.msk $0xff, v35  }
0x15b: {  	v41 =	vor.u32 $0x2180, v37;
	v35 =	vld.idx.msk [tilespmem:v40+s13+$0x0], $0xff  }
0x15c: {  	v42 =	vor.u32 v21, v33;
	_ =	sdelay $0x3  }
0x15d: {  	[tilespmem:v41+s31+$0x0] =	vst.idx.msk $0xff, v35  }
0x15e: {  	v43 =	vor.u32 $0x2200, v37;
	v35 =	vld.idx.msk [tilespmem:v42+s13+$0x0], $0xff  }
0x15f: {  	v44 =	vor.u32 v22, v33;
	_ =	sdelay $0x3  }
0x160: {  	[tilespmem:v43+s31+$0x0] =	vst.idx.msk $0xff, v35  }
0x161: {  	v45 =	vor.u32 $0x2280, v37;
	v35 =	vld.idx.msk [tilespmem:v44+s13+$0x0], $0xff  }
0x162: {  	v46 =	vor.u32 v23, v33;
	_ =	sdelay $0x3  }
0x163: {  	[tilespmem:v45+s31+$0x0] =	vst.idx.msk $0xff, v35  }
0x164: {  	v47 =	vor.u32 $0x2300, v37;
	v35 =	vld.idx.msk [tilespmem:v46+s13+$0x0], $0xff  }
0x165: {  	v48 =	vor.u32 v24, v33;
	_ =	sdelay $0x3  }
0x166: {  	[tilespmem:v47+s31+$0x0] =	vst.idx.msk $0xff, v35  }
0x167: {  	v49 =	vor.u32 $0x2380, v34;
	v35 =	vld.idx.msk [tilespmem:v48+s13+$0x0], $0xff  }
0x168: {  	v50 =	vor.u32 v25, v33;
	_ =	sdelay $0x3  }
0x169: {  	[tilespmem:v49+s31+$0x0] =	vst.idx.msk $0xff, v35  }
0x16a: {  	v51 =	vor.u32 $0x3000, v37;
	v35 =	vld.idx.msk [tilespmem:v50+s13+$0x0], $0xff  }
0x16b: {  	v52 =	vor.u32 v26, v33;
	_ =	sdelay $0x3  }
0x16c: {  	[tilespmem:v51+s31+$0x0] =	vst.idx.msk $0xff, v35  }
0x16d: {  	v53 =	vor.u32 $0x3080, v37;
	v35 =	vld.idx.msk [tilespmem:v52+s13+$0x0], $0xff  }
0x16e: {  	v54 =	vor.u32 v27, v33;
	_ =	sdelay $0x3  }
0x16f: {  	[tilespmem:v53+s31+$0x0] =	vst.idx.msk $0xff, v35  }
0x170: {  	v55 =	vor.u32 $0x3100, v37;
	v35 =	vld.idx.msk [tilespmem:v54+s13+$0x0], $0xff  }
0x171: {  	v56 =	vor.u32 v28, v33;
	_ =	sdelay $0x3  }
0x172: {  	[tilespmem:v55+s31+$0x0] =	vst.idx.msk $0xff, v35  }
0x173: {  	v57 =	vor.u32 $0x3180, v37;
	v35 =	vld.idx.msk [tilespmem:v56+s13+$0x0], $0xff  }
0x174: {  	v58 =	vor.u32 v29, v33;
	_ =	sdelay $0x3  }
0x175: {  	[tilespmem:v57+s31+$0x0] =	vst.idx.msk $0xff, v35  }
0x176: {  	v59 =	vor.u32 $0x3200, v37;
	v35 =	vld.idx.msk [tilespmem:v58+s13+$0x0], $0xff  }
0x177: {  	v60 =	vor.u32 v30, v33;
	_ =	sdelay $0x3  }
0x178: {  	[tilespmem:v59+s31+$0x0] =	vst.idx.msk $0xff, v35  }
0x179: {  	v61 =	vor.u32 $0x3280, v37;
	v35 =	vld.idx.msk [tilespmem:v60+s13+$0x0], $0xff  }
0x17a: {  	v62 =	vor.u32 v31, v33;
	_ =	sdelay $0x3  }
0x17b: {  	[tilespmem:v61+s31+$0x0] =	vst.idx.msk $0xff, v35  }
0x17c: {  	v63 =	vor.u32 $0x3300, v37;
	v35 =	vld.idx.msk [tilespmem:v62+s13+$0x0], $0xff  }
0x17d: {  	v33 =	vor.u32 v32, v33;
	_ =	sdelay $0x3  }
0x17e: {  	[tilespmem:v63+s31+$0x0] =	vst.idx.msk $0xff, v35  }
0x17f: {  	p0 =	seq.s32 s7, $0x1F0;
	v34 =	vor.u32 $0x3380, v34;
	v33 =	vld.idx.msk [tilespmem:v33+s13+$0x0], $0xff  }
.Ltmp4:
0x180: {  	_ = 	snop;
	(pc) =	sbr.rel @p0 .LBB2_4-.Ltmp4, $2  }
0x181: {  	_ =	sdelay $0x2  }
0x182: {  	[tilespmem:v34+s31+$0x0] =	vst.idx.msk $0xff, v33  }
0x183: {  	v33 =	vld [tilespmem:s6+$0x8];
	_ =	sdelay $0x4  }
0x184: {  	v33 =	vand.u32 $0xFFFFFF80, v33  }
0x185: {  	v34 =	vnsel vm0, $0x0, v33  }
0x186: {  	v34 =	vxor.u32 $0x80000000, v34  }
0x187: {  	(xrf0) =	vmax.scan.msk.u32 $0xffff, v34;
	_ =	sdelay $0x1  }
0x188: {  	v46 =	vsel vm1, $0x0, v33  }
0x189: {  	v34 =	vxor.u32 $0x80000000, v46  }
0x18a: {  	(xrf0) =	vmax.scan.msk.u32 $0xffff, v34;
	_ =	sdelay $0x1  }
0x18b: {  	v35 =	vsel vm2, $0x0, v33;
	v47, _, _ =	vpop (xrf0)  }
0x18c: {  	v48 =	vxor.u32 $0x80000000, v35;
	(v2sf) =	vpush v47, $0xF  }
0x18d: {  	(xrf0) =	vmax.scan.msk.u32 $0xffff, v48;
	_ =	sdelay $0x1  }
0x18e: {  	v50 =	vsel vm3, $0x0, v33;
	v49, _, _ =	vpop (xrf0)  }
0x18f: {  	v51 =	vxor.u32 $0x80000000, v50;
	(v2sf) =	vpush v49, $0xF  }
0x190: {  	(xrf0) =	vmax.scan.msk.u32 $0xffff, v51;
	_ =	sdelay $0x1  }
0x191: {  	v53 =	vsel vm4, $0x0, v33;
	v52, _, _ =	vpop (xrf0)  }
0x192: {  	v54 =	vxor.u32 $0x80000000, v53;
	(v2sf) =	vpush v52, $0xF  }
0x193: {  	(xrf0) =	vmax.scan.msk.u32 $0xffff, v54;
	_ =	sdelay $0x1  }
0x194: {  	v56 =	vsel vm5, $0x0, v33;
	v55, _, _ =	vpop (xrf0)  }
0x195: {  	v57 =	vxor.u32 $0x80000000, v56;
	(v2sf) =	vpush v55, $0xF  }
0x196: {  	(xrf0) =	vmax.scan.msk.u32 $0xffff, v57;
	_ =	sdelay $0x1  }
0x197: {  	v59 =	vsel vm6, $0x0, v33;
	v58, _, _ =	vpop (xrf0);
	s8 =	spop (v2sf)  }
0x198: {  	v60 =	vxor.u32 $0x80000000, v59;
	(v2sf) =	vpush v58, $0xF;
	s8 =	sand.u32 $0x1FFFFF80, s8  }
0x199: {  	(xrf0) =	vmax.scan.msk.u32 $0xffff, v60;
	s8 =	sadd.s32 s1, s8  }
0x19a: {  	[tilespmem:s13], [sflag:$0x1] =	stream.strided.gather [hbm4b:s8+s11], $0x1000, s12, s11, $0x38;
	[tilespmem:$0x14280] =	vst v63  }
0x19b: {  	v33 =	vsel vm7, $0x0, v33;
	v61, _, _ =	vpop (xrf0);
	s8 =	spop (v2sf)  }
0x19c: {  	v33 =	vxor.u32 $0x80000000, v33;
	(v2sf) =	vpush v61, $0xF;
	s8 =	sand.u32 $0x1FFFFF80, s8  }
0x19d: {  	(xrf0) =	vmax.scan.msk.u32 $0xffff, v33;
	s8 =	sadd.s32 s1, s8  }
0x19e: {  	[tilespmem:s14], [sflag:$0x1] =	stream.strided.gather [hbm4b:s8+s11], $0x1000, s12, s11, $0x38;
	[tilespmem:$0x14280] =	vst v63  }
0x19f: {  	v62, _, _ =	vpop (xrf0);
	s8 =	spop (v2sf)  }
0x1a0: {  	(v2sf) =	vpush v62, $0xF;
	s8 =	sand.u32 $0x1FFFFF80, s8  }
0x1a1: {  	s8 =	sadd.s32 s1, s8  }
0x1a2: {  	[tilespmem:s15], [sflag:$0x1] =	stream.strided.gather [hbm4b:s8+s11], $0x1000, s12, s11, $0x38;
	[tilespmem:$0x14280] =	vst v63  }
0x1a3: {  	s8 =	spop (v2sf)  }
0x1a4: {  	v63, _, _ =	vpop (xrf0);
	s8 =	sand.u32 $0x1FFFFF80, s8  }
0x1a5: {  	(v2sf) =	vpush v63, $0xF;
	s8 =	sadd.s32 s1, s8  }
0x1a6: {  	[tilespmem:s16], [sflag:$0x1] =	stream.strided.gather [hbm4b:s8+s11], $0x1000, s12, s11, $0x38;
	[tilespmem:$0x14280] =	vst v63  }
0x1a7: {  	s8 =	spop (v2sf)  }
0x1a8: {  	s8 =	sand.u32 $0x1FFFFF80, s8  }
0x1a9: {  	s8 =	sadd.s32 s1, s8  }
0x1aa: {  	[tilespmem:s17], [sflag:$0x1] =	stream.strided.gather [hbm4b:s8+s11], $0x1000, s12, s11, $0x38;
	[tilespmem:$0x14280] =	vst v63  }
0x1ab: {  	s8 =	spop (v2sf)  }
0x1ac: {  	s8 =	sand.u32 $0x1FFFFF80, s8  }
0x1ad: {  	s8 =	sadd.s32 s1, s8  }
0x1ae: {  	[tilespmem:s18], [sflag:$0x1] =	stream.strided.gather [hbm4b:s8+s11], $0x1000, s12, s11, $0x38;
	[tilespmem:$0x14280] =	vst v63  }
0x1af: {  	s8 =	spop (v2sf)  }
0x1b0: {  	s8 =	sand.u32 $0x1FFFFF80, s8  }
0x1b1: {  	s8 =	sadd.s32 s1, s8  }
0x1b2: {  	[tilespmem:s19], [sflag:$0x1] =	stream.strided.gather [hbm4b:s8+s11], $0x1000, s12, s11, $0x38;
	[tilespmem:$0x14280] =	vst v63  }
.Ltmp5:
0x1b3: {  	_ = 	snop;
	(pc) =	sbr.rel .LBB2_4-.Ltmp5, $4  }
0x1b4: {  	s8 =	spop (v2sf)  }
0x1b5: {  	s8 =	sand.u32 $0x1FFFFF80, s8  }
0x1b6: {  	s8 =	sadd.s32 s1, s8  }
0x1b7: {  	[tilespmem:s20], [sflag:$0x1] =	stream.strided.gather [hbm4b:s8+s11], $0x1000, s12, s11, $0x38;
	[tilespmem:$0x14280] =	vst v63  }
.LBB2_5:
0x1b8: {  	s6 =	rddreg [dreg:$0x7]  }
0x1b9: {  	[hbm4b:s6+s3] =	stream.strided.scatter [tilespmem:s31], [sflag:$0x3], $0x4000, s4, s3, $0x38;
	[tilespmem:$0x14280] =	vst v63  }
0x1ba: {  	_ =	swait.ge [sflag:s10], $0x4000  }
0x1bb: {  	[sflag:s10] =	ssyncset.done $0x0  }
0x1bc: {  	s6 =	simm.s32 $0x0;
	s7 =	rddreg [dreg:$0x8];
	[sflag:s10] =	ssyncadd.s32 $0xFFFFC000  }
0x1bd: {  	[tilespmem:s6], [sflag:$0x3] =	stream.linear.gather [hbm4b:s7+s6], $0x200, $0x38;
	[tilespmem:$0x14280] =	vst v63  }
0x1be: {  	_ =	swait.ge [sflag:s10], $0x200  }
0x1bf: {  	[sflag:s10] =	ssyncset.done $0x0  }
0x1c0: {  	[sflag:s10] =	ssyncadd.s32 $0xFFFFFE00  }
0x1c1: {  	v33 =	vld [tilespmem:$0x0];
	_ =	sdelay $0x4  }
0x1c2: {  	v33 =	vand.u32 $0xFFFFFF80, v33  }
0x1c3: {  	v34 =	vnsel vm0, $0x0, v33  }
0x1c4: {  	v34 =	vxor.u32 $0x80000000, v34  }
0x1c5: {  	v46 =	vsel vm1, $0x0, v33;
	(xrf0) =	vmax.scan.msk.u32 $0xffff, v34  }
0x1c6: {  	v34 =	vxor.u32 $0x80000000, v46  }
0x1c7: {  	(xrf0) =	vmax.scan.msk.u32 $0xffff, v34;
	_ =	sdelay $0x2  }
0x1c8: {  	v35 =	vsel vm2, $0x0, v33  }
0x1c9: {  	v48 =	vxor.u32 $0x80000000, v35;
	v47, _, _ =	vpop (xrf0)  }
0x1ca: {  	(xrf0) =	vmax.scan.msk.u32 $0xffff, v48;
	(v2sf) =	vpush v47, $0xF  }
0x1cb: {  	v50 =	vsel vm3, $0x0, v33;
	v49, _, _ =	vpop (xrf0)  }
0x1cc: {  	v51 =	vxor.u32 $0x80000000, v50;
	(v2sf) =	vpush v49, $0xF  }
0x1cd: {  	(xrf0) =	vmax.scan.msk.u32 $0xffff, v51;
	_ =	sdelay $0x2  }
0x1ce: {  	v53 =	vsel vm4, $0x0, v33;
	v52, _, _ =	vpop (xrf0)  }
0x1cf: {  	v54 =	vxor.u32 $0x80000000, v53;
	(v2sf) =	vpush v52, $0xF  }
0x1d0: {  	v56 =	vsel vm5, $0x0, v33;
	(xrf0) =	vmax.scan.msk.u32 $0xffff, v54  }
0x1d1: {  	v57 =	vxor.u32 $0x80000000, v56;
	v55, _, _ =	vpop (xrf0)  }
0x1d2: {  	(xrf0) =	vmax.scan.msk.u32 $0xffff, v57;
	(v2sf) =	vpush v55, $0xF;
	_ =	sdelay $0x2  }
0x1d3: {  	v59 =	vsel vm6, $0x0, v33  }
0x1d4: {  	v60 =	vxor.u32 $0x80000000, v59;
	v58, _, _ =	vpop (xrf0)  }
0x1d5: {  	(xrf0) =	vmax.scan.msk.u32 $0xffff, v60;
	s8 =	spop (v2sf);
	(v2sf) =	vpush v58, $0xF  }
0x1d6: {  	v61, _, _ =	vpop (xrf0)  }
0x1d7: {  	v33 =	vsel vm7, $0x0, v33;
	s7 =	sand.u32 $0x1FFFFF80, s8;
	s8 =	spop (v2sf);
	(v2sf) =	vpush v61, $0xF  }
0x1d8: {  	v33 =	vxor.u32 $0x80000000, v33  }
0x1d9: {  	(xrf0) =	vmax.scan.msk.u32 $0xffff, v33;
	s7 =	sadd.s32 s2, s7  }
0x1da: {  	[tilespmem:s13], [sflag:$0x1] =	stream.strided.gather [hbm4b:s7+s11], $0x1000, s12, s11, $0x38;
	[tilespmem:$0x14280] =	vst v63  }
0x1db: {  	v62, _, _ =	vpop (xrf0);
	s7 =	sand.u32 $0x1FFFFF80, s8  }
0x1dc: {  	s7 =	sadd.s32 s2, s7;
	s8 =	spop (v2sf);
	(v2sf) =	vpush v62, $0xF  }
0x1dd: {  	[tilespmem:s14], [sflag:$0x1] =	stream.strided.gather [hbm4b:s7+s11], $0x1000, s12, s11, $0x38;
	[tilespmem:$0x14280] =	vst v63  }
0x1de: {  	s7 =	sand.u32 $0x1FFFFF80, s8  }
0x1df: {  	v63, _, _ =	vpop (xrf0);
	s8 =	spop (v2sf);
	s7 =	sadd.s32 s2, s7  }
0x1e0: {  	(v2sf) =	vpush v63, $0xF;
	[tilespmem:s15], [sflag:$0x1] =	stream.strided.gather [hbm4b:s7+s11], $0x1000, s12, s11, $0x38;
	[tilespmem:$0x14280] =	vst v63  }
0x1e1: {  	s7 =	sand.u32 $0x1FFFFF80, s8  }
0x1e2: {  	s7 =	sadd.s32 s2, s7  }
0x1e3: {  	[tilespmem:s16], [sflag:$0x1] =	stream.strided.gather [hbm4b:s7+s11], $0x1000, s12, s11, $0x38;
	[tilespmem:$0x14280] =	vst v63  }
0x1e4: {  	s8 =	spop (v2sf)  }
0x1e5: {  	s7 =	sand.u32 $0x1FFFFF80, s8  }
0x1e6: {  	s8 =	spop (v2sf);
	s7 =	sadd.s32 s2, s7  }
0x1e7: {  	[tilespmem:s17], [sflag:$0x1] =	stream.strided.gather [hbm4b:s7+s11], $0x1000, s12, s11, $0x38;
	[tilespmem:$0x14280] =	vst v63  }
0x1e8: {  	s7 =	sand.u32 $0x1FFFFF80, s8  }
0x1e9: {  	s7 =	sadd.s32 s2, s7  }
0x1ea: {  	[tilespmem:s18], [sflag:$0x1] =	stream.strided.gather [hbm4b:s7+s11], $0x1000, s12, s11, $0x38;
	[tilespmem:$0x14280] =	vst v63  }
0x1eb: {  	s8 =	spop (v2sf)  }
0x1ec: {  	s7 =	sand.u32 $0x1FFFFF80, s8  }
0x1ed: {  	s7 =	sadd.s32 s2, s7  }
0x1ee: {  	[tilespmem:s19], [sflag:$0x1] =	stream.strided.gather [hbm4b:s7+s11], $0x1000, s12, s11, $0x38;
	[tilespmem:$0x14280] =	vst v63  }
.Ltmp6:
0x1ef: {  	s8 =	spop (v2sf);
	(pc) =	sbr.rel .LBB2_6-.Ltmp6, $4  }
0x1f0: {  	s7 =	sand.u32 $0x1FFFFF80, s8  }
0x1f1: {  	s7 =	sadd.s32 s2, s7  }
0x1f2: {  	[tilespmem:s20], [sflag:$0x1] =	stream.strided.gather [hbm4b:s7+s11], $0x1000, s12, s11, $0x38;
	[tilespmem:$0x14280] =	vst v63  }
0x1f3: {  	s7 =	simm.s32 $0x8  }
.LBB2_8:
0x1f4: {  	_ =	swait.ge [sflag:s0], $0x1000  }
0x1f5: {  	[sflag:s0] =	ssyncset.done $0x0  }
0x1f6: {  	[sflag:s0] =	ssyncadd.s32 $0xFFFFF000  }
0x1f7: {  	_ =	swait.ge [sflag:s0], $0x1000  }
0x1f8: {  	[sflag:s0] =	ssyncset.done $0x0  }
0x1f9: {  	[sflag:s0] =	ssyncadd.s32 $0xFFFFF000  }
0x1fa: {  	_ =	swait.ge [sflag:s0], $0x1000  }
0x1fb: {  	[sflag:s0] =	ssyncset.done $0x0  }
0x1fc: {  	[sflag:s0] =	ssyncadd.s32 $0xFFFFF000  }
0x1fd: {  	_ =	swait.ge [sflag:s0], $0x1000  }
0x1fe: {  	[sflag:s0] =	ssyncset.done $0x0  }
0x1ff: {  	[sflag:s0] =	ssyncadd.s32 $0xFFFFF000  }
0x200: {  	_ =	swait.ge [sflag:s0], $0x1000  }
0x201: {  	[sflag:s0] =	ssyncset.done $0x0  }
0x202: {  	[sflag:s0] =	ssyncadd.s32 $0xFFFFF000  }
0x203: {  	_ =	swait.ge [sflag:s0], $0x1000  }
0x204: {  	[sflag:s0] =	ssyncset.done $0x0  }
0x205: {  	[sflag:s0] =	ssyncadd.s32 $0xFFFFF000  }
0x206: {  	_ =	swait.ge [sflag:s0], $0x1000  }
0x207: {  	[sflag:s0] =	ssyncset.done $0x0  }
0x208: {  	[sflag:s0] =	ssyncadd.s32 $0xFFFFF000  }
0x209: {  	_ =	swait.ge [sflag:s0], $0x1000  }
0x20a: {  	[sflag:s0] =	ssyncset.done $0x0  }
0x20b: {  	[sflag:s0] =	ssyncadd.s32 $0xFFFFF000  }
0x20c: {  	v33 =	vld [tilespmem:s7+$0x0];
	_ =	sdelay $0x4  }
0x20d: {  	v33 =	vand.u32 $0x7F, v33  }
0x20e: {  	v34 =	vor.u32 v1, v33  }
0x20f: {  	s8 =	sadd.s32 $0x8, s6  }
0x210: {  	v35 =	vadd.s32 s8, v0  }
0x211: {  	v36 =	vshll.u32 v35, $0x3  }
0x212: {  	v35 =	vand.u32 $0x7F, v35;
	v36 =	vand.u32 $0x7FFFFC00, v36  }
0x213: {  	v35 =	vor.u32 v35, v36;
	v34 =	vld.idx.msk [tilespmem:v34+s21+$0x0], $0xff  }
0x214: {  	v52 =	vor.u32 v2, v33;
	_ =	sdelay $0x3  }
0x215: {  	[tilespmem:v35+s31+$0x0] =	vst.idx.msk $0xff, v34  }
0x216: {  	v53 =	vor.u32 $0x80, v35;
	v34 =	vld.idx.msk [tilespmem:v52+s21+$0x0], $0xff  }
0x217: {  	v37 =	vor.u32 v3, v33;
	_ =	sdelay $0x3  }
0x218: {  	[tilespmem:v53+s31+$0x0] =	vst.idx.msk $0xff, v34  }
0x219: {  	v54 =	vor.u32 $0x100, v35;
	v34 =	vld.idx.msk [tilespmem:v37+s21+$0x0], $0xff  }
0x21a: {  	v55 =	vor.u32 v4, v33;
	_ =	sdelay $0x3  }
0x21b: {  	[tilespmem:v54+s31+$0x0] =	vst.idx.msk $0xff, v34  }
0x21c: {  	v56 =	vor.u32 $0x180, v35;
	v34 =	vld.idx.msk [tilespmem:v55+s21+$0x0], $0xff  }
0x21d: {  	v57 =	vor.u32 v5, v33;
	_ =	sdelay $0x3  }
0x21e: {  	[tilespmem:v56+s31+$0x0] =	vst.idx.msk $0xff, v34  }
0x21f: {  	v58 =	vor.u32 $0x200, v35;
	v34 =	vld.idx.msk [tilespmem:v57+s21+$0x0], $0xff  }
0x220: {  	v59 =	vor.u32 v6, v33;
	_ =	sdelay $0x3  }
0x221: {  	[tilespmem:v58+s31+$0x0] =	vst.idx.msk $0xff, v34  }
0x222: {  	v60 =	vor.u32 $0x280, v35;
	v34 =	vld.idx.msk [tilespmem:v59+s21+$0x0], $0xff  }
0x223: {  	v61 =	vor.u32 v7, v33;
	_ =	sdelay $0x3  }
0x224: {  	[tilespmem:v60+s31+$0x0] =	vst.idx.msk $0xff, v34  }
0x225: {  	v62 =	vor.u32 $0x300, v35;
	v34 =	vld.idx.msk [tilespmem:v61+s21+$0x0], $0xff  }
0x226: {  	v63 =	vor.u32 v8, v33;
	_ =	sdelay $0x3  }
0x227: {  	[tilespmem:v62+s31+$0x0] =	vst.idx.msk $0xff, v34  }
0x228: {  	v40 =	vor.u32 $0x380, v35;
	v34 =	vld.idx.msk [tilespmem:v63+s21+$0x0], $0xff  }
0x229: {  	v41 =	vor.u32 v9, v33;
	_ =	sdelay $0x3  }
0x22a: {  	[tilespmem:v40+s31+$0x0] =	vst.idx.msk $0xff, v34  }
0x22b: {  	v42 =	vadd.s32 $0x1000, v35;
	v34 =	vld.idx.msk [tilespmem:v41+s21+$0x0], $0xff  }
0x22c: {  	v43 =	vor.u32 v10, v33;
	_ =	sdelay $0x3  }
0x22d: {  	[tilespmem:v42+s31+$0x0] =	vst.idx.msk $0xff, v34  }
0x22e: {  	v44 =	vadd.s32 $0x1080, v35;
	v34 =	vld.idx.msk [tilespmem:v43+s21+$0x0], $0xff  }
0x22f: {  	v45 =	vor.u32 v11, v33;
	_ =	sdelay $0x3  }
0x230: {  	[tilespmem:v44+s31+$0x0] =	vst.idx.msk $0xff, v34  }
0x231: {  	v46 =	vadd.s32 $0x1100, v35;
	v34 =	vld.idx.msk [tilespmem:v45+s21+$0x0], $0xff  }
0x232: {  	v47 =	vor.u32 v12, v33;
	_ =	sdelay $0x3  }
0x233: {  	[tilespmem:v46+s31+$0x0] =	vst.idx.msk $0xff, v34  }
0x234: {  	v48 =	vadd.s32 $0x1180, v35;
	v34 =	vld.idx.msk [tilespmem:v47+s21+$0x0], $0xff  }
0x235: {  	v49 =	vor.u32 v13, v33;
	_ =	sdelay $0x3  }
0x236: {  	[tilespmem:v48+s31+$0x0] =	vst.idx.msk $0xff, v34  }
0x237: {  	v50 =	vadd.s32 $0x1200, v35;
	v34 =	vld.idx.msk [tilespmem:v49+s21+$0x0], $0xff  }
0x238: {  	v51 =	vor.u32 v14, v33;
	_ =	sdelay $0x3  }
0x239: {  	[tilespmem:v50+s31+$0x0] =	vst.idx.msk $0xff, v34  }
0x23a: {  	v52 =	vadd.s32 $0x1280, v35;
	v34 =	vld.idx.msk [tilespmem:v51+s21+$0x0], $0xff  }
0x23b: {  	v53 =	vor.u32 v15, v33;
	_ =	sdelay $0x3  }
0x23c: {  	[tilespmem:v52+s31+$0x0] =	vst.idx.msk $0xff, v34  }
0x23d: {  	v54 =	vadd.s32 $0x1300, v35;
	v34 =	vld.idx.msk [tilespmem:v53+s21+$0x0], $0xff  }
0x23e: {  	v55 =	vor.u32 v16, v33;
	_ =	sdelay $0x3  }
0x23f: {  	[tilespmem:v54+s31+$0x0] =	vst.idx.msk $0xff, v34  }
0x240: {  	v56 =	vadd.s32 $0x1380, v35;
	v34 =	vld.idx.msk [tilespmem:v55+s21+$0x0], $0xff  }
0x241: {  	v57 =	vor.u32 v17, v33;
	_ =	sdelay $0x3  }
0x242: {  	[tilespmem:v56+s31+$0x0] =	vst.idx.msk $0xff, v34  }
0x243: {  	v58 =	vadd.s32 $0x2000, v35;
	v34 =	vld.idx.msk [tilespmem:v57+s21+$0x0], $0xff  }
0x244: {  	v59 =	vor.u32 v18, v33;
	_ =	sdelay $0x3  }
0x245: {  	[tilespmem:v58+s31+$0x0] =	vst.idx.msk $0xff, v34  }
0x246: {  	v60 =	vadd.s32 $0x2080, v35;
	v34 =	vld.idx.msk [tilespmem:v59+s21+$0x0], $0xff  }
0x247: {  	v61 =	vor.u32 v19, v33;
	_ =	sdelay $0x3  }
0x248: {  	[tilespmem:v60+s31+$0x0] =	vst.idx.msk $0xff, v34  }
0x249: {  	v62 =	vadd.s32 $0x2100, v35;
	v34 =	vld.idx.msk [tilespmem:v61+s21+$0x0], $0xff  }
0x24a: {  	v63 =	vor.u32 v20, v33;
	_ =	sdelay $0x3  }
0x24b: {  	[tilespmem:v62+s31+$0x0] =	vst.idx.msk $0xff, v34  }
0x24c: {  	v40 =	vadd.s32 $0x2180, v35;
	v34 =	vld.idx.msk [tilespmem:v63+s21+$0x0], $0xff  }
0x24d: {  	v41 =	vor.u32 v21, v33;
	_ =	sdelay $0x3  }
0x24e: {  	[tilespmem:v40+s31+$0x0] =	vst.idx.msk $0xff, v34  }
0x24f: {  	v42 =	vadd.s32 $0x2200, v35;
	v34 =	vld.idx.msk [tilespmem:v41+s21+$0x0], $0xff  }
0x250: {  	v43 =	vor.u32 v22, v33;
	_ =	sdelay $0x3  }
0x251: {  	[tilespmem:v42+s31+$0x0] =	vst.idx.msk $0xff, v34  }
0x252: {  	v44 =	vadd.s32 $0x2280, v35;
	v34 =	vld.idx.msk [tilespmem:v43+s21+$0x0], $0xff  }
0x253: {  	v45 =	vor.u32 v23, v33;
	_ =	sdelay $0x3  }
0x254: {  	[tilespmem:v44+s31+$0x0] =	vst.idx.msk $0xff, v34  }
0x255: {  	v46 =	vadd.s32 $0x2300, v35;
	v34 =	vld.idx.msk [tilespmem:v45+s21+$0x0], $0xff  }
0x256: {  	v47 =	vor.u32 v24, v33;
	_ =	sdelay $0x3  }
0x257: {  	[tilespmem:v46+s31+$0x0] =	vst.idx.msk $0xff, v34  }
0x258: {  	v48 =	vadd.s32 $0x2380, v35;
	v34 =	vld.idx.msk [tilespmem:v47+s21+$0x0], $0xff  }
0x259: {  	v49 =	vor.u32 v25, v33;
	_ =	sdelay $0x3  }
0x25a: {  	[tilespmem:v48+s31+$0x0] =	vst.idx.msk $0xff, v34  }
0x25b: {  	v50 =	vadd.s32 $0x3000, v35;
	v34 =	vld.idx.msk [tilespmem:v49+s21+$0x0], $0xff  }
0x25c: {  	v51 =	vor.u32 v26, v33;
	_ =	sdelay $0x3  }
0x25d: {  	[tilespmem:v50+s31+$0x0] =	vst.idx.msk $0xff, v34  }
0x25e: {  	v52 =	vadd.s32 $0x3080, v35;
	v34 =	vld.idx.msk [tilespmem:v51+s21+$0x0], $0xff  }
0x25f: {  	v53 =	vor.u32 v27, v33;
	_ =	sdelay $0x3  }
0x260: {  	[tilespmem:v52+s31+$0x0] =	vst.idx.msk $0xff, v34  }
0x261: {  	v54 =	vadd.s32 $0x3100, v35;
	v34 =	vld.idx.msk [tilespmem:v53+s21+$0x0], $0xff  }
0x262: {  	v55 =	vor.u32 v28, v33;
	_ =	sdelay $0x3  }
0x263: {  	[tilespmem:v54+s31+$0x0] =	vst.idx.msk $0xff, v34  }
0x264: {  	v56 =	vadd.s32 $0x3180, v35;
	v34 =	vld.idx.msk [tilespmem:v55+s21+$0x0], $0xff  }
0x265: {  	v57 =	vor.u32 v29, v33;
	_ =	sdelay $0x3  }
0x266: {  	[tilespmem:v56+s31+$0x0] =	vst.idx.msk $0xff, v34  }
0x267: {  	v58 =	vadd.s32 $0x3200, v35;
	v34 =	vld.idx.msk [tilespmem:v57+s21+$0x0], $0xff  }
0x268: {  	v59 =	vor.u32 v30, v33;
	_ =	sdelay $0x3  }
0x269: {  	[tilespmem:v58+s31+$0x0] =	vst.idx.msk $0xff, v34  }
0x26a: {  	v60 =	vadd.s32 $0x3280, v35;
	v34 =	vld.idx.msk [tilespmem:v59+s21+$0x0], $0xff  }
0x26b: {  	v61 =	vor.u32 v31, v33;
	_ =	sdelay $0x3  }
0x26c: {  	[tilespmem:v60+s31+$0x0] =	vst.idx.msk $0xff, v34  }
0x26d: {  	v62 =	vadd.s32 $0x3300, v35;
	v34 =	vld.idx.msk [tilespmem:v61+s21+$0x0], $0xff  }
0x26e: {  	v33 =	vor.u32 v32, v33;
	_ =	sdelay $0x3  }
0x26f: {  	s6 =	sadd.s32 $0x10, s6;
	[tilespmem:v62+s31+$0x0] =	vst.idx.msk $0xff, v34  }
0x270: {  	p0 =	sne.s32 s6, $0x200;
	v63 =	vadd.s32 $0x3380, v35;
	v33 =	vld.idx.msk [tilespmem:v33+s21+$0x0], $0xff  }
.Ltmp7:
0x271: {  	_ = 	snop;
	(pc) =	sbr.rel @!p0 .LBB2_9-.Ltmp7, $2  }
0x272: {  	_ =	sdelay $0x2  }
0x273: {  	s7 =	sadd.s32 $0x10, s7;
	[tilespmem:v63+s31+$0x0] =	vst.idx.msk $0xff, v33  }
.LBB2_6:
0x274: {  	v33 =	vld [tilespmem:s7+$0x0];
	_ =	sdelay $0x4  }
0x275: {  	v33 =	vand.u32 $0xFFFFFF80, v33  }
0x276: {  	v34 =	vnsel vm0, $0x0, v33  }
0x277: {  	v34 =	vxor.u32 $0x80000000, v34  }
0x278: {  	(xrf0) =	vmax.scan.msk.u32 $0xffff, v34;
	_ =	sdelay $0x1  }
0x279: {  	v60 =	vsel vm1, $0x0, v33  }
0x27a: {  	v34 =	vxor.u32 $0x80000000, v60  }
0x27b: {  	(xrf0) =	vmax.scan.msk.u32 $0xffff, v34;
	_ =	sdelay $0x1  }
0x27c: {  	v35 =	vsel vm2, $0x0, v33;
	v61, _, _ =	vpop (xrf0)  }
0x27d: {  	v62 =	vxor.u32 $0x80000000, v35;
	(v2sf) =	vpush v61, $0xF  }
0x27e: {  	(xrf0) =	vmax.scan.msk.u32 $0xffff, v62;
	_ =	sdelay $0x1  }
0x27f: {  	v36 =	vsel vm3, $0x0, v33;
	v63, _, _ =	vpop (xrf0)  }
0x280: {  	v37 =	vxor.u32 $0x80000000, v36;
	(v2sf) =	vpush v63, $0xF  }
0x281: {  	(xrf0) =	vmax.scan.msk.u32 $0xffff, v37;
	_ =	sdelay $0x1  }
0x282: {  	v39 =	vsel vm4, $0x0, v33;
	v38, _, _ =	vpop (xrf0)  }
0x283: {  	v40 =	vxor.u32 $0x80000000, v39;
	(v2sf) =	vpush v38, $0xF  }
0x284: {  	(xrf0) =	vmax.scan.msk.u32 $0xffff, v40;
	_ =	sdelay $0x1  }
0x285: {  	v42 =	vsel vm5, $0x0, v33;
	v41, _, _ =	vpop (xrf0)  }
0x286: {  	v43 =	vxor.u32 $0x80000000, v42;
	(v2sf) =	vpush v41, $0xF  }
0x287: {  	(xrf0) =	vmax.scan.msk.u32 $0xffff, v43;
	_ =	sdelay $0x1  }
0x288: {  	v45 =	vsel vm6, $0x0, v33;
	v44, _, _ =	vpop (xrf0);
	s8 =	spop (v2sf)  }
0x289: {  	v46 =	vxor.u32 $0x80000000, v45;
	(v2sf) =	vpush v44, $0xF;
	s8 =	sand.u32 $0x1FFFFF80, s8  }
0x28a: {  	(xrf0) =	vmax.scan.msk.u32 $0xffff, v46;
	s8 =	sadd.s32 s2, s8  }
0x28b: {  	[tilespmem:s21], [sflag:$0x2] =	stream.strided.gather [hbm4b:s8+s11], $0x1000, s12, s11, $0x38;
	[tilespmem:$0x14280] =	vst v63  }
0x28c: {  	v33 =	vsel vm7, $0x0, v33;
	v47, _, _ =	vpop (xrf0);
	s8 =	spop (v2sf)  }
0x28d: {  	v33 =	vxor.u32 $0x80000000, v33;
	(v2sf) =	vpush v47, $0xF;
	s8 =	sand.u32 $0x1FFFFF80, s8  }
0x28e: {  	(xrf0) =	vmax.scan.msk.u32 $0xffff, v33;
	s8 =	sadd.s32 s2, s8  }
0x28f: {  	[tilespmem:s22], [sflag:$0x2] =	stream.strided.gather [hbm4b:s8+s11], $0x1000, s12, s11, $0x38;
	[tilespmem:$0x14280] =	vst v63  }
0x290: {  	v48, _, _ =	vpop (xrf0);
	s8 =	spop (v2sf)  }
0x291: {  	(v2sf) =	vpush v48, $0xF;
	s8 =	sand.u32 $0x1FFFFF80, s8  }
0x292: {  	s8 =	sadd.s32 s2, s8  }
0x293: {  	[tilespmem:s23], [sflag:$0x2] =	stream.strided.gather [hbm4b:s8+s11], $0x1000, s12, s11, $0x38;
	[tilespmem:$0x14280] =	vst v63  }
0x294: {  	v49, _, _ =	vpop (xrf0);
	s8 =	spop (v2sf)  }
0x295: {  	(v2sf) =	vpush v49, $0xF;
	s8 =	sand.u32 $0x1FFFFF80, s8  }
0x296: {  	s8 =	sadd.s32 s2, s8  }
0x297: {  	[tilespmem:s24], [sflag:$0x2] =	stream.strided.gather [hbm4b:s8+s11], $0x1000, s12, s11, $0x38;
	[tilespmem:$0x14280] =	vst v63  }
0x298: {  	s8 =	spop (v2sf)  }
0x299: {  	s8 =	sand.u32 $0x1FFFFF80, s8  }
0x29a: {  	s8 =	sadd.s32 s2, s8  }
0x29b: {  	[tilespmem:s25], [sflag:$0x2] =	stream.strided.gather [hbm4b:s8+s11], $0x1000, s12, s11, $0x38;
	[tilespmem:$0x14280] =	vst v63  }
0x29c: {  	s8 =	spop (v2sf)  }
0x29d: {  	s8 =	sand.u32 $0x1FFFFF80, s8  }
0x29e: {  	s8 =	sadd.s32 s2, s8  }
0x29f: {  	[tilespmem:s26], [sflag:$0x2] =	stream.strided.gather [hbm4b:s8+s11], $0x1000, s12, s11, $0x38;
	[tilespmem:$0x14280] =	vst v63  }
0x2a0: {  	s8 =	spop (v2sf)  }
0x2a1: {  	s8 =	sand.u32 $0x1FFFFF80, s8  }
0x2a2: {  	s8 =	sadd.s32 s2, s8  }
0x2a3: {  	[tilespmem:s28], [sflag:$0x2] =	stream.strided.gather [hbm4b:s8+s11], $0x1000, s12, s11, $0x38;
	[tilespmem:$0x14280] =	vst v63  }
0x2a4: {  	s8 =	spop (v2sf)  }
0x2a5: {  	s8 =	sand.u32 $0x1FFFFF80, s8  }
0x2a6: {  	s8 =	sadd.s32 s2, s8  }
0x2a7: {  	[tilespmem:s29], [sflag:$0x2] =	stream.strided.gather [hbm4b:s8+s11], $0x1000, s12, s11, $0x38;
	[tilespmem:$0x14280] =	vst v63  }
0x2a8: {  	_ =	swait.ge [sflag:s30], $0x1000  }
0x2a9: {  	[sflag:s30] =	ssyncset.done $0x0  }
0x2aa: {  	[sflag:s30] =	ssyncadd.s32 $0xFFFFF000  }
0x2ab: {  	_ =	swait.ge [sflag:s30], $0x1000  }
0x2ac: {  	[sflag:s30] =	ssyncset.done $0x0  }
0x2ad: {  	[sflag:s30] =	ssyncadd.s32 $0xFFFFF000  }
0x2ae: {  	_ =	swait.ge [sflag:s30], $0x1000  }
0x2af: {  	[sflag:s30] =	ssyncset.done $0x0  }
0x2b0: {  	[sflag:s30] =	ssyncadd.s32 $0xFFFFF000  }
0x2b1: {  	_ =	swait.ge [sflag:s30], $0x1000  }
0x2b2: {  	[sflag:s30] =	ssyncset.done $0x0  }
0x2b3: {  	[sflag:s30] =	ssyncadd.s32 $0xFFFFF000  }
0x2b4: {  	_ =	swait.ge [sflag:s30], $0x1000  }
0x2b5: {  	[sflag:s30] =	ssyncset.done $0x0  }
0x2b6: {  	[sflag:s30] =	ssyncadd.s32 $0xFFFFF000  }
0x2b7: {  	_ =	swait.ge [sflag:s30], $0x1000  }
0x2b8: {  	[sflag:s30] =	ssyncset.done $0x0  }
0x2b9: {  	[sflag:s30] =	ssyncadd.s32 $0xFFFFF000  }
0x2ba: {  	_ =	swait.ge [sflag:s30], $0x1000  }
0x2bb: {  	[sflag:s30] =	ssyncset.done $0x0  }
0x2bc: {  	[sflag:s30] =	ssyncadd.s32 $0xFFFFF000  }
0x2bd: {  	_ =	swait.ge [sflag:s30], $0x1000  }
0x2be: {  	[sflag:s30] =	ssyncset.done $0x0  }
0x2bf: {  	[sflag:s30] =	ssyncadd.s32 $0xFFFFF000  }
0x2c0: {  	v50 =	vld [tilespmem:s7+$0xFFFFFFF8];
	_ =	sdelay $0x4  }
0x2c1: {  	v33 =	vand.u32 $0x7F, v50  }
0x2c2: {  	v51 =	vor.u32 v1, v33;
	_ =	sdelay $0x1  }
0x2c3: {  	v52 =	vmov s6  }
0x2c4: {  	v36 =	vor.u32 s6, v0;
	v35 =	vshll.u32 v52, $0x3  }
0x2c5: {  	v36 =	vand.u32 $0x7F, v36;
	v37 =	vand.u32 $0xC00, v35  }
0x2c6: {  	v37 =	vor.u32 v36, v37;
	v34 =	vld.idx.msk [tilespmem:v51+s13+$0x0], $0xff  }
0x2c7: {  	v38 =	vor.u32 v2, v33;
	_ =	sdelay $0x3  }
0x2c8: {  	[tilespmem:v37+s31+$0x0] =	vst.idx.msk $0xff, v34  }
0x2c9: {  	v53 =	vor.u32 $0x80, v37;
	v34 =	vld.idx.msk [tilespmem:v38+s13+$0x0], $0xff  }
0x2ca: {  	v39 =	vor.u32 v3, v33;
	_ =	sdelay $0x3  }
0x2cb: {  	[tilespmem:v53+s31+$0x0] =	vst.idx.msk $0xff, v34  }
0x2cc: {  	v54 =	vor.u32 $0x100, v37;
	v34 =	vld.idx.msk [tilespmem:v39+s13+$0x0], $0xff  }
0x2cd: {  	v55 =	vor.u32 v4, v33;
	_ =	sdelay $0x3  }
0x2ce: {  	[tilespmem:v54+s31+$0x0] =	vst.idx.msk $0xff, v34  }
0x2cf: {  	v56 =	vor.u32 $0x180, v37;
	v34 =	vld.idx.msk [tilespmem:v55+s13+$0x0], $0xff  }
0x2d0: {  	v57 =	vor.u32 v5, v33;
	_ =	sdelay $0x3  }
0x2d1: {  	[tilespmem:v56+s31+$0x0] =	vst.idx.msk $0xff, v34  }
0x2d2: {  	v58 =	vor.u32 $0x200, v37;
	v34 =	vld.idx.msk [tilespmem:v57+s13+$0x0], $0xff  }
0x2d3: {  	v59 =	vor.u32 v6, v33;
	_ =	sdelay $0x3  }
0x2d4: {  	[tilespmem:v58+s31+$0x0] =	vst.idx.msk $0xff, v34  }
0x2d5: {  	v60 =	vor.u32 $0x280, v37;
	v34 =	vld.idx.msk [tilespmem:v59+s13+$0x0], $0xff  }
0x2d6: {  	v61 =	vor.u32 v7, v33;
	_ =	sdelay $0x3  }
0x2d7: {  	[tilespmem:v60+s31+$0x0] =	vst.idx.msk $0xff, v34  }
0x2d8: {  	v62 =	vor.u32 $0x300, v37;
	v34 =	vld.idx.msk [tilespmem:v61+s13+$0x0], $0xff  }
0x2d9: {  	v63 =	vor.u32 v8, v33;
	_ =	sdelay $0x3  }
0x2da: {  	[tilespmem:v62+s31+$0x0] =	vst.idx.msk $0xff, v34;
	v34 =	vor.u32 v35, v36  }
0x2db: {  	v41 =	vld.idx.msk [tilespmem:v63+s13+$0x0], $0xff;
	v36 =	vor.u32 $0x380, v34  }
0x2dc: {  	v42 =	vor.u32 v9, v33;
	_ =	sdelay $0x3  }
0x2dd: {  	[tilespmem:v36+s31+$0x0] =	vst.idx.msk $0xff, v41  }
0x2de: {  	v43 =	vor.u32 $0x1000, v37;
	v35 =	vld.idx.msk [tilespmem:v42+s13+$0x0], $0xff  }
0x2df: {  	v44 =	vor.u32 v10, v33;
	_ =	sdelay $0x3  }
0x2e0: {  	[tilespmem:v43+s31+$0x0] =	vst.idx.msk $0xff, v35  }
0x2e1: {  	v45 =	vor.u32 $0x1080, v37;
	v35 =	vld.idx.msk [tilespmem:v44+s13+$0x0], $0xff  }
0x2e2: {  	v46 =	vor.u32 v11, v33;
	_ =	sdelay $0x3  }
0x2e3: {  	[tilespmem:v45+s31+$0x0] =	vst.idx.msk $0xff, v35  }
0x2e4: {  	v47 =	vor.u32 $0x1100, v37;
	v35 =	vld.idx.msk [tilespmem:v46+s13+$0x0], $0xff  }
0x2e5: {  	v48 =	vor.u32 v12, v33;
	_ =	sdelay $0x3  }
0x2e6: {  	[tilespmem:v47+s31+$0x0] =	vst.idx.msk $0xff, v35  }
0x2e7: {  	v49 =	vor.u32 $0x1180, v37;
	v35 =	vld.idx.msk [tilespmem:v48+s13+$0x0], $0xff  }
0x2e8: {  	v50 =	vor.u32 v13, v33;
	_ =	sdelay $0x3  }
0x2e9: {  	[tilespmem:v49+s31+$0x0] =	vst.idx.msk $0xff, v35  }
0x2ea: {  	v51 =	vor.u32 $0x1200, v37;
	v35 =	vld.idx.msk [tilespmem:v50+s13+$0x0], $0xff  }
0x2eb: {  	v52 =	vor.u32 v14, v33;
	_ =	sdelay $0x3  }
0x2ec: {  	[tilespmem:v51+s31+$0x0] =	vst.idx.msk $0xff, v35  }
0x2ed: {  	v53 =	vor.u32 $0x1280, v37;
	v35 =	vld.idx.msk [tilespmem:v52+s13+$0x0], $0xff  }
0x2ee: {  	v54 =	vor.u32 v15, v33;
	_ =	sdelay $0x3  }
0x2ef: {  	[tilespmem:v53+s31+$0x0] =	vst.idx.msk $0xff, v35  }
0x2f0: {  	v55 =	vor.u32 $0x1300, v37;
	v35 =	vld.idx.msk [tilespmem:v54+s13+$0x0], $0xff  }
0x2f1: {  	v56 =	vor.u32 v16, v33;
	_ =	sdelay $0x3  }
0x2f2: {  	[tilespmem:v55+s31+$0x0] =	vst.idx.msk $0xff, v35  }
0x2f3: {  	v57 =	vor.u32 $0x1380, v34;
	v35 =	vld.idx.msk [tilespmem:v56+s13+$0x0], $0xff  }
0x2f4: {  	v58 =	vor.u32 v17, v33;
	_ =	sdelay $0x3  }
0x2f5: {  	[tilespmem:v57+s31+$0x0] =	vst.idx.msk $0xff, v35  }
0x2f6: {  	v59 =	vor.u32 $0x2000, v37;
	v35 =	vld.idx.msk [tilespmem:v58+s13+$0x0], $0xff  }
0x2f7: {  	v60 =	vor.u32 v18, v33;
	_ =	sdelay $0x3  }
0x2f8: {  	[tilespmem:v59+s31+$0x0] =	vst.idx.msk $0xff, v35  }
0x2f9: {  	v61 =	vor.u32 $0x2080, v37;
	v35 =	vld.idx.msk [tilespmem:v60+s13+$0x0], $0xff  }
0x2fa: {  	v62 =	vor.u32 v19, v33;
	_ =	sdelay $0x3  }
0x2fb: {  	[tilespmem:v61+s31+$0x0] =	vst.idx.msk $0xff, v35  }
0x2fc: {  	v63 =	vor.u32 $0x2100, v37;
	v35 =	vld.idx.msk [tilespmem:v62+s13+$0x0], $0xff  }
0x2fd: {  	v40 =	vor.u32 v20, v33;
	_ =	sdelay $0x3  }
0x2fe: {  	[tilespmem:v63+s31+$0x0] =	vst.idx.msk $0xff, v35  }
0x2ff: {  	v41 =	vor.u32 $0x2180, v37;
	v35 =	vld.idx.msk [tilespmem:v40+s13+$0x0], $0xff  }
0x300: {  	v42 =	vor.u32 v21, v33;
	_ =	sdelay $0x3  }
0x301: {  	[tilespmem:v41+s31+$0x0] =	vst.idx.msk $0xff, v35  }
0x302: {  	v43 =	vor.u32 $0x2200, v37;
	v35 =	vld.idx.msk [tilespmem:v42+s13+$0x0], $0xff  }
0x303: {  	v44 =	vor.u32 v22, v33;
	_ =	sdelay $0x3  }
0x304: {  	[tilespmem:v43+s31+$0x0] =	vst.idx.msk $0xff, v35  }
0x305: {  	v45 =	vor.u32 $0x2280, v37;
	v35 =	vld.idx.msk [tilespmem:v44+s13+$0x0], $0xff  }
0x306: {  	v46 =	vor.u32 v23, v33;
	_ =	sdelay $0x3  }
0x307: {  	[tilespmem:v45+s31+$0x0] =	vst.idx.msk $0xff, v35  }
0x308: {  	v47 =	vor.u32 $0x2300, v37;
	v35 =	vld.idx.msk [tilespmem:v46+s13+$0x0], $0xff  }
0x309: {  	v48 =	vor.u32 v24, v33;
	_ =	sdelay $0x3  }
0x30a: {  	[tilespmem:v47+s31+$0x0] =	vst.idx.msk $0xff, v35  }
0x30b: {  	v49 =	vor.u32 $0x2380, v34;
	v35 =	vld.idx.msk [tilespmem:v48+s13+$0x0], $0xff  }
0x30c: {  	v50 =	vor.u32 v25, v33;
	_ =	sdelay $0x3  }
0x30d: {  	[tilespmem:v49+s31+$0x0] =	vst.idx.msk $0xff, v35  }
0x30e: {  	v51 =	vor.u32 $0x3000, v37;
	v35 =	vld.idx.msk [tilespmem:v50+s13+$0x0], $0xff  }
0x30f: {  	v52 =	vor.u32 v26, v33;
	_ =	sdelay $0x3  }
0x310: {  	[tilespmem:v51+s31+$0x0] =	vst.idx.msk $0xff, v35  }
0x311: {  	v53 =	vor.u32 $0x3080, v37;
	v35 =	vld.idx.msk [tilespmem:v52+s13+$0x0], $0xff  }
0x312: {  	v54 =	vor.u32 v27, v33;
	_ =	sdelay $0x3  }
0x313: {  	[tilespmem:v53+s31+$0x0] =	vst.idx.msk $0xff, v35  }
0x314: {  	v55 =	vor.u32 $0x3100, v37;
	v35 =	vld.idx.msk [tilespmem:v54+s13+$0x0], $0xff  }
0x315: {  	v56 =	vor.u32 v28, v33;
	_ =	sdelay $0x3  }
0x316: {  	[tilespmem:v55+s31+$0x0] =	vst.idx.msk $0xff, v35  }
0x317: {  	v57 =	vor.u32 $0x3180, v37;
	v35 =	vld.idx.msk [tilespmem:v56+s13+$0x0], $0xff  }
0x318: {  	v58 =	vor.u32 v29, v33;
	_ =	sdelay $0x3  }
0x319: {  	[tilespmem:v57+s31+$0x0] =	vst.idx.msk $0xff, v35  }
0x31a: {  	v59 =	vor.u32 $0x3200, v37;
	v35 =	vld.idx.msk [tilespmem:v58+s13+$0x0], $0xff  }
0x31b: {  	v60 =	vor.u32 v30, v33;
	_ =	sdelay $0x3  }
0x31c: {  	[tilespmem:v59+s31+$0x0] =	vst.idx.msk $0xff, v35  }
0x31d: {  	v61 =	vor.u32 $0x3280, v37;
	v35 =	vld.idx.msk [tilespmem:v60+s13+$0x0], $0xff  }
0x31e: {  	v62 =	vor.u32 v31, v33;
	_ =	sdelay $0x3  }
0x31f: {  	[tilespmem:v61+s31+$0x0] =	vst.idx.msk $0xff, v35  }
0x320: {  	v63 =	vor.u32 $0x3300, v37;
	v35 =	vld.idx.msk [tilespmem:v62+s13+$0x0], $0xff  }
0x321: {  	v33 =	vor.u32 v32, v33;
	_ =	sdelay $0x3  }
0x322: {  	[tilespmem:v63+s31+$0x0] =	vst.idx.msk $0xff, v35  }
0x323: {  	p0 =	seq.s32 s6, $0x1F0;
	v34 =	vor.u32 $0x3380, v34;
	v33 =	vld.idx.msk [tilespmem:v33+s13+$0x0], $0xff  }
.Ltmp8:
0x324: {  	_ = 	snop;
	(pc) =	sbr.rel @p0 .LBB2_8-.Ltmp8, $2  }
0x325: {  	_ =	sdelay $0x2  }
0x326: {  	[tilespmem:v34+s31+$0x0] =	vst.idx.msk $0xff, v33  }
0x327: {  	v33 =	vld [tilespmem:s7+$0x8];
	_ =	sdelay $0x4  }
0x328: {  	v33 =	vand.u32 $0xFFFFFF80, v33  }
0x329: {  	v34 =	vnsel vm0, $0x0, v33  }
0x32a: {  	v34 =	vxor.u32 $0x80000000, v34  }
0x32b: {  	(xrf0) =	vmax.scan.msk.u32 $0xffff, v34;
	_ =	sdelay $0x1  }
0x32c: {  	v46 =	vsel vm1, $0x0, v33  }
0x32d: {  	v34 =	vxor.u32 $0x80000000, v46  }
0x32e: {  	(xrf0) =	vmax.scan.msk.u32 $0xffff, v34;
	_ =	sdelay $0x1  }
0x32f: {  	v35 =	vsel vm2, $0x0, v33;
	v47, _, _ =	vpop (xrf0)  }
0x330: {  	v48 =	vxor.u32 $0x80000000, v35;
	(v2sf) =	vpush v47, $0xF  }
0x331: {  	(xrf0) =	vmax.scan.msk.u32 $0xffff, v48;
	_ =	sdelay $0x1  }
0x332: {  	v50 =	vsel vm3, $0x0, v33;
	v49, _, _ =	vpop (xrf0)  }
0x333: {  	v51 =	vxor.u32 $0x80000000, v50;
	(v2sf) =	vpush v49, $0xF  }
0x334: {  	(xrf0) =	vmax.scan.msk.u32 $0xffff, v51;
	_ =	sdelay $0x1  }
0x335: {  	v53 =	vsel vm4, $0x0, v33;
	v52, _, _ =	vpop (xrf0)  }
0x336: {  	v54 =	vxor.u32 $0x80000000, v53;
	(v2sf) =	vpush v52, $0xF  }
0x337: {  	(xrf0) =	vmax.scan.msk.u32 $0xffff, v54;
	_ =	sdelay $0x1  }
0x338: {  	v56 =	vsel vm5, $0x0, v33;
	v55, _, _ =	vpop (xrf0)  }
0x339: {  	v57 =	vxor.u32 $0x80000000, v56;
	(v2sf) =	vpush v55, $0xF  }
0x33a: {  	(xrf0) =	vmax.scan.msk.u32 $0xffff, v57;
	_ =	sdelay $0x1  }
0x33b: {  	v59 =	vsel vm6, $0x0, v33;
	v58, _, _ =	vpop (xrf0);
	s8 =	spop (v2sf)  }
0x33c: {  	v60 =	vxor.u32 $0x80000000, v59;
	(v2sf) =	vpush v58, $0xF;
	s8 =	sand.u32 $0x1FFFFF80, s8  }
0x33d: {  	(xrf0) =	vmax.scan.msk.u32 $0xffff, v60;
	s8 =	sadd.s32 s2, s8  }
0x33e: {  	[tilespmem:s13], [sflag:$0x1] =	stream.strided.gather [hbm4b:s8+s11], $0x1000, s12, s11, $0x38;
	[tilespmem:$0x14280] =	vst v63  }
0x33f: {  	v33 =	vsel vm7, $0x0, v33;
	v61, _, _ =	vpop (xrf0);
	s8 =	spop (v2sf)  }
0x340: {  	v33 =	vxor.u32 $0x80000000, v33;
	(v2sf) =	vpush v61, $0xF;
	s8 =	sand.u32 $0x1FFFFF80, s8  }
0x341: {  	(xrf0) =	vmax.scan.msk.u32 $0xffff, v33;
	s8 =	sadd.s32 s2, s8  }
0x342: {  	[tilespmem:s14], [sflag:$0x1] =	stream.strided.gather [hbm4b:s8+s11], $0x1000, s12, s11, $0x38;
	[tilespmem:$0x14280] =	vst v63  }
0x343: {  	v62, _, _ =	vpop (xrf0);
	s8 =	spop (v2sf)  }
0x344: {  	(v2sf) =	vpush v62, $0xF;
	s8 =	sand.u32 $0x1FFFFF80, s8  }
0x345: {  	s8 =	sadd.s32 s2, s8  }
0x346: {  	[tilespmem:s15], [sflag:$0x1] =	stream.strided.gather [hbm4b:s8+s11], $0x1000, s12, s11, $0x38;
	[tilespmem:$0x14280] =	vst v63  }
0x347: {  	s8 =	spop (v2sf)  }
0x348: {  	v63, _, _ =	vpop (xrf0);
	s8 =	sand.u32 $0x1FFFFF80, s8  }
0x349: {  	(v2sf) =	vpush v63, $0xF;
	s8 =	sadd.s32 s2, s8  }
0x34a: {  	[tilespmem:s16], [sflag:$0x1] =	stream.strided.gather [hbm4b:s8+s11], $0x1000, s12, s11, $0x38;
	[tilespmem:$0x14280] =	vst v63  }
0x34b: {  	s8 =	spop (v2sf)  }
0x34c: {  	s8 =	sand.u32 $0x1FFFFF80, s8  }
0x34d: {  	s8 =	sadd.s32 s2, s8  }
0x34e: {  	[tilespmem:s17], [sflag:$0x1] =	stream.strided.gather [hbm4b:s8+s11], $0x1000, s12, s11, $0x38;
	[tilespmem:$0x14280] =	vst v63  }
0x34f: {  	s8 =	spop (v2sf)  }
0x350: {  	s8 =	sand.u32 $0x1FFFFF80, s8  }
0x351: {  	s8 =	sadd.s32 s2, s8  }
0x352: {  	[tilespmem:s18], [sflag:$0x1] =	stream.strided.gather [hbm4b:s8+s11], $0x1000, s12, s11, $0x38;
	[tilespmem:$0x14280] =	vst v63  }
0x353: {  	s8 =	spop (v2sf)  }
0x354: {  	s8 =	sand.u32 $0x1FFFFF80, s8  }
0x355: {  	s8 =	sadd.s32 s2, s8  }
0x356: {  	[tilespmem:s19], [sflag:$0x1] =	stream.strided.gather [hbm4b:s8+s11], $0x1000, s12, s11, $0x38;
	[tilespmem:$0x14280] =	vst v63  }
.Ltmp9:
0x357: {  	_ = 	snop;
	(pc) =	sbr.rel .LBB2_8-.Ltmp9, $4  }
0x358: {  	s8 =	spop (v2sf)  }
0x359: {  	s8 =	sand.u32 $0x1FFFFF80, s8  }
0x35a: {  	s8 =	sadd.s32 s2, s8  }
0x35b: {  	[tilespmem:s20], [sflag:$0x1] =	stream.strided.gather [hbm4b:s8+s11], $0x1000, s12, s11, $0x38;
	[tilespmem:$0x14280] =	vst v63  }
.LBB2_10:
0x35c: {  	_ =	sfence.sel $0x180000  }
0x35d: {  	[bflag:$0x0] =	sbarrier.arrive $0xFFFF  }
0x35e: {  	_ =	strace $0x90000047  }
0x35f: {  	s0 =	stileid.u32;
	[bflag:$0x2] =	sbarrier.arrive $0xFFFF  }
0x360: {  	p0 =	sne.s32 s0, $0x0;
	s0 =	rddreg [dreg:$0x5]  }
0x361: {  	s0 =	sadd.s32 @!p0 $0x100000, s0  }
0x362: {  	[sflag:s0] =	ssyncadd.tile.s32 @!p0 $0x1;
	_ =	shalt  }
.Lfunc_end2:
_tile_overlayer_lowered:
.L_overlay_start_2:
0x363: {  	(tag) =	ssettag $0x2  }
0x364: {  	s0 =	rddreg [dreg:$0x0];
	s2 =	stileid.u32  }
0x365: {  	s1 =	rddreg [dreg:$0x1];
	p0 =	sne.s32 s2, $0x0  }
0x366: {  	s3 =	rddreg [dreg:$0x2];
	[bflag:$0x3] =	sbarrier.arrive $0xFFFF;
	s2 =	simm.s32 @!p0 $0x1C03  }
0x367: {  	[timem:s3], [sflag:s2] =	dma.local @!p0 [hbm:s0], s1  }
0x368: {  	s0 =	simm.s32 @!p0 $0x3  }
0x369: {  	_ =	swait.ge @!p0 [sflag:s0], s1  }
0x36a: {  	s1 =	ssub.s32 @!p0 $0x0, s1;
	[sflag:s0] =	ssyncset.done @!p0 $0x0  }
0x36b: {  	[sflag:s0] =	ssyncadd.s32 @!p0 s1  }
0x36c: {  	[bflag:$0x3] =	sbarrier.arrive $0xFFFF  }
0x36d: {  	_ =	shalt  }

</sc_bundles>
